<compile_context>
chip_gen: v7x
topology: tpu7x:2x2x1
jax: 0.10.2.dev20260603
libtpu: 0.0.44.dev20260713+nightly
codegen_flags: <defaults>
</compile_context>

<pallas_src>
import functools

import jax
import jax.numpy as jnp
from jax import lax
from jax.experimental import pallas as pl
from jax.experimental.pallas import tpu as pltpu
from jax.experimental.pallas import tpu_sc as plsc

N_TX, N_NH, H = 50000, 5000, 128
E_TT, E_NN = 800000, 80000

NC, NS, L = 2, 16, 16
NW = NC * NS

N_TXP = 53248
N_NHP = 5120
E_TTP = 802816
E_NNP = 81920
E_GATP = 86016
B_ROWS = 416

_mesh = functools.partial(
    plsc.VectorSubcoreMesh, core_axis_name="c", subcore_axis_name="s",
    num_cores=NC, num_subcores=NS)


def _zero_buf(ref, rows, cols):
    z = jnp.zeros((L,), jnp.float32)
    def body(i, _):
        for q in range(cols // L):
            ref[i, pl.ds(q * L, L)] = z
        return 0
    lax.fori_loop(0, rows, body, 0)


def _fill_buf(ref, rows, cols, val):
    v = jnp.full((L,), val, jnp.float32)
    def body(i, _):
        for q in range(cols // L):
            ref[i, pl.ds(q * L, L)] = v
        return 0
    lax.fori_loop(0, rows, body, 0)



def _a_body(tx0, tx1, tx2, tx3, src2, dst2, s0, s1, s2, s3, c0, c1,
            acc, sbuf, dbuf, rows, ones, zbuf, sem):
    c = lax.axis_index("c")
    t = lax.axis_index("s")
    stripe = N_TXP // NS
    zrows = 104

    _zero_buf(zbuf, zrows, 32)
    _fill_buf(ones, 128, 32, 1.0)

    def zero_acc():
        def zc(z, _):
            pltpu.sync_copy(zbuf, acc.at[pl.ds(t * stripe + z * zrows, zrows)])
            return 0
        lax.fori_loop(0, stripe // zrows, zc, 0)

    def feat_pass(tx_ref, out_ref):
        zero_acc()
        plsc.subcore_barrier()
        def chunk(r, _):
            base = t * 392 + r
            pltpu.sync_copy(src2.at[pl.ds(base, 1)], sbuf)
            pltpu.sync_copy(dst2.at[pl.ds(base, 1)], dbuf)
            pltpu.async_copy(tx_ref.at[sbuf.at[0]], rows, sem).wait()
            pltpu.sync_copy(rows, acc.at[dbuf.at[0]], add=True)
            return 0
        lax.fori_loop(0, 392, chunk, 0)
        plsc.subcore_barrier()
        pltpu.sync_copy(acc.at[pl.ds(t * stripe, stripe)],
                        out_ref.at[pl.ds(t * stripe, stripe)])
        plsc.subcore_barrier()

    def count_pass(half, out_ref):
        zero_acc()
        plsc.subcore_barrier()
        def chunk(r, _):
            base = half * (E_TTP // 256) + t * 196 + r
            pltpu.sync_copy(dst2.at[pl.ds(base, 1)], dbuf)
            pltpu.sync_copy(ones, acc.at[dbuf.at[0]], add=True)
            return 0
        lax.fori_loop(0, 196, chunk, 0)
        plsc.subcore_barrier()
        pltpu.sync_copy(acc.at[pl.ds(t * stripe, stripe)],
                        out_ref.at[pl.ds(t * stripe, stripe)])
        plsc.subcore_barrier()

    @pl.when(c == 0)
    def _():
        feat_pass(tx0, s0)
        feat_pass(tx1, s1)
        count_pass(0, c0)

    @pl.when(c == 1)
    def _():
        feat_pass(tx2, s2)
        feat_pass(tx3, s3)
        count_pass(1, c1)


def _sc_tx_agg(txt, src2, dst2):
    f32 = jnp.float32
    out = [jax.ShapeDtypeStruct((N_TXP, 32), f32)] * 6
    k = pl.kernel(
        _a_body, out_type=tuple(out), mesh=_mesh(),
        compiler_params=pltpu.CompilerParams(use_tc_tiling_on_sc=False),
        scratch_types=[
            pltpu.MemorySpace.VMEM_SHARED((N_TXP, 32), f32),
            pltpu.VMEM((1, 128), jnp.int32),
            pltpu.VMEM((1, 128), jnp.int32),
            pltpu.VMEM((128, 32), f32),
            pltpu.VMEM((128, 32), f32),
            pltpu.VMEM((104, 32), f32),
            pltpu.SemaphoreType.DMA,
        ])
    return k(txt[0], txt[1], txt[2], txt[3], src2, dst2)



def _b_body(s0, s1, s2, s3, c0, c1, x, wl, wr, b, wt2n, bt2n, wout,
            msg_ref, tho_ref):
    wlv = wl[...]
    S = jnp.dot(s0[...], wlv[0:32], preferred_element_type=jnp.float32)
    S += jnp.dot(s1[...], wlv[32:64], preferred_element_type=jnp.float32)
    S += jnp.dot(s2[...], wlv[64:96], preferred_element_type=jnp.float32)
    S += jnp.dot(s3[...], wlv[96:128], preferred_element_type=jnp.float32)
    cnt = c0[...][:, 0:1] + c1[...][:, 0:1]
    inv = 1.0 / jnp.maximum(cnt, 1.0)
    agg = S * inv
    txh = jax.nn.relu(
        agg + jnp.dot(x[...], wr[...], preferred_element_type=jnp.float32)
        + b[...][None, :])
    msg_ref[...] = jnp.dot(txh, wt2n[...],
                           preferred_element_type=jnp.float32) + bt2n[...][None, :]
    tho_ref[...] = jnp.dot(txh, wout[...], preferred_element_type=jnp.float32)


def _tc_tx_dense(sl, cl, x, wl, wr, b, wt2n, bt2n, wout):
    RB = 1024
    grid = (N_TXP // RB,)
    blk32 = pl.BlockSpec((RB, 32), lambda i: (i, 0))
    blk128 = pl.BlockSpec((RB, 128), lambda i: (i, 0))
    wspec = pl.BlockSpec((128, 128), lambda i: (0, 0))
    bspec = pl.BlockSpec((128,), lambda i: (0,))
    return pl.pallas_call(
        _b_body, grid=grid,
        in_specs=[blk32] * 6 + [blk128, wspec, wspec, bspec, wspec, bspec,
                                pl.BlockSpec((128, 1), lambda i: (0, 0))],
        out_specs=[blk128, pl.BlockSpec((RB, 1), lambda i: (i, 0))],
        out_shape=[jax.ShapeDtypeStruct((N_TXP, 128), jnp.float32),
                   jax.ShapeDtypeStruct((N_TXP, 1), jnp.float32)],
    )(*sl, *cl, x, wl, wr, b, wt2n, bt2n, wout)



def _c_body(nh_x, nsrc2, ndst2, txm, bdst2, sS0, sS1, cN0, cN1, aB0, aB1,
            accS, accC, accB, sbuf, dbuf, rows, ones, zbuf, zbufc, sem):
    c = lax.axis_index("c")
    t = lax.axis_index("s")
    w = c * NS + t
    stripe = N_NHP // NS

    _zero_buf(zbuf, 40, 128)
    _zero_buf(zbufc, 40, 32)
    _fill_buf(ones, 128, 32, 1.0)

    def zc(z, _):
        o = pl.ds(t * stripe + z * 40, 40)
        pltpu.sync_copy(zbuf, accS.at[o])
        pltpu.sync_copy(zbuf, accB.at[o])
        pltpu.sync_copy(zbufc, accC.at[o])
        return 0
    lax.fori_loop(0, stripe // 40, zc, 0)
    plsc.subcore_barrier()

    def nh_chunk(r, _):
        base = w * (E_NNP // 128 // NW) + r
        pltpu.sync_copy(nsrc2.at[pl.ds(base, 1)], sbuf)
        pltpu.sync_copy(ndst2.at[pl.ds(base, 1)], dbuf)
        pltpu.async_copy(nh_x.at[sbuf.at[0]], rows, sem).wait()
        pltpu.sync_copy(rows, accS.at[dbuf.at[0]], add=True)
        pltpu.sync_copy(ones, accC.at[dbuf.at[0]], add=True)
        return 0
    lax.fori_loop(0, E_NNP // 128 // NW, nh_chunk, 0)

    def bel_chunk(r, _):
        base = w * (B_ROWS // NW) + r
        pltpu.sync_copy(bdst2.at[pl.ds(base, 1)], dbuf)
        pltpu.sync_copy(txm.at[pl.ds(base * 128, 128)], rows)
        pltpu.sync_copy(rows, accB.at[dbuf.at[0]], add=True)
        return 0
    lax.fori_loop(0, B_ROWS // NW, bel_chunk, 0)

    plsc.subcore_barrier()
    sl = pl.ds(t * stripe, stripe)

    @pl.when(c == 0)
    def _():
        pltpu.sync_copy(accS.at[sl], sS0.at[sl])
        pltpu.sync_copy(accC.at[sl], cN0.at[sl])
        pltpu.sync_copy(accB.at[sl], aB0.at[sl])

    @pl.when(c == 1)
    def _():
        pltpu.sync_copy(accS.at[sl], sS1.at[sl])
        pltpu.sync_copy(accC.at[sl], cN1.at[sl])
        pltpu.sync_copy(accB.at[sl], aB1.at[sl])


def _sc_nh_agg(nh_x, nsrc2, ndst2, txm, bdst2):
    f32 = jnp.float32
    out = [jax.ShapeDtypeStruct((N_NHP, 128), f32),
           jax.ShapeDtypeStruct((N_NHP, 128), f32),
           jax.ShapeDtypeStruct((N_NHP, 32), f32),
           jax.ShapeDtypeStruct((N_NHP, 32), f32),
           jax.ShapeDtypeStruct((N_NHP, 128), f32),
           jax.ShapeDtypeStruct((N_NHP, 128), f32)]
    k = pl.kernel(
        _c_body, out_type=tuple(out), mesh=_mesh(),
        compiler_params=pltpu.CompilerParams(use_tc_tiling_on_sc=False),
        scratch_types=[
            pltpu.MemorySpace.VMEM_SHARED((N_NHP, 128), f32),
            pltpu.MemorySpace.VMEM_SHARED((N_NHP, 32), f32),
            pltpu.MemorySpace.VMEM_SHARED((N_NHP, 128), f32),
            pltpu.VMEM((1, 128), jnp.int32),
            pltpu.VMEM((1, 128), jnp.int32),
            pltpu.VMEM((128, 128), f32),
            pltpu.VMEM((128, 32), f32),
            pltpu.VMEM((40, 128), f32),
            pltpu.VMEM((40, 32), f32),
            pltpu.SemaphoreType.DMA,
        ])
    o = k(nh_x, nsrc2, ndst2, txm, bdst2)
    return (o[0], o[1]), (o[2], o[3]), (o[4], o[5])



def _d_body(sS0, sS1, cN0, cN1, aB0, aB1, nx, wl, wr, b, wgat, asrc, adst,
            wsp, bsp, h_ref, hs_ref, hd_ref, m_ref, sp_ref, agg_ref):
    S = sS0[...] + sS1[...]
    cnt = cN0[...][:, 0:1] + cN1[...][:, 0:1]
    inv = 1.0 / jnp.maximum(cnt, 1.0)
    nsp = jax.nn.relu(
        jnp.dot(S, wl[...], preferred_element_type=jnp.float32) * inv
        + jnp.dot(nx[...], wr[...], preferred_element_type=jnp.float32)
        + b[...][None, :])
    h = jnp.dot(nsp, wgat[...], preferred_element_type=jnp.float32)
    hs = jnp.dot(h, asrc[...][:, None], preferred_element_type=jnp.float32)
    hd = jnp.dot(h, adst[...][:, None], preferred_element_type=jnp.float32)
    ridx = lax.broadcasted_iota(jnp.int32, (N_NHP, 1), 0)
    maxS = jnp.max(jnp.where(ridx < N_NH, hs, -jnp.inf))
    M = hd + maxS
    m = jnp.maximum(M, 0.2 * M)
    h_ref[...] = h
    hs_ref[...] = hs.reshape(1, N_NHP)
    hd_ref[...] = hd.reshape(1, N_NHP)
    m_ref[...] = m.reshape(1, N_NHP)
    sp_ref[...] = jnp.dot(nsp, wsp[...],
                          preferred_element_type=jnp.float32) + bsp[...][None, :]
    agg_ref[...] = aB0[...] + aB1[...]


def _tc_nh_dense(sS, cN, aB, nx, wl, wr, b, wgat, asrc, adst, wsp, bsp):
    f32 = jnp.float32
    return pl.pallas_call(
        _d_body,
        out_shape=[jax.ShapeDtypeStruct((N_NHP, 128), f32),
                   jax.ShapeDtypeStruct((1, N_NHP), f32),
                   jax.ShapeDtypeStruct((1, N_NHP), f32),
                   jax.ShapeDtypeStruct((1, N_NHP), f32),
                   jax.ShapeDtypeStruct((N_NHP, 128), f32),
                   jax.ShapeDtypeStruct((N_NHP, 128), f32)],
    )(sS[0], sS[1], cN[0], cN[1], aB[0], aB[1], nx, wl, wr, b, wgat,
      asrc, adst, wsp, bsp)



def _e_body(h, hs, hd, m, gsrc2, gdst2, gA0, gA1,
            acc, hs_t, hd_t, m_t, sbuf, dbuf, rows, stage, exb, zbuf, sem):
    c = lax.axis_index("c")
    t = lax.axis_index("s")
    w = c * NS + t
    stripe = N_NHP // NS

    pltpu.sync_copy(hs.at[0], hs_t)
    pltpu.sync_copy(hd.at[0], hd_t)
    pltpu.sync_copy(m.at[0], m_t)
    _zero_buf(zbuf, 40, 144)
    def zc(z, _):
        pltpu.sync_copy(zbuf, acc.at[pl.ds(t * stripe + z * 40, 40)])
        return 0
    lax.fori_loop(0, stripe // 40, zc, 0)
    plsc.subcore_barrier()

    lane0 = lax.iota(jnp.int32, L) == 0

    def chunk(r, _):
        base = w * (E_GATP // 128 // NW) + r
        pltpu.sync_copy(gsrc2.at[pl.ds(base, 1)], sbuf)
        pltpu.sync_copy(gdst2.at[pl.ds(base, 1)], dbuf)
        pltpu.async_copy(h.at[sbuf.at[0]], rows, sem).wait()
        for g in range(128 // L):
            iv = sbuf[0, pl.ds(g * L, L)]
            dv = dbuf[0, pl.ds(g * L, L)]
            hsv = plsc.load_gather(hs_t, [iv])
            hdv = plsc.load_gather(hd_t, [dv])
            mv = plsc.load_gather(m_t, [dv])
            e = hsv + hdv
            e = jnp.maximum(e, 0.2 * e)
            exb[pl.ds(g * L, L)] = jnp.exp(e - mv)
        def edge(j, _):
            s = exb[pl.ds(j, L)][0]
            for q in range(8):
                stage[j, pl.ds(q * L, L)] = rows[j, pl.ds(q * L, L)] * s
            stage[j, pl.ds(128, L)] = jnp.where(lane0, s, 0.0)
            return 0
        lax.fori_loop(0, 128, edge, 0)
        pltpu.sync_copy(stage, acc.at[dbuf.at[0]], add=True)
        return 0
    lax.fori_loop(0, E_GATP // 128 // NW, chunk, 0)

    plsc.subcore_barrier()
    sl = pl.ds(t * stripe, stripe)

    @pl.when(c == 0)
    def _():
        pltpu.sync_copy(acc.at[sl], gA0.at[sl])

    @pl.when(c == 1)
    def _():
        pltpu.sync_copy(acc.at[sl], gA1.at[sl])


def _sc_gat(h, hs, hd, m, gsrc2, gdst2):
    f32 = jnp.float32
    out = [jax.ShapeDtypeStruct((N_NHP, 144), f32)] * 2
    k = pl.kernel(
        _e_body, out_type=tuple(out), mesh=_mesh(),
        compiler_params=pltpu.CompilerParams(
            use_tc_tiling_on_sc=False, needs_layout_passes=False),
        scratch_types=[
            pltpu.MemorySpace.VMEM_SHARED((N_NHP, 144), f32),
            pltpu.VMEM((N_NHP,), f32),
            pltpu.VMEM((N_NHP,), f32),
            pltpu.VMEM((N_NHP,), f32),
            pltpu.VMEM((1, 128), jnp.int32),
            pltpu.VMEM((1, 128), jnp.int32),
            pltpu.VMEM((128, 128), f32),
            pltpu.VMEM((128, 144), f32),
            pltpu.VMEM((144,), f32),
            pltpu.VMEM((40, 144), f32),
            pltpu.SemaphoreType.DMA,
        ])
    return k(h, hs, hd, m, gsrc2, gdst2)



def _f_body(gA0, gA1, sp, agg, bgat, wtp, btp, wg1, bg1, wg2, bg2,
            wn2t, bn2t, wout, bout, v_ref):
    g0 = gA0[...]
    g1 = gA1[...]
    num = g0[:, 0:128] + g1[:, 0:128]
    den = jnp.maximum(g0[:, 128:129] + g1[:, 128:129], 1e-30)
    nt = num / den + bgat[...][None, :]
    spv = sp[...]
    tp = jnp.dot(nt + agg[...], wtp[...],
                 preferred_element_type=jnp.float32) + btp[...][None, :]
    wg1v = wg1[...]
    r1 = jax.nn.relu(
        jnp.dot(spv, wg1v[0:128], preferred_element_type=jnp.float32)
        + jnp.dot(tp, wg1v[128:256], preferred_element_type=jnp.float32)
        + bg1[...][None, :])
    g = jax.nn.sigmoid(
        jnp.dot(r1, wg2[...], preferred_element_type=jnp.float32)
        + bg2[...][None, :])
    nout = jax.nn.relu(g * spv + (1.0 - g) * tp)
    n2t = jnp.dot(nout, wn2t[...],
                  preferred_element_type=jnp.float32) + bn2t[...][None, :]
    v_ref[...] = jnp.dot(n2t, wout[...],
                         preferred_element_type=jnp.float32) + bout[0]


def _tc_gate(gA, sp, agg, bgat, wtp, btp, wg1, bg1, wg2, bg2,
             wn2t, bn2t, wout, bout):
    return pl.pallas_call(
        _f_body,
        out_shape=jax.ShapeDtypeStruct((N_NHP, 1), jnp.float32),
    )(gA[0], gA[1], sp, agg, bgat, wtp, btp, wg1, bg1, wg2, bg2,
      wn2t, bn2t, wout, bout)



def _g_body(v, txh2, idx2, o2, v_t, ibuf, tbuf, obuf, z16_unused):
    c = lax.axis_index("c")
    t = lax.axis_index("s")
    w = c * NS + t
    pltpu.sync_copy(v, v_t)
    z16 = jnp.zeros((L,), jnp.int32)

    def chunk(r, _):
        base = w * (B_ROWS // NW) + r
        pltpu.sync_copy(idx2.at[pl.ds(base, 1)], ibuf)
        pltpu.sync_copy(txh2.at[pl.ds(base, 1)], tbuf)
        for g in range(128 // L):
            iv = ibuf[0, pl.ds(g * L, L)]
            vv = plsc.load_gather(v_t, [iv, z16])
            obuf[0, pl.ds(g * L, L)] = vv + tbuf[0, pl.ds(g * L, L)]
        pltpu.sync_copy(obuf, o2.at[pl.ds(base, 1)])
        return 0
    lax.fori_loop(0, B_ROWS // NW, chunk, 0)


def _sc_final(v, txh2, idx2):
    f32 = jnp.float32
    k = pl.kernel(
        _g_body, out_type=jax.ShapeDtypeStruct((B_ROWS, 128), f32),
        mesh=_mesh(),
        compiler_params=pltpu.CompilerParams(
            use_tc_tiling_on_sc=False, needs_layout_passes=False),
        scratch_types=[
            pltpu.VMEM((N_NHP, 1), f32),
            pltpu.VMEM((1, 128), jnp.int32),
            pltpu.VMEM((1, 128), f32),
            pltpu.VMEM((1, 128), f32),
            pltpu.VMEM((L,), jnp.int32),
        ])
    return k(v, txh2, idx2)




def _pad1(x, n, val):
    return jnp.concatenate(
        [x, jnp.full((n - x.shape[0],), val, x.dtype)])


def kernel(tx_x, nh_x, tx_edge_index, nh_edge_index, belongs_edge_index,
           influences_edge_index, W_l_tx, W_r_tx, b_tx, W_l_nh, W_r_nh, b_nh,
           W_gat, a_src, a_dst, b_gat, W_sp, b_sp, W_tp, b_tp, W_g1, b_g1,
           W_g2, b_g2, W_t2n, b_t2n, W_n2t, b_n2t, W_out, b_out):
    f32 = jnp.float32
    tx_x_p = jnp.concatenate(
        [tx_x, jnp.zeros((N_TXP - N_TX, 128), f32)])
    txt = jnp.transpose(tx_x_p.reshape(N_TXP, 4, 32), (1, 0, 2))
    txt = [txt[0], txt[1], txt[2], txt[3]]
    src2 = _pad1(tx_edge_index[0], E_TTP, 0).reshape(E_TTP // 128, 128)
    dst2 = _pad1(tx_edge_index[1], E_TTP, N_TX).reshape(E_TTP // 128, 128)
    nsrc2 = _pad1(nh_edge_index[0], E_NNP, 0).reshape(E_NNP // 128, 128)
    ndst2 = _pad1(nh_edge_index[1], E_NNP, N_NH).reshape(E_NNP // 128, 128)
    loop = jnp.arange(N_NH, dtype=jnp.int32)
    gsrc2 = _pad1(jnp.concatenate([nh_edge_index[0], loop]),
                  E_GATP, 0).reshape(E_GATP // 128, 128)
    gdst2 = _pad1(jnp.concatenate([nh_edge_index[1], loop]),
                  E_GATP, N_NH).reshape(E_GATP // 128, 128)
    bdst2 = _pad1(belongs_edge_index[1], N_TXP, N_NH).reshape(B_ROWS, 128)
    iidx2 = _pad1(influences_edge_index[1], N_TXP, 0).reshape(B_ROWS, 128)
    nh_x_p = jnp.concatenate([nh_x, jnp.zeros((N_NHP - N_NH, 128), f32)])

    s_all = _sc_tx_agg(txt, src2, dst2)
    tx_msg, txh = _tc_tx_dense(s_all[0:4], s_all[4:6], tx_x_p,
                               W_l_tx, W_r_tx, b_tx, W_t2n, b_t2n, W_out)
    sS, cN, aB = _sc_nh_agg(nh_x, nsrc2, ndst2, tx_msg, bdst2)
    h, hs, hd, m, sp, agg = _tc_nh_dense(
        sS, cN, aB, nh_x_p, W_l_nh, W_r_nh, b_nh, W_gat, a_src, a_dst,
        W_sp, b_sp)
    gA = _sc_gat(h, hs, hd, m, gsrc2, gdst2)
    v = _tc_gate(gA, sp, agg, b_gat, W_tp, b_tp, W_g1, b_g1, W_g2, b_g2,
                 W_n2t, b_n2t, W_out, b_out)
    o2 = _sc_final(v, txh.reshape(B_ROWS, 128), iidx2)
    return o2.reshape(N_TXP)[:N_TX]

# --- scband reference (transcript-rebuilt; emitter-appended) ---
"""Pipeline reference for scband-hierarchical-hetero-gnn-90486370992793 (READ-ONLY COPY).

The authoritative reference and input builder live on the scoring server;
editing this copy changes nothing except your own understanding.
"""

import jax, jax.numpy as jnp
import numpy as np

N_TX, N_NH = 50000, 5000
TX_IN, NH_IN, H = 128, 128, 128
E_TT, E_NN = 800000, 80000


def _segment_mean(data, seg, num):
    s = jax.ops.segment_sum(data, seg, num_segments=num)
    c = jax.ops.segment_sum(jnp.ones((data.shape[0],), data.dtype), seg, num_segments=num)
    return s / jnp.clip(c, 1.0)[:, None]


def _sage(x, ei, Wl, Wr, b):
    # PyG SAGEConv (mean aggr): W_l * mean_{j->i} x_j + W_r * x_i + b
    agg = _segment_mean(x[ei[0]], ei[1], x.shape[0])
    return agg @ Wl + x @ Wr + b


def _gat(x, ei, W, a_s, a_d, b):
    # PyG GATConv, 1 head, add_self_loops=True, negative_slope=0.2
    n = x.shape[0]
    loop = jnp.arange(n, dtype=ei.dtype)
    src = jnp.concatenate([ei[0], loop])
    dst = jnp.concatenate([ei[1], loop])
    h = x @ W
    e = jax.nn.leaky_relu((h @ a_s)[src] + (h @ a_d)[dst], negative_slope=0.2)
    m = jax.lax.stop_gradient(jax.ops.segment_max(e, dst, num_segments=n))
    ex = jnp.exp(e - m[dst])
    den = jax.ops.segment_sum(ex, dst, num_segments=n)
    alpha = ex / den[dst]
    return jax.ops.segment_sum(alpha[:, None] * h[src], dst, num_segments=n) + b


def setup_inputs(seed: int = 0):
    key = jax.random.key(seed)
    ks = jax.random.split(key, 30)
    p = lambda k, shp: jax.random.normal(k, shp, jnp.float32) * 0.05
    inp = {
        "tx_x": jax.random.normal(ks[0], (N_TX, TX_IN), jnp.float32),
        "nh_x": jax.random.normal(ks[1], (N_NH, NH_IN), jnp.float32),
        "tx_edge_index": jax.random.randint(ks[2], (2, E_TT), 0, N_TX, dtype=jnp.int32),
        "nh_edge_index": jax.random.randint(ks[3], (2, E_NN), 0, N_NH, dtype=jnp.int32),
        "belongs_edge_index": jax.random.randint(ks[4], (2, N_TX), 0, N_NH, dtype=jnp.int32),
        "influences_edge_index": jax.random.randint(ks[5], (2, N_TX), 0, N_NH, dtype=jnp.int32),
        "W_l_tx": p(ks[6], (TX_IN, H)), "W_r_tx": p(ks[7], (TX_IN, H)), "b_tx": jnp.zeros((H,), jnp.float32),
        "W_l_nh": p(ks[8], (NH_IN, H)), "W_r_nh": p(ks[9], (NH_IN, H)), "b_nh": jnp.zeros((H,), jnp.float32),
        "W_gat": p(ks[10], (H, H)), "a_src": p(ks[11], (H,)), "a_dst": p(ks[12], (H,)), "b_gat": jnp.zeros((H,), jnp.float32),
        "W_sp": p(ks[13], (H, H)), "b_sp": jnp.zeros((H,), jnp.float32),
        "W_tp": p(ks[14], (H, H)), "b_tp": jnp.zeros((H,), jnp.float32),
        "W_g1": p(ks[15], (2 * H, H)), "b_g1": jnp.zeros((H,), jnp.float32),
        "W_g2": p(ks[16], (H, H)), "b_g2": jnp.zeros((H,), jnp.float32),
        "W_t2n": p(ks[17], (H, H)), "b_t2n": jnp.zeros((H,), jnp.float32),
        "W_n2t": p(ks[18], (H, H)), "b_n2t": jnp.zeros((H,), jnp.float32),
        "W_out": p(ks[19], (H, 1)), "b_out": jnp.zeros((1,), jnp.float32),
    }
    return inp


def reference(tx_x, nh_x, tx_edge_index, nh_edge_index, belongs_edge_index, influences_edge_index,
              W_l_tx, W_r_tx, b_tx, W_l_nh, W_r_nh, b_nh,
              W_gat, a_src, a_dst, b_gat,
              W_sp, b_sp, W_tp, b_tp, W_g1, b_g1, W_g2, b_g2,
              W_t2n, b_t2n, W_n2t, b_n2t, W_out, b_out):
    tx_h = jax.nn.relu(_sage(tx_x, tx_edge_index, W_l_tx, W_r_tx, b_tx))
    tx_msg = tx_h @ W_t2n + b_t2n
    neigh_ids = belongs_edge_index[1]
    nh_agg = jnp.zeros((nh_x.shape[0], tx_msg.shape[1]), tx_msg.dtype).at[neigh_ids].add(tx_msg)
    nh_spatial = jax.nn.relu(_sage(nh_x, nh_edge_index, W_l_nh, W_r_nh, b_nh))
    nh_temporal = _gat(nh_spatial, nh_edge_index, W_gat, a_src, a_dst, b_gat)
    s_proj = nh_spatial @ W_sp + b_sp
    t_proj = (nh_temporal + nh_agg) @ W_tp + b_tp
    g = jax.nn.sigmoid(jax.nn.relu(jnp.concatenate([s_proj, t_proj], axis=-1) @ W_g1 + b_g1) @ W_g2 + b_g2)
    nh_out = jax.nn.relu(g * s_proj + (1.0 - g) * t_proj)
    tx_idx = influences_edge_index[1]
    nh2tx = nh_out @ W_n2t + b_n2t
    tx_enh = tx_h + nh2tx[tx_idx]
    return jnp.squeeze(tx_enh @ W_out + b_out, axis=-1)

if __name__ == "__main__":
    import jax
    _d = setup_inputs()
    print(jax.jit(kernel)(*tuple(_d.values())))

</pallas_src>

<mosaic_0001>
#map = affine_map<(d0, d1) -> (0, 0)>
module attributes {stable_mosaic.version = 14 : i64} {
  func.func @_a_body(%arg0: i32, %arg1: i32, %arg2: memref<53248x32xf32, #tpu.memory_space<hbm>>, %arg3: memref<53248x32xf32, #tpu.memory_space<hbm>>, %arg4: memref<53248x32xf32, #tpu.memory_space<hbm>>, %arg5: memref<53248x32xf32, #tpu.memory_space<hbm>>, %arg6: memref<6272x128xi32, #tpu.memory_space<hbm>>, %arg7: memref<6272x128xi32, #tpu.memory_space<hbm>>, %arg8: memref<53248x32xf32, #tpu.memory_space<hbm>>, %arg9: memref<53248x32xf32, #tpu.memory_space<hbm>>, %arg10: memref<53248x32xf32, #tpu.memory_space<hbm>>, %arg11: memref<53248x32xf32, #tpu.memory_space<hbm>>, %arg12: memref<53248x32xf32, #tpu.memory_space<hbm>>, %arg13: memref<53248x32xf32, #tpu.memory_space<hbm>>, %arg14: memref<53248x32xf32, #tpu.memory_space<vmem_shared>>, %arg15: memref<1x128xi32, #tpu.memory_space<vmem>>, %arg16: memref<1x128xi32, #tpu.memory_space<vmem>>, %arg17: memref<128x32xf32, #tpu.memory_space<vmem>>, %arg18: memref<128x32xf32, #tpu.memory_space<vmem>>, %arg19: memref<104x32xf32, #tpu.memory_space<vmem>>, %arg20: memref<!tpu.dma_semaphore, #tpu.memory_space<semaphore_mem>>) attributes {dimension_semantics = [#tpu.dimension_semantics<core_parallel>, #tpu.dimension_semantics<subcore_parallel>], iteration_bounds = array<i64: 2, 16>, scalar_prefetch = 0 : i64, scratch_operands = 7 : i64, tpu.core_type = #tpu.core_type<sc_vector_subcore>, window_params = [{transform_indices = #map}, {transform_indices = #map}, {transform_indices = #map}, {transform_indices = #map}, {transform_indices = #map}, {transform_indices = #map}, {transform_indices = #map}, {transform_indices = #map}, {transform_indices = #map}, {transform_indices = #map}, {transform_indices = #map}, {transform_indices = #map}]} {
    %broadcast_in_dim3A = arith.constant 0.000000e+00 : f32
    %broadcast_in_dim3A_0 = vector.broadcast %broadcast_in_dim3A : f32 to vector<16xf32>
    %scan3A = arith.constant 0 : i32
    %scan3A_1 = arith.constant 0 : i32
    %scan3A_2 = arith.constant 104 : i32
    %scan3A_3 = arith.addi %scan3A_1, %scan3A_2 : i32
    %scan3A_4 = arith.constant 1 : i32
    %scan3A_5 = scf.for %scan3A_23 = %scan3A_1 to %scan3A_3 step %scan3A_4 iter_args(%scan3A_24 = %scan3A) -> (i32)  : i32 {
      %swap3A = arith.index_cast %scan3A_23 : i32 to index
      %swap3A_25 = arith.constant 0 : index
      %swap3A_26 = tpu.vector_load %arg19[%swap3A, %swap3A_25] {strides = array<i32>} : memref<104x32xf32, #tpu.memory_space<vmem>>, vector<1x16xf32>,
      %swap3A_27 = vector.shape_cast %swap3A_26 : vector<1x16xf32> to vector<16xf32>
      %swap3A_28 = vector.shape_cast %broadcast_in_dim3A_0 : vector<16xf32> to vector<1x16xf32>
      tpu.vector_store %arg19[%swap3A, %swap3A_25], %swap3A_28 {strides = array<i32>} : memref<104x32xf32, #tpu.memory_space<vmem>>, vector<1x16xf32>,
      %swap3A_29 = arith.index_cast %scan3A_23 : i32 to index
      %swap3A_30 = arith.constant 16 : index
      %swap3A_31 = tpu.vector_load %arg19[%swap3A_29, %swap3A_30] {strides = array<i32>} : memref<104x32xf32, #tpu.memory_space<vmem>>, vector<1x16xf32>,
      %swap3A_32 = vector.shape_cast %swap3A_31 : vector<1x16xf32> to vector<16xf32>
      %swap3A_33 = vector.shape_cast %broadcast_in_dim3A_0 : vector<16xf32> to vector<1x16xf32>
      tpu.vector_store %arg19[%swap3A_29, %swap3A_30], %swap3A_33 {strides = array<i32>} : memref<104x32xf32, #tpu.memory_space<vmem>>, vector<1x16xf32>,
      %scan3A_34 = arith.constant 0 : i32
      scf.yield %scan3A_34 : i32
    }
    %scan3A_6 = arith.constant 104 : i32
    %broadcast_in_dim3A_7 = arith.constant 1.000000e+00 : f32
    %broadcast_in_dim3A_8 = vector.broadcast %broadcast_in_dim3A_7 : f32 to vector<16xf32>
    %scan3A_9 = arith.constant 0 : i32
    %scan3A_10 = arith.constant 0 : i32
    %scan3A_11 = arith.constant 128 : i32
    %scan3A_12 = arith.addi %scan3A_10, %scan3A_11 : i32
    %scan3A_13 = arith.constant 1 : i32
    %scan3A_14 = scf.for %scan3A_23 = %scan3A_10 to %scan3A_12 step %scan3A_13 iter_args(%scan3A_24 = %scan3A_9) -> (i32)  : i32 {
      %swap3A = arith.index_cast %scan3A_23 : i32 to index
      %swap3A_25 = arith.constant 0 : index
      %swap3A_26 = tpu.vector_load %arg18[%swap3A, %swap3A_25] {strides = array<i32>} : memref<128x32xf32, #tpu.memory_space<vmem>>, vector<1x16xf32>,
      %swap3A_27 = vector.shape_cast %swap3A_26 : vector<1x16xf32> to vector<16xf32>
      %swap3A_28 = vector.shape_cast %broadcast_in_dim3A_8 : vector<16xf32> to vector<1x16xf32>
      tpu.vector_store %arg18[%swap3A, %swap3A_25], %swap3A_28 {strides = array<i32>} : memref<128x32xf32, #tpu.memory_space<vmem>>, vector<1x16xf32>,
      %swap3A_29 = arith.index_cast %scan3A_23 : i32 to index
      %swap3A_30 = arith.constant 16 : index
      %swap3A_31 = tpu.vector_load %arg18[%swap3A_29, %swap3A_30] {strides = array<i32>} : memref<128x32xf32, #tpu.memory_space<vmem>>, vector<1x16xf32>,
      %swap3A_32 = vector.shape_cast %swap3A_31 : vector<1x16xf32> to vector<16xf32>
      %swap3A_33 = vector.shape_cast %broadcast_in_dim3A_8 : vector<16xf32> to vector<1x16xf32>
      tpu.vector_store %arg18[%swap3A_29, %swap3A_30], %swap3A_33 {strides = array<i32>} : memref<128x32xf32, #tpu.memory_space<vmem>>, vector<1x16xf32>,
      %scan3A_34 = arith.constant 0 : i32
      scf.yield %scan3A_34 : i32
    }
    %scan3A_15 = arith.constant 128 : i32
    %eq3A = arith.constant 0 : i32
    %eq3A_16 = arith.cmpi eq, %arg0, %eq3A : i32
    %convert_element_type3A = arith.extui %eq3A_16 : i1 to i32
    %cond3A = arith.constant 0 : i32
    %cond3A_17 = arith.cmpi ne, %convert_element_type3A, %cond3A : i32
    scf.if %cond3A_17 {
      %scan3A_23 = arith.constant 0 : i32
      %scan3A_24 = arith.constant 0 : i32
      %scan3A_25 = arith.constant 32 : i32
      %scan3A_26 = arith.addi %scan3A_24, %scan3A_25 : i32
      %scan3A_27 = arith.constant 1 : i32
      %scan3A_28 = scf.for %scan3A_84 = %scan3A_24 to %scan3A_26 step %scan3A_27 iter_args(%scan3A_85 = %scan3A_23) -> (i32)  : i32 {
        %mul3A_86 = arith.constant 3328 : i32
        %mul3A_87 = arith.muli %arg1, %mul3A_86 : i32
        %mul3A_88 = arith.constant 104 : i32
        %mul3A_89 = arith.muli %scan3A_84, %mul3A_88 : i32
        %add3A = arith.addi %mul3A_87, %mul3A_89 : i32
        "tpu.region"() ({
          %run_scoped3A = tpu.sem_alloc : memref<!tpu.dma_semaphore, #tpu.memory_space<semaphore_mem>>
          %dma_start3A = arith.constant 0 : i32
          %dma_start3A_91 = tpu.memref_slice %arg14[%add3A, %dma_start3A] : memref<53248x32xf32, #tpu.memory_space<vmem_shared>> -> memref<104x32xf32, #tpu.memory_space<vmem_shared>>
          %dma_start3A_92 = arith.constant 0 : i32
          %dma_start3A_93 = tpu.memref_slice %arg14[%add3A, %dma_start3A_92] : memref<53248x32xf32, #tpu.memory_space<vmem_shared>> -> memref<104x32xf32, #tpu.memory_space<vmem_shared>>
          tpu.enqueue_dma source(%arg19 : memref<104x32xf32, #tpu.memory_space<vmem>>) target(%dma_start3A_93 : memref<104x32xf32, #tpu.memory_space<vmem_shared>>) target_semaphore(%run_scoped3A : memref<!tpu.dma_semaphore, #tpu.memory_space<semaphore_mem>>)
          %dma_wait3A = arith.constant 0 : i32
          %dma_wait3A_94 = tpu.memref_slice %arg14[%add3A, %dma_wait3A] : memref<53248x32xf32, #tpu.memory_space<vmem_shared>> -> memref<104x32xf32, #tpu.memory_space<vmem_shared>>
          %dma_wait3A_95 = arith.constant 0 : i32
          %dma_wait3A_96 = tpu.memref_slice %arg14[%add3A, %dma_wait3A_95] : memref<53248x32xf32, #tpu.memory_space<vmem_shared>> -> memref<104x32xf32, #tpu.memory_space<vmem_shared>>
          tpu.wait_dma2 semaphore(%run_scoped3A : memref<!tpu.dma_semaphore, #tpu.memory_space<semaphore_mem>>) src(%arg19 : memref<104x32xf32, #tpu.memory_space<vmem>>) dst(%dma_wait3A_96 : memref<104x32xf32, #tpu.memory_space<vmem_shared>>)
          tpu.yield
        }) : () -> ()
        %scan3A_90 = arith.constant 0 : i32
        scf.yield %scan3A_90 : i32
      }
      %scan3A_29 = arith.constant 32 : i32
      %barrier3A = arith.constant 0 : index
      tpu.barrier barrier_id(%barrier3A)
      %scan3A_30 = arith.constant 0 : i32
      %scan3A_31 = arith.constant 0 : i32
      %scan3A_32 = arith.constant 392 : i32
      %scan3A_33 = arith.addi %scan3A_31, %scan3A_32 : i32
      %scan3A_34 = arith.constant 1 : i32
      %scan3A_35 = scf.for %scan3A_84 = %scan3A_31 to %scan3A_33 step %scan3A_34 iter_args(%scan3A_85 = %scan3A_30) -> (i32)  : i32 {
        %mul3A_86 = arith.constant 392 : i32
        %mul3A_87 = arith.muli %arg1, %mul3A_86 : i32
        %add3A = arith.addi %mul3A_87, %scan3A_84 : i32
        "tpu.region"() ({
          %run_scoped3A_101 = tpu.sem_alloc : memref<!tpu.dma_semaphore, #tpu.memory_space<semaphore_mem>>
          %dma_start3A_102 = arith.constant 0 : i32
          %dma_start3A_103 = tpu.memref_slice %arg6[%add3A, %dma_start3A_102] : memref<6272x128xi32, #tpu.memory_space<hbm>> -> memref<1x128xi32, #tpu.memory_space<hbm>>
          %dma_start3A_104 = arith.constant 0 : i32
          %dma_start3A_105 = tpu.memref_slice %arg6[%add3A, %dma_start3A_104] : memref<6272x128xi32, #tpu.memory_space<hbm>> -> memref<1x128xi32, #tpu.memory_space<hbm>>
          tpu.enqueue_dma source(%dma_start3A_105 : memref<1x128xi32, #tpu.memory_space<hbm>>) target(%arg15 : memref<1x128xi32, #tpu.memory_space<vmem>>) target_semaphore(%run_scoped3A_101 : memref<!tpu.dma_semaphore, #tpu.memory_space<semaphore_mem>>)
          %dma_wait3A_106 = arith.constant 0 : i32
          %dma_wait3A_107 = tpu.memref_slice %arg6[%add3A, %dma_wait3A_106] : memref<6272x128xi32, #tpu.memory_space<hbm>> -> memref<1x128xi32, #tpu.memory_space<hbm>>
          %dma_wait3A_108 = arith.constant 0 : i32
          %dma_wait3A_109 = tpu.memref_slice %arg6[%add3A, %dma_wait3A_108] : memref<6272x128xi32, #tpu.memory_space<hbm>> -> memref<1x128xi32, #tpu.memory_space<hbm>>
          tpu.wait_dma2 semaphore(%run_scoped3A_101 : memref<!tpu.dma_semaphore, #tpu.memory_space<semaphore_mem>>) src(%dma_wait3A_109 : memref<1x128xi32, #tpu.memory_space<hbm>>) dst(%arg15 : memref<1x128xi32, #tpu.memory_space<vmem>>)
          tpu.yield
        }) : () -> ()
        "tpu.region"() ({
          %run_scoped3A_101 = tpu.sem_alloc : memref<!tpu.dma_semaphore, #tpu.memory_space<semaphore_mem>>
          %dma_start3A_102 = arith.constant 0 : i32
          %dma_start3A_103 = tpu.memref_slice %arg7[%add3A, %dma_start3A_102] : memref<6272x128xi32, #tpu.memory_space<hbm>> -> memref<1x128xi32, #tpu.memory_space<hbm>>
          %dma_start3A_104 = arith.constant 0 : i32
          %dma_start3A_105 = tpu.memref_slice %arg7[%add3A, %dma_start3A_104] : memref<6272x128xi32, #tpu.memory_space<hbm>> -> memref<1x128xi32, #tpu.memory_space<hbm>>
          tpu.enqueue_dma source(%dma_start3A_105 : memref<1x128xi32, #tpu.memory_space<hbm>>) target(%arg16 : memref<1x128xi32, #tpu.memory_space<vmem>>) target_semaphore(%run_scoped3A_101 : memref<!tpu.dma_semaphore, #tpu.memory_space<semaphore_mem>>)
          %dma_wait3A_106 = arith.constant 0 : i32
          %dma_wait3A_107 = tpu.memref_slice %arg7[%add3A, %dma_wait3A_106] : memref<6272x128xi32, #tpu.memory_space<hbm>> -> memref<1x128xi32, #tpu.memory_space<hbm>>
          %dma_wait3A_108 = arith.constant 0 : i32
          %dma_wait3A_109 = tpu.memref_slice %arg7[%add3A, %dma_wait3A_108] : memref<6272x128xi32, #tpu.memory_space<hbm>> -> memref<1x128xi32, #tpu.memory_space<hbm>>
          tpu.wait_dma2 semaphore(%run_scoped3A_101 : memref<!tpu.dma_semaphore, #tpu.memory_space<semaphore_mem>>) src(%dma_wait3A_109 : memref<1x128xi32, #tpu.memory_space<hbm>>) dst(%arg16 : memref<1x128xi32, #tpu.memory_space<vmem>>)
          tpu.yield
        }) : () -> ()
        %dma_start3A = arith.constant 0 : i32
        %dma_start3A_88 = arith.constant 0 : i32
        %dma_start3A_89 = tpu.memref_slice %arg15[%dma_start3A, %dma_start3A_88] : memref<1x128xi32, #tpu.memory_space<vmem>> -> memref<1x128xi32, #tpu.memory_space<vmem>>
        %dma_start3A_90 = tpu.memref_squeeze %dma_start3A_89 : memref<1x128xi32, #tpu.memory_space<vmem>> -> memref<128xi32, #tpu.memory_space<vmem>>
        %dma_start3A_91 = arith.constant 0 : i32
        %dma_start3A_92 = arith.constant 0 : i32
        %dma_start3A_93 = tpu.memref_slice %arg2[%dma_start3A_91, %dma_start3A_92] : memref<53248x32xf32, #tpu.memory_space<hbm>> -> memref<53248x32xf32, #tpu.memory_space<hbm>>
        tpu.enqueue_indirect_dma source(%dma_start3A_93 : memref<53248x32xf32, #tpu.memory_space<hbm>>) target(%arg17 : memref<128x32xf32, #tpu.memory_space<vmem>>) offsets(%dma_start3A_90 : memref<128xi32, #tpu.memory_space<vmem>>) semaphore(%arg20 : memref<!tpu.dma_semaphore, #tpu.memory_space<semaphore_mem>>)
        %dma_wait3A = arith.constant 0 : i32
        %dma_wait3A_94 = arith.constant 0 : i32
        %dma_wait3A_95 = tpu.memref_slice %arg15[%dma_wait3A, %dma_wait3A_94] : memref<1x128xi32, #tpu.memory_space<vmem>> -> memref<1x128xi32, #tpu.memory_space<vmem>>
        %dma_wait3A_96 = tpu.memref_squeeze %dma_wait3A_95 : memref<1x128xi32, #tpu.memory_space<vmem>> -> memref<128xi32, #tpu.memory_space<vmem>>
        %dma_wait3A_97 = arith.constant 0 : i32
        %dma_wait3A_98 = arith.constant 0 : i32
        %dma_wait3A_99 = tpu.memref_slice %arg2[%dma_wait3A_97, %dma_wait3A_98] : memref<53248x32xf32, #tpu.memory_space<hbm>> -> memref<53248x32xf32, #tpu.memory_space<hbm>>
        tpu.wait_indirect_dma semaphore(%arg20 : memref<!tpu.dma_semaphore, #tpu.memory_space<semaphore_mem>>) src(%dma_wait3A_99 : memref<53248x32xf32, #tpu.memory_space<hbm>>) dst(%arg17 : memref<128x32xf32, #tpu.memory_space<vmem>>)
        %run_scoped3A = arith.constant 0 : i32
        "tpu.region"() ({
          %run_scoped3A_101 = tpu.sem_alloc : memref<!tpu.dma_semaphore, #tpu.memory_space<semaphore_mem>>
          %dma_start3A_102 = arith.constant 0 : i32
          %dma_start3A_103 = tpu.memref_slice %arg16[%run_scoped3A, %dma_start3A_102] : memref<1x128xi32, #tpu.memory_space<vmem>> -> memref<1x128xi32, #tpu.memory_space<vmem>>
          %dma_start3A_104 = tpu.memref_squeeze %dma_start3A_103 : memref<1x128xi32, #tpu.memory_space<vmem>> -> memref<128xi32, #tpu.memory_space<vmem>>
          %dma_start3A_105 = arith.constant 0 : i32
          %dma_start3A_106 = arith.constant 0 : i32
          %dma_start3A_107 = tpu.memref_slice %arg14[%dma_start3A_105, %dma_start3A_106] : memref<53248x32xf32, #tpu.memory_space<vmem_shared>> -> memref<53248x32xf32, #tpu.memory_space<vmem_shared>>
          tpu.enqueue_indirect_dma source(%arg17 : memref<128x32xf32, #tpu.memory_space<vmem>>) target(%dma_start3A_107 : memref<53248x32xf32, #tpu.memory_space<vmem_shared>>) offsets(%dma_start3A_104 : memref<128xi32, #tpu.memory_space<vmem>>) semaphore(%run_scoped3A_101 : memref<!tpu.dma_semaphore, #tpu.memory_space<semaphore_mem>>) {add = true}
          %dma_wait3A_108 = arith.constant 0 : i32
          %dma_wait3A_109 = tpu.memref_slice %arg16[%run_scoped3A, %dma_wait3A_108] : memref<1x128xi32, #tpu.memory_space<vmem>> -> memref<1x128xi32, #tpu.memory_space<vmem>>
          %dma_wait3A_110 = tpu.memref_squeeze %dma_wait3A_109 : memref<1x128xi32, #tpu.memory_space<vmem>> -> memref<128xi32, #tpu.memory_space<vmem>>
          %dma_wait3A_111 = arith.constant 0 : i32
          %dma_wait3A_112 = arith.constant 0 : i32
          %dma_wait3A_113 = tpu.memref_slice %arg14[%dma_wait3A_111, %dma_wait3A_112] : memref<53248x32xf32, #tpu.memory_space<vmem_shared>> -> memref<53248x32xf32, #tpu.memory_space<vmem_shared>>
          tpu.wait_indirect_dma semaphore(%run_scoped3A_101 : memref<!tpu.dma_semaphore, #tpu.memory_space<semaphore_mem>>) src(%arg17 : memref<128x32xf32, #tpu.memory_space<vmem>>) dst(%dma_wait3A_113 : memref<53248x32xf32, #tpu.memory_space<vmem_shared>>)
          tpu.yield
        }) : () -> ()
        %scan3A_100 = arith.constant 0 : i32
        scf.yield %scan3A_100 : i32
      }
      %scan3A_36 = arith.constant 392 : i32
      %barrier3A_37 = arith.constant 0 : index
      tpu.barrier barrier_id(%barrier3A_37)
      %mul3A = arith.constant 3328 : i32
      %mul3A_38 = arith.muli %arg1, %mul3A : i32
      %mul3A_39 = arith.constant 3328 : i32
      %mul3A_40 = arith.muli %arg1, %mul3A_39 : i32
      "tpu.region"() ({
        %run_scoped3A = tpu.sem_alloc : memref<!tpu.dma_semaphore, #tpu.memory_space<semaphore_mem>>
        %dma_start3A = arith.constant 0 : i32
        %dma_start3A_84 = tpu.memref_slice %arg8[%mul3A_40, %dma_start3A] : memref<53248x32xf32, #tpu.memory_space<hbm>> -> memref<3328x32xf32, #tpu.memory_space<hbm>>
        %dma_start3A_85 = arith.constant 0 : i32
        %dma_start3A_86 = tpu.memref_slice %arg14[%mul3A_38, %dma_start3A_85] : memref<53248x32xf32, #tpu.memory_space<vmem_shared>> -> memref<3328x32xf32, #tpu.memory_space<vmem_shared>>
        tpu.enqueue_dma source(%dma_start3A_86 : memref<3328x32xf32, #tpu.memory_space<vmem_shared>>) target(%dma_start3A_84 : memref<3328x32xf32, #tpu.memory_space<hbm>>) target_semaphore(%run_scoped3A : memref<!tpu.dma_semaphore, #tpu.memory_space<semaphore_mem>>)
        %dma_wait3A = arith.constant 0 : i32
        %dma_wait3A_87 = tpu.memref_slice %arg8[%mul3A_40, %dma_wait3A] : memref<53248x32xf32, #tpu.memory_space<hbm>> -> memref<3328x32xf32, #tpu.memory_space<hbm>>
        %dma_wait3A_88 = arith.constant 0 : i32
        %dma_wait3A_89 = tpu.memref_slice %arg14[%mul3A_38, %dma_wait3A_88] : memref<53248x32xf32, #tpu.memory_space<vmem_shared>> -> memref<3328x32xf32, #tpu.memory_space<vmem_shared>>
        tpu.wait_dma2 semaphore(%run_scoped3A : memref<!tpu.dma_semaphore, #tpu.memory_space<semaphore_mem>>) src(%dma_wait3A_89 : memref<3328x32xf32, #tpu.memory_space<vmem_shared>>) dst(%dma_wait3A_87 : memref<3328x32xf32, #tpu.memory_space<hbm>>)
        tpu.yield
      }) : () -> ()
      %barrier3A_41 = arith.constant 0 : index
      tpu.barrier barrier_id(%barrier3A_41)
      %scan3A_42 = arith.constant 0 : i32
      %scan3A_43 = arith.constant 0 : i32
      %scan3A_44 = arith.constant 32 : i32
      %scan3A_45 = arith.addi %scan3A_43, %scan3A_44 : i32
      %scan3A_46 = arith.constant 1 : i32
      %scan3A_47 = scf.for %scan3A_84 = %scan3A_43 to %scan3A_45 step %scan3A_46 iter_args(%scan3A_85 = %scan3A_42) -> (i32)  : i32 {
        %mul3A_86 = arith.constant 3328 : i32
        %mul3A_87 = arith.muli %arg1, %mul3A_86 : i32
        %mul3A_88 = arith.constant 104 : i32
        %mul3A_89 = arith.muli %scan3A_84, %mul3A_88 : i32
        %add3A = arith.addi %mul3A_87, %mul3A_89 : i32
        "tpu.region"() ({
          %run_scoped3A = tpu.sem_alloc : memref<!tpu.dma_semaphore, #tpu.memory_space<semaphore_mem>>
          %dma_start3A = arith.constant 0 : i32
          %dma_start3A_91 = tpu.memref_slice %arg14[%add3A, %dma_start3A] : memref<53248x32xf32, #tpu.memory_space<vmem_shared>> -> memref<104x32xf32, #tpu.memory_space<vmem_shared>>
          %dma_start3A_92 = arith.constant 0 : i32
          %dma_start3A_93 = tpu.memref_slice %arg14[%add3A, %dma_start3A_92] : memref<53248x32xf32, #tpu.memory_space<vmem_shared>> -> memref<104x32xf32, #tpu.memory_space<vmem_shared>>
          tpu.enqueue_dma source(%arg19 : memref<104x32xf32, #tpu.memory_space<vmem>>) target(%dma_start3A_93 : memref<104x32xf32, #tpu.memory_space<vmem_shared>>) target_semaphore(%run_scoped3A : memref<!tpu.dma_semaphore, #tpu.memory_space<semaphore_mem>>)
          %dma_wait3A = arith.constant 0 : i32
          %dma_wait3A_94 = tpu.memref_slice %arg14[%add3A, %dma_wait3A] : memref<53248x32xf32, #tpu.memory_space<vmem_shared>> -> memref<104x32xf32, #tpu.memory_space<vmem_shared>>
          %dma_wait3A_95 = arith.constant 0 : i32
          %dma_wait3A_96 = tpu.memref_slice %arg14[%add3A, %dma_wait3A_95] : memref<53248x32xf32, #tpu.memory_space<vmem_shared>> -> memref<104x32xf32, #tpu.memory_space<vmem_shared>>
          tpu.wait_dma2 semaphore(%run_scoped3A : memref<!tpu.dma_semaphore, #tpu.memory_space<semaphore_mem>>) src(%arg19 : memref<104x32xf32, #tpu.memory_space<vmem>>) dst(%dma_wait3A_96 : memref<104x32xf32, #tpu.memory_space<vmem_shared>>)
          tpu.yield
        }) : () -> ()
        %scan3A_90 = arith.constant 0 : i32
        scf.yield %scan3A_90 : i32
      }
      %scan3A_48 = arith.constant 32 : i32
      %barrier3A_49 = arith.constant 0 : index
      tpu.barrier barrier_id(%barrier3A_49)
      %scan3A_50 = arith.constant 0 : i32
      %scan3A_51 = arith.constant 0 : i32
      %scan3A_52 = arith.constant 392 : i32
      %scan3A_53 = arith.addi %scan3A_51, %scan3A_52 : i32
      %scan3A_54 = arith.constant 1 : i32
      %scan3A_55 = scf.for %scan3A_84 = %scan3A_51 to %scan3A_53 step %scan3A_54 iter_args(%scan3A_85 = %scan3A_50) -> (i32)  : i32 {
        %mul3A_86 = arith.constant 392 : i32
        %mul3A_87 = arith.muli %arg1, %mul3A_86 : i32
        %add3A = arith.addi %mul3A_87, %scan3A_84 : i32
        "tpu.region"() ({
          %run_scoped3A_101 = tpu.sem_alloc : memref<!tpu.dma_semaphore, #tpu.memory_space<semaphore_mem>>
          %dma_start3A_102 = arith.constant 0 : i32
          %dma_start3A_103 = tpu.memref_slice %arg6[%add3A, %dma_start3A_102] : memref<6272x128xi32, #tpu.memory_space<hbm>> -> memref<1x128xi32, #tpu.memory_space<hbm>>
          %dma_start3A_104 = arith.constant 0 : i32
          %dma_start3A_105 = tpu.memref_slice %arg6[%add3A, %dma_start3A_104] : memref<6272x128xi32, #tpu.memory_space<hbm>> -> memref<1x128xi32, #tpu.memory_space<hbm>>
          tpu.enqueue_dma source(%dma_start3A_105 : memref<1x128xi32, #tpu.memory_space<hbm>>) target(%arg15 : memref<1x128xi32, #tpu.memory_space<vmem>>) target_semaphore(%run_scoped3A_101 : memref<!tpu.dma_semaphore, #tpu.memory_space<semaphore_mem>>)
          %dma_wait3A_106 = arith.constant 0 : i32
          %dma_wait3A_107 = tpu.memref_slice %arg6[%add3A, %dma_wait3A_106] : memref<6272x128xi32, #tpu.memory_space<hbm>> -> memref<1x128xi32, #tpu.memory_space<hbm>>
          %dma_wait3A_108 = arith.constant 0 : i32
          %dma_wait3A_109 = tpu.memref_slice %arg6[%add3A, %dma_wait3A_108] : memref<6272x128xi32, #tpu.memory_space<hbm>> -> memref<1x128xi32, #tpu.memory_space<hbm>>
          tpu.wait_dma2 semaphore(%run_scoped3A_101 : memref<!tpu.dma_semaphore, #tpu.memory_space<semaphore_mem>>) src(%dma_wait3A_109 : memref<1x128xi32, #tpu.memory_space<hbm>>) dst(%arg15 : memref<1x128xi32, #tpu.memory_space<vmem>>)
          tpu.yield
        }) : () -> ()
        "tpu.region"() ({
          %run_scoped3A_101 = tpu.sem_alloc : memref<!tpu.dma_semaphore, #tpu.memory_space<semaphore_mem>>
          %dma_start3A_102 = arith.constant 0 : i32
          %dma_start3A_103 = tpu.memref_slice %arg7[%add3A, %dma_start3A_102] : memref<6272x128xi32, #tpu.memory_space<hbm>> -> memref<1x128xi32, #tpu.memory_space<hbm>>
          %dma_start3A_104 = arith.constant 0 : i32
          %dma_start3A_105 = tpu.memref_slice %arg7[%add3A, %dma_start3A_104] : memref<6272x128xi32, #tpu.memory_space<hbm>> -> memref<1x128xi32, #tpu.memory_space<hbm>>
          tpu.enqueue_dma source(%dma_start3A_105 : memref<1x128xi32, #tpu.memory_space<hbm>>) target(%arg16 : memref<1x128xi32, #tpu.memory_space<vmem>>) target_semaphore(%run_scoped3A_101 : memref<!tpu.dma_semaphore, #tpu.memory_space<semaphore_mem>>)
          %dma_wait3A_106 = arith.constant 0 : i32
          %dma_wait3A_107 = tpu.memref_slice %arg7[%add3A, %dma_wait3A_106] : memref<6272x128xi32, #tpu.memory_space<hbm>> -> memref<1x128xi32, #tpu.memory_space<hbm>>
          %dma_wait3A_108 = arith.constant 0 : i32
          %dma_wait3A_109 = tpu.memref_slice %arg7[%add3A, %dma_wait3A_108] : memref<6272x128xi32, #tpu.memory_space<hbm>> -> memref<1x128xi32, #tpu.memory_space<hbm>>
          tpu.wait_dma2 semaphore(%run_scoped3A_101 : memref<!tpu.dma_semaphore, #tpu.memory_space<semaphore_mem>>) src(%dma_wait3A_109 : memref<1x128xi32, #tpu.memory_space<hbm>>) dst(%arg16 : memref<1x128xi32, #tpu.memory_space<vmem>>)
          tpu.yield
        }) : () -> ()
        %dma_start3A = arith.constant 0 : i32
        %dma_start3A_88 = arith.constant 0 : i32
        %dma_start3A_89 = tpu.memref_slice %arg15[%dma_start3A, %dma_start3A_88] : memref<1x128xi32, #tpu.memory_space<vmem>> -> memref<1x128xi32, #tpu.memory_space<vmem>>
        %dma_start3A_90 = tpu.memref_squeeze %dma_start3A_89 : memref<1x128xi32, #tpu.memory_space<vmem>> -> memref<128xi32, #tpu.memory_space<vmem>>
        %dma_start3A_91 = arith.constant 0 : i32
        %dma_start3A_92 = arith.constant 0 : i32
        %dma_start3A_93 = tpu.memref_slice %arg3[%dma_start3A_91, %dma_start3A_92] : memref<53248x32xf32, #tpu.memory_space<hbm>> -> memref<53248x32xf32, #tpu.memory_space<hbm>>
        tpu.enqueue_indirect_dma source(%dma_start3A_93 : memref<53248x32xf32, #tpu.memory_space<hbm>>) target(%arg17 : memref<128x32xf32, #tpu.memory_space<vmem>>) offsets(%dma_start3A_90 : memref<128xi32, #tpu.memory_space<vmem>>) semaphore(%arg20 : memref<!tpu.dma_semaphore, #tpu.memory_space<semaphore_mem>>)
        %dma_wait3A = arith.constant 0 : i32
        %dma_wait3A_94 = arith.constant 0 : i32
        %dma_wait3A_95 = tpu.memref_slice %arg15[%dma_wait3A, %dma_wait3A_94] : memref<1x128xi32, #tpu.memory_space<vmem>> -> memref<1x128xi32, #tpu.memory_space<vmem>>
        %dma_wait3A_96 = tpu.memref_squeeze %dma_wait3A_95 : memref<1x128xi32, #tpu.memory_space<vmem>> -> memref<128xi32, #tpu.memory_space<vmem>>
        %dma_wait3A_97 = arith.constant 0 : i32
        %dma_wait3A_98 = arith.constant 0 : i32
        %dma_wait3A_99 = tpu.memref_slice %arg3[%dma_wait3A_97, %dma_wait3A_98] : memref<53248x32xf32, #tpu.memory_space<hbm>> -> memref<53248x32xf32, #tpu.memory_space<hbm>>
        tpu.wait_indirect_dma semaphore(%arg20 : memref<!tpu.dma_semaphore, #tpu.memory_space<semaphore_mem>>) src(%dma_wait3A_99 : memref<53248x32xf32, #tpu.memory_space<hbm>>) dst(%arg17 : memref<128x32xf32, #tpu.memory_space<vmem>>)
        %run_scoped3A = arith.constant 0 : i32
        "tpu.region"() ({
          %run_scoped3A_101 = tpu.sem_alloc : memref<!tpu.dma_semaphore, #tpu.memory_space<semaphore_mem>>
          %dma_start3A_102 = arith.constant 0 : i32
          %dma_start3A_103 = tpu.memref_slice %arg16[%run_scoped3A, %dma_start3A_102] : memref<1x128xi32, #tpu.memory_space<vmem>> -> memref<1x128xi32, #tpu.memory_space<vmem>>
          %dma_start3A_104 = tpu.memref_squeeze %dma_start3A_103 : memref<1x128xi32, #tpu.memory_space<vmem>> -> memref<128xi32, #tpu.memory_space<vmem>>
          %dma_start3A_105 = arith.constant 0 : i32
          %dma_start3A_106 = arith.constant 0 : i32
          %dma_start3A_107 = tpu.memref_slice %arg14[%dma_start3A_105, %dma_start3A_106] : memref<53248x32xf32, #tpu.memory_space<vmem_shared>> -> memref<53248x32xf32, #tpu.memory_space<vmem_shared>>
          tpu.enqueue_indirect_dma source(%arg17 : memref<128x32xf32, #tpu.memory_space<vmem>>) target(%dma_start3A_107 : memref<53248x32xf32, #tpu.memory_space<vmem_shared>>) offsets(%dma_start3A_104 : memref<128xi32, #tpu.memory_space<vmem>>) semaphore(%run_scoped3A_101 : memref<!tpu.dma_semaphore, #tpu.memory_space<semaphore_mem>>) {add = true}
          %dma_wait3A_108 = arith.constant 0 : i32
          %dma_wait3A_109 = tpu.memref_slice %arg16[%run_scoped3A, %dma_wait3A_108] : memref<1x128xi32, #tpu.memory_space<vmem>> -> memref<1x128xi32, #tpu.memory_space<vmem>>
          %dma_wait3A_110 = tpu.memref_squeeze %dma_wait3A_109 : memref<1x128xi32, #tpu.memory_space<vmem>> -> memref<128xi32, #tpu.memory_space<vmem>>
          %dma_wait3A_111 = arith.constant 0 : i32
          %dma_wait3A_112 = arith.constant 0 : i32
          %dma_wait3A_113 = tpu.memref_slice %arg14[%dma_wait3A_111, %dma_wait3A_112] : memref<53248x32xf32, #tpu.memory_space<vmem_shared>> -> memref<53248x32xf32, #tpu.memory_space<vmem_shared>>
          tpu.wait_indirect_dma semaphore(%run_scoped3A_101 : memref<!tpu.dma_semaphore, #tpu.memory_space<semaphore_mem>>) src(%arg17 : memref<128x32xf32, #tpu.memory_space<vmem>>) dst(%dma_wait3A_113 : memref<53248x32xf32, #tpu.memory_space<vmem_shared>>)
          tpu.yield
        }) : () -> ()
        %scan3A_100 = arith.constant 0 : i32
        scf.yield %scan3A_100 : i32
      }
      %scan3A_56 = arith.constant 392 : i32
      %barrier3A_57 = arith.constant 0 : index
      tpu.barrier barrier_id(%barrier3A_57)
      %mul3A_58 = arith.constant 3328 : i32
      %mul3A_59 = arith.muli %arg1, %mul3A_58 : i32
      %mul3A_60 = arith.constant 3328 : i32
      %mul3A_61 = arith.muli %arg1, %mul3A_60 : i32
      "tpu.region"() ({
        %run_scoped3A = tpu.sem_alloc : memref<!tpu.dma_semaphore, #tpu.memory_space<semaphore_mem>>
        %dma_start3A = arith.constant 0 : i32
        %dma_start3A_84 = tpu.memref_slice %arg9[%mul3A_61, %dma_start3A] : memref<53248x32xf32, #tpu.memory_space<hbm>> -> memref<3328x32xf32, #tpu.memory_space<hbm>>
        %dma_start3A_85 = arith.constant 0 : i32
        %dma_start3A_86 = tpu.memref_slice %arg14[%mul3A_59, %dma_start3A_85] : memref<53248x32xf32, #tpu.memory_space<vmem_shared>> -> memref<3328x32xf32, #tpu.memory_space<vmem_shared>>
        tpu.enqueue_dma source(%dma_start3A_86 : memref<3328x32xf32, #tpu.memory_space<vmem_shared>>) target(%dma_start3A_84 : memref<3328x32xf32, #tpu.memory_space<hbm>>) target_semaphore(%run_scoped3A : memref<!tpu.dma_semaphore, #tpu.memory_space<semaphore_mem>>)
        %dma_wait3A = arith.constant 0 : i32
        %dma_wait3A_87 = tpu.memref_slice %arg9[%mul3A_61, %dma_wait3A] : memref<53248x32xf32, #tpu.memory_space<hbm>> -> memref<3328x32xf32, #tpu.memory_space<hbm>>
        %dma_wait3A_88 = arith.constant 0 : i32
        %dma_wait3A_89 = tpu.memref_slice %arg14[%mul3A_59, %dma_wait3A_88] : memref<53248x32xf32, #tpu.memory_space<vmem_shared>> -> memref<3328x32xf32, #tpu.memory_space<vmem_shared>>
        tpu.wait_dma2 semaphore(%run_scoped3A : memref<!tpu.dma_semaphore, #tpu.memory_space<semaphore_mem>>) src(%dma_wait3A_89 : memref<3328x32xf32, #tpu.memory_space<vmem_shared>>) dst(%dma_wait3A_87 : memref<3328x32xf32, #tpu.memory_space<hbm>>)
        tpu.yield
      }) : () -> ()
      %barrier3A_62 = arith.constant 0 : index
      tpu.barrier barrier_id(%barrier3A_62)
      %scan3A_63 = arith.constant 0 : i32
      %scan3A_64 = arith.constant 0 : i32
      %scan3A_65 = arith.constant 32 : i32
      %scan3A_66 = arith.addi %scan3A_64, %scan3A_65 : i32
      %scan3A_67 = arith.constant 1 : i32
      %scan3A_68 = scf.for %scan3A_84 = %scan3A_64 to %scan3A_66 step %scan3A_67 iter_args(%scan3A_85 = %scan3A_63) -> (i32)  : i32 {
        %mul3A_86 = arith.constant 3328 : i32
        %mul3A_87 = arith.muli %arg1, %mul3A_86 : i32
        %mul3A_88 = arith.constant 104 : i32
        %mul3A_89 = arith.muli %scan3A_84, %mul3A_88 : i32
        %add3A = arith.addi %mul3A_87, %mul3A_89 : i32
        "tpu.region"() ({
          %run_scoped3A = tpu.sem_alloc : memref<!tpu.dma_semaphore, #tpu.memory_space<semaphore_mem>>
          %dma_start3A = arith.constant 0 : i32
          %dma_start3A_91 = tpu.memref_slice %arg14[%add3A, %dma_start3A] : memref<53248x32xf32, #tpu.memory_space<vmem_shared>> -> memref<104x32xf32, #tpu.memory_space<vmem_shared>>
          %dma_start3A_92 = arith.constant 0 : i32
          %dma_start3A_93 = tpu.memref_slice %arg14[%add3A, %dma_start3A_92] : memref<53248x32xf32, #tpu.memory_space<vmem_shared>> -> memref<104x32xf32, #tpu.memory_space<vmem_shared>>
          tpu.enqueue_dma source(%arg19 : memref<104x32xf32, #tpu.memory_space<vmem>>) target(%dma_start3A_93 : memref<104x32xf32, #tpu.memory_space<vmem_shared>>) target_semaphore(%run_scoped3A : memref<!tpu.dma_semaphore, #tpu.memory_space<semaphore_mem>>)
          %dma_wait3A = arith.constant 0 : i32
          %dma_wait3A_94 = tpu.memref_slice %arg14[%add3A, %dma_wait3A] : memref<53248x32xf32, #tpu.memory_space<vmem_shared>> -> memref<104x32xf32, #tpu.memory_space<vmem_shared>>
          %dma_wait3A_95 = arith.constant 0 : i32
          %dma_wait3A_96 = tpu.memref_slice %arg14[%add3A, %dma_wait3A_95] : memref<53248x32xf32, #tpu.memory_space<vmem_shared>> -> memref<104x32xf32, #tpu.memory_space<vmem_shared>>
          tpu.wait_dma2 semaphore(%run_scoped3A : memref<!tpu.dma_semaphore, #tpu.memory_space<semaphore_mem>>) src(%arg19 : memref<104x32xf32, #tpu.memory_space<vmem>>) dst(%dma_wait3A_96 : memref<104x32xf32, #tpu.memory_space<vmem_shared>>)
          tpu.yield
        }) : () -> ()
        %scan3A_90 = arith.constant 0 : i32
        scf.yield %scan3A_90 : i32
      }
      %scan3A_69 = arith.constant 32 : i32
      %barrier3A_70 = arith.constant 0 : index
      tpu.barrier barrier_id(%barrier3A_70)
      %scan3A_71 = arith.constant 0 : i32
      %scan3A_72 = arith.constant 0 : i32
      %scan3A_73 = arith.constant 196 : i32
      %scan3A_74 = arith.addi %scan3A_72, %scan3A_73 : i32
      %scan3A_75 = arith.constant 1 : i32
      %scan3A_76 = scf.for %scan3A_84 = %scan3A_72 to %scan3A_74 step %scan3A_75 iter_args(%scan3A_85 = %scan3A_71) -> (i32)  : i32 {
        %mul3A_86 = arith.constant 196 : i32
        %mul3A_87 = arith.muli %arg1, %mul3A_86 : i32
        %add3A = arith.constant 0 : i32
        %add3A_88 = arith.addi %add3A, %mul3A_87 : i32
        %add3A_89 = arith.addi %add3A_88, %scan3A_84 : i32
        "tpu.region"() ({
          %run_scoped3A_91 = tpu.sem_alloc : memref<!tpu.dma_semaphore, #tpu.memory_space<semaphore_mem>>
          %dma_start3A = arith.constant 0 : i32
          %dma_start3A_92 = tpu.memref_slice %arg7[%add3A_89, %dma_start3A] : memref<6272x128xi32, #tpu.memory_space<hbm>> -> memref<1x128xi32, #tpu.memory_space<hbm>>
          %dma_start3A_93 = arith.constant 0 : i32
          %dma_start3A_94 = tpu.memref_slice %arg7[%add3A_89, %dma_start3A_93] : memref<6272x128xi32, #tpu.memory_space<hbm>> -> memref<1x128xi32, #tpu.memory_space<hbm>>
          tpu.enqueue_dma source(%dma_start3A_94 : memref<1x128xi32, #tpu.memory_space<hbm>>) target(%arg16 : memref<1x128xi32, #tpu.memory_space<vmem>>) target_semaphore(%run_scoped3A_91 : memref<!tpu.dma_semaphore, #tpu.memory_space<semaphore_mem>>)
          %dma_wait3A = arith.constant 0 : i32
          %dma_wait3A_95 = tpu.memref_slice %arg7[%add3A_89, %dma_wait3A] : memref<6272x128xi32, #tpu.memory_space<hbm>> -> memref<1x128xi32, #tpu.memory_space<hbm>>
          %dma_wait3A_96 = arith.constant 0 : i32
          %dma_wait3A_97 = tpu.memref_slice %arg7[%add3A_89, %dma_wait3A_96] : memref<6272x128xi32, #tpu.memory_space<hbm>> -> memref<1x128xi32, #tpu.memory_space<hbm>>
          tpu.wait_dma2 semaphore(%run_scoped3A_91 : memref<!tpu.dma_semaphore, #tpu.memory_space<semaphore_mem>>) src(%dma_wait3A_97 : memref<1x128xi32, #tpu.memory_space<hbm>>) dst(%arg16 : memref<1x128xi32, #tpu.memory_space<vmem>>)
          tpu.yield
        }) : () -> ()
        %run_scoped3A = arith.constant 0 : i32
        "tpu.region"() ({
          %run_scoped3A_91 = tpu.sem_alloc : memref<!tpu.dma_semaphore, #tpu.memory_space<semaphore_mem>>
          %dma_start3A = arith.constant 0 : i32
          %dma_start3A_92 = tpu.memref_slice %arg16[%run_scoped3A, %dma_start3A] : memref<1x128xi32, #tpu.memory_space<vmem>> -> memref<1x128xi32, #tpu.memory_space<vmem>>
          %dma_start3A_93 = tpu.memref_squeeze %dma_start3A_92 : memref<1x128xi32, #tpu.memory_space<vmem>> -> memref<128xi32, #tpu.memory_space<vmem>>
          %dma_start3A_94 = arith.constant 0 : i32
          %dma_start3A_95 = arith.constant 0 : i32
          %dma_start3A_96 = tpu.memref_slice %arg14[%dma_start3A_94, %dma_start3A_95] : memref<53248x32xf32, #tpu.memory_space<vmem_shared>> -> memref<53248x32xf32, #tpu.memory_space<vmem_shared>>
          tpu.enqueue_indirect_dma source(%arg18 : memref<128x32xf32, #tpu.memory_space<vmem>>) target(%dma_start3A_96 : memref<53248x32xf32, #tpu.memory_space<vmem_shared>>) offsets(%dma_start3A_93 : memref<128xi32, #tpu.memory_space<vmem>>) semaphore(%run_scoped3A_91 : memref<!tpu.dma_semaphore, #tpu.memory_space<semaphore_mem>>) {add = true}
          %dma_wait3A = arith.constant 0 : i32
          %dma_wait3A_97 = tpu.memref_slice %arg16[%run_scoped3A, %dma_wait3A] : memref<1x128xi32, #tpu.memory_space<vmem>> -> memref<1x128xi32, #tpu.memory_space<vmem>>
          %dma_wait3A_98 = tpu.memref_squeeze %dma_wait3A_97 : memref<1x128xi32, #tpu.memory_space<vmem>> -> memref<128xi32, #tpu.memory_space<vmem>>
          %dma_wait3A_99 = arith.constant 0 : i32
          %dma_wait3A_100 = arith.constant 0 : i32
          %dma_wait3A_101 = tpu.memref_slice %arg14[%dma_wait3A_99, %dma_wait3A_100] : memref<53248x32xf32, #tpu.memory_space<vmem_shared>> -> memref<53248x32xf32, #tpu.memory_space<vmem_shared>>
          tpu.wait_indirect_dma semaphore(%run_scoped3A_91 : memref<!tpu.dma_semaphore, #tpu.memory_space<semaphore_mem>>) src(%arg18 : memref<128x32xf32, #tpu.memory_space<vmem>>) dst(%dma_wait3A_101 : memref<53248x32xf32, #tpu.memory_space<vmem_shared>>)
          tpu.yield
        }) : () -> ()
        %scan3A_90 = arith.constant 0 : i32
        scf.yield %scan3A_90 : i32
      }
      %scan3A_77 = arith.constant 196 : i32
      %barrier3A_78 = arith.constant 0 : index
      tpu.barrier barrier_id(%barrier3A_78)
      %mul3A_79 = arith.constant 3328 : i32
      %mul3A_80 = arith.muli %arg1, %mul3A_79 : i32
      %mul3A_81 = arith.constant 3328 : i32
      %mul3A_82 = arith.muli %arg1, %mul3A_81 : i32
      "tpu.region"() ({
        %run_scoped3A = tpu.sem_alloc : memref<!tpu.dma_semaphore, #tpu.memory_space<semaphore_mem>>
        %dma_start3A = arith.constant 0 : i32
        %dma_start3A_84 = tpu.memref_slice %arg12[%mul3A_82, %dma_start3A] : memref<53248x32xf32, #tpu.memory_space<hbm>> -> memref<3328x32xf32, #tpu.memory_space<hbm>>
        %dma_start3A_85 = arith.constant 0 : i32
        %dma_start3A_86 = tpu.memref_slice %arg14[%mul3A_80, %dma_start3A_85] : memref<53248x32xf32, #tpu.memory_space<vmem_shared>> -> memref<3328x32xf32, #tpu.memory_space<vmem_shared>>
        tpu.enqueue_dma source(%dma_start3A_86 : memref<3328x32xf32, #tpu.memory_space<vmem_shared>>) target(%dma_start3A_84 : memref<3328x32xf32, #tpu.memory_space<hbm>>) target_semaphore(%run_scoped3A : memref<!tpu.dma_semaphore, #tpu.memory_space<semaphore_mem>>)
        %dma_wait3A = arith.constant 0 : i32
        %dma_wait3A_87 = tpu.memref_slice %arg12[%mul3A_82, %dma_wait3A] : memref<53248x32xf32, #tpu.memory_space<hbm>> -> memref<3328x32xf32, #tpu.memory_space<hbm>>
        %dma_wait3A_88 = arith.constant 0 : i32
        %dma_wait3A_89 = tpu.memref_slice %arg14[%mul3A_80, %dma_wait3A_88] : memref<53248x32xf32, #tpu.memory_space<vmem_shared>> -> memref<3328x32xf32, #tpu.memory_space<vmem_shared>>
        tpu.wait_dma2 semaphore(%run_scoped3A : memref<!tpu.dma_semaphore, #tpu.memory_space<semaphore_mem>>) src(%dma_wait3A_89 : memref<3328x32xf32, #tpu.memory_space<vmem_shared>>) dst(%dma_wait3A_87 : memref<3328x32xf32, #tpu.memory_space<hbm>>)
        tpu.yield
      }) : () -> ()
      %barrier3A_83 = arith.constant 0 : index
      tpu.barrier barrier_id(%barrier3A_83)
    } else {
    }
    %eq3A_18 = arith.constant 1 : i32
    %eq3A_19 = arith.cmpi eq, %arg0, %eq3A_18 : i32
    %convert_element_type3A_20 = arith.extui %eq3A_19 : i1 to i32
    %cond3A_21 = arith.constant 0 : i32
    %cond3A_22 = arith.cmpi ne, %convert_element_type3A_20, %cond3A_21 : i32
    scf.if %cond3A_22 {
      %scan3A_23 = arith.constant 0 : i32
      %scan3A_24 = arith.constant 0 : i32
      %scan3A_25 = arith.constant 32 : i32
      %scan3A_26 = arith.addi %scan3A_24, %scan3A_25 : i32
      %scan3A_27 = arith.constant 1 : i32
      %scan3A_28 = scf.for %scan3A_84 = %scan3A_24 to %scan3A_26 step %scan3A_27 iter_args(%scan3A_85 = %scan3A_23) -> (i32)  : i32 {
        %mul3A_86 = arith.constant 3328 : i32
        %mul3A_87 = arith.muli %arg1, %mul3A_86 : i32
        %mul3A_88 = arith.constant 104 : i32
        %mul3A_89 = arith.muli %scan3A_84, %mul3A_88 : i32
        %add3A = arith.addi %mul3A_87, %mul3A_89 : i32
        "tpu.region"() ({
          %run_scoped3A = tpu.sem_alloc : memref<!tpu.dma_semaphore, #tpu.memory_space<semaphore_mem>>
          %dma_start3A = arith.constant 0 : i32
          %dma_start3A_91 = tpu.memref_slice %arg14[%add3A, %dma_start3A] : memref<53248x32xf32, #tpu.memory_space<vmem_shared>> -> memref<104x32xf32, #tpu.memory_space<vmem_shared>>
          %dma_start3A_92 = arith.constant 0 : i32
          %dma_start3A_93 = tpu.memref_slice %arg14[%add3A, %dma_start3A_92] : memref<53248x32xf32, #tpu.memory_space<vmem_shared>> -> memref<104x32xf32, #tpu.memory_space<vmem_shared>>
          tpu.enqueue_dma source(%arg19 : memref<104x32xf32, #tpu.memory_space<vmem>>) target(%dma_start3A_93 : memref<104x32xf32, #tpu.memory_space<vmem_shared>>) target_semaphore(%run_scoped3A : memref<!tpu.dma_semaphore, #tpu.memory_space<semaphore_mem>>)
          %dma_wait3A = arith.constant 0 : i32
          %dma_wait3A_94 = tpu.memref_slice %arg14[%add3A, %dma_wait3A] : memref<53248x32xf32, #tpu.memory_space<vmem_shared>> -> memref<104x32xf32, #tpu.memory_space<vmem_shared>>
          %dma_wait3A_95 = arith.constant 0 : i32
          %dma_wait3A_96 = tpu.memref_slice %arg14[%add3A, %dma_wait3A_95] : memref<53248x32xf32, #tpu.memory_space<vmem_shared>> -> memref<104x32xf32, #tpu.memory_space<vmem_shared>>
          tpu.wait_dma2 semaphore(%run_scoped3A : memref<!tpu.dma_semaphore, #tpu.memory_space<semaphore_mem>>) src(%arg19 : memref<104x32xf32, #tpu.memory_space<vmem>>) dst(%dma_wait3A_96 : memref<104x32xf32, #tpu.memory_space<vmem_shared>>)
          tpu.yield
        }) : () -> ()
        %scan3A_90 = arith.constant 0 : i32
        scf.yield %scan3A_90 : i32
      }
      %scan3A_29 = arith.constant 32 : i32
      %barrier3A = arith.constant 0 : index
      tpu.barrier barrier_id(%barrier3A)
      %scan3A_30 = arith.constant 0 : i32
      %scan3A_31 = arith.constant 0 : i32
      %scan3A_32 = arith.constant 392 : i32
      %scan3A_33 = arith.addi %scan3A_31, %scan3A_32 : i32
      %scan3A_34 = arith.constant 1 : i32
      %scan3A_35 = scf.for %scan3A_84 = %scan3A_31 to %scan3A_33 step %scan3A_34 iter_args(%scan3A_85 = %scan3A_30) -> (i32)  : i32 {
        %mul3A_86 = arith.constant 392 : i32
        %mul3A_87 = arith.muli %arg1, %mul3A_86 : i32
        %add3A = arith.addi %mul3A_87, %scan3A_84 : i32
        "tpu.region"() ({
          %run_scoped3A_101 = tpu.sem_alloc : memref<!tpu.dma_semaphore, #tpu.memory_space<semaphore_mem>>
          %dma_start3A_102 = arith.constant 0 : i32
          %dma_start3A_103 = tpu.memref_slice %arg6[%add3A, %dma_start3A_102] : memref<6272x128xi32, #tpu.memory_space<hbm>> -> memref<1x128xi32, #tpu.memory_space<hbm>>
          %dma_start3A_104 = arith.constant 0 : i32
          %dma_start3A_105 = tpu.memref_slice %arg6[%add3A, %dma_start3A_104] : memref<6272x128xi32, #tpu.memory_space<hbm>> -> memref<1x128xi32, #tpu.memory_space<hbm>>
          tpu.enqueue_dma source(%dma_start3A_105 : memref<1x128xi32, #tpu.memory_space<hbm>>) target(%arg15 : memref<1x128xi32, #tpu.memory_space<vmem>>) target_semaphore(%run_scoped3A_101 : memref<!tpu.dma_semaphore, #tpu.memory_space<semaphore_mem>>)
          %dma_wait3A_106 = arith.constant 0 : i32
          %dma_wait3A_107 = tpu.memref_slice %arg6[%add3A, %dma_wait3A_106] : memref<6272x128xi32, #tpu.memory_space<hbm>> -> memref<1x128xi32, #tpu.memory_space<hbm>>
          %dma_wait3A_108 = arith.constant 0 : i32
          %dma_wait3A_109 = tpu.memref_slice %arg6[%add3A, %dma_wait3A_108] : memref<6272x128xi32, #tpu.memory_space<hbm>> -> memref<1x128xi32, #tpu.memory_space<hbm>>
          tpu.wait_dma2 semaphore(%run_scoped3A_101 : memref<!tpu.dma_semaphore, #tpu.memory_space<semaphore_mem>>) src(%dma_wait3A_109 : memref<1x128xi32, #tpu.memory_space<hbm>>) dst(%arg15 : memref<1x128xi32, #tpu.memory_space<vmem>>)
          tpu.yield
        }) : () -> ()
        "tpu.region"() ({
          %run_scoped3A_101 = tpu.sem_alloc : memref<!tpu.dma_semaphore, #tpu.memory_space<semaphore_mem>>
          %dma_start3A_102 = arith.constant 0 : i32
          %dma_start3A_103 = tpu.memref_slice %arg7[%add3A, %dma_start3A_102] : memref<6272x128xi32, #tpu.memory_space<hbm>> -> memref<1x128xi32, #tpu.memory_space<hbm>>
          %dma_start3A_104 = arith.constant 0 : i32
          %dma_start3A_105 = tpu.memref_slice %arg7[%add3A, %dma_start3A_104] : memref<6272x128xi32, #tpu.memory_space<hbm>> -> memref<1x128xi32, #tpu.memory_space<hbm>>
          tpu.enqueue_dma source(%dma_start3A_105 : memref<1x128xi32, #tpu.memory_space<hbm>>) target(%arg16 : memref<1x128xi32, #tpu.memory_space<vmem>>) target_semaphore(%run_scoped3A_101 : memref<!tpu.dma_semaphore, #tpu.memory_space<semaphore_mem>>)
          %dma_wait3A_106 = arith.constant 0 : i32
          %dma_wait3A_107 = tpu.memref_slice %arg7[%add3A, %dma_wait3A_106] : memref<6272x128xi32, #tpu.memory_space<hbm>> -> memref<1x128xi32, #tpu.memory_space<hbm>>
          %dma_wait3A_108 = arith.constant 0 : i32
          %dma_wait3A_109 = tpu.memref_slice %arg7[%add3A, %dma_wait3A_108] : memref<6272x128xi32, #tpu.memory_space<hbm>> -> memref<1x128xi32, #tpu.memory_space<hbm>>
          tpu.wait_dma2 semaphore(%run_scoped3A_101 : memref<!tpu.dma_semaphore, #tpu.memory_space<semaphore_mem>>) src(%dma_wait3A_109 : memref<1x128xi32, #tpu.memory_space<hbm>>) dst(%arg16 : memref<1x128xi32, #tpu.memory_space<vmem>>)
          tpu.yield
        }) : () -> ()
        %dma_start3A = arith.constant 0 : i32
        %dma_start3A_88 = arith.constant 0 : i32
        %dma_start3A_89 = tpu.memref_slice %arg15[%dma_start3A, %dma_start3A_88] : memref<1x128xi32, #tpu.memory_space<vmem>> -> memref<1x128xi32, #tpu.memory_space<vmem>>
        %dma_start3A_90 = tpu.memref_squeeze %dma_start3A_89 : memref<1x128xi32, #tpu.memory_space<vmem>> -> memref<128xi32, #tpu.memory_space<vmem>>
        %dma_start3A_91 = arith.constant 0 : i32
        %dma_start3A_92 = arith.constant 0 : i32
        %dma_start3A_93 = tpu.memref_slice %arg4[%dma_start3A_91, %dma_start3A_92] : memref<53248x32xf32, #tpu.memory_space<hbm>> -> memref<53248x32xf32, #tpu.memory_space<hbm>>
        tpu.enqueue_indirect_dma source(%dma_start3A_93 : memref<53248x32xf32, #tpu.memory_space<hbm>>) target(%arg17 : memref<128x32xf32, #tpu.memory_space<vmem>>) offsets(%dma_start3A_90 : memref<128xi32, #tpu.memory_space<vmem>>) semaphore(%arg20 : memref<!tpu.dma_semaphore, #tpu.memory_space<semaphore_mem>>)
        %dma_wait3A = arith.constant 0 : i32
        %dma_wait3A_94 = arith.constant 0 : i32
        %dma_wait3A_95 = tpu.memref_slice %arg15[%dma_wait3A, %dma_wait3A_94] : memref<1x128xi32, #tpu.memory_space<vmem>> -> memref<1x128xi32, #tpu.memory_space<vmem>>
        %dma_wait3A_96 = tpu.memref_squeeze %dma_wait3A_95 : memref<1x128xi32, #tpu.memory_space<vmem>> -> memref<128xi32, #tpu.memory_space<vmem>>
        %dma_wait3A_97 = arith.constant 0 : i32
        %dma_wait3A_98 = arith.constant 0 : i32
        %dma_wait3A_99 = tpu.memref_slice %arg4[%dma_wait3A_97, %dma_wait3A_98] : memref<53248x32xf32, #tpu.memory_space<hbm>> -> memref<53248x32xf32, #tpu.memory_space<hbm>>
        tpu.wait_indirect_dma semaphore(%arg20 : memref<!tpu.dma_semaphore, #tpu.memory_space<semaphore_mem>>) src(%dma_wait3A_99 : memref<53248x32xf32, #tpu.memory_space<hbm>>) dst(%arg17 : memref<128x32xf32, #tpu.memory_space<vmem>>)
        %run_scoped3A = arith.constant 0 : i32
        "tpu.region"() ({
          %run_scoped3A_101 = tpu.sem_alloc : memref<!tpu.dma_semaphore, #tpu.memory_space<semaphore_mem>>
          %dma_start3A_102 = arith.constant 0 : i32
          %dma_start3A_103 = tpu.memref_slice %arg16[%run_scoped3A, %dma_start3A_102] : memref<1x128xi32, #tpu.memory_space<vmem>> -> memref<1x128xi32, #tpu.memory_space<vmem>>
          %dma_start3A_104 = tpu.memref_squeeze %dma_start3A_103 : memref<1x128xi32, #tpu.memory_space<vmem>> -> memref<128xi32, #tpu.memory_space<vmem>>
          %dma_start3A_105 = arith.constant 0 : i32
          %dma_start3A_106 = arith.constant 0 : i32
          %dma_start3A_107 = tpu.memref_slice %arg14[%dma_start3A_105, %dma_start3A_106] : memref<53248x32xf32, #tpu.memory_space<vmem_shared>> -> memref<53248x32xf32, #tpu.memory_space<vmem_shared>>
          tpu.enqueue_indirect_dma source(%arg17 : memref<128x32xf32, #tpu.memory_space<vmem>>) target(%dma_start3A_107 : memref<53248x32xf32, #tpu.memory_space<vmem_shared>>) offsets(%dma_start3A_104 : memref<128xi32, #tpu.memory_space<vmem>>) semaphore(%run_scoped3A_101 : memref<!tpu.dma_semaphore, #tpu.memory_space<semaphore_mem>>) {add = true}
          %dma_wait3A_108 = arith.constant 0 : i32
          %dma_wait3A_109 = tpu.memref_slice %arg16[%run_scoped3A, %dma_wait3A_108] : memref<1x128xi32, #tpu.memory_space<vmem>> -> memref<1x128xi32, #tpu.memory_space<vmem>>
          %dma_wait3A_110 = tpu.memref_squeeze %dma_wait3A_109 : memref<1x128xi32, #tpu.memory_space<vmem>> -> memref<128xi32, #tpu.memory_space<vmem>>
          %dma_wait3A_111 = arith.constant 0 : i32
          %dma_wait3A_112 = arith.constant 0 : i32
          %dma_wait3A_113 = tpu.memref_slice %arg14[%dma_wait3A_111, %dma_wait3A_112] : memref<53248x32xf32, #tpu.memory_space<vmem_shared>> -> memref<53248x32xf32, #tpu.memory_space<vmem_shared>>
          tpu.wait_indirect_dma semaphore(%run_scoped3A_101 : memref<!tpu.dma_semaphore, #tpu.memory_space<semaphore_mem>>) src(%arg17 : memref<128x32xf32, #tpu.memory_space<vmem>>) dst(%dma_wait3A_113 : memref<53248x32xf32, #tpu.memory_space<vmem_shared>>)
          tpu.yield
        }) : () -> ()
        %scan3A_100 = arith.constant 0 : i32
        scf.yield %scan3A_100 : i32
      }
      %scan3A_36 = arith.constant 392 : i32
      %barrier3A_37 = arith.constant 0 : index
      tpu.barrier barrier_id(%barrier3A_37)
      %mul3A = arith.constant 3328 : i32
      %mul3A_38 = arith.muli %arg1, %mul3A : i32
      %mul3A_39 = arith.constant 3328 : i32
      %mul3A_40 = arith.muli %arg1, %mul3A_39 : i32
      "tpu.region"() ({
        %run_scoped3A = tpu.sem_alloc : memref<!tpu.dma_semaphore, #tpu.memory_space<semaphore_mem>>
        %dma_start3A = arith.constant 0 : i32
        %dma_start3A_84 = tpu.memref_slice %arg10[%mul3A_40, %dma_start3A] : memref<53248x32xf32, #tpu.memory_space<hbm>> -> memref<3328x32xf32, #tpu.memory_space<hbm>>
        %dma_start3A_85 = arith.constant 0 : i32
        %dma_start3A_86 = tpu.memref_slice %arg14[%mul3A_38, %dma_start3A_85] : memref<53248x32xf32, #tpu.memory_space<vmem_shared>> -> memref<3328x32xf32, #tpu.memory_space<vmem_shared>>
        tpu.enqueue_dma source(%dma_start3A_86 : memref<3328x32xf32, #tpu.memory_space<vmem_shared>>) target(%dma_start3A_84 : memref<3328x32xf32, #tpu.memory_space<hbm>>) target_semaphore(%run_scoped3A : memref<!tpu.dma_semaphore, #tpu.memory_space<semaphore_mem>>)
        %dma_wait3A = arith.constant 0 : i32
        %dma_wait3A_87 = tpu.memref_slice %arg10[%mul3A_40, %dma_wait3A] : memref<53248x32xf32, #tpu.memory_space<hbm>> -> memref<3328x32xf32, #tpu.memory_space<hbm>>
        %dma_wait3A_88 = arith.constant 0 : i32
        %dma_wait3A_89 = tpu.memref_slice %arg14[%mul3A_38, %dma_wait3A_88] : memref<53248x32xf32, #tpu.memory_space<vmem_shared>> -> memref<3328x32xf32, #tpu.memory_space<vmem_shared>>
        tpu.wait_dma2 semaphore(%run_scoped3A : memref<!tpu.dma_semaphore, #tpu.memory_space<semaphore_mem>>) src(%dma_wait3A_89 : memref<3328x32xf32, #tpu.memory_space<vmem_shared>>) dst(%dma_wait3A_87 : memref<3328x32xf32, #tpu.memory_space<hbm>>)
        tpu.yield
      }) : () -> ()
      %barrier3A_41 = arith.constant 0 : index
      tpu.barrier barrier_id(%barrier3A_41)
      %scan3A_42 = arith.constant 0 : i32
      %scan3A_43 = arith.constant 0 : i32
      %scan3A_44 = arith.constant 32 : i32
      %scan3A_45 = arith.addi %scan3A_43, %scan3A_44 : i32
      %scan3A_46 = arith.constant 1 : i32
      %scan3A_47 = scf.for %scan3A_84 = %scan3A_43 to %scan3A_45 step %scan3A_46 iter_args(%scan3A_85 = %scan3A_42) -> (i32)  : i32 {
        %mul3A_86 = arith.constant 3328 : i32
        %mul3A_87 = arith.muli %arg1, %mul3A_86 : i32
        %mul3A_88 = arith.constant 104 : i32
        %mul3A_89 = arith.muli %scan3A_84, %mul3A_88 : i32
        %add3A = arith.addi %mul3A_87, %mul3A_89 : i32
        "tpu.region"() ({
          %run_scoped3A = tpu.sem_alloc : memref<!tpu.dma_semaphore, #tpu.memory_space<semaphore_mem>>
          %dma_start3A = arith.constant 0 : i32
          %dma_start3A_91 = tpu.memref_slice %arg14[%add3A, %dma_start3A] : memref<53248x32xf32, #tpu.memory_space<vmem_shared>> -> memref<104x32xf32, #tpu.memory_space<vmem_shared>>
          %dma_start3A_92 = arith.constant 0 : i32
          %dma_start3A_93 = tpu.memref_slice %arg14[%add3A, %dma_start3A_92] : memref<53248x32xf32, #tpu.memory_space<vmem_shared>> -> memref<104x32xf32, #tpu.memory_space<vmem_shared>>
          tpu.enqueue_dma source(%arg19 : memref<104x32xf32, #tpu.memory_space<vmem>>) target(%dma_start3A_93 : memref<104x32xf32, #tpu.memory_space<vmem_shared>>) target_semaphore(%run_scoped3A : memref<!tpu.dma_semaphore, #tpu.memory_space<semaphore_mem>>)
          %dma_wait3A = arith.constant 0 : i32
          %dma_wait3A_94 = tpu.memref_slice %arg14[%add3A, %dma_wait3A] : memref<53248x32xf32, #tpu.memory_space<vmem_shared>> -> memref<104x32xf32, #tpu.memory_space<vmem_shared>>
          %dma_wait3A_95 = arith.constant 0 : i32
          %dma_wait3A_96 = tpu.memref_slice %arg14[%add3A, %dma_wait3A_95] : memref<53248x32xf32, #tpu.memory_space<vmem_shared>> -> memref<104x32xf32, #tpu.memory_space<vmem_shared>>
          tpu.wait_dma2 semaphore(%run_scoped3A : memref<!tpu.dma_semaphore, #tpu.memory_space<semaphore_mem>>) src(%arg19 : memref<104x32xf32, #tpu.memory_space<vmem>>) dst(%dma_wait3A_96 : memref<104x32xf32, #tpu.memory_space<vmem_shared>>)
          tpu.yield
        }) : () -> ()
        %scan3A_90 = arith.constant 0 : i32
        scf.yield %scan3A_90 : i32
      }
      %scan3A_48 = arith.constant 32 : i32
      %barrier3A_49 = arith.constant 0 : index
      tpu.barrier barrier_id(%barrier3A_49)
      %scan3A_50 = arith.constant 0 : i32
      %scan3A_51 = arith.constant 0 : i32
      %scan3A_52 = arith.constant 392 : i32
      %scan3A_53 = arith.addi %scan3A_51, %scan3A_52 : i32
      %scan3A_54 = arith.constant 1 : i32
      %scan3A_55 = scf.for %scan3A_84 = %scan3A_51 to %scan3A_53 step %scan3A_54 iter_args(%scan3A_85 = %scan3A_50) -> (i32)  : i32 {
        %mul3A_86 = arith.constant 392 : i32
        %mul3A_87 = arith.muli %arg1, %mul3A_86 : i32
        %add3A = arith.addi %mul3A_87, %scan3A_84 : i32
        "tpu.region"() ({
          %run_scoped3A_101 = tpu.sem_alloc : memref<!tpu.dma_semaphore, #tpu.memory_space<semaphore_mem>>
          %dma_start3A_102 = arith.constant 0 : i32
          %dma_start3A_103 = tpu.memref_slice %arg6[%add3A, %dma_start3A_102] : memref<6272x128xi32, #tpu.memory_space<hbm>> -> memref<1x128xi32, #tpu.memory_space<hbm>>
          %dma_start3A_104 = arith.constant 0 : i32
          %dma_start3A_105 = tpu.memref_slice %arg6[%add3A, %dma_start3A_104] : memref<6272x128xi32, #tpu.memory_space<hbm>> -> memref<1x128xi32, #tpu.memory_space<hbm>>
          tpu.enqueue_dma source(%dma_start3A_105 : memref<1x128xi32, #tpu.memory_space<hbm>>) target(%arg15 : memref<1x128xi32, #tpu.memory_space<vmem>>) target_semaphore(%run_scoped3A_101 : memref<!tpu.dma_semaphore, #tpu.memory_space<semaphore_mem>>)
          %dma_wait3A_106 = arith.constant 0 : i32
          %dma_wait3A_107 = tpu.memref_slice %arg6[%add3A, %dma_wait3A_106] : memref<6272x128xi32, #tpu.memory_space<hbm>> -> memref<1x128xi32, #tpu.memory_space<hbm>>
          %dma_wait3A_108 = arith.constant 0 : i32
          %dma_wait3A_109 = tpu.memref_slice %arg6[%add3A, %dma_wait3A_108] : memref<6272x128xi32, #tpu.memory_space<hbm>> -> memref<1x128xi32, #tpu.memory_space<hbm>>
          tpu.wait_dma2 semaphore(%run_scoped3A_101 : memref<!tpu.dma_semaphore, #tpu.memory_space<semaphore_mem>>) src(%dma_wait3A_109 : memref<1x128xi32, #tpu.memory_space<hbm>>) dst(%arg15 : memref<1x128xi32, #tpu.memory_space<vmem>>)
          tpu.yield
        }) : () -> ()
        "tpu.region"() ({
          %run_scoped3A_101 = tpu.sem_alloc : memref<!tpu.dma_semaphore, #tpu.memory_space<semaphore_mem>>
          %dma_start3A_102 = arith.constant 0 : i32
          %dma_start3A_103 = tpu.memref_slice %arg7[%add3A, %dma_start3A_102] : memref<6272x128xi32, #tpu.memory_space<hbm>> -> memref<1x128xi32, #tpu.memory_space<hbm>>
          %dma_start3A_104 = arith.constant 0 : i32
          %dma_start3A_105 = tpu.memref_slice %arg7[%add3A, %dma_start3A_104] : memref<6272x128xi32, #tpu.memory_space<hbm>> -> memref<1x128xi32, #tpu.memory_space<hbm>>
          tpu.enqueue_dma source(%dma_start3A_105 : memref<1x128xi32, #tpu.memory_space<hbm>>) target(%arg16 : memref<1x128xi32, #tpu.memory_space<vmem>>) target_semaphore(%run_scoped3A_101 : memref<!tpu.dma_semaphore, #tpu.memory_space<semaphore_mem>>)
          %dma_wait3A_106 = arith.constant 0 : i32
          %dma_wait3A_107 = tpu.memref_slice %arg7[%add3A, %dma_wait3A_106] : memref<6272x128xi32, #tpu.memory_space<hbm>> -> memref<1x128xi32, #tpu.memory_space<hbm>>
          %dma_wait3A_108 = arith.constant 0 : i32
          %dma_wait3A_109 = tpu.memref_slice %arg7[%add3A, %dma_wait3A_108] : memref<6272x128xi32, #tpu.memory_space<hbm>> -> memref<1x128xi32, #tpu.memory_space<hbm>>
          tpu.wait_dma2 semaphore(%run_scoped3A_101 : memref<!tpu.dma_semaphore, #tpu.memory_space<semaphore_mem>>) src(%dma_wait3A_109 : memref<1x128xi32, #tpu.memory_space<hbm>>) dst(%arg16 : memref<1x128xi32, #tpu.memory_space<vmem>>)
          tpu.yield
        }) : () -> ()
        %dma_start3A = arith.constant 0 : i32
        %dma_start3A_88 = arith.constant 0 : i32
        %dma_start3A_89 = tpu.memref_slice %arg15[%dma_start3A, %dma_start3A_88] : memref<1x128xi32, #tpu.memory_space<vmem>> -> memref<1x128xi32, #tpu.memory_space<vmem>>
        %dma_start3A_90 = tpu.memref_squeeze %dma_start3A_89 : memref<1x128xi32, #tpu.memory_space<vmem>> -> memref<128xi32, #tpu.memory_space<vmem>>
        %dma_start3A_91 = arith.constant 0 : i32
        %dma_start3A_92 = arith.constant 0 : i32
        %dma_start3A_93 = tpu.memref_slice %arg5[%dma_start3A_91, %dma_start3A_92] : memref<53248x32xf32, #tpu.memory_space<hbm>> -> memref<53248x32xf32, #tpu.memory_space<hbm>>
        tpu.enqueue_indirect_dma source(%dma_start3A_93 : memref<53248x32xf32, #tpu.memory_space<hbm>>) target(%arg17 : memref<128x32xf32, #tpu.memory_space<vmem>>) offsets(%dma_start3A_90 : memref<128xi32, #tpu.memory_space<vmem>>) semaphore(%arg20 : memref<!tpu.dma_semaphore, #tpu.memory_space<semaphore_mem>>)
        %dma_wait3A = arith.constant 0 : i32
        %dma_wait3A_94 = arith.constant 0 : i32
        %dma_wait3A_95 = tpu.memref_slice %arg15[%dma_wait3A, %dma_wait3A_94] : memref<1x128xi32, #tpu.memory_space<vmem>> -> memref<1x128xi32, #tpu.memory_space<vmem>>
        %dma_wait3A_96 = tpu.memref_squeeze %dma_wait3A_95 : memref<1x128xi32, #tpu.memory_space<vmem>> -> memref<128xi32, #tpu.memory_space<vmem>>
        %dma_wait3A_97 = arith.constant 0 : i32
        %dma_wait3A_98 = arith.constant 0 : i32
        %dma_wait3A_99 = tpu.memref_slice %arg5[%dma_wait3A_97, %dma_wait3A_98] : memref<53248x32xf32, #tpu.memory_space<hbm>> -> memref<53248x32xf32, #tpu.memory_space<hbm>>
        tpu.wait_indirect_dma semaphore(%arg20 : memref<!tpu.dma_semaphore, #tpu.memory_space<semaphore_mem>>) src(%dma_wait3A_99 : memref<53248x32xf32, #tpu.memory_space<hbm>>) dst(%arg17 : memref<128x32xf32, #tpu.memory_space<vmem>>)
        %run_scoped3A = arith.constant 0 : i32
        "tpu.region"() ({
          %run_scoped3A_101 = tpu.sem_alloc : memref<!tpu.dma_semaphore, #tpu.memory_space<semaphore_mem>>
          %dma_start3A_102 = arith.constant 0 : i32
          %dma_start3A_103 = tpu.memref_slice %arg16[%run_scoped3A, %dma_start3A_102] : memref<1x128xi32, #tpu.memory_space<vmem>> -> memref<1x128xi32, #tpu.memory_space<vmem>>
          %dma_start3A_104 = tpu.memref_squeeze %dma_start3A_103 : memref<1x128xi32, #tpu.memory_space<vmem>> -> memref<128xi32, #tpu.memory_space<vmem>>
          %dma_start3A_105 = arith.constant 0 : i32
          %dma_start3A_106 = arith.constant 0 : i32
          %dma_start3A_107 = tpu.memref_slice %arg14[%dma_start3A_105, %dma_start3A_106] : memref<53248x32xf32, #tpu.memory_space<vmem_shared>> -> memref<53248x32xf32, #tpu.memory_space<vmem_shared>>
          tpu.enqueue_indirect_dma source(%arg17 : memref<128x32xf32, #tpu.memory_space<vmem>>) target(%dma_start3A_107 : memref<53248x32xf32, #tpu.memory_space<vmem_shared>>) offsets(%dma_start3A_104 : memref<128xi32, #tpu.memory_space<vmem>>) semaphore(%run_scoped3A_101 : memref<!tpu.dma_semaphore, #tpu.memory_space<semaphore_mem>>) {add = true}
          %dma_wait3A_108 = arith.constant 0 : i32
          %dma_wait3A_109 = tpu.memref_slice %arg16[%run_scoped3A, %dma_wait3A_108] : memref<1x128xi32, #tpu.memory_space<vmem>> -> memref<1x128xi32, #tpu.memory_space<vmem>>
          %dma_wait3A_110 = tpu.memref_squeeze %dma_wait3A_109 : memref<1x128xi32, #tpu.memory_space<vmem>> -> memref<128xi32, #tpu.memory_space<vmem>>
          %dma_wait3A_111 = arith.constant 0 : i32
          %dma_wait3A_112 = arith.constant 0 : i32
          %dma_wait3A_113 = tpu.memref_slice %arg14[%dma_wait3A_111, %dma_wait3A_112] : memref<53248x32xf32, #tpu.memory_space<vmem_shared>> -> memref<53248x32xf32, #tpu.memory_space<vmem_shared>>
          tpu.wait_indirect_dma semaphore(%run_scoped3A_101 : memref<!tpu.dma_semaphore, #tpu.memory_space<semaphore_mem>>) src(%arg17 : memref<128x32xf32, #tpu.memory_space<vmem>>) dst(%dma_wait3A_113 : memref<53248x32xf32, #tpu.memory_space<vmem_shared>>)
          tpu.yield
        }) : () -> ()
        %scan3A_100 = arith.constant 0 : i32
        scf.yield %scan3A_100 : i32
      }
      %scan3A_56 = arith.constant 392 : i32
      %barrier3A_57 = arith.constant 0 : index
      tpu.barrier barrier_id(%barrier3A_57)
      %mul3A_58 = arith.constant 3328 : i32
      %mul3A_59 = arith.muli %arg1, %mul3A_58 : i32
      %mul3A_60 = arith.constant 3328 : i32
      %mul3A_61 = arith.muli %arg1, %mul3A_60 : i32
      "tpu.region"() ({
        %run_scoped3A = tpu.sem_alloc : memref<!tpu.dma_semaphore, #tpu.memory_space<semaphore_mem>>
        %dma_start3A = arith.constant 0 : i32
        %dma_start3A_84 = tpu.memref_slice %arg11[%mul3A_61, %dma_start3A] : memref<53248x32xf32, #tpu.memory_space<hbm>> -> memref<3328x32xf32, #tpu.memory_space<hbm>>
        %dma_start3A_85 = arith.constant 0 : i32
        %dma_start3A_86 = tpu.memref_slice %arg14[%mul3A_59, %dma_start3A_85] : memref<53248x32xf32, #tpu.memory_space<vmem_shared>> -> memref<3328x32xf32, #tpu.memory_space<vmem_shared>>
        tpu.enqueue_dma source(%dma_start3A_86 : memref<3328x32xf32, #tpu.memory_space<vmem_shared>>) target(%dma_start3A_84 : memref<3328x32xf32, #tpu.memory_space<hbm>>) target_semaphore(%run_scoped3A : memref<!tpu.dma_semaphore, #tpu.memory_space<semaphore_mem>>)
        %dma_wait3A = arith.constant 0 : i32
        %dma_wait3A_87 = tpu.memref_slice %arg11[%mul3A_61, %dma_wait3A] : memref<53248x32xf32, #tpu.memory_space<hbm>> -> memref<3328x32xf32, #tpu.memory_space<hbm>>
        %dma_wait3A_88 = arith.constant 0 : i32
        %dma_wait3A_89 = tpu.memref_slice %arg14[%mul3A_59, %dma_wait3A_88] : memref<53248x32xf32, #tpu.memory_space<vmem_shared>> -> memref<3328x32xf32, #tpu.memory_space<vmem_shared>>
        tpu.wait_dma2 semaphore(%run_scoped3A : memref<!tpu.dma_semaphore, #tpu.memory_space<semaphore_mem>>) src(%dma_wait3A_89 : memref<3328x32xf32, #tpu.memory_space<vmem_shared>>) dst(%dma_wait3A_87 : memref<3328x32xf32, #tpu.memory_space<hbm>>)
        tpu.yield
      }) : () -> ()
      %barrier3A_62 = arith.constant 0 : index
      tpu.barrier barrier_id(%barrier3A_62)
      %scan3A_63 = arith.constant 0 : i32
      %scan3A_64 = arith.constant 0 : i32
      %scan3A_65 = arith.constant 32 : i32
      %scan3A_66 = arith.addi %scan3A_64, %scan3A_65 : i32
      %scan3A_67 = arith.constant 1 : i32
      %scan3A_68 = scf.for %scan3A_84 = %scan3A_64 to %scan3A_66 step %scan3A_67 iter_args(%scan3A_85 = %scan3A_63) -> (i32)  : i32 {
        %mul3A_86 = arith.constant 3328 : i32
        %mul3A_87 = arith.muli %arg1, %mul3A_86 : i32
        %mul3A_88 = arith.constant 104 : i32
        %mul3A_89 = arith.muli %scan3A_84, %mul3A_88 : i32
        %add3A = arith.addi %mul3A_87, %mul3A_89 : i32
        "tpu.region"() ({
          %run_scoped3A = tpu.sem_alloc : memref<!tpu.dma_semaphore, #tpu.memory_space<semaphore_mem>>
          %dma_start3A = arith.constant 0 : i32
          %dma_start3A_91 = tpu.memref_slice %arg14[%add3A, %dma_start3A] : memref<53248x32xf32, #tpu.memory_space<vmem_shared>> -> memref<104x32xf32, #tpu.memory_space<vmem_shared>>
          %dma_start3A_92 = arith.constant 0 : i32
          %dma_start3A_93 = tpu.memref_slice %arg14[%add3A, %dma_start3A_92] : memref<53248x32xf32, #tpu.memory_space<vmem_shared>> -> memref<104x32xf32, #tpu.memory_space<vmem_shared>>
          tpu.enqueue_dma source(%arg19 : memref<104x32xf32, #tpu.memory_space<vmem>>) target(%dma_start3A_93 : memref<104x32xf32, #tpu.memory_space<vmem_shared>>) target_semaphore(%run_scoped3A : memref<!tpu.dma_semaphore, #tpu.memory_space<semaphore_mem>>)
          %dma_wait3A = arith.constant 0 : i32
          %dma_wait3A_94 = tpu.memref_slice %arg14[%add3A, %dma_wait3A] : memref<53248x32xf32, #tpu.memory_space<vmem_shared>> -> memref<104x32xf32, #tpu.memory_space<vmem_shared>>
          %dma_wait3A_95 = arith.constant 0 : i32
          %dma_wait3A_96 = tpu.memref_slice %arg14[%add3A, %dma_wait3A_95] : memref<53248x32xf32, #tpu.memory_space<vmem_shared>> -> memref<104x32xf32, #tpu.memory_space<vmem_shared>>
          tpu.wait_dma2 semaphore(%run_scoped3A : memref<!tpu.dma_semaphore, #tpu.memory_space<semaphore_mem>>) src(%arg19 : memref<104x32xf32, #tpu.memory_space<vmem>>) dst(%dma_wait3A_96 : memref<104x32xf32, #tpu.memory_space<vmem_shared>>)
          tpu.yield
        }) : () -> ()
        %scan3A_90 = arith.constant 0 : i32
        scf.yield %scan3A_90 : i32
      }
      %scan3A_69 = arith.constant 32 : i32
      %barrier3A_70 = arith.constant 0 : index
      tpu.barrier barrier_id(%barrier3A_70)
      %scan3A_71 = arith.constant 0 : i32
      %scan3A_72 = arith.constant 0 : i32
      %scan3A_73 = arith.constant 196 : i32
      %scan3A_74 = arith.addi %scan3A_72, %scan3A_73 : i32
      %scan3A_75 = arith.constant 1 : i32
      %scan3A_76 = scf.for %scan3A_84 = %scan3A_72 to %scan3A_74 step %scan3A_75 iter_args(%scan3A_85 = %scan3A_71) -> (i32)  : i32 {
        %mul3A_86 = arith.constant 196 : i32
        %mul3A_87 = arith.muli %arg1, %mul3A_86 : i32
        %add3A = arith.constant 3136 : i32
        %add3A_88 = arith.addi %add3A, %mul3A_87 : i32
        %add3A_89 = arith.addi %add3A_88, %scan3A_84 : i32
        "tpu.region"() ({
          %run_scoped3A_91 = tpu.sem_alloc : memref<!tpu.dma_semaphore, #tpu.memory_space<semaphore_mem>>
          %dma_start3A = arith.constant 0 : i32
          %dma_start3A_92 = tpu.memref_slice %arg7[%add3A_89, %dma_start3A] : memref<6272x128xi32, #tpu.memory_space<hbm>> -> memref<1x128xi32, #tpu.memory_space<hbm>>
          %dma_start3A_93 = arith.constant 0 : i32
          %dma_start3A_94 = tpu.memref_slice %arg7[%add3A_89, %dma_start3A_93] : memref<6272x128xi32, #tpu.memory_space<hbm>> -> memref<1x128xi32, #tpu.memory_space<hbm>>
          tpu.enqueue_dma source(%dma_start3A_94 : memref<1x128xi32, #tpu.memory_space<hbm>>) target(%arg16 : memref<1x128xi32, #tpu.memory_space<vmem>>) target_semaphore(%run_scoped3A_91 : memref<!tpu.dma_semaphore, #tpu.memory_space<semaphore_mem>>)
          %dma_wait3A = arith.constant 0 : i32
          %dma_wait3A_95 = tpu.memref_slice %arg7[%add3A_89, %dma_wait3A] : memref<6272x128xi32, #tpu.memory_space<hbm>> -> memref<1x128xi32, #tpu.memory_space<hbm>>
          %dma_wait3A_96 = arith.constant 0 : i32
          %dma_wait3A_97 = tpu.memref_slice %arg7[%add3A_89, %dma_wait3A_96] : memref<6272x128xi32, #tpu.memory_space<hbm>> -> memref<1x128xi32, #tpu.memory_space<hbm>>
          tpu.wait_dma2 semaphore(%run_scoped3A_91 : memref<!tpu.dma_semaphore, #tpu.memory_space<semaphore_mem>>) src(%dma_wait3A_97 : memref<1x128xi32, #tpu.memory_space<hbm>>) dst(%arg16 : memref<1x128xi32, #tpu.memory_space<vmem>>)
          tpu.yield
        }) : () -> ()
        %run_scoped3A = arith.constant 0 : i32
        "tpu.region"() ({
          %run_scoped3A_91 = tpu.sem_alloc : memref<!tpu.dma_semaphore, #tpu.memory_space<semaphore_mem>>
          %dma_start3A = arith.constant 0 : i32
          %dma_start3A_92 = tpu.memref_slice %arg16[%run_scoped3A, %dma_start3A] : memref<1x128xi32, #tpu.memory_space<vmem>> -> memref<1x128xi32, #tpu.memory_space<vmem>>
          %dma_start3A_93 = tpu.memref_squeeze %dma_start3A_92 : memref<1x128xi32, #tpu.memory_space<vmem>> -> memref<128xi32, #tpu.memory_space<vmem>>
          %dma_start3A_94 = arith.constant 0 : i32
          %dma_start3A_95 = arith.constant 0 : i32
          %dma_start3A_96 = tpu.memref_slice %arg14[%dma_start3A_94, %dma_start3A_95] : memref<53248x32xf32, #tpu.memory_space<vmem_shared>> -> memref<53248x32xf32, #tpu.memory_space<vmem_shared>>
          tpu.enqueue_indirect_dma source(%arg18 : memref<128x32xf32, #tpu.memory_space<vmem>>) target(%dma_start3A_96 : memref<53248x32xf32, #tpu.memory_space<vmem_shared>>) offsets(%dma_start3A_93 : memref<128xi32, #tpu.memory_space<vmem>>) semaphore(%run_scoped3A_91 : memref<!tpu.dma_semaphore, #tpu.memory_space<semaphore_mem>>) {add = true}
          %dma_wait3A = arith.constant 0 : i32
          %dma_wait3A_97 = tpu.memref_slice %arg16[%run_scoped3A, %dma_wait3A] : memref<1x128xi32, #tpu.memory_space<vmem>> -> memref<1x128xi32, #tpu.memory_space<vmem>>
          %dma_wait3A_98 = tpu.memref_squeeze %dma_wait3A_97 : memref<1x128xi32, #tpu.memory_space<vmem>> -> memref<128xi32, #tpu.memory_space<vmem>>
          %dma_wait3A_99 = arith.constant 0 : i32
          %dma_wait3A_100 = arith.constant 0 : i32
          %dma_wait3A_101 = tpu.memref_slice %arg14[%dma_wait3A_99, %dma_wait3A_100] : memref<53248x32xf32, #tpu.memory_space<vmem_shared>> -> memref<53248x32xf32, #tpu.memory_space<vmem_shared>>
          tpu.wait_indirect_dma semaphore(%run_scoped3A_91 : memref<!tpu.dma_semaphore, #tpu.memory_space<semaphore_mem>>) src(%arg18 : memref<128x32xf32, #tpu.memory_space<vmem>>) dst(%dma_wait3A_101 : memref<53248x32xf32, #tpu.memory_space<vmem_shared>>)
          tpu.yield
        }) : () -> ()
        %scan3A_90 = arith.constant 0 : i32
        scf.yield %scan3A_90 : i32
      }
      %scan3A_77 = arith.constant 196 : i32
      %barrier3A_78 = arith.constant 0 : index
      tpu.barrier barrier_id(%barrier3A_78)
      %mul3A_79 = arith.constant 3328 : i32
      %mul3A_80 = arith.muli %arg1, %mul3A_79 : i32
      %mul3A_81 = arith.constant 3328 : i32
      %mul3A_82 = arith.muli %arg1, %mul3A_81 : i32
      "tpu.region"() ({
        %run_scoped3A = tpu.sem_alloc : memref<!tpu.dma_semaphore, #tpu.memory_space<semaphore_mem>>
        %dma_start3A = arith.constant 0 : i32
        %dma_start3A_84 = tpu.memref_slice %arg13[%mul3A_82, %dma_start3A] : memref<53248x32xf32, #tpu.memory_space<hbm>> -> memref<3328x32xf32, #tpu.memory_space<hbm>>
        %dma_start3A_85 = arith.constant 0 : i32
        %dma_start3A_86 = tpu.memref_slice %arg14[%mul3A_80, %dma_start3A_85] : memref<53248x32xf32, #tpu.memory_space<vmem_shared>> -> memref<3328x32xf32, #tpu.memory_space<vmem_shared>>
        tpu.enqueue_dma source(%dma_start3A_86 : memref<3328x32xf32, #tpu.memory_space<vmem_shared>>) target(%dma_start3A_84 : memref<3328x32xf32, #tpu.memory_space<hbm>>) target_semaphore(%run_scoped3A : memref<!tpu.dma_semaphore, #tpu.memory_space<semaphore_mem>>)
        %dma_wait3A = arith.constant 0 : i32
        %dma_wait3A_87 = tpu.memref_slice %arg13[%mul3A_82, %dma_wait3A] : memref<53248x32xf32, #tpu.memory_space<hbm>> -> memref<3328x32xf32, #tpu.memory_space<hbm>>
        %dma_wait3A_88 = arith.constant 0 : i32
        %dma_wait3A_89 = tpu.memref_slice %arg14[%mul3A_80, %dma_wait3A_88] : memref<53248x32xf32, #tpu.memory_space<vmem_shared>> -> memref<3328x32xf32, #tpu.memory_space<vmem_shared>>
        tpu.wait_dma2 semaphore(%run_scoped3A : memref<!tpu.dma_semaphore, #tpu.memory_space<semaphore_mem>>) src(%dma_wait3A_89 : memref<3328x32xf32, #tpu.memory_space<vmem_shared>>) dst(%dma_wait3A_87 : memref<3328x32xf32, #tpu.memory_space<hbm>>)
        tpu.yield
      }) : () -> ()
      %barrier3A_83 = arith.constant 0 : index
      tpu.barrier barrier_id(%barrier3A_83)
    } else {
    }
    return
  }
}

#map = affine_map<(d0, d1) -> (0, 0)>
module attributes {stable_mosaic.version = 14 : i64} {
  func.func @_c_body(%arg0: i32, %arg1: i32, %arg2: memref<5000x128xf32, #tpu.memory_space<hbm>>, %arg3: memref<640x128xi32, #tpu.memory_space<hbm>>, %arg4: memref<640x128xi32, #tpu.memory_space<hbm>>, %arg5: memref<53248x128xf32, #tpu.memory_space<hbm>>, %arg6: memref<416x128xi32, #tpu.memory_space<hbm>>, %arg7: memref<5120x128xf32, #tpu.memory_space<hbm>>, %arg8: memref<5120x128xf32, #tpu.memory_space<hbm>>, %arg9: memref<5120x32xf32, #tpu.memory_space<hbm>>, %arg10: memref<5120x32xf32, #tpu.memory_space<hbm>>, %arg11: memref<5120x128xf32, #tpu.memory_space<hbm>>, %arg12: memref<5120x128xf32, #tpu.memory_space<hbm>>, %arg13: memref<5120x128xf32, #tpu.memory_space<vmem_shared>>, %arg14: memref<5120x32xf32, #tpu.memory_space<vmem_shared>>, %arg15: memref<5120x128xf32, #tpu.memory_space<vmem_shared>>, %arg16: memref<1x128xi32, #tpu.memory_space<vmem>>, %arg17: memref<1x128xi32, #tpu.memory_space<vmem>>, %arg18: memref<128x128xf32, #tpu.memory_space<vmem>>, %arg19: memref<128x32xf32, #tpu.memory_space<vmem>>, %arg20: memref<40x128xf32, #tpu.memory_space<vmem>>, %arg21: memref<40x32xf32, #tpu.memory_space<vmem>>, %arg22: memref<!tpu.dma_semaphore, #tpu.memory_space<semaphore_mem>>) attributes {dimension_semantics = [#tpu.dimension_semantics<core_parallel>, #tpu.dimension_semantics<subcore_parallel>], iteration_bounds = array<i64: 2, 16>, scalar_prefetch = 0 : i64, scratch_operands = 10 : i64, tpu.core_type = #tpu.core_type<sc_vector_subcore>, window_params = [{transform_indices = #map}, {transform_indices = #map}, {transform_indices = #map}, {transform_indices = #map}, {transform_indices = #map}, {transform_indices = #map}, {transform_indices = #map}, {transform_indices = #map}, {transform_indices = #map}, {transform_indices = #map}, {transform_indices = #map}]} {
    %mul3A = arith.constant 16 : i32
    %mul3A_0 = arith.muli %arg0, %mul3A : i32
    %add3A = arith.addi %mul3A_0, %arg1 : i32
    %broadcast_in_dim3A = arith.constant 0.000000e+00 : f32
    %broadcast_in_dim3A_1 = vector.broadcast %broadcast_in_dim3A : f32 to vector<16xf32>
    %scan3A = arith.constant 0 : i32
    %scan3A_2 = arith.constant 0 : i32
    %scan3A_3 = arith.constant 40 : i32
    %scan3A_4 = arith.addi %scan3A_2, %scan3A_3 : i32
    %scan3A_5 = arith.constant 1 : i32
    %scan3A_6 = scf.for %scan3A_57 = %scan3A_2 to %scan3A_4 step %scan3A_5 iter_args(%scan3A_58 = %scan3A) -> (i32)  : i32 {
      %swap3A = arith.index_cast %scan3A_57 : i32 to index
      %swap3A_59 = arith.constant 0 : index
      %swap3A_60 = tpu.vector_load %arg20[%swap3A, %swap3A_59] {strides = array<i32>} : memref<40x128xf32, #tpu.memory_space<vmem>>, vector<1x16xf32>,
      %swap3A_61 = vector.shape_cast %swap3A_60 : vector<1x16xf32> to vector<16xf32>
      %swap3A_62 = vector.shape_cast %broadcast_in_dim3A_1 : vector<16xf32> to vector<1x16xf32>
      tpu.vector_store %arg20[%swap3A, %swap3A_59], %swap3A_62 {strides = array<i32>} : memref<40x128xf32, #tpu.memory_space<vmem>>, vector<1x16xf32>,
      %swap3A_63 = arith.index_cast %scan3A_57 : i32 to index
      %swap3A_64 = arith.constant 16 : index
      %swap3A_65 = tpu.vector_load %arg20[%swap3A_63, %swap3A_64] {strides = array<i32>} : memref<40x128xf32, #tpu.memory_space<vmem>>, vector<1x16xf32>,
      %swap3A_66 = vector.shape_cast %swap3A_65 : vector<1x16xf32> to vector<16xf32>
      %swap3A_67 = vector.shape_cast %broadcast_in_dim3A_1 : vector<16xf32> to vector<1x16xf32>
      tpu.vector_store %arg20[%swap3A_63, %swap3A_64], %swap3A_67 {strides = array<i32>} : memref<40x128xf32, #tpu.memory_space<vmem>>, vector<1x16xf32>,
      %swap3A_68 = arith.index_cast %scan3A_57 : i32 to index
      %swap3A_69 = arith.constant 32 : index
      %swap3A_70 = tpu.vector_load %arg20[%swap3A_68, %swap3A_69] {strides = array<i32>} : memref<40x128xf32, #tpu.memory_space<vmem>>, vector<1x16xf32>,
      %swap3A_71 = vector.shape_cast %swap3A_70 : vector<1x16xf32> to vector<16xf32>
      %swap3A_72 = vector.shape_cast %broadcast_in_dim3A_1 : vector<16xf32> to vector<1x16xf32>
      tpu.vector_store %arg20[%swap3A_68, %swap3A_69], %swap3A_72 {strides = array<i32>} : memref<40x128xf32, #tpu.memory_space<vmem>>, vector<1x16xf32>,
      %swap3A_73 = arith.index_cast %scan3A_57 : i32 to index
      %swap3A_74 = arith.constant 48 : index
      %swap3A_75 = tpu.vector_load %arg20[%swap3A_73, %swap3A_74] {strides = array<i32>} : memref<40x128xf32, #tpu.memory_space<vmem>>, vector<1x16xf32>,
      %swap3A_76 = vector.shape_cast %swap3A_75 : vector<1x16xf32> to vector<16xf32>
      %swap3A_77 = vector.shape_cast %broadcast_in_dim3A_1 : vector<16xf32> to vector<1x16xf32>
      tpu.vector_store %arg20[%swap3A_73, %swap3A_74], %swap3A_77 {strides = array<i32>} : memref<40x128xf32, #tpu.memory_space<vmem>>, vector<1x16xf32>,
      %swap3A_78 = arith.index_cast %scan3A_57 : i32 to index
      %swap3A_79 = arith.constant 64 : index
      %swap3A_80 = tpu.vector_load %arg20[%swap3A_78, %swap3A_79] {strides = array<i32>} : memref<40x128xf32, #tpu.memory_space<vmem>>, vector<1x16xf32>,
      %swap3A_81 = vector.shape_cast %swap3A_80 : vector<1x16xf32> to vector<16xf32>
      %swap3A_82 = vector.shape_cast %broadcast_in_dim3A_1 : vector<16xf32> to vector<1x16xf32>
      tpu.vector_store %arg20[%swap3A_78, %swap3A_79], %swap3A_82 {strides = array<i32>} : memref<40x128xf32, #tpu.memory_space<vmem>>, vector<1x16xf32>,
      %swap3A_83 = arith.index_cast %scan3A_57 : i32 to index
      %swap3A_84 = arith.constant 80 : index
      %swap3A_85 = tpu.vector_load %arg20[%swap3A_83, %swap3A_84] {strides = array<i32>} : memref<40x128xf32, #tpu.memory_space<vmem>>, vector<1x16xf32>,
      %swap3A_86 = vector.shape_cast %swap3A_85 : vector<1x16xf32> to vector<16xf32>
      %swap3A_87 = vector.shape_cast %broadcast_in_dim3A_1 : vector<16xf32> to vector<1x16xf32>
      tpu.vector_store %arg20[%swap3A_83, %swap3A_84], %swap3A_87 {strides = array<i32>} : memref<40x128xf32, #tpu.memory_space<vmem>>, vector<1x16xf32>,
      %swap3A_88 = arith.index_cast %scan3A_57 : i32 to index
      %swap3A_89 = arith.constant 96 : index
      %swap3A_90 = tpu.vector_load %arg20[%swap3A_88, %swap3A_89] {strides = array<i32>} : memref<40x128xf32, #tpu.memory_space<vmem>>, vector<1x16xf32>,
      %swap3A_91 = vector.shape_cast %swap3A_90 : vector<1x16xf32> to vector<16xf32>
      %swap3A_92 = vector.shape_cast %broadcast_in_dim3A_1 : vector<16xf32> to vector<1x16xf32>
      tpu.vector_store %arg20[%swap3A_88, %swap3A_89], %swap3A_92 {strides = array<i32>} : memref<40x128xf32, #tpu.memory_space<vmem>>, vector<1x16xf32>,
      %swap3A_93 = arith.index_cast %scan3A_57 : i32 to index
      %swap3A_94 = arith.constant 112 : index
      %swap3A_95 = tpu.vector_load %arg20[%swap3A_93, %swap3A_94] {strides = array<i32>} : memref<40x128xf32, #tpu.memory_space<vmem>>, vector<1x16xf32>,
      %swap3A_96 = vector.shape_cast %swap3A_95 : vector<1x16xf32> to vector<16xf32>
      %swap3A_97 = vector.shape_cast %broadcast_in_dim3A_1 : vector<16xf32> to vector<1x16xf32>
      tpu.vector_store %arg20[%swap3A_93, %swap3A_94], %swap3A_97 {strides = array<i32>} : memref<40x128xf32, #tpu.memory_space<vmem>>, vector<1x16xf32>,
      %scan3A_98 = arith.constant 0 : i32
      scf.yield %scan3A_98 : i32
    }
    %scan3A_7 = arith.constant 40 : i32
    %broadcast_in_dim3A_8 = arith.constant 0.000000e+00 : f32
    %broadcast_in_dim3A_9 = vector.broadcast %broadcast_in_dim3A_8 : f32 to vector<16xf32>
    %scan3A_10 = arith.constant 0 : i32
    %scan3A_11 = arith.constant 0 : i32
    %scan3A_12 = arith.constant 40 : i32
    %scan3A_13 = arith.addi %scan3A_11, %scan3A_12 : i32
    %scan3A_14 = arith.constant 1 : i32
    %scan3A_15 = scf.for %scan3A_57 = %scan3A_11 to %scan3A_13 step %scan3A_14 iter_args(%scan3A_58 = %scan3A_10) -> (i32)  : i32 {
      %swap3A = arith.index_cast %scan3A_57 : i32 to index
      %swap3A_59 = arith.constant 0 : index
      %swap3A_60 = tpu.vector_load %arg21[%swap3A, %swap3A_59] {strides = array<i32>} : memref<40x32xf32, #tpu.memory_space<vmem>>, vector<1x16xf32>,
      %swap3A_61 = vector.shape_cast %swap3A_60 : vector<1x16xf32> to vector<16xf32>
      %swap3A_62 = vector.shape_cast %broadcast_in_dim3A_9 : vector<16xf32> to vector<1x16xf32>
      tpu.vector_store %arg21[%swap3A, %swap3A_59], %swap3A_62 {strides = array<i32>} : memref<40x32xf32, #tpu.memory_space<vmem>>, vector<1x16xf32>,
      %swap3A_63 = arith.index_cast %scan3A_57 : i32 to index
      %swap3A_64 = arith.constant 16 : index
      %swap3A_65 = tpu.vector_load %arg21[%swap3A_63, %swap3A_64] {strides = array<i32>} : memref<40x32xf32, #tpu.memory_space<vmem>>, vector<1x16xf32>,
      %swap3A_66 = vector.shape_cast %swap3A_65 : vector<1x16xf32> to vector<16xf32>
      %swap3A_67 = vector.shape_cast %broadcast_in_dim3A_9 : vector<16xf32> to vector<1x16xf32>
      tpu.vector_store %arg21[%swap3A_63, %swap3A_64], %swap3A_67 {strides = array<i32>} : memref<40x32xf32, #tpu.memory_space<vmem>>, vector<1x16xf32>,
      %scan3A_68 = arith.constant 0 : i32
      scf.yield %scan3A_68 : i32
    }
    %scan3A_16 = arith.constant 40 : i32
    %broadcast_in_dim3A_17 = arith.constant 1.000000e+00 : f32
    %broadcast_in_dim3A_18 = vector.broadcast %broadcast_in_dim3A_17 : f32 to vector<16xf32>
    %scan3A_19 = arith.constant 0 : i32
    %scan3A_20 = arith.constant 0 : i32
    %scan3A_21 = arith.constant 128 : i32
    %scan3A_22 = arith.addi %scan3A_20, %scan3A_21 : i32
    %scan3A_23 = arith.constant 1 : i32
    %scan3A_24 = scf.for %scan3A_57 = %scan3A_20 to %scan3A_22 step %scan3A_23 iter_args(%scan3A_58 = %scan3A_19) -> (i32)  : i32 {
      %swap3A = arith.index_cast %scan3A_57 : i32 to index
      %swap3A_59 = arith.constant 0 : index
      %swap3A_60 = tpu.vector_load %arg19[%swap3A, %swap3A_59] {strides = array<i32>} : memref<128x32xf32, #tpu.memory_space<vmem>>, vector<1x16xf32>,
      %swap3A_61 = vector.shape_cast %swap3A_60 : vector<1x16xf32> to vector<16xf32>
      %swap3A_62 = vector.shape_cast %broadcast_in_dim3A_18 : vector<16xf32> to vector<1x16xf32>
      tpu.vector_store %arg19[%swap3A, %swap3A_59], %swap3A_62 {strides = array<i32>} : memref<128x32xf32, #tpu.memory_space<vmem>>, vector<1x16xf32>,
      %swap3A_63 = arith.index_cast %scan3A_57 : i32 to index
      %swap3A_64 = arith.constant 16 : index
      %swap3A_65 = tpu.vector_load %arg19[%swap3A_63, %swap3A_64] {strides = array<i32>} : memref<128x32xf32, #tpu.memory_space<vmem>>, vector<1x16xf32>,
      %swap3A_66 = vector.shape_cast %swap3A_65 : vector<1x16xf32> to vector<16xf32>
      %swap3A_67 = vector.shape_cast %broadcast_in_dim3A_18 : vector<16xf32> to vector<1x16xf32>
      tpu.vector_store %arg19[%swap3A_63, %swap3A_64], %swap3A_67 {strides = array<i32>} : memref<128x32xf32, #tpu.memory_space<vmem>>, vector<1x16xf32>,
      %scan3A_68 = arith.constant 0 : i32
      scf.yield %scan3A_68 : i32
    }
    %scan3A_25 = arith.constant 128 : i32
    %scan3A_26 = arith.constant 0 : i32
    %scan3A_27 = arith.constant 0 : i32
    %scan3A_28 = arith.constant 8 : i32
    %scan3A_29 = arith.addi %scan3A_27, %scan3A_28 : i32
    %scan3A_30 = arith.constant 1 : i32
    %scan3A_31 = scf.for %scan3A_57 = %scan3A_27 to %scan3A_29 step %scan3A_30 iter_args(%scan3A_58 = %scan3A_26) -> (i32)  : i32 {
      %mul3A_59 = arith.constant 320 : i32
      %mul3A_60 = arith.muli %arg1, %mul3A_59 : i32
      %mul3A_61 = arith.constant 40 : i32
      %mul3A_62 = arith.muli %scan3A_57, %mul3A_61 : i32
      %add3A_63 = arith.addi %mul3A_60, %mul3A_62 : i32
      "tpu.region"() ({
        %run_scoped3A = tpu.sem_alloc : memref<!tpu.dma_semaphore, #tpu.memory_space<semaphore_mem>>
        %dma_start3A = arith.constant 0 : i32
        %dma_start3A_65 = tpu.memref_slice %arg13[%add3A_63, %dma_start3A] : memref<5120x128xf32, #tpu.memory_space<vmem_shared>> -> memref<40x128xf32, #tpu.memory_space<vmem_shared>>
        %dma_start3A_66 = arith.constant 0 : i32
        %dma_start3A_67 = tpu.memref_slice %arg13[%add3A_63, %dma_start3A_66] : memref<5120x128xf32, #tpu.memory_space<vmem_shared>> -> memref<40x128xf32, #tpu.memory_space<vmem_shared>>
        tpu.enqueue_dma source(%arg20 : memref<40x128xf32, #tpu.memory_space<vmem>>) target(%dma_start3A_67 : memref<40x128xf32, #tpu.memory_space<vmem_shared>>) target_semaphore(%run_scoped3A : memref<!tpu.dma_semaphore, #tpu.memory_space<semaphore_mem>>)
        %dma_wait3A = arith.constant 0 : i32
        %dma_wait3A_68 = tpu.memref_slice %arg13[%add3A_63, %dma_wait3A] : memref<5120x128xf32, #tpu.memory_space<vmem_shared>> -> memref<40x128xf32, #tpu.memory_space<vmem_shared>>
        %dma_wait3A_69 = arith.constant 0 : i32
        %dma_wait3A_70 = tpu.memref_slice %arg13[%add3A_63, %dma_wait3A_69] : memref<5120x128xf32, #tpu.memory_space<vmem_shared>> -> memref<40x128xf32, #tpu.memory_space<vmem_shared>>
        tpu.wait_dma2 semaphore(%run_scoped3A : memref<!tpu.dma_semaphore, #tpu.memory_space<semaphore_mem>>) src(%arg20 : memref<40x128xf32, #tpu.memory_space<vmem>>) dst(%dma_wait3A_70 : memref<40x128xf32, #tpu.memory_space<vmem_shared>>)
        tpu.yield
      }) : () -> ()
      "tpu.region"() ({
        %run_scoped3A = tpu.sem_alloc : memref<!tpu.dma_semaphore, #tpu.memory_space<semaphore_mem>>
        %dma_start3A = arith.constant 0 : i32
        %dma_start3A_65 = tpu.memref_slice %arg15[%add3A_63, %dma_start3A] : memref<5120x128xf32, #tpu.memory_space<vmem_shared>> -> memref<40x128xf32, #tpu.memory_space<vmem_shared>>
        %dma_start3A_66 = arith.constant 0 : i32
        %dma_start3A_67 = tpu.memref_slice %arg15[%add3A_63, %dma_start3A_66] : memref<5120x128xf32, #tpu.memory_space<vmem_shared>> -> memref<40x128xf32, #tpu.memory_space<vmem_shared>>
        tpu.enqueue_dma source(%arg20 : memref<40x128xf32, #tpu.memory_space<vmem>>) target(%dma_start3A_67 : memref<40x128xf32, #tpu.memory_space<vmem_shared>>) target_semaphore(%run_scoped3A : memref<!tpu.dma_semaphore, #tpu.memory_space<semaphore_mem>>)
        %dma_wait3A = arith.constant 0 : i32
        %dma_wait3A_68 = tpu.memref_slice %arg15[%add3A_63, %dma_wait3A] : memref<5120x128xf32, #tpu.memory_space<vmem_shared>> -> memref<40x128xf32, #tpu.memory_space<vmem_shared>>
        %dma_wait3A_69 = arith.constant 0 : i32
        %dma_wait3A_70 = tpu.memref_slice %arg15[%add3A_63, %dma_wait3A_69] : memref<5120x128xf32, #tpu.memory_space<vmem_shared>> -> memref<40x128xf32, #tpu.memory_space<vmem_shared>>
        tpu.wait_dma2 semaphore(%run_scoped3A : memref<!tpu.dma_semaphore, #tpu.memory_space<semaphore_mem>>) src(%arg20 : memref<40x128xf32, #tpu.memory_space<vmem>>) dst(%dma_wait3A_70 : memref<40x128xf32, #tpu.memory_space<vmem_shared>>)
        tpu.yield
      }) : () -> ()
      "tpu.region"() ({
        %run_scoped3A = tpu.sem_alloc : memref<!tpu.dma_semaphore, #tpu.memory_space<semaphore_mem>>
        %dma_start3A = arith.constant 0 : i32
        %dma_start3A_65 = tpu.memref_slice %arg14[%add3A_63, %dma_start3A] : memref<5120x32xf32, #tpu.memory_space<vmem_shared>> -> memref<40x32xf32, #tpu.memory_space<vmem_shared>>
        %dma_start3A_66 = arith.constant 0 : i32
        %dma_start3A_67 = tpu.memref_slice %arg14[%add3A_63, %dma_start3A_66] : memref<5120x32xf32, #tpu.memory_space<vmem_shared>> -> memref<40x32xf32, #tpu.memory_space<vmem_shared>>
        tpu.enqueue_dma source(%arg21 : memref<40x32xf32, #tpu.memory_space<vmem>>) target(%dma_start3A_67 : memref<40x32xf32, #tpu.memory_space<vmem_shared>>) target_semaphore(%run_scoped3A : memref<!tpu.dma_semaphore, #tpu.memory_space<semaphore_mem>>)
        %dma_wait3A = arith.constant 0 : i32
        %dma_wait3A_68 = tpu.memref_slice %arg14[%add3A_63, %dma_wait3A] : memref<5120x32xf32, #tpu.memory_space<vmem_shared>> -> memref<40x32xf32, #tpu.memory_space<vmem_shared>>
        %dma_wait3A_69 = arith.constant 0 : i32
        %dma_wait3A_70 = tpu.memref_slice %arg14[%add3A_63, %dma_wait3A_69] : memref<5120x32xf32, #tpu.memory_space<vmem_shared>> -> memref<40x32xf32, #tpu.memory_space<vmem_shared>>
        tpu.wait_dma2 semaphore(%run_scoped3A : memref<!tpu.dma_semaphore, #tpu.memory_space<semaphore_mem>>) src(%arg21 : memref<40x32xf32, #tpu.memory_space<vmem>>) dst(%dma_wait3A_70 : memref<40x32xf32, #tpu.memory_space<vmem_shared>>)
        tpu.yield
      }) : () -> ()
      %scan3A_64 = arith.constant 0 : i32
      scf.yield %scan3A_64 : i32
    }
    %scan3A_32 = arith.constant 8 : i32
    %barrier3A = arith.constant 0 : index
    tpu.barrier barrier_id(%barrier3A)
    %scan3A_33 = arith.constant 0 : i32
    %scan3A_34 = arith.constant 0 : i32
    %scan3A_35 = arith.constant 20 : i32
    %scan3A_36 = arith.addi %scan3A_34, %scan3A_35 : i32
    %scan3A_37 = arith.constant 1 : i32
    %scan3A_38 = scf.for %scan3A_57 = %scan3A_34 to %scan3A_36 step %scan3A_37 iter_args(%scan3A_58 = %scan3A_33) -> (i32)  : i32 {
      %mul3A_59 = arith.constant 20 : i32
      %mul3A_60 = arith.muli %add3A, %mul3A_59 : i32
      %add3A_61 = arith.addi %mul3A_60, %scan3A_57 : i32
      "tpu.region"() ({
        %run_scoped3A_76 = tpu.sem_alloc : memref<!tpu.dma_semaphore, #tpu.memory_space<semaphore_mem>>
        %dma_start3A_77 = arith.constant 0 : i32
        %dma_start3A_78 = tpu.memref_slice %arg3[%add3A_61, %dma_start3A_77] : memref<640x128xi32, #tpu.memory_space<hbm>> -> memref<1x128xi32, #tpu.memory_space<hbm>>
        %dma_start3A_79 = arith.constant 0 : i32
        %dma_start3A_80 = tpu.memref_slice %arg3[%add3A_61, %dma_start3A_79] : memref<640x128xi32, #tpu.memory_space<hbm>> -> memref<1x128xi32, #tpu.memory_space<hbm>>
        tpu.enqueue_dma source(%dma_start3A_80 : memref<1x128xi32, #tpu.memory_space<hbm>>) target(%arg16 : memref<1x128xi32, #tpu.memory_space<vmem>>) target_semaphore(%run_scoped3A_76 : memref<!tpu.dma_semaphore, #tpu.memory_space<semaphore_mem>>)
        %dma_wait3A_81 = arith.constant 0 : i32
        %dma_wait3A_82 = tpu.memref_slice %arg3[%add3A_61, %dma_wait3A_81] : memref<640x128xi32, #tpu.memory_space<hbm>> -> memref<1x128xi32, #tpu.memory_space<hbm>>
        %dma_wait3A_83 = arith.constant 0 : i32
        %dma_wait3A_84 = tpu.memref_slice %arg3[%add3A_61, %dma_wait3A_83] : memref<640x128xi32, #tpu.memory_space<hbm>> -> memref<1x128xi32, #tpu.memory_space<hbm>>
        tpu.wait_dma2 semaphore(%run_scoped3A_76 : memref<!tpu.dma_semaphore, #tpu.memory_space<semaphore_mem>>) src(%dma_wait3A_84 : memref<1x128xi32, #tpu.memory_space<hbm>>) dst(%arg16 : memref<1x128xi32, #tpu.memory_space<vmem>>)
        tpu.yield
      }) : () -> ()
      "tpu.region"() ({
        %run_scoped3A_76 = tpu.sem_alloc : memref<!tpu.dma_semaphore, #tpu.memory_space<semaphore_mem>>
        %dma_start3A_77 = arith.constant 0 : i32
        %dma_start3A_78 = tpu.memref_slice %arg4[%add3A_61, %dma_start3A_77] : memref<640x128xi32, #tpu.memory_space<hbm>> -> memref<1x128xi32, #tpu.memory_space<hbm>>
        %dma_start3A_79 = arith.constant 0 : i32
        %dma_start3A_80 = tpu.memref_slice %arg4[%add3A_61, %dma_start3A_79] : memref<640x128xi32, #tpu.memory_space<hbm>> -> memref<1x128xi32, #tpu.memory_space<hbm>>
        tpu.enqueue_dma source(%dma_start3A_80 : memref<1x128xi32, #tpu.memory_space<hbm>>) target(%arg17 : memref<1x128xi32, #tpu.memory_space<vmem>>) target_semaphore(%run_scoped3A_76 : memref<!tpu.dma_semaphore, #tpu.memory_space<semaphore_mem>>)
        %dma_wait3A_81 = arith.constant 0 : i32
        %dma_wait3A_82 = tpu.memref_slice %arg4[%add3A_61, %dma_wait3A_81] : memref<640x128xi32, #tpu.memory_space<hbm>> -> memref<1x128xi32, #tpu.memory_space<hbm>>
        %dma_wait3A_83 = arith.constant 0 : i32
        %dma_wait3A_84 = tpu.memref_slice %arg4[%add3A_61, %dma_wait3A_83] : memref<640x128xi32, #tpu.memory_space<hbm>> -> memref<1x128xi32, #tpu.memory_space<hbm>>
        tpu.wait_dma2 semaphore(%run_scoped3A_76 : memref<!tpu.dma_semaphore, #tpu.memory_space<semaphore_mem>>) src(%dma_wait3A_84 : memref<1x128xi32, #tpu.memory_space<hbm>>) dst(%arg17 : memref<1x128xi32, #tpu.memory_space<vmem>>)
        tpu.yield
      }) : () -> ()
      %dma_start3A = arith.constant 0 : i32
      %dma_start3A_62 = arith.constant 0 : i32
      %dma_start3A_63 = tpu.memref_slice %arg16[%dma_start3A, %dma_start3A_62] : memref<1x128xi32, #tpu.memory_space<vmem>> -> memref<1x128xi32, #tpu.memory_space<vmem>>
      %dma_start3A_64 = tpu.memref_squeeze %dma_start3A_63 : memref<1x128xi32, #tpu.memory_space<vmem>> -> memref<128xi32, #tpu.memory_space<vmem>>
      %dma_start3A_65 = arith.constant 0 : i32
      %dma_start3A_66 = arith.constant 0 : i32
      %dma_start3A_67 = tpu.memref_slice %arg2[%dma_start3A_65, %dma_start3A_66] : memref<5000x128xf32, #tpu.memory_space<hbm>> -> memref<5000x128xf32, #tpu.memory_space<hbm>>
      tpu.enqueue_indirect_dma source(%dma_start3A_67 : memref<5000x128xf32, #tpu.memory_space<hbm>>) target(%arg18 : memref<128x128xf32, #tpu.memory_space<vmem>>) offsets(%dma_start3A_64 : memref<128xi32, #tpu.memory_space<vmem>>) semaphore(%arg22 : memref<!tpu.dma_semaphore, #tpu.memory_space<semaphore_mem>>)
      %dma_wait3A = arith.constant 0 : i32
      %dma_wait3A_68 = arith.constant 0 : i32
      %dma_wait3A_69 = tpu.memref_slice %arg16[%dma_wait3A, %dma_wait3A_68] : memref<1x128xi32, #tpu.memory_space<vmem>> -> memref<1x128xi32, #tpu.memory_space<vmem>>
      %dma_wait3A_70 = tpu.memref_squeeze %dma_wait3A_69 : memref<1x128xi32, #tpu.memory_space<vmem>> -> memref<128xi32, #tpu.memory_space<vmem>>
      %dma_wait3A_71 = arith.constant 0 : i32
      %dma_wait3A_72 = arith.constant 0 : i32
      %dma_wait3A_73 = tpu.memref_slice %arg2[%dma_wait3A_71, %dma_wait3A_72] : memref<5000x128xf32, #tpu.memory_space<hbm>> -> memref<5000x128xf32, #tpu.memory_space<hbm>>
      tpu.wait_indirect_dma semaphore(%arg22 : memref<!tpu.dma_semaphore, #tpu.memory_space<semaphore_mem>>) src(%dma_wait3A_73 : memref<5000x128xf32, #tpu.memory_space<hbm>>) dst(%arg18 : memref<128x128xf32, #tpu.memory_space<vmem>>)
      %run_scoped3A = arith.constant 0 : i32
      "tpu.region"() ({
        %run_scoped3A_76 = tpu.sem_alloc : memref<!tpu.dma_semaphore, #tpu.memory_space<semaphore_mem>>
        %dma_start3A_77 = arith.constant 0 : i32
        %dma_start3A_78 = tpu.memref_slice %arg17[%run_scoped3A, %dma_start3A_77] : memref<1x128xi32, #tpu.memory_space<vmem>> -> memref<1x128xi32, #tpu.memory_space<vmem>>
        %dma_start3A_79 = tpu.memref_squeeze %dma_start3A_78 : memref<1x128xi32, #tpu.memory_space<vmem>> -> memref<128xi32, #tpu.memory_space<vmem>>
        %dma_start3A_80 = arith.constant 0 : i32
        %dma_start3A_81 = arith.constant 0 : i32
        %dma_start3A_82 = tpu.memref_slice %arg13[%dma_start3A_80, %dma_start3A_81] : memref<5120x128xf32, #tpu.memory_space<vmem_shared>> -> memref<5120x128xf32, #tpu.memory_space<vmem_shared>>
        tpu.enqueue_indirect_dma source(%arg18 : memref<128x128xf32, #tpu.memory_space<vmem>>) target(%dma_start3A_82 : memref<5120x128xf32, #tpu.memory_space<vmem_shared>>) offsets(%dma_start3A_79 : memref<128xi32, #tpu.memory_space<vmem>>) semaphore(%run_scoped3A_76 : memref<!tpu.dma_semaphore, #tpu.memory_space<semaphore_mem>>) {add = true}
        %dma_wait3A_83 = arith.constant 0 : i32
        %dma_wait3A_84 = tpu.memref_slice %arg17[%run_scoped3A, %dma_wait3A_83] : memref<1x128xi32, #tpu.memory_space<vmem>> -> memref<1x128xi32, #tpu.memory_space<vmem>>
        %dma_wait3A_85 = tpu.memref_squeeze %dma_wait3A_84 : memref<1x128xi32, #tpu.memory_space<vmem>> -> memref<128xi32, #tpu.memory_space<vmem>>
        %dma_wait3A_86 = arith.constant 0 : i32
        %dma_wait3A_87 = arith.constant 0 : i32
        %dma_wait3A_88 = tpu.memref_slice %arg13[%dma_wait3A_86, %dma_wait3A_87] : memref<5120x128xf32, #tpu.memory_space<vmem_shared>> -> memref<5120x128xf32, #tpu.memory_space<vmem_shared>>
        tpu.wait_indirect_dma semaphore(%run_scoped3A_76 : memref<!tpu.dma_semaphore, #tpu.memory_space<semaphore_mem>>) src(%arg18 : memref<128x128xf32, #tpu.memory_space<vmem>>) dst(%dma_wait3A_88 : memref<5120x128xf32, #tpu.memory_space<vmem_shared>>)
        tpu.yield
      }) : () -> ()
      %run_scoped3A_74 = arith.constant 0 : i32
      "tpu.region"() ({
        %run_scoped3A_76 = tpu.sem_alloc : memref<!tpu.dma_semaphore, #tpu.memory_space<semaphore_mem>>
        %dma_start3A_77 = arith.constant 0 : i32
        %dma_start3A_78 = tpu.memref_slice %arg17[%run_scoped3A_74, %dma_start3A_77] : memref<1x128xi32, #tpu.memory_space<vmem>> -> memref<1x128xi32, #tpu.memory_space<vmem>>
        %dma_start3A_79 = tpu.memref_squeeze %dma_start3A_78 : memref<1x128xi32, #tpu.memory_space<vmem>> -> memref<128xi32, #tpu.memory_space<vmem>>
        %dma_start3A_80 = arith.constant 0 : i32
        %dma_start3A_81 = arith.constant 0 : i32
        %dma_start3A_82 = tpu.memref_slice %arg14[%dma_start3A_80, %dma_start3A_81] : memref<5120x32xf32, #tpu.memory_space<vmem_shared>> -> memref<5120x32xf32, #tpu.memory_space<vmem_shared>>
        tpu.enqueue_indirect_dma source(%arg19 : memref<128x32xf32, #tpu.memory_space<vmem>>) target(%dma_start3A_82 : memref<5120x32xf32, #tpu.memory_space<vmem_shared>>) offsets(%dma_start3A_79 : memref<128xi32, #tpu.memory_space<vmem>>) semaphore(%run_scoped3A_76 : memref<!tpu.dma_semaphore, #tpu.memory_space<semaphore_mem>>) {add = true}
        %dma_wait3A_83 = arith.constant 0 : i32
        %dma_wait3A_84 = tpu.memref_slice %arg17[%run_scoped3A_74, %dma_wait3A_83] : memref<1x128xi32, #tpu.memory_space<vmem>> -> memref<1x128xi32, #tpu.memory_space<vmem>>
        %dma_wait3A_85 = tpu.memref_squeeze %dma_wait3A_84 : memref<1x128xi32, #tpu.memory_space<vmem>> -> memref<128xi32, #tpu.memory_space<vmem>>
        %dma_wait3A_86 = arith.constant 0 : i32
        %dma_wait3A_87 = arith.constant 0 : i32
        %dma_wait3A_88 = tpu.memref_slice %arg14[%dma_wait3A_86, %dma_wait3A_87] : memref<5120x32xf32, #tpu.memory_space<vmem_shared>> -> memref<5120x32xf32, #tpu.memory_space<vmem_shared>>
        tpu.wait_indirect_dma semaphore(%run_scoped3A_76 : memref<!tpu.dma_semaphore, #tpu.memory_space<semaphore_mem>>) src(%arg19 : memref<128x32xf32, #tpu.memory_space<vmem>>) dst(%dma_wait3A_88 : memref<5120x32xf32, #tpu.memory_space<vmem_shared>>)
        tpu.yield
      }) : () -> ()
      %scan3A_75 = arith.constant 0 : i32
      scf.yield %scan3A_75 : i32
    }
    %scan3A_39 = arith.constant 20 : i32
    %scan3A_40 = arith.constant 0 : i32
    %scan3A_41 = arith.constant 0 : i32
    %scan3A_42 = arith.constant 13 : i32
    %scan3A_43 = arith.addi %scan3A_41, %scan3A_42 : i32
    %scan3A_44 = arith.constant 1 : i32
    %scan3A_45 = scf.for %scan3A_57 = %scan3A_41 to %scan3A_43 step %scan3A_44 iter_args(%scan3A_58 = %scan3A_40) -> (i32)  : i32 {
      %mul3A_59 = arith.constant 13 : i32
      %mul3A_60 = arith.muli %add3A, %mul3A_59 : i32
      %add3A_61 = arith.addi %mul3A_60, %scan3A_57 : i32
      "tpu.region"() ({
        %run_scoped3A_65 = tpu.sem_alloc : memref<!tpu.dma_semaphore, #tpu.memory_space<semaphore_mem>>
        %dma_start3A = arith.constant 0 : i32
        %dma_start3A_66 = tpu.memref_slice %arg6[%add3A_61, %dma_start3A] : memref<416x128xi32, #tpu.memory_space<hbm>> -> memref<1x128xi32, #tpu.memory_space<hbm>>
        %dma_start3A_67 = arith.constant 0 : i32
        %dma_start3A_68 = tpu.memref_slice %arg6[%add3A_61, %dma_start3A_67] : memref<416x128xi32, #tpu.memory_space<hbm>> -> memref<1x128xi32, #tpu.memory_space<hbm>>
        tpu.enqueue_dma source(%dma_start3A_68 : memref<1x128xi32, #tpu.memory_space<hbm>>) target(%arg17 : memref<1x128xi32, #tpu.memory_space<vmem>>) target_semaphore(%run_scoped3A_65 : memref<!tpu.dma_semaphore, #tpu.memory_space<semaphore_mem>>)
        %dma_wait3A = arith.constant 0 : i32
        %dma_wait3A_69 = tpu.memref_slice %arg6[%add3A_61, %dma_wait3A] : memref<416x128xi32, #tpu.memory_space<hbm>> -> memref<1x128xi32, #tpu.memory_space<hbm>>
        %dma_wait3A_70 = arith.constant 0 : i32
        %dma_wait3A_71 = tpu.memref_slice %arg6[%add3A_61, %dma_wait3A_70] : memref<416x128xi32, #tpu.memory_space<hbm>> -> memref<1x128xi32, #tpu.memory_space<hbm>>
        tpu.wait_dma2 semaphore(%run_scoped3A_65 : memref<!tpu.dma_semaphore, #tpu.memory_space<semaphore_mem>>) src(%dma_wait3A_71 : memref<1x128xi32, #tpu.memory_space<hbm>>) dst(%arg17 : memref<1x128xi32, #tpu.memory_space<vmem>>)
        tpu.yield
      }) : () -> ()
      %mul3A_62 = arith.constant 128 : i32
      %mul3A_63 = arith.muli %add3A_61, %mul3A_62 : i32
      "tpu.region"() ({
        %run_scoped3A_65 = tpu.sem_alloc : memref<!tpu.dma_semaphore, #tpu.memory_space<semaphore_mem>>
        %dma_start3A = arith.constant 0 : i32
        %dma_start3A_66 = tpu.memref_slice %arg5[%mul3A_63, %dma_start3A] : memref<53248x128xf32, #tpu.memory_space<hbm>> -> memref<128x128xf32, #tpu.memory_space<hbm>>
        %dma_start3A_67 = arith.constant 0 : i32
        %dma_start3A_68 = tpu.memref_slice %arg5[%mul3A_63, %dma_start3A_67] : memref<53248x128xf32, #tpu.memory_space<hbm>> -> memref<128x128xf32, #tpu.memory_space<hbm>>
        tpu.enqueue_dma source(%dma_start3A_68 : memref<128x128xf32, #tpu.memory_space<hbm>>) target(%arg18 : memref<128x128xf32, #tpu.memory_space<vmem>>) target_semaphore(%run_scoped3A_65 : memref<!tpu.dma_semaphore, #tpu.memory_space<semaphore_mem>>)
        %dma_wait3A = arith.constant 0 : i32
        %dma_wait3A_69 = tpu.memref_slice %arg5[%mul3A_63, %dma_wait3A] : memref<53248x128xf32, #tpu.memory_space<hbm>> -> memref<128x128xf32, #tpu.memory_space<hbm>>
        %dma_wait3A_70 = arith.constant 0 : i32
        %dma_wait3A_71 = tpu.memref_slice %arg5[%mul3A_63, %dma_wait3A_70] : memref<53248x128xf32, #tpu.memory_space<hbm>> -> memref<128x128xf32, #tpu.memory_space<hbm>>
        tpu.wait_dma2 semaphore(%run_scoped3A_65 : memref<!tpu.dma_semaphore, #tpu.memory_space<semaphore_mem>>) src(%dma_wait3A_71 : memref<128x128xf32, #tpu.memory_space<hbm>>) dst(%arg18 : memref<128x128xf32, #tpu.memory_space<vmem>>)
        tpu.yield
      }) : () -> ()
      %run_scoped3A = arith.constant 0 : i32
      "tpu.region"() ({
        %run_scoped3A_65 = tpu.sem_alloc : memref<!tpu.dma_semaphore, #tpu.memory_space<semaphore_mem>>
        %dma_start3A = arith.constant 0 : i32
        %dma_start3A_66 = tpu.memref_slice %arg17[%run_scoped3A, %dma_start3A] : memref<1x128xi32, #tpu.memory_space<vmem>> -> memref<1x128xi32, #tpu.memory_space<vmem>>
        %dma_start3A_67 = tpu.memref_squeeze %dma_start3A_66 : memref<1x128xi32, #tpu.memory_space<vmem>> -> memref<128xi32, #tpu.memory_space<vmem>>
        %dma_start3A_68 = arith.constant 0 : i32
        %dma_start3A_69 = arith.constant 0 : i32
        %dma_start3A_70 = tpu.memref_slice %arg15[%dma_start3A_68, %dma_start3A_69] : memref<5120x128xf32, #tpu.memory_space<vmem_shared>> -> memref<5120x128xf32, #tpu.memory_space<vmem_shared>>
        tpu.enqueue_indirect_dma source(%arg18 : memref<128x128xf32, #tpu.memory_space<vmem>>) target(%dma_start3A_70 : memref<5120x128xf32, #tpu.memory_space<vmem_shared>>) offsets(%dma_start3A_67 : memref<128xi32, #tpu.memory_space<vmem>>) semaphore(%run_scoped3A_65 : memref<!tpu.dma_semaphore, #tpu.memory_space<semaphore_mem>>) {add = true}
        %dma_wait3A = arith.constant 0 : i32
        %dma_wait3A_71 = tpu.memref_slice %arg17[%run_scoped3A, %dma_wait3A] : memref<1x128xi32, #tpu.memory_space<vmem>> -> memref<1x128xi32, #tpu.memory_space<vmem>>
        %dma_wait3A_72 = tpu.memref_squeeze %dma_wait3A_71 : memref<1x128xi32, #tpu.memory_space<vmem>> -> memref<128xi32, #tpu.memory_space<vmem>>
        %dma_wait3A_73 = arith.constant 0 : i32
        %dma_wait3A_74 = arith.constant 0 : i32
        %dma_wait3A_75 = tpu.memref_slice %arg15[%dma_wait3A_73, %dma_wait3A_74] : memref<5120x128xf32, #tpu.memory_space<vmem_shared>> -> memref<5120x128xf32, #tpu.memory_space<vmem_shared>>
        tpu.wait_indirect_dma semaphore(%run_scoped3A_65 : memref<!tpu.dma_semaphore, #tpu.memory_space<semaphore_mem>>) src(%arg18 : memref<128x128xf32, #tpu.memory_space<vmem>>) dst(%dma_wait3A_75 : memref<5120x128xf32, #tpu.memory_space<vmem_shared>>)
        tpu.yield
      }) : () -> ()
      %scan3A_64 = arith.constant 0 : i32
      scf.yield %scan3A_64 : i32
    }
    %scan3A_46 = arith.constant 13 : i32
    %barrier3A_47 = arith.constant 0 : index
    tpu.barrier barrier_id(%barrier3A_47)
    %mul3A_48 = arith.constant 320 : i32
    %mul3A_49 = arith.muli %arg1, %mul3A_48 : i32
    %eq3A = arith.constant 0 : i32
    %eq3A_50 = arith.cmpi eq, %arg0, %eq3A : i32
    %convert_element_type3A = arith.extui %eq3A_50 : i1 to i32
    %cond3A = arith.constant 0 : i32
    %cond3A_51 = arith.cmpi ne, %convert_element_type3A, %cond3A : i32
    scf.if %cond3A_51 {
      "tpu.region"() ({
        %run_scoped3A = tpu.sem_alloc : memref<!tpu.dma_semaphore, #tpu.memory_space<semaphore_mem>>
        %dma_start3A = arith.constant 0 : i32
        %dma_start3A_57 = tpu.memref_slice %arg7[%mul3A_49, %dma_start3A] : memref<5120x128xf32, #tpu.memory_space<hbm>> -> memref<320x128xf32, #tpu.memory_space<hbm>>
        %dma_start3A_58 = arith.constant 0 : i32
        %dma_start3A_59 = tpu.memref_slice %arg13[%mul3A_49, %dma_start3A_58] : memref<5120x128xf32, #tpu.memory_space<vmem_shared>> -> memref<320x128xf32, #tpu.memory_space<vmem_shared>>
        tpu.enqueue_dma source(%dma_start3A_59 : memref<320x128xf32, #tpu.memory_space<vmem_shared>>) target(%dma_start3A_57 : memref<320x128xf32, #tpu.memory_space<hbm>>) target_semaphore(%run_scoped3A : memref<!tpu.dma_semaphore, #tpu.memory_space<semaphore_mem>>)
        %dma_wait3A = arith.constant 0 : i32
        %dma_wait3A_60 = tpu.memref_slice %arg7[%mul3A_49, %dma_wait3A] : memref<5120x128xf32, #tpu.memory_space<hbm>> -> memref<320x128xf32, #tpu.memory_space<hbm>>
        %dma_wait3A_61 = arith.constant 0 : i32
        %dma_wait3A_62 = tpu.memref_slice %arg13[%mul3A_49, %dma_wait3A_61] : memref<5120x128xf32, #tpu.memory_space<vmem_shared>> -> memref<320x128xf32, #tpu.memory_space<vmem_shared>>
        tpu.wait_dma2 semaphore(%run_scoped3A : memref<!tpu.dma_semaphore, #tpu.memory_space<semaphore_mem>>) src(%dma_wait3A_62 : memref<320x128xf32, #tpu.memory_space<vmem_shared>>) dst(%dma_wait3A_60 : memref<320x128xf32, #tpu.memory_space<hbm>>)
        tpu.yield
      }) : () -> ()
      "tpu.region"() ({
        %run_scoped3A = tpu.sem_alloc : memref<!tpu.dma_semaphore, #tpu.memory_space<semaphore_mem>>
        %dma_start3A = arith.constant 0 : i32
        %dma_start3A_57 = tpu.memref_slice %arg9[%mul3A_49, %dma_start3A] : memref<5120x32xf32, #tpu.memory_space<hbm>> -> memref<320x32xf32, #tpu.memory_space<hbm>>
        %dma_start3A_58 = arith.constant 0 : i32
        %dma_start3A_59 = tpu.memref_slice %arg14[%mul3A_49, %dma_start3A_58] : memref<5120x32xf32, #tpu.memory_space<vmem_shared>> -> memref<320x32xf32, #tpu.memory_space<vmem_shared>>
        tpu.enqueue_dma source(%dma_start3A_59 : memref<320x32xf32, #tpu.memory_space<vmem_shared>>) target(%dma_start3A_57 : memref<320x32xf32, #tpu.memory_space<hbm>>) target_semaphore(%run_scoped3A : memref<!tpu.dma_semaphore, #tpu.memory_space<semaphore_mem>>)
        %dma_wait3A = arith.constant 0 : i32
        %dma_wait3A_60 = tpu.memref_slice %arg9[%mul3A_49, %dma_wait3A] : memref<5120x32xf32, #tpu.memory_space<hbm>> -> memref<320x32xf32, #tpu.memory_space<hbm>>
        %dma_wait3A_61 = arith.constant 0 : i32
        %dma_wait3A_62 = tpu.memref_slice %arg14[%mul3A_49, %dma_wait3A_61] : memref<5120x32xf32, #tpu.memory_space<vmem_shared>> -> memref<320x32xf32, #tpu.memory_space<vmem_shared>>
        tpu.wait_dma2 semaphore(%run_scoped3A : memref<!tpu.dma_semaphore, #tpu.memory_space<semaphore_mem>>) src(%dma_wait3A_62 : memref<320x32xf32, #tpu.memory_space<vmem_shared>>) dst(%dma_wait3A_60 : memref<320x32xf32, #tpu.memory_space<hbm>>)
        tpu.yield
      }) : () -> ()
      "tpu.region"() ({
        %run_scoped3A = tpu.sem_alloc : memref<!tpu.dma_semaphore, #tpu.memory_space<semaphore_mem>>
        %dma_start3A = arith.constant 0 : i32
        %dma_start3A_57 = tpu.memref_slice %arg11[%mul3A_49, %dma_start3A] : memref<5120x128xf32, #tpu.memory_space<hbm>> -> memref<320x128xf32, #tpu.memory_space<hbm>>
        %dma_start3A_58 = arith.constant 0 : i32
        %dma_start3A_59 = tpu.memref_slice %arg15[%mul3A_49, %dma_start3A_58] : memref<5120x128xf32, #tpu.memory_space<vmem_shared>> -> memref<320x128xf32, #tpu.memory_space<vmem_shared>>
        tpu.enqueue_dma source(%dma_start3A_59 : memref<320x128xf32, #tpu.memory_space<vmem_shared>>) target(%dma_start3A_57 : memref<320x128xf32, #tpu.memory_space<hbm>>) target_semaphore(%run_scoped3A : memref<!tpu.dma_semaphore, #tpu.memory_space<semaphore_mem>>)
        %dma_wait3A = arith.constant 0 : i32
        %dma_wait3A_60 = tpu.memref_slice %arg11[%mul3A_49, %dma_wait3A] : memref<5120x128xf32, #tpu.memory_space<hbm>> -> memref<320x128xf32, #tpu.memory_space<hbm>>
        %dma_wait3A_61 = arith.constant 0 : i32
        %dma_wait3A_62 = tpu.memref_slice %arg15[%mul3A_49, %dma_wait3A_61] : memref<5120x128xf32, #tpu.memory_space<vmem_shared>> -> memref<320x128xf32, #tpu.memory_space<vmem_shared>>
        tpu.wait_dma2 semaphore(%run_scoped3A : memref<!tpu.dma_semaphore, #tpu.memory_space<semaphore_mem>>) src(%dma_wait3A_62 : memref<320x128xf32, #tpu.memory_space<vmem_shared>>) dst(%dma_wait3A_60 : memref<320x128xf32, #tpu.memory_space<hbm>>)
        tpu.yield
      }) : () -> ()
    } else {
    }
    %eq3A_52 = arith.constant 1 : i32
    %eq3A_53 = arith.cmpi eq, %arg0, %eq3A_52 : i32
    %convert_element_type3A_54 = arith.extui %eq3A_53 : i1 to i32
    %cond3A_55 = arith.constant 0 : i32
    %cond3A_56 = arith.cmpi ne, %convert_element_type3A_54, %cond3A_55 : i32
    scf.if %cond3A_56 {
      "tpu.region"() ({
        %run_scoped3A = tpu.sem_alloc : memref<!tpu.dma_semaphore, #tpu.memory_space<semaphore_mem>>
        %dma_start3A = arith.constant 0 : i32
        %dma_start3A_57 = tpu.memref_slice %arg8[%mul3A_49, %dma_start3A] : memref<5120x128xf32, #tpu.memory_space<hbm>> -> memref<320x128xf32, #tpu.memory_space<hbm>>
        %dma_start3A_58 = arith.constant 0 : i32
        %dma_start3A_59 = tpu.memref_slice %arg13[%mul3A_49, %dma_start3A_58] : memref<5120x128xf32, #tpu.memory_space<vmem_shared>> -> memref<320x128xf32, #tpu.memory_space<vmem_shared>>
        tpu.enqueue_dma source(%dma_start3A_59 : memref<320x128xf32, #tpu.memory_space<vmem_shared>>) target(%dma_start3A_57 : memref<320x128xf32, #tpu.memory_space<hbm>>) target_semaphore(%run_scoped3A : memref<!tpu.dma_semaphore, #tpu.memory_space<semaphore_mem>>)
        %dma_wait3A = arith.constant 0 : i32
        %dma_wait3A_60 = tpu.memref_slice %arg8[%mul3A_49, %dma_wait3A] : memref<5120x128xf32, #tpu.memory_space<hbm>> -> memref<320x128xf32, #tpu.memory_space<hbm>>
        %dma_wait3A_61 = arith.constant 0 : i32
        %dma_wait3A_62 = tpu.memref_slice %arg13[%mul3A_49, %dma_wait3A_61] : memref<5120x128xf32, #tpu.memory_space<vmem_shared>> -> memref<320x128xf32, #tpu.memory_space<vmem_shared>>
        tpu.wait_dma2 semaphore(%run_scoped3A : memref<!tpu.dma_semaphore, #tpu.memory_space<semaphore_mem>>) src(%dma_wait3A_62 : memref<320x128xf32, #tpu.memory_space<vmem_shared>>) dst(%dma_wait3A_60 : memref<320x128xf32, #tpu.memory_space<hbm>>)
        tpu.yield
      }) : () -> ()
      "tpu.region"() ({
        %run_scoped3A = tpu.sem_alloc : memref<!tpu.dma_semaphore, #tpu.memory_space<semaphore_mem>>
        %dma_start3A = arith.constant 0 : i32
        %dma_start3A_57 = tpu.memref_slice %arg10[%mul3A_49, %dma_start3A] : memref<5120x32xf32, #tpu.memory_space<hbm>> -> memref<320x32xf32, #tpu.memory_space<hbm>>
        %dma_start3A_58 = arith.constant 0 : i32
        %dma_start3A_59 = tpu.memref_slice %arg14[%mul3A_49, %dma_start3A_58] : memref<5120x32xf32, #tpu.memory_space<vmem_shared>> -> memref<320x32xf32, #tpu.memory_space<vmem_shared>>
        tpu.enqueue_dma source(%dma_start3A_59 : memref<320x32xf32, #tpu.memory_space<vmem_shared>>) target(%dma_start3A_57 : memref<320x32xf32, #tpu.memory_space<hbm>>) target_semaphore(%run_scoped3A : memref<!tpu.dma_semaphore, #tpu.memory_space<semaphore_mem>>)
        %dma_wait3A = arith.constant 0 : i32
        %dma_wait3A_60 = tpu.memref_slice %arg10[%mul3A_49, %dma_wait3A] : memref<5120x32xf32, #tpu.memory_space<hbm>> -> memref<320x32xf32, #tpu.memory_space<hbm>>
        %dma_wait3A_61 = arith.constant 0 : i32
        %dma_wait3A_62 = tpu.memref_slice %arg14[%mul3A_49, %dma_wait3A_61] : memref<5120x32xf32, #tpu.memory_space<vmem_shared>> -> memref<320x32xf32, #tpu.memory_space<vmem_shared>>
        tpu.wait_dma2 semaphore(%run_scoped3A : memref<!tpu.dma_semaphore, #tpu.memory_space<semaphore_mem>>) src(%dma_wait3A_62 : memref<320x32xf32, #tpu.memory_space<vmem_shared>>) dst(%dma_wait3A_60 : memref<320x32xf32, #tpu.memory_space<hbm>>)
        tpu.yield
      }) : () -> ()
      "tpu.region"() ({
        %run_scoped3A = tpu.sem_alloc : memref<!tpu.dma_semaphore, #tpu.memory_space<semaphore_mem>>
        %dma_start3A = arith.constant 0 : i32
        %dma_start3A_57 = tpu.memref_slice %arg12[%mul3A_49, %dma_start3A] : memref<5120x128xf32, #tpu.memory_space<hbm>> -> memref<320x128xf32, #tpu.memory_space<hbm>>
        %dma_start3A_58 = arith.constant 0 : i32
        %dma_start3A_59 = tpu.memref_slice %arg15[%mul3A_49, %dma_start3A_58] : memref<5120x128xf32, #tpu.memory_space<vmem_shared>> -> memref<320x128xf32, #tpu.memory_space<vmem_shared>>
        tpu.enqueue_dma source(%dma_start3A_59 : memref<320x128xf32, #tpu.memory_space<vmem_shared>>) target(%dma_start3A_57 : memref<320x128xf32, #tpu.memory_space<hbm>>) target_semaphore(%run_scoped3A : memref<!tpu.dma_semaphore, #tpu.memory_space<semaphore_mem>>)
        %dma_wait3A = arith.constant 0 : i32
        %dma_wait3A_60 = tpu.memref_slice %arg12[%mul3A_49, %dma_wait3A] : memref<5120x128xf32, #tpu.memory_space<hbm>> -> memref<320x128xf32, #tpu.memory_space<hbm>>
        %dma_wait3A_61 = arith.constant 0 : i32
        %dma_wait3A_62 = tpu.memref_slice %arg15[%mul3A_49, %dma_wait3A_61] : memref<5120x128xf32, #tpu.memory_space<vmem_shared>> -> memref<320x128xf32, #tpu.memory_space<vmem_shared>>
        tpu.wait_dma2 semaphore(%run_scoped3A : memref<!tpu.dma_semaphore, #tpu.memory_space<semaphore_mem>>) src(%dma_wait3A_62 : memref<320x128xf32, #tpu.memory_space<vmem_shared>>) dst(%dma_wait3A_60 : memref<320x128xf32, #tpu.memory_space<hbm>>)
        tpu.yield
      }) : () -> ()
    } else {
    }
    return
  }
}

#map = affine_map<(d0, d1) -> (0, 0)>
module attributes {stable_mosaic.version = 14 : i64} {
  func.func @_e_body(%arg0: i32, %arg1: i32, %arg2: memref<5120x128xf32, #tpu.memory_space<hbm>>, %arg3: memref<1x5120xf32, #tpu.memory_space<hbm>>, %arg4: memref<1x5120xf32, #tpu.memory_space<hbm>>, %arg5: memref<1x5120xf32, #tpu.memory_space<hbm>>, %arg6: memref<672x128xi32, #tpu.memory_space<hbm>>, %arg7: memref<672x128xi32, #tpu.memory_space<hbm>>, %arg8: memref<5120x144xf32, #tpu.memory_space<hbm>>, %arg9: memref<5120x144xf32, #tpu.memory_space<hbm>>, %arg10: memref<5120x144xf32, #tpu.memory_space<vmem_shared>>, %arg11: memref<5120xf32, #tpu.memory_space<vmem>>, %arg12: memref<5120xf32, #tpu.memory_space<vmem>>, %arg13: memref<5120xf32, #tpu.memory_space<vmem>>, %arg14: memref<1x128xi32, #tpu.memory_space<vmem>>, %arg15: memref<1x128xi32, #tpu.memory_space<vmem>>, %arg16: memref<128x128xf32, #tpu.memory_space<vmem>>, %arg17: memref<128x144xf32, #tpu.memory_space<vmem>>, %arg18: memref<144xf32, #tpu.memory_space<vmem>>, %arg19: memref<40x144xf32, #tpu.memory_space<vmem>>, %arg20: memref<!tpu.dma_semaphore, #tpu.memory_space<semaphore_mem>>) attributes {dimension_semantics = [#tpu.dimension_semantics<core_parallel>, #tpu.dimension_semantics<subcore_parallel>], iteration_bounds = array<i64: 2, 16>, scalar_prefetch = 0 : i64, scratch_operands = 11 : i64, tpu.core_type = #tpu.core_type<sc_vector_subcore>, window_params = [{transform_indices = #map}, {transform_indices = #map}, {transform_indices = #map}, {transform_indices = #map}, {transform_indices = #map}, {transform_indices = #map}, {transform_indices = #map}, {transform_indices = #map}]} {
    %mul3A = arith.constant 16 : i32
    %mul3A_0 = arith.muli %arg0, %mul3A : i32
    %add3A = arith.addi %mul3A_0, %arg1 : i32
    %run_scoped3A = arith.constant 0 : i32
    "tpu.region"() ({
      %run_scoped3A_37 = tpu.sem_alloc : memref<!tpu.dma_semaphore, #tpu.memory_space<semaphore_mem>>
      %dma_start3A = arith.constant 0 : i32
      %dma_start3A_38 = tpu.memref_slice %arg3[%run_scoped3A, %dma_start3A] : memref<1x5120xf32, #tpu.memory_space<hbm>> -> memref<1x5120xf32, #tpu.memory_space<hbm>>
      %dma_start3A_39 = tpu.memref_squeeze %dma_start3A_38 : memref<1x5120xf32, #tpu.memory_space<hbm>> -> memref<5120xf32, #tpu.memory_space<hbm>>
      %dma_start3A_40 = arith.constant 0 : i32
      %dma_start3A_41 = tpu.memref_slice %arg3[%run_scoped3A, %dma_start3A_40] : memref<1x5120xf32, #tpu.memory_space<hbm>> -> memref<1x5120xf32, #tpu.memory_space<hbm>>
      %dma_start3A_42 = tpu.memref_squeeze %dma_start3A_41 : memref<1x5120xf32, #tpu.memory_space<hbm>> -> memref<5120xf32, #tpu.memory_space<hbm>>
      tpu.enqueue_dma source(%dma_start3A_42 : memref<5120xf32, #tpu.memory_space<hbm>>) target(%arg11 : memref<5120xf32, #tpu.memory_space<vmem>>) target_semaphore(%run_scoped3A_37 : memref<!tpu.dma_semaphore, #tpu.memory_space<semaphore_mem>>)
      %dma_wait3A = arith.constant 0 : i32
      %dma_wait3A_43 = tpu.memref_slice %arg3[%run_scoped3A, %dma_wait3A] : memref<1x5120xf32, #tpu.memory_space<hbm>> -> memref<1x5120xf32, #tpu.memory_space<hbm>>
      %dma_wait3A_44 = tpu.memref_squeeze %dma_wait3A_43 : memref<1x5120xf32, #tpu.memory_space<hbm>> -> memref<5120xf32, #tpu.memory_space<hbm>>
      %dma_wait3A_45 = arith.constant 0 : i32
      %dma_wait3A_46 = tpu.memref_slice %arg3[%run_scoped3A, %dma_wait3A_45] : memref<1x5120xf32, #tpu.memory_space<hbm>> -> memref<1x5120xf32, #tpu.memory_space<hbm>>
      %dma_wait3A_47 = tpu.memref_squeeze %dma_wait3A_46 : memref<1x5120xf32, #tpu.memory_space<hbm>> -> memref<5120xf32, #tpu.memory_space<hbm>>
      tpu.wait_dma2 semaphore(%run_scoped3A_37 : memref<!tpu.dma_semaphore, #tpu.memory_space<semaphore_mem>>) src(%dma_wait3A_47 : memref<5120xf32, #tpu.memory_space<hbm>>) dst(%arg11 : memref<5120xf32, #tpu.memory_space<vmem>>)
      tpu.yield
    }) : () -> ()
    %run_scoped3A_1 = arith.constant 0 : i32
    "tpu.region"() ({
      %run_scoped3A_37 = tpu.sem_alloc : memref<!tpu.dma_semaphore, #tpu.memory_space<semaphore_mem>>
      %dma_start3A = arith.constant 0 : i32
      %dma_start3A_38 = tpu.memref_slice %arg4[%run_scoped3A_1, %dma_start3A] : memref<1x5120xf32, #tpu.memory_space<hbm>> -> memref<1x5120xf32, #tpu.memory_space<hbm>>
      %dma_start3A_39 = tpu.memref_squeeze %dma_start3A_38 : memref<1x5120xf32, #tpu.memory_space<hbm>> -> memref<5120xf32, #tpu.memory_space<hbm>>
      %dma_start3A_40 = arith.constant 0 : i32
      %dma_start3A_41 = tpu.memref_slice %arg4[%run_scoped3A_1, %dma_start3A_40] : memref<1x5120xf32, #tpu.memory_space<hbm>> -> memref<1x5120xf32, #tpu.memory_space<hbm>>
      %dma_start3A_42 = tpu.memref_squeeze %dma_start3A_41 : memref<1x5120xf32, #tpu.memory_space<hbm>> -> memref<5120xf32, #tpu.memory_space<hbm>>
      tpu.enqueue_dma source(%dma_start3A_42 : memref<5120xf32, #tpu.memory_space<hbm>>) target(%arg12 : memref<5120xf32, #tpu.memory_space<vmem>>) target_semaphore(%run_scoped3A_37 : memref<!tpu.dma_semaphore, #tpu.memory_space<semaphore_mem>>)
      %dma_wait3A = arith.constant 0 : i32
      %dma_wait3A_43 = tpu.memref_slice %arg4[%run_scoped3A_1, %dma_wait3A] : memref<1x5120xf32, #tpu.memory_space<hbm>> -> memref<1x5120xf32, #tpu.memory_space<hbm>>
      %dma_wait3A_44 = tpu.memref_squeeze %dma_wait3A_43 : memref<1x5120xf32, #tpu.memory_space<hbm>> -> memref<5120xf32, #tpu.memory_space<hbm>>
      %dma_wait3A_45 = arith.constant 0 : i32
      %dma_wait3A_46 = tpu.memref_slice %arg4[%run_scoped3A_1, %dma_wait3A_45] : memref<1x5120xf32, #tpu.memory_space<hbm>> -> memref<1x5120xf32, #tpu.memory_space<hbm>>
      %dma_wait3A_47 = tpu.memref_squeeze %dma_wait3A_46 : memref<1x5120xf32, #tpu.memory_space<hbm>> -> memref<5120xf32, #tpu.memory_space<hbm>>
      tpu.wait_dma2 semaphore(%run_scoped3A_37 : memref<!tpu.dma_semaphore, #tpu.memory_space<semaphore_mem>>) src(%dma_wait3A_47 : memref<5120xf32, #tpu.memory_space<hbm>>) dst(%arg12 : memref<5120xf32, #tpu.memory_space<vmem>>)
      tpu.yield
    }) : () -> ()
    %run_scoped3A_2 = arith.constant 0 : i32
    "tpu.region"() ({
      %run_scoped3A_37 = tpu.sem_alloc : memref<!tpu.dma_semaphore, #tpu.memory_space<semaphore_mem>>
      %dma_start3A = arith.constant 0 : i32
      %dma_start3A_38 = tpu.memref_slice %arg5[%run_scoped3A_2, %dma_start3A] : memref<1x5120xf32, #tpu.memory_space<hbm>> -> memref<1x5120xf32, #tpu.memory_space<hbm>>
      %dma_start3A_39 = tpu.memref_squeeze %dma_start3A_38 : memref<1x5120xf32, #tpu.memory_space<hbm>> -> memref<5120xf32, #tpu.memory_space<hbm>>
      %dma_start3A_40 = arith.constant 0 : i32
      %dma_start3A_41 = tpu.memref_slice %arg5[%run_scoped3A_2, %dma_start3A_40] : memref<1x5120xf32, #tpu.memory_space<hbm>> -> memref<1x5120xf32, #tpu.memory_space<hbm>>
      %dma_start3A_42 = tpu.memref_squeeze %dma_start3A_41 : memref<1x5120xf32, #tpu.memory_space<hbm>> -> memref<5120xf32, #tpu.memory_space<hbm>>
      tpu.enqueue_dma source(%dma_start3A_42 : memref<5120xf32, #tpu.memory_space<hbm>>) target(%arg13 : memref<5120xf32, #tpu.memory_space<vmem>>) target_semaphore(%run_scoped3A_37 : memref<!tpu.dma_semaphore, #tpu.memory_space<semaphore_mem>>)
      %dma_wait3A = arith.constant 0 : i32
      %dma_wait3A_43 = tpu.memref_slice %arg5[%run_scoped3A_2, %dma_wait3A] : memref<1x5120xf32, #tpu.memory_space<hbm>> -> memref<1x5120xf32, #tpu.memory_space<hbm>>
      %dma_wait3A_44 = tpu.memref_squeeze %dma_wait3A_43 : memref<1x5120xf32, #tpu.memory_space<hbm>> -> memref<5120xf32, #tpu.memory_space<hbm>>
      %dma_wait3A_45 = arith.constant 0 : i32
      %dma_wait3A_46 = tpu.memref_slice %arg5[%run_scoped3A_2, %dma_wait3A_45] : memref<1x5120xf32, #tpu.memory_space<hbm>> -> memref<1x5120xf32, #tpu.memory_space<hbm>>
      %dma_wait3A_47 = tpu.memref_squeeze %dma_wait3A_46 : memref<1x5120xf32, #tpu.memory_space<hbm>> -> memref<5120xf32, #tpu.memory_space<hbm>>
      tpu.wait_dma2 semaphore(%run_scoped3A_37 : memref<!tpu.dma_semaphore, #tpu.memory_space<semaphore_mem>>) src(%dma_wait3A_47 : memref<5120xf32, #tpu.memory_space<hbm>>) dst(%arg13 : memref<5120xf32, #tpu.memory_space<vmem>>)
      tpu.yield
    }) : () -> ()
    %broadcast_in_dim3A = arith.constant 0.000000e+00 : f32
    %broadcast_in_dim3A_3 = vector.broadcast %broadcast_in_dim3A : f32 to vector<16xf32>
    %scan3A = arith.constant 0 : i32
    %scan3A_4 = arith.constant 0 : i32
    %scan3A_5 = arith.constant 40 : i32
    %scan3A_6 = arith.addi %scan3A_4, %scan3A_5 : i32
    %scan3A_7 = arith.constant 1 : i32
    %scan3A_8 = scf.for %scan3A_37 = %scan3A_4 to %scan3A_6 step %scan3A_7 iter_args(%scan3A_38 = %scan3A) -> (i32)  : i32 {
      %swap3A = arith.index_cast %scan3A_37 : i32 to index
      %swap3A_39 = arith.constant 0 : index
      %swap3A_40 = tpu.vector_load %arg19[%swap3A, %swap3A_39] {strides = array<i32>} : memref<40x144xf32, #tpu.memory_space<vmem>>, vector<16xf32>,
      tpu.vector_store %arg19[%swap3A, %swap3A_39], %broadcast_in_dim3A_3 {strides = array<i32>} : memref<40x144xf32, #tpu.memory_space<vmem>>, vector<16xf32>,
      %swap3A_41 = arith.index_cast %scan3A_37 : i32 to index
      %swap3A_42 = arith.constant 16 : index
      %swap3A_43 = tpu.vector_load %arg19[%swap3A_41, %swap3A_42] {strides = array<i32>} : memref<40x144xf32, #tpu.memory_space<vmem>>, vector<16xf32>,
      tpu.vector_store %arg19[%swap3A_41, %swap3A_42], %broadcast_in_dim3A_3 {strides = array<i32>} : memref<40x144xf32, #tpu.memory_space<vmem>>, vector<16xf32>,
      %swap3A_44 = arith.index_cast %scan3A_37 : i32 to index
      %swap3A_45 = arith.constant 32 : index
      %swap3A_46 = tpu.vector_load %arg19[%swap3A_44, %swap3A_45] {strides = array<i32>} : memref<40x144xf32, #tpu.memory_space<vmem>>, vector<16xf32>,
      tpu.vector_store %arg19[%swap3A_44, %swap3A_45], %broadcast_in_dim3A_3 {strides = array<i32>} : memref<40x144xf32, #tpu.memory_space<vmem>>, vector<16xf32>,
      %swap3A_47 = arith.index_cast %scan3A_37 : i32 to index
      %swap3A_48 = arith.constant 48 : index
      %swap3A_49 = tpu.vector_load %arg19[%swap3A_47, %swap3A_48] {strides = array<i32>} : memref<40x144xf32, #tpu.memory_space<vmem>>, vector<16xf32>,
      tpu.vector_store %arg19[%swap3A_47, %swap3A_48], %broadcast_in_dim3A_3 {strides = array<i32>} : memref<40x144xf32, #tpu.memory_space<vmem>>, vector<16xf32>,
      %swap3A_50 = arith.index_cast %scan3A_37 : i32 to index
      %swap3A_51 = arith.constant 64 : index
      %swap3A_52 = tpu.vector_load %arg19[%swap3A_50, %swap3A_51] {strides = array<i32>} : memref<40x144xf32, #tpu.memory_space<vmem>>, vector<16xf32>,
      tpu.vector_store %arg19[%swap3A_50, %swap3A_51], %broadcast_in_dim3A_3 {strides = array<i32>} : memref<40x144xf32, #tpu.memory_space<vmem>>, vector<16xf32>,
      %swap3A_53 = arith.index_cast %scan3A_37 : i32 to index
      %swap3A_54 = arith.constant 80 : index
      %swap3A_55 = tpu.vector_load %arg19[%swap3A_53, %swap3A_54] {strides = array<i32>} : memref<40x144xf32, #tpu.memory_space<vmem>>, vector<16xf32>,
      tpu.vector_store %arg19[%swap3A_53, %swap3A_54], %broadcast_in_dim3A_3 {strides = array<i32>} : memref<40x144xf32, #tpu.memory_space<vmem>>, vector<16xf32>,
      %swap3A_56 = arith.index_cast %scan3A_37 : i32 to index
      %swap3A_57 = arith.constant 96 : index
      %swap3A_58 = tpu.vector_load %arg19[%swap3A_56, %swap3A_57] {strides = array<i32>} : memref<40x144xf32, #tpu.memory_space<vmem>>, vector<16xf32>,
      tpu.vector_store %arg19[%swap3A_56, %swap3A_57], %broadcast_in_dim3A_3 {strides = array<i32>} : memref<40x144xf32, #tpu.memory_space<vmem>>, vector<16xf32>,
      %swap3A_59 = arith.index_cast %scan3A_37 : i32 to index
      %swap3A_60 = arith.constant 112 : index
      %swap3A_61 = tpu.vector_load %arg19[%swap3A_59, %swap3A_60] {strides = array<i32>} : memref<40x144xf32, #tpu.memory_space<vmem>>, vector<16xf32>,
      tpu.vector_store %arg19[%swap3A_59, %swap3A_60], %broadcast_in_dim3A_3 {strides = array<i32>} : memref<40x144xf32, #tpu.memory_space<vmem>>, vector<16xf32>,
      %swap3A_62 = arith.index_cast %scan3A_37 : i32 to index
      %swap3A_63 = arith.constant 128 : index
      %swap3A_64 = tpu.vector_load %arg19[%swap3A_62, %swap3A_63] {strides = array<i32>} : memref<40x144xf32, #tpu.memory_space<vmem>>, vector<16xf32>,
      tpu.vector_store %arg19[%swap3A_62, %swap3A_63], %broadcast_in_dim3A_3 {strides = array<i32>} : memref<40x144xf32, #tpu.memory_space<vmem>>, vector<16xf32>,
      %scan3A_65 = arith.constant 0 : i32
      scf.yield %scan3A_65 : i32
    }
    %scan3A_9 = arith.constant 40 : i32
    %scan3A_10 = arith.constant 0 : i32
    %scan3A_11 = arith.constant 0 : i32
    %scan3A_12 = arith.constant 8 : i32
    %scan3A_13 = arith.addi %scan3A_11, %scan3A_12 : i32
    %scan3A_14 = arith.constant 1 : i32
    %scan3A_15 = scf.for %scan3A_37 = %scan3A_11 to %scan3A_13 step %scan3A_14 iter_args(%scan3A_38 = %scan3A_10) -> (i32)  : i32 {
      %mul3A_39 = arith.constant 320 : i32
      %mul3A_40 = arith.muli %arg1, %mul3A_39 : i32
      %mul3A_41 = arith.constant 40 : i32
      %mul3A_42 = arith.muli %scan3A_37, %mul3A_41 : i32
      %add3A_43 = arith.addi %mul3A_40, %mul3A_42 : i32
      "tpu.region"() ({
        %run_scoped3A_45 = tpu.sem_alloc : memref<!tpu.dma_semaphore, #tpu.memory_space<semaphore_mem>>
        %dma_start3A = arith.constant 0 : i32
        %dma_start3A_46 = tpu.memref_slice %arg10[%add3A_43, %dma_start3A] : memref<5120x144xf32, #tpu.memory_space<vmem_shared>> -> memref<40x144xf32, #tpu.memory_space<vmem_shared>>
        %dma_start3A_47 = arith.constant 0 : i32
        %dma_start3A_48 = tpu.memref_slice %arg10[%add3A_43, %dma_start3A_47] : memref<5120x144xf32, #tpu.memory_space<vmem_shared>> -> memref<40x144xf32, #tpu.memory_space<vmem_shared>>
        tpu.enqueue_dma source(%arg19 : memref<40x144xf32, #tpu.memory_space<vmem>>) target(%dma_start3A_48 : memref<40x144xf32, #tpu.memory_space<vmem_shared>>) target_semaphore(%run_scoped3A_45 : memref<!tpu.dma_semaphore, #tpu.memory_space<semaphore_mem>>)
        %dma_wait3A = arith.constant 0 : i32
        %dma_wait3A_49 = tpu.memref_slice %arg10[%add3A_43, %dma_wait3A] : memref<5120x144xf32, #tpu.memory_space<vmem_shared>> -> memref<40x144xf32, #tpu.memory_space<vmem_shared>>
        %dma_wait3A_50 = arith.constant 0 : i32
        %dma_wait3A_51 = tpu.memref_slice %arg10[%add3A_43, %dma_wait3A_50] : memref<5120x144xf32, #tpu.memory_space<vmem_shared>> -> memref<40x144xf32, #tpu.memory_space<vmem_shared>>
        tpu.wait_dma2 semaphore(%run_scoped3A_45 : memref<!tpu.dma_semaphore, #tpu.memory_space<semaphore_mem>>) src(%arg19 : memref<40x144xf32, #tpu.memory_space<vmem>>) dst(%dma_wait3A_51 : memref<40x144xf32, #tpu.memory_space<vmem_shared>>)
        tpu.yield
      }) : () -> ()
      %scan3A_44 = arith.constant 0 : i32
      scf.yield %scan3A_44 : i32
    }
    %scan3A_16 = arith.constant 8 : i32
    %barrier3A = arith.constant 0 : index
    tpu.barrier barrier_id(%barrier3A)
    %iota3A = tpu.iota {dimensions = array<i32: 0>} : vector<16xi32>
    %eq3A = arith.constant 0 : i32
    %eq3A_17 = vector.broadcast %eq3A : i32 to vector<16xi32>
    %eq3A_18 = arith.cmpi eq, %iota3A, %eq3A_17 : vector<16xi32>
    %scan3A_19 = arith.constant 0 : i32
    %scan3A_20 = arith.constant 0 : i32
    %scan3A_21 = arith.constant 21 : i32
    %scan3A_22 = arith.addi %scan3A_20, %scan3A_21 : i32
    %scan3A_23 = arith.constant 1 : i32
    %scan3A_24 = scf.for %scan3A_37 = %scan3A_20 to %scan3A_22 step %scan3A_23 iter_args(%scan3A_38 = %scan3A_19) -> (i32)  : i32 {
      %mul3A_39 = arith.constant 21 : i32
      %mul3A_40 = arith.muli %add3A, %mul3A_39 : i32
      %add3A_41 = arith.addi %mul3A_40, %scan3A_37 : i32
      "tpu.region"() ({
        %run_scoped3A_217 = tpu.sem_alloc : memref<!tpu.dma_semaphore, #tpu.memory_space<semaphore_mem>>
        %dma_start3A_218 = arith.constant 0 : i32
        %dma_start3A_219 = tpu.memref_slice %arg6[%add3A_41, %dma_start3A_218] : memref<672x128xi32, #tpu.memory_space<hbm>> -> memref<1x128xi32, #tpu.memory_space<hbm>>
        %dma_start3A_220 = arith.constant 0 : i32
        %dma_start3A_221 = tpu.memref_slice %arg6[%add3A_41, %dma_start3A_220] : memref<672x128xi32, #tpu.memory_space<hbm>> -> memref<1x128xi32, #tpu.memory_space<hbm>>
        tpu.enqueue_dma source(%dma_start3A_221 : memref<1x128xi32, #tpu.memory_space<hbm>>) target(%arg14 : memref<1x128xi32, #tpu.memory_space<vmem>>) target_semaphore(%run_scoped3A_217 : memref<!tpu.dma_semaphore, #tpu.memory_space<semaphore_mem>>)
        %dma_wait3A_222 = arith.constant 0 : i32
        %dma_wait3A_223 = tpu.memref_slice %arg6[%add3A_41, %dma_wait3A_222] : memref<672x128xi32, #tpu.memory_space<hbm>> -> memref<1x128xi32, #tpu.memory_space<hbm>>
        %dma_wait3A_224 = arith.constant 0 : i32
        %dma_wait3A_225 = tpu.memref_slice %arg6[%add3A_41, %dma_wait3A_224] : memref<672x128xi32, #tpu.memory_space<hbm>> -> memref<1x128xi32, #tpu.memory_space<hbm>>
        tpu.wait_dma2 semaphore(%run_scoped3A_217 : memref<!tpu.dma_semaphore, #tpu.memory_space<semaphore_mem>>) src(%dma_wait3A_225 : memref<1x128xi32, #tpu.memory_space<hbm>>) dst(%arg14 : memref<1x128xi32, #tpu.memory_space<vmem>>)
        tpu.yield
      }) : () -> ()
      "tpu.region"() ({
        %run_scoped3A_217 = tpu.sem_alloc : memref<!tpu.dma_semaphore, #tpu.memory_space<semaphore_mem>>
        %dma_start3A_218 = arith.constant 0 : i32
        %dma_start3A_219 = tpu.memref_slice %arg7[%add3A_41, %dma_start3A_218] : memref<672x128xi32, #tpu.memory_space<hbm>> -> memref<1x128xi32, #tpu.memory_space<hbm>>
        %dma_start3A_220 = arith.constant 0 : i32
        %dma_start3A_221 = tpu.memref_slice %arg7[%add3A_41, %dma_start3A_220] : memref<672x128xi32, #tpu.memory_space<hbm>> -> memref<1x128xi32, #tpu.memory_space<hbm>>
        tpu.enqueue_dma source(%dma_start3A_221 : memref<1x128xi32, #tpu.memory_space<hbm>>) target(%arg15 : memref<1x128xi32, #tpu.memory_space<vmem>>) target_semaphore(%run_scoped3A_217 : memref<!tpu.dma_semaphore, #tpu.memory_space<semaphore_mem>>)
        %dma_wait3A_222 = arith.constant 0 : i32
        %dma_wait3A_223 = tpu.memref_slice %arg7[%add3A_41, %dma_wait3A_222] : memref<672x128xi32, #tpu.memory_space<hbm>> -> memref<1x128xi32, #tpu.memory_space<hbm>>
        %dma_wait3A_224 = arith.constant 0 : i32
        %dma_wait3A_225 = tpu.memref_slice %arg7[%add3A_41, %dma_wait3A_224] : memref<672x128xi32, #tpu.memory_space<hbm>> -> memref<1x128xi32, #tpu.memory_space<hbm>>
        tpu.wait_dma2 semaphore(%run_scoped3A_217 : memref<!tpu.dma_semaphore, #tpu.memory_space<semaphore_mem>>) src(%dma_wait3A_225 : memref<1x128xi32, #tpu.memory_space<hbm>>) dst(%arg15 : memref<1x128xi32, #tpu.memory_space<vmem>>)
        tpu.yield
      }) : () -> ()
      %dma_start3A = arith.constant 0 : i32
      %dma_start3A_42 = arith.constant 0 : i32
      %dma_start3A_43 = tpu.memref_slice %arg14[%dma_start3A, %dma_start3A_42] : memref<1x128xi32, #tpu.memory_space<vmem>> -> memref<1x128xi32, #tpu.memory_space<vmem>>
      %dma_start3A_44 = tpu.memref_squeeze %dma_start3A_43 : memref<1x128xi32, #tpu.memory_space<vmem>> -> memref<128xi32, #tpu.memory_space<vmem>>
      %dma_start3A_45 = arith.constant 0 : i32
      %dma_start3A_46 = arith.constant 0 : i32
      %dma_start3A_47 = tpu.memref_slice %arg2[%dma_start3A_45, %dma_start3A_46] : memref<5120x128xf32, #tpu.memory_space<hbm>> -> memref<5120x128xf32, #tpu.memory_space<hbm>>
      tpu.enqueue_indirect_dma source(%dma_start3A_47 : memref<5120x128xf32, #tpu.memory_space<hbm>>) target(%arg16 : memref<128x128xf32, #tpu.memory_space<vmem>>) offsets(%dma_start3A_44 : memref<128xi32, #tpu.memory_space<vmem>>) semaphore(%arg20 : memref<!tpu.dma_semaphore, #tpu.memory_space<semaphore_mem>>)
      %dma_wait3A = arith.constant 0 : i32
      %dma_wait3A_48 = arith.constant 0 : i32
      %dma_wait3A_49 = tpu.memref_slice %arg14[%dma_wait3A, %dma_wait3A_48] : memref<1x128xi32, #tpu.memory_space<vmem>> -> memref<1x128xi32, #tpu.memory_space<vmem>>
      %dma_wait3A_50 = tpu.memref_squeeze %dma_wait3A_49 : memref<1x128xi32, #tpu.memory_space<vmem>> -> memref<128xi32, #tpu.memory_space<vmem>>
      %dma_wait3A_51 = arith.constant 0 : i32
      %dma_wait3A_52 = arith.constant 0 : i32
      %dma_wait3A_53 = tpu.memref_slice %arg2[%dma_wait3A_51, %dma_wait3A_52] : memref<5120x128xf32, #tpu.memory_space<hbm>> -> memref<5120x128xf32, #tpu.memory_space<hbm>>
      tpu.wait_indirect_dma semaphore(%arg20 : memref<!tpu.dma_semaphore, #tpu.memory_space<semaphore_mem>>) src(%dma_wait3A_53 : memref<5120x128xf32, #tpu.memory_space<hbm>>) dst(%arg16 : memref<128x128xf32, #tpu.memory_space<vmem>>)
      %get3A = arith.constant 0 : i32
      %get3A_54 = arith.index_cast %get3A : i32 to index
      %get3A_55 = arith.constant 0 : index
      %get3A_56 = tpu.vector_load %arg14[%get3A_54, %get3A_55] {strides = array<i32>} : memref<1x128xi32, #tpu.memory_space<vmem>>, vector<16xi32>,
      %get3A_57 = arith.constant 0 : i32
      %get3A_58 = arith.index_cast %get3A_57 : i32 to index
      %get3A_59 = arith.constant 0 : index
      %get3A_60 = tpu.vector_load %arg15[%get3A_58, %get3A_59] {strides = array<i32>} : memref<1x128xi32, #tpu.memory_space<vmem>>, vector<16xi32>,
      %gather3A = tpu.vector_load_idx %arg11[%get3A_56] : memref<5120xf32, #tpu.memory_space<vmem>>[vector<16xi32>], vector<16xf32>,
      %gather3A_61 = tpu.vector_load_idx %arg12[%get3A_60] : memref<5120xf32, #tpu.memory_space<vmem>>[vector<16xi32>], vector<16xf32>,
      %gather3A_62 = tpu.vector_load_idx %arg13[%get3A_60] : memref<5120xf32, #tpu.memory_space<vmem>>[vector<16xi32>], vector<16xf32>,
      %add3A_63 = arith.addf %gather3A, %gather3A_61 : vector<16xf32>
      %mul3A_64 = arith.constant 2.000000e-01 : f32
      %mul3A_65 = vector.broadcast %mul3A_64 : f32 to vector<16xf32>
      %mul3A_66 = arith.mulf %mul3A_65, %add3A_63 : vector<16xf32>
      %max3A = arith.maximumf %add3A_63, %mul3A_66 : vector<16xf32>
      %sub3A = arith.subf %max3A, %gather3A_62 : vector<16xf32>
      %exp3A = math.exp %sub3A : vector<16xf32>
      %swap3A = arith.constant 0 : index
      %swap3A_67 = tpu.vector_load %arg18[%swap3A] {strides = array<i32>} : memref<144xf32, #tpu.memory_space<vmem>>, vector<16xf32>,
      tpu.vector_store %arg18[%swap3A], %exp3A {strides = array<i32>} : memref<144xf32, #tpu.memory_space<vmem>>, vector<16xf32>,
      %get3A_68 = arith.constant 0 : i32
      %get3A_69 = arith.index_cast %get3A_68 : i32 to index
      %get3A_70 = arith.constant 16 : index
      %get3A_71 = tpu.vector_load %arg14[%get3A_69, %get3A_70] {strides = array<i32>} : memref<1x128xi32, #tpu.memory_space<vmem>>, vector<16xi32>,
      %get3A_72 = arith.constant 0 : i32
      %get3A_73 = arith.index_cast %get3A_72 : i32 to index
      %get3A_74 = arith.constant 16 : index
      %get3A_75 = tpu.vector_load %arg15[%get3A_73, %get3A_74] {strides = array<i32>} : memref<1x128xi32, #tpu.memory_space<vmem>>, vector<16xi32>,
      %gather3A_76 = tpu.vector_load_idx %arg11[%get3A_71] : memref<5120xf32, #tpu.memory_space<vmem>>[vector<16xi32>], vector<16xf32>,
      %gather3A_77 = tpu.vector_load_idx %arg12[%get3A_75] : memref<5120xf32, #tpu.memory_space<vmem>>[vector<16xi32>], vector<16xf32>,
      %gather3A_78 = tpu.vector_load_idx %arg13[%get3A_75] : memref<5120xf32, #tpu.memory_space<vmem>>[vector<16xi32>], vector<16xf32>,
      %add3A_79 = arith.addf %gather3A_76, %gather3A_77 : vector<16xf32>
      %mul3A_80 = arith.constant 2.000000e-01 : f32
      %mul3A_81 = vector.broadcast %mul3A_80 : f32 to vector<16xf32>
      %mul3A_82 = arith.mulf %mul3A_81, %add3A_79 : vector<16xf32>
      %max3A_83 = arith.maximumf %add3A_79, %mul3A_82 : vector<16xf32>
      %sub3A_84 = arith.subf %max3A_83, %gather3A_78 : vector<16xf32>
      %exp3A_85 = math.exp %sub3A_84 : vector<16xf32>
      %swap3A_86 = arith.constant 16 : index
      %swap3A_87 = tpu.vector_load %arg18[%swap3A_86] {strides = array<i32>} : memref<144xf32, #tpu.memory_space<vmem>>, vector<16xf32>,
      tpu.vector_store %arg18[%swap3A_86], %exp3A_85 {strides = array<i32>} : memref<144xf32, #tpu.memory_space<vmem>>, vector<16xf32>,
      %get3A_88 = arith.constant 0 : i32
      %get3A_89 = arith.index_cast %get3A_88 : i32 to index
      %get3A_90 = arith.constant 32 : index
      %get3A_91 = tpu.vector_load %arg14[%get3A_89, %get3A_90] {strides = array<i32>} : memref<1x128xi32, #tpu.memory_space<vmem>>, vector<16xi32>,
      %get3A_92 = arith.constant 0 : i32
      %get3A_93 = arith.index_cast %get3A_92 : i32 to index
      %get3A_94 = arith.constant 32 : index
      %get3A_95 = tpu.vector_load %arg15[%get3A_93, %get3A_94] {strides = array<i32>} : memref<1x128xi32, #tpu.memory_space<vmem>>, vector<16xi32>,
      %gather3A_96 = tpu.vector_load_idx %arg11[%get3A_91] : memref<5120xf32, #tpu.memory_space<vmem>>[vector<16xi32>], vector<16xf32>,
      %gather3A_97 = tpu.vector_load_idx %arg12[%get3A_95] : memref<5120xf32, #tpu.memory_space<vmem>>[vector<16xi32>], vector<16xf32>,
      %gather3A_98 = tpu.vector_load_idx %arg13[%get3A_95] : memref<5120xf32, #tpu.memory_space<vmem>>[vector<16xi32>], vector<16xf32>,
      %add3A_99 = arith.addf %gather3A_96, %gather3A_97 : vector<16xf32>
      %mul3A_100 = arith.constant 2.000000e-01 : f32
      %mul3A_101 = vector.broadcast %mul3A_100 : f32 to vector<16xf32>
      %mul3A_102 = arith.mulf %mul3A_101, %add3A_99 : vector<16xf32>
      %max3A_103 = arith.maximumf %add3A_99, %mul3A_102 : vector<16xf32>
      %sub3A_104 = arith.subf %max3A_103, %gather3A_98 : vector<16xf32>
      %exp3A_105 = math.exp %sub3A_104 : vector<16xf32>
      %swap3A_106 = arith.constant 32 : index
      %swap3A_107 = tpu.vector_load %arg18[%swap3A_106] {strides = array<i32>} : memref<144xf32, #tpu.memory_space<vmem>>, vector<16xf32>,
      tpu.vector_store %arg18[%swap3A_106], %exp3A_105 {strides = array<i32>} : memref<144xf32, #tpu.memory_space<vmem>>, vector<16xf32>,
      %get3A_108 = arith.constant 0 : i32
      %get3A_109 = arith.index_cast %get3A_108 : i32 to index
      %get3A_110 = arith.constant 48 : index
      %get3A_111 = tpu.vector_load %arg14[%get3A_109, %get3A_110] {strides = array<i32>} : memref<1x128xi32, #tpu.memory_space<vmem>>, vector<16xi32>,
      %get3A_112 = arith.constant 0 : i32
      %get3A_113 = arith.index_cast %get3A_112 : i32 to index
      %get3A_114 = arith.constant 48 : index
      %get3A_115 = tpu.vector_load %arg15[%get3A_113, %get3A_114] {strides = array<i32>} : memref<1x128xi32, #tpu.memory_space<vmem>>, vector<16xi32>,
      %gather3A_116 = tpu.vector_load_idx %arg11[%get3A_111] : memref<5120xf32, #tpu.memory_space<vmem>>[vector<16xi32>], vector<16xf32>,
      %gather3A_117 = tpu.vector_load_idx %arg12[%get3A_115] : memref<5120xf32, #tpu.memory_space<vmem>>[vector<16xi32>], vector<16xf32>,
      %gather3A_118 = tpu.vector_load_idx %arg13[%get3A_115] : memref<5120xf32, #tpu.memory_space<vmem>>[vector<16xi32>], vector<16xf32>,
      %add3A_119 = arith.addf %gather3A_116, %gather3A_117 : vector<16xf32>
      %mul3A_120 = arith.constant 2.000000e-01 : f32
      %mul3A_121 = vector.broadcast %mul3A_120 : f32 to vector<16xf32>
      %mul3A_122 = arith.mulf %mul3A_121, %add3A_119 : vector<16xf32>
      %max3A_123 = arith.maximumf %add3A_119, %mul3A_122 : vector<16xf32>
      %sub3A_124 = arith.subf %max3A_123, %gather3A_118 : vector<16xf32>
      %exp3A_125 = math.exp %sub3A_124 : vector<16xf32>
      %swap3A_126 = arith.constant 48 : index
      %swap3A_127 = tpu.vector_load %arg18[%swap3A_126] {strides = array<i32>} : memref<144xf32, #tpu.memory_space<vmem>>, vector<16xf32>,
      tpu.vector_store %arg18[%swap3A_126], %exp3A_125 {strides = array<i32>} : memref<144xf32, #tpu.memory_space<vmem>>, vector<16xf32>,
      %get3A_128 = arith.constant 0 : i32
      %get3A_129 = arith.index_cast %get3A_128 : i32 to index
      %get3A_130 = arith.constant 64 : index
      %get3A_131 = tpu.vector_load %arg14[%get3A_129, %get3A_130] {strides = array<i32>} : memref<1x128xi32, #tpu.memory_space<vmem>>, vector<16xi32>,
      %get3A_132 = arith.constant 0 : i32
      %get3A_133 = arith.index_cast %get3A_132 : i32 to index
      %get3A_134 = arith.constant 64 : index
      %get3A_135 = tpu.vector_load %arg15[%get3A_133, %get3A_134] {strides = array<i32>} : memref<1x128xi32, #tpu.memory_space<vmem>>, vector<16xi32>,
      %gather3A_136 = tpu.vector_load_idx %arg11[%get3A_131] : memref<5120xf32, #tpu.memory_space<vmem>>[vector<16xi32>], vector<16xf32>,
      %gather3A_137 = tpu.vector_load_idx %arg12[%get3A_135] : memref<5120xf32, #tpu.memory_space<vmem>>[vector<16xi32>], vector<16xf32>,
      %gather3A_138 = tpu.vector_load_idx %arg13[%get3A_135] : memref<5120xf32, #tpu.memory_space<vmem>>[vector<16xi32>], vector<16xf32>,
      %add3A_139 = arith.addf %gather3A_136, %gather3A_137 : vector<16xf32>
      %mul3A_140 = arith.constant 2.000000e-01 : f32
      %mul3A_141 = vector.broadcast %mul3A_140 : f32 to vector<16xf32>
      %mul3A_142 = arith.mulf %mul3A_141, %add3A_139 : vector<16xf32>
      %max3A_143 = arith.maximumf %add3A_139, %mul3A_142 : vector<16xf32>
      %sub3A_144 = arith.subf %max3A_143, %gather3A_138 : vector<16xf32>
      %exp3A_145 = math.exp %sub3A_144 : vector<16xf32>
      %swap3A_146 = arith.constant 64 : index
      %swap3A_147 = tpu.vector_load %arg18[%swap3A_146] {strides = array<i32>} : memref<144xf32, #tpu.memory_space<vmem>>, vector<16xf32>,
      tpu.vector_store %arg18[%swap3A_146], %exp3A_145 {strides = array<i32>} : memref<144xf32, #tpu.memory_space<vmem>>, vector<16xf32>,
      %get3A_148 = arith.constant 0 : i32
      %get3A_149 = arith.index_cast %get3A_148 : i32 to index
      %get3A_150 = arith.constant 80 : index
      %get3A_151 = tpu.vector_load %arg14[%get3A_149, %get3A_150] {strides = array<i32>} : memref<1x128xi32, #tpu.memory_space<vmem>>, vector<16xi32>,
      %get3A_152 = arith.constant 0 : i32
      %get3A_153 = arith.index_cast %get3A_152 : i32 to index
      %get3A_154 = arith.constant 80 : index
      %get3A_155 = tpu.vector_load %arg15[%get3A_153, %get3A_154] {strides = array<i32>} : memref<1x128xi32, #tpu.memory_space<vmem>>, vector<16xi32>,
      %gather3A_156 = tpu.vector_load_idx %arg11[%get3A_151] : memref<5120xf32, #tpu.memory_space<vmem>>[vector<16xi32>], vector<16xf32>,
      %gather3A_157 = tpu.vector_load_idx %arg12[%get3A_155] : memref<5120xf32, #tpu.memory_space<vmem>>[vector<16xi32>], vector<16xf32>,
      %gather3A_158 = tpu.vector_load_idx %arg13[%get3A_155] : memref<5120xf32, #tpu.memory_space<vmem>>[vector<16xi32>], vector<16xf32>,
      %add3A_159 = arith.addf %gather3A_156, %gather3A_157 : vector<16xf32>
      %mul3A_160 = arith.constant 2.000000e-01 : f32
      %mul3A_161 = vector.broadcast %mul3A_160 : f32 to vector<16xf32>
      %mul3A_162 = arith.mulf %mul3A_161, %add3A_159 : vector<16xf32>
      %max3A_163 = arith.maximumf %add3A_159, %mul3A_162 : vector<16xf32>
      %sub3A_164 = arith.subf %max3A_163, %gather3A_158 : vector<16xf32>
      %exp3A_165 = math.exp %sub3A_164 : vector<16xf32>
      %swap3A_166 = arith.constant 80 : index
      %swap3A_167 = tpu.vector_load %arg18[%swap3A_166] {strides = array<i32>} : memref<144xf32, #tpu.memory_space<vmem>>, vector<16xf32>,
      tpu.vector_store %arg18[%swap3A_166], %exp3A_165 {strides = array<i32>} : memref<144xf32, #tpu.memory_space<vmem>>, vector<16xf32>,
      %get3A_168 = arith.constant 0 : i32
      %get3A_169 = arith.index_cast %get3A_168 : i32 to index
      %get3A_170 = arith.constant 96 : index
      %get3A_171 = tpu.vector_load %arg14[%get3A_169, %get3A_170] {strides = array<i32>} : memref<1x128xi32, #tpu.memory_space<vmem>>, vector<16xi32>,
      %get3A_172 = arith.constant 0 : i32
      %get3A_173 = arith.index_cast %get3A_172 : i32 to index
      %get3A_174 = arith.constant 96 : index
      %get3A_175 = tpu.vector_load %arg15[%get3A_173, %get3A_174] {strides = array<i32>} : memref<1x128xi32, #tpu.memory_space<vmem>>, vector<16xi32>,
      %gather3A_176 = tpu.vector_load_idx %arg11[%get3A_171] : memref<5120xf32, #tpu.memory_space<vmem>>[vector<16xi32>], vector<16xf32>,
      %gather3A_177 = tpu.vector_load_idx %arg12[%get3A_175] : memref<5120xf32, #tpu.memory_space<vmem>>[vector<16xi32>], vector<16xf32>,
      %gather3A_178 = tpu.vector_load_idx %arg13[%get3A_175] : memref<5120xf32, #tpu.memory_space<vmem>>[vector<16xi32>], vector<16xf32>,
      %add3A_179 = arith.addf %gather3A_176, %gather3A_177 : vector<16xf32>
      %mul3A_180 = arith.constant 2.000000e-01 : f32
      %mul3A_181 = vector.broadcast %mul3A_180 : f32 to vector<16xf32>
      %mul3A_182 = arith.mulf %mul3A_181, %add3A_179 : vector<16xf32>
      %max3A_183 = arith.maximumf %add3A_179, %mul3A_182 : vector<16xf32>
      %sub3A_184 = arith.subf %max3A_183, %gather3A_178 : vector<16xf32>
      %exp3A_185 = math.exp %sub3A_184 : vector<16xf32>
      %swap3A_186 = arith.constant 96 : index
      %swap3A_187 = tpu.vector_load %arg18[%swap3A_186] {strides = array<i32>} : memref<144xf32, #tpu.memory_space<vmem>>, vector<16xf32>,
      tpu.vector_store %arg18[%swap3A_186], %exp3A_185 {strides = array<i32>} : memref<144xf32, #tpu.memory_space<vmem>>, vector<16xf32>,
      %get3A_188 = arith.constant 0 : i32
      %get3A_189 = arith.index_cast %get3A_188 : i32 to index
      %get3A_190 = arith.constant 112 : index
      %get3A_191 = tpu.vector_load %arg14[%get3A_189, %get3A_190] {strides = array<i32>} : memref<1x128xi32, #tpu.memory_space<vmem>>, vector<16xi32>,
      %get3A_192 = arith.constant 0 : i32
      %get3A_193 = arith.index_cast %get3A_192 : i32 to index
      %get3A_194 = arith.constant 112 : index
      %get3A_195 = tpu.vector_load %arg15[%get3A_193, %get3A_194] {strides = array<i32>} : memref<1x128xi32, #tpu.memory_space<vmem>>, vector<16xi32>,
      %gather3A_196 = tpu.vector_load_idx %arg11[%get3A_191] : memref<5120xf32, #tpu.memory_space<vmem>>[vector<16xi32>], vector<16xf32>,
      %gather3A_197 = tpu.vector_load_idx %arg12[%get3A_195] : memref<5120xf32, #tpu.memory_space<vmem>>[vector<16xi32>], vector<16xf32>,
      %gather3A_198 = tpu.vector_load_idx %arg13[%get3A_195] : memref<5120xf32, #tpu.memory_space<vmem>>[vector<16xi32>], vector<16xf32>,
      %add3A_199 = arith.addf %gather3A_196, %gather3A_197 : vector<16xf32>
      %mul3A_200 = arith.constant 2.000000e-01 : f32
      %mul3A_201 = vector.broadcast %mul3A_200 : f32 to vector<16xf32>
      %mul3A_202 = arith.mulf %mul3A_201, %add3A_199 : vector<16xf32>
      %max3A_203 = arith.maximumf %add3A_199, %mul3A_202 : vector<16xf32>
      %sub3A_204 = arith.subf %max3A_203, %gather3A_198 : vector<16xf32>
      %exp3A_205 = math.exp %sub3A_204 : vector<16xf32>
      %swap3A_206 = arith.constant 112 : index
      %swap3A_207 = tpu.vector_load %arg18[%swap3A_206] {strides = array<i32>} : memref<144xf32, #tpu.memory_space<vmem>>, vector<16xf32>,
      tpu.vector_store %arg18[%swap3A_206], %exp3A_205 {strides = array<i32>} : memref<144xf32, #tpu.memory_space<vmem>>, vector<16xf32>,
      %scan3A_208 = arith.constant 0 : i32
      %scan3A_209 = arith.constant 0 : i32
      %scan3A_210 = arith.constant 128 : i32
      %scan3A_211 = arith.addi %scan3A_209, %scan3A_210 : i32
      %scan3A_212 = arith.constant 1 : i32
      %scan3A_213 = scf.for %scan3A_217 = %scan3A_209 to %scan3A_211 step %scan3A_212 iter_args(%scan3A_218 = %scan3A_208) -> (i32)  : i32 {
        %get3A_219 = arith.index_cast %scan3A_217 : i32 to index
        %get3A_220 = tpu.vector_load %arg18[%get3A_219] {strides = array<i32>} : memref<144xf32, #tpu.memory_space<vmem>>, vector<16xf32>,
        %slice3A = vector.extract_strided_slice %get3A_220 {offsets = [0], sizes = [1], strides = [1]} : vector<16xf32> to vector<1xf32>
        %squeeze3A = vector.extract %slice3A[0] : f32 from vector<1xf32>
        %get3A_221 = arith.index_cast %scan3A_217 : i32 to index
        %get3A_222 = arith.constant 0 : index
        %get3A_223 = tpu.vector_load %arg16[%get3A_221, %get3A_222] {strides = array<i32>} : memref<128x128xf32, #tpu.memory_space<vmem>>, vector<16xf32>,
        %mul3A_224 = vector.broadcast %squeeze3A : f32 to vector<16xf32>
        %mul3A_225 = arith.mulf %get3A_223, %mul3A_224 : vector<16xf32>
        %swap3A_226 = arith.index_cast %scan3A_217 : i32 to index
        %swap3A_227 = arith.constant 0 : index
        %swap3A_228 = tpu.vector_load %arg17[%swap3A_226, %swap3A_227] {strides = array<i32>} : memref<128x144xf32, #tpu.memory_space<vmem>>, vector<16xf32>,
        tpu.vector_store %arg17[%swap3A_226, %swap3A_227], %mul3A_225 {strides = array<i32>} : memref<128x144xf32, #tpu.memory_space<vmem>>, vector<16xf32>,
        %get3A_229 = arith.index_cast %scan3A_217 : i32 to index
        %get3A_230 = arith.constant 16 : index
        %get3A_231 = tpu.vector_load %arg16[%get3A_229, %get3A_230] {strides = array<i32>} : memref<128x128xf32, #tpu.memory_space<vmem>>, vector<16xf32>,
        %mul3A_232 = vector.broadcast %squeeze3A : f32 to vector<16xf32>
        %mul3A_233 = arith.mulf %get3A_231, %mul3A_232 : vector<16xf32>
        %swap3A_234 = arith.index_cast %scan3A_217 : i32 to index
        %swap3A_235 = arith.constant 16 : index
        %swap3A_236 = tpu.vector_load %arg17[%swap3A_234, %swap3A_235] {strides = array<i32>} : memref<128x144xf32, #tpu.memory_space<vmem>>, vector<16xf32>,
        tpu.vector_store %arg17[%swap3A_234, %swap3A_235], %mul3A_233 {strides = array<i32>} : memref<128x144xf32, #tpu.memory_space<vmem>>, vector<16xf32>,
        %get3A_237 = arith.index_cast %scan3A_217 : i32 to index
        %get3A_238 = arith.constant 32 : index
        %get3A_239 = tpu.vector_load %arg16[%get3A_237, %get3A_238] {strides = array<i32>} : memref<128x128xf32, #tpu.memory_space<vmem>>, vector<16xf32>,
        %mul3A_240 = vector.broadcast %squeeze3A : f32 to vector<16xf32>
        %mul3A_241 = arith.mulf %get3A_239, %mul3A_240 : vector<16xf32>
        %swap3A_242 = arith.index_cast %scan3A_217 : i32 to index
        %swap3A_243 = arith.constant 32 : index
        %swap3A_244 = tpu.vector_load %arg17[%swap3A_242, %swap3A_243] {strides = array<i32>} : memref<128x144xf32, #tpu.memory_space<vmem>>, vector<16xf32>,
        tpu.vector_store %arg17[%swap3A_242, %swap3A_243], %mul3A_241 {strides = array<i32>} : memref<128x144xf32, #tpu.memory_space<vmem>>, vector<16xf32>,
        %get3A_245 = arith.index_cast %scan3A_217 : i32 to index
        %get3A_246 = arith.constant 48 : index
        %get3A_247 = tpu.vector_load %arg16[%get3A_245, %get3A_246] {strides = array<i32>} : memref<128x128xf32, #tpu.memory_space<vmem>>, vector<16xf32>,
        %mul3A_248 = vector.broadcast %squeeze3A : f32 to vector<16xf32>
        %mul3A_249 = arith.mulf %get3A_247, %mul3A_248 : vector<16xf32>
        %swap3A_250 = arith.index_cast %scan3A_217 : i32 to index
        %swap3A_251 = arith.constant 48 : index
        %swap3A_252 = tpu.vector_load %arg17[%swap3A_250, %swap3A_251] {strides = array<i32>} : memref<128x144xf32, #tpu.memory_space<vmem>>, vector<16xf32>,
        tpu.vector_store %arg17[%swap3A_250, %swap3A_251], %mul3A_249 {strides = array<i32>} : memref<128x144xf32, #tpu.memory_space<vmem>>, vector<16xf32>,
        %get3A_253 = arith.index_cast %scan3A_217 : i32 to index
        %get3A_254 = arith.constant 64 : index
        %get3A_255 = tpu.vector_load %arg16[%get3A_253, %get3A_254] {strides = array<i32>} : memref<128x128xf32, #tpu.memory_space<vmem>>, vector<16xf32>,
        %mul3A_256 = vector.broadcast %squeeze3A : f32 to vector<16xf32>
        %mul3A_257 = arith.mulf %get3A_255, %mul3A_256 : vector<16xf32>
        %swap3A_258 = arith.index_cast %scan3A_217 : i32 to index
        %swap3A_259 = arith.constant 64 : index
        %swap3A_260 = tpu.vector_load %arg17[%swap3A_258, %swap3A_259] {strides = array<i32>} : memref<128x144xf32, #tpu.memory_space<vmem>>, vector<16xf32>,
        tpu.vector_store %arg17[%swap3A_258, %swap3A_259], %mul3A_257 {strides = array<i32>} : memref<128x144xf32, #tpu.memory_space<vmem>>, vector<16xf32>,
        %get3A_261 = arith.index_cast %scan3A_217 : i32 to index
        %get3A_262 = arith.constant 80 : index
        %get3A_263 = tpu.vector_load %arg16[%get3A_261, %get3A_262] {strides = array<i32>} : memref<128x128xf32, #tpu.memory_space<vmem>>, vector<16xf32>,
        %mul3A_264 = vector.broadcast %squeeze3A : f32 to vector<16xf32>
        %mul3A_265 = arith.mulf %get3A_263, %mul3A_264 : vector<16xf32>
        %swap3A_266 = arith.index_cast %scan3A_217 : i32 to index
        %swap3A_267 = arith.constant 80 : index
        %swap3A_268 = tpu.vector_load %arg17[%swap3A_266, %swap3A_267] {strides = array<i32>} : memref<128x144xf32, #tpu.memory_space<vmem>>, vector<16xf32>,
        tpu.vector_store %arg17[%swap3A_266, %swap3A_267], %mul3A_265 {strides = array<i32>} : memref<128x144xf32, #tpu.memory_space<vmem>>, vector<16xf32>,
        %get3A_269 = arith.index_cast %scan3A_217 : i32 to index
        %get3A_270 = arith.constant 96 : index
        %get3A_271 = tpu.vector_load %arg16[%get3A_269, %get3A_270] {strides = array<i32>} : memref<128x128xf32, #tpu.memory_space<vmem>>, vector<16xf32>,
        %mul3A_272 = vector.broadcast %squeeze3A : f32 to vector<16xf32>
        %mul3A_273 = arith.mulf %get3A_271, %mul3A_272 : vector<16xf32>
        %swap3A_274 = arith.index_cast %scan3A_217 : i32 to index
        %swap3A_275 = arith.constant 96 : index
        %swap3A_276 = tpu.vector_load %arg17[%swap3A_274, %swap3A_275] {strides = array<i32>} : memref<128x144xf32, #tpu.memory_space<vmem>>, vector<16xf32>,
        tpu.vector_store %arg17[%swap3A_274, %swap3A_275], %mul3A_273 {strides = array<i32>} : memref<128x144xf32, #tpu.memory_space<vmem>>, vector<16xf32>,
        %get3A_277 = arith.index_cast %scan3A_217 : i32 to index
        %get3A_278 = arith.constant 112 : index
        %get3A_279 = tpu.vector_load %arg16[%get3A_277, %get3A_278] {strides = array<i32>} : memref<128x128xf32, #tpu.memory_space<vmem>>, vector<16xf32>,
        %mul3A_280 = vector.broadcast %squeeze3A : f32 to vector<16xf32>
        %mul3A_281 = arith.mulf %get3A_279, %mul3A_280 : vector<16xf32>
        %swap3A_282 = arith.index_cast %scan3A_217 : i32 to index
        %swap3A_283 = arith.constant 112 : index
        %swap3A_284 = tpu.vector_load %arg17[%swap3A_282, %swap3A_283] {strides = array<i32>} : memref<128x144xf32, #tpu.memory_space<vmem>>, vector<16xf32>,
        tpu.vector_store %arg17[%swap3A_282, %swap3A_283], %mul3A_281 {strides = array<i32>} : memref<128x144xf32, #tpu.memory_space<vmem>>, vector<16xf32>,
        %jit3A = arith.constant 0.000000e+00 : f32
        %broadcast_in_dim3A_285 = vector.broadcast %squeeze3A : f32 to vector<16xf32>
        %broadcast_in_dim3A_286 = vector.broadcast %jit3A : f32 to vector<16xf32>
        %select_n3A = arith.select %eq3A_18, %broadcast_in_dim3A_285, %broadcast_in_dim3A_286 : vector<16xi1>, vector<16xf32>
        %swap3A_287 = arith.index_cast %scan3A_217 : i32 to index
        %swap3A_288 = arith.constant 128 : index
        %swap3A_289 = tpu.vector_load %arg17[%swap3A_287, %swap3A_288] {strides = array<i32>} : memref<128x144xf32, #tpu.memory_space<vmem>>, vector<16xf32>,
        tpu.vector_store %arg17[%swap3A_287, %swap3A_288], %select_n3A {strides = array<i32>} : memref<128x144xf32, #tpu.memory_space<vmem>>, vector<16xf32>,
        %scan3A_290 = arith.constant 0 : i32
        scf.yield %scan3A_290 : i32
      }
      %scan3A_214 = arith.constant 128 : i32
      %run_scoped3A_215 = arith.constant 0 : i32
      "tpu.region"() ({
        %run_scoped3A_217 = tpu.sem_alloc : memref<!tpu.dma_semaphore, #tpu.memory_space<semaphore_mem>>
        %dma_start3A_218 = arith.constant 0 : i32
        %dma_start3A_219 = tpu.memref_slice %arg15[%run_scoped3A_215, %dma_start3A_218] : memref<1x128xi32, #tpu.memory_space<vmem>> -> memref<1x128xi32, #tpu.memory_space<vmem>>
        %dma_start3A_220 = tpu.memref_squeeze %dma_start3A_219 : memref<1x128xi32, #tpu.memory_space<vmem>> -> memref<128xi32, #tpu.memory_space<vmem>>
        %dma_start3A_221 = arith.constant 0 : i32
        %dma_start3A_222 = arith.constant 0 : i32
        %dma_start3A_223 = tpu.memref_slice %arg10[%dma_start3A_221, %dma_start3A_222] : memref<5120x144xf32, #tpu.memory_space<vmem_shared>> -> memref<5120x144xf32, #tpu.memory_space<vmem_shared>>
        tpu.enqueue_indirect_dma source(%arg17 : memref<128x144xf32, #tpu.memory_space<vmem>>) target(%dma_start3A_223 : memref<5120x144xf32, #tpu.memory_space<vmem_shared>>) offsets(%dma_start3A_220 : memref<128xi32, #tpu.memory_space<vmem>>) semaphore(%run_scoped3A_217 : memref<!tpu.dma_semaphore, #tpu.memory_space<semaphore_mem>>) {add = true}
        %dma_wait3A_224 = arith.constant 0 : i32
        %dma_wait3A_225 = tpu.memref_slice %arg15[%run_scoped3A_215, %dma_wait3A_224] : memref<1x128xi32, #tpu.memory_space<vmem>> -> memref<1x128xi32, #tpu.memory_space<vmem>>
        %dma_wait3A_226 = tpu.memref_squeeze %dma_wait3A_225 : memref<1x128xi32, #tpu.memory_space<vmem>> -> memref<128xi32, #tpu.memory_space<vmem>>
        %dma_wait3A_227 = arith.constant 0 : i32
        %dma_wait3A_228 = arith.constant 0 : i32
        %dma_wait3A_229 = tpu.memref_slice %arg10[%dma_wait3A_227, %dma_wait3A_228] : memref<5120x144xf32, #tpu.memory_space<vmem_shared>> -> memref<5120x144xf32, #tpu.memory_space<vmem_shared>>
        tpu.wait_indirect_dma semaphore(%run_scoped3A_217 : memref<!tpu.dma_semaphore, #tpu.memory_space<semaphore_mem>>) src(%arg17 : memref<128x144xf32, #tpu.memory_space<vmem>>) dst(%dma_wait3A_229 : memref<5120x144xf32, #tpu.memory_space<vmem_shared>>)
        tpu.yield
      }) : () -> ()
      %scan3A_216 = arith.constant 0 : i32
      scf.yield %scan3A_216 : i32
    }
    %scan3A_25 = arith.constant 21 : i32
    %barrier3A_26 = arith.constant 0 : index
    tpu.barrier barrier_id(%barrier3A_26)
    %mul3A_27 = arith.constant 320 : i32
    %mul3A_28 = arith.muli %arg1, %mul3A_27 : i32
    %eq3A_29 = arith.constant 0 : i32
    %eq3A_30 = arith.cmpi eq, %arg0, %eq3A_29 : i32
    %convert_element_type3A = arith.extui %eq3A_30 : i1 to i32
    %cond3A = arith.constant 0 : i32
    %cond3A_31 = arith.cmpi ne, %convert_element_type3A, %cond3A : i32
    scf.if %cond3A_31 {
      "tpu.region"() ({
        %run_scoped3A_37 = tpu.sem_alloc : memref<!tpu.dma_semaphore, #tpu.memory_space<semaphore_mem>>
        %dma_start3A = arith.constant 0 : i32
        %dma_start3A_38 = tpu.memref_slice %arg8[%mul3A_28, %dma_start3A] : memref<5120x144xf32, #tpu.memory_space<hbm>> -> memref<320x144xf32, #tpu.memory_space<hbm>>
        %dma_start3A_39 = arith.constant 0 : i32
        %dma_start3A_40 = tpu.memref_slice %arg10[%mul3A_28, %dma_start3A_39] : memref<5120x144xf32, #tpu.memory_space<vmem_shared>> -> memref<320x144xf32, #tpu.memory_space<vmem_shared>>
        tpu.enqueue_dma source(%dma_start3A_40 : memref<320x144xf32, #tpu.memory_space<vmem_shared>>) target(%dma_start3A_38 : memref<320x144xf32, #tpu.memory_space<hbm>>) target_semaphore(%run_scoped3A_37 : memref<!tpu.dma_semaphore, #tpu.memory_space<semaphore_mem>>)
        %dma_wait3A = arith.constant 0 : i32
        %dma_wait3A_41 = tpu.memref_slice %arg8[%mul3A_28, %dma_wait3A] : memref<5120x144xf32, #tpu.memory_space<hbm>> -> memref<320x144xf32, #tpu.memory_space<hbm>>
        %dma_wait3A_42 = arith.constant 0 : i32
        %dma_wait3A_43 = tpu.memref_slice %arg10[%mul3A_28, %dma_wait3A_42] : memref<5120x144xf32, #tpu.memory_space<vmem_shared>> -> memref<320x144xf32, #tpu.memory_space<vmem_shared>>
        tpu.wait_dma2 semaphore(%run_scoped3A_37 : memref<!tpu.dma_semaphore, #tpu.memory_space<semaphore_mem>>) src(%dma_wait3A_43 : memref<320x144xf32, #tpu.memory_space<vmem_shared>>) dst(%dma_wait3A_41 : memref<320x144xf32, #tpu.memory_space<hbm>>)
        tpu.yield
      }) : () -> ()
    } else {
    }
    %eq3A_32 = arith.constant 1 : i32
    %eq3A_33 = arith.cmpi eq, %arg0, %eq3A_32 : i32
    %convert_element_type3A_34 = arith.extui %eq3A_33 : i1 to i32
    %cond3A_35 = arith.constant 0 : i32
    %cond3A_36 = arith.cmpi ne, %convert_element_type3A_34, %cond3A_35 : i32
    scf.if %cond3A_36 {
      "tpu.region"() ({
        %run_scoped3A_37 = tpu.sem_alloc : memref<!tpu.dma_semaphore, #tpu.memory_space<semaphore_mem>>
        %dma_start3A = arith.constant 0 : i32
        %dma_start3A_38 = tpu.memref_slice %arg9[%mul3A_28, %dma_start3A] : memref<5120x144xf32, #tpu.memory_space<hbm>> -> memref<320x144xf32, #tpu.memory_space<hbm>>
        %dma_start3A_39 = arith.constant 0 : i32
        %dma_start3A_40 = tpu.memref_slice %arg10[%mul3A_28, %dma_start3A_39] : memref<5120x144xf32, #tpu.memory_space<vmem_shared>> -> memref<320x144xf32, #tpu.memory_space<vmem_shared>>
        tpu.enqueue_dma source(%dma_start3A_40 : memref<320x144xf32, #tpu.memory_space<vmem_shared>>) target(%dma_start3A_38 : memref<320x144xf32, #tpu.memory_space<hbm>>) target_semaphore(%run_scoped3A_37 : memref<!tpu.dma_semaphore, #tpu.memory_space<semaphore_mem>>)
        %dma_wait3A = arith.constant 0 : i32
        %dma_wait3A_41 = tpu.memref_slice %arg9[%mul3A_28, %dma_wait3A] : memref<5120x144xf32, #tpu.memory_space<hbm>> -> memref<320x144xf32, #tpu.memory_space<hbm>>
        %dma_wait3A_42 = arith.constant 0 : i32
        %dma_wait3A_43 = tpu.memref_slice %arg10[%mul3A_28, %dma_wait3A_42] : memref<5120x144xf32, #tpu.memory_space<vmem_shared>> -> memref<320x144xf32, #tpu.memory_space<vmem_shared>>
        tpu.wait_dma2 semaphore(%run_scoped3A_37 : memref<!tpu.dma_semaphore, #tpu.memory_space<semaphore_mem>>) src(%dma_wait3A_43 : memref<320x144xf32, #tpu.memory_space<vmem_shared>>) dst(%dma_wait3A_41 : memref<320x144xf32, #tpu.memory_space<hbm>>)
        tpu.yield
      }) : () -> ()
    } else {
    }
    return
  }
}

#map = affine_map<(d0, d1) -> (0, 0)>
module attributes {stable_mosaic.version = 14 : i64} {
  func.func @_g_body(%arg0: i32, %arg1: i32, %arg2: memref<5120x1xf32, #tpu.memory_space<hbm>>, %arg3: memref<416x128xf32, #tpu.memory_space<hbm>>, %arg4: memref<416x128xi32, #tpu.memory_space<hbm>>, %arg5: memref<416x128xf32, #tpu.memory_space<hbm>>, %arg6: memref<5120x1xf32, #tpu.memory_space<vmem>>, %arg7: memref<1x128xi32, #tpu.memory_space<vmem>>, %arg8: memref<1x128xf32, #tpu.memory_space<vmem>>, %arg9: memref<1x128xf32, #tpu.memory_space<vmem>>, %arg10: memref<16xi32, #tpu.memory_space<vmem>>) attributes {dimension_semantics = [#tpu.dimension_semantics<core_parallel>, #tpu.dimension_semantics<subcore_parallel>], iteration_bounds = array<i64: 2, 16>, scalar_prefetch = 0 : i64, scratch_operands = 5 : i64, tpu.core_type = #tpu.core_type<sc_vector_subcore>, window_params = [{transform_indices = #map}, {transform_indices = #map}, {transform_indices = #map}, {transform_indices = #map}]} {
    %mul3A = arith.constant 16 : i32
    %mul3A_0 = arith.muli %arg0, %mul3A : i32
    %add3A = arith.addi %mul3A_0, %arg1 : i32
    "tpu.region"() ({
      %run_scoped3A = tpu.sem_alloc : memref<!tpu.dma_semaphore, #tpu.memory_space<semaphore_mem>>
      tpu.enqueue_dma source(%arg2 : memref<5120x1xf32, #tpu.memory_space<hbm>>) target(%arg6 : memref<5120x1xf32, #tpu.memory_space<vmem>>) target_semaphore(%run_scoped3A : memref<!tpu.dma_semaphore, #tpu.memory_space<semaphore_mem>>)
      tpu.wait_dma2 semaphore(%run_scoped3A : memref<!tpu.dma_semaphore, #tpu.memory_space<semaphore_mem>>) src(%arg2 : memref<5120x1xf32, #tpu.memory_space<hbm>>) dst(%arg6 : memref<5120x1xf32, #tpu.memory_space<vmem>>)
      tpu.yield
    }) : () -> ()
    %broadcast_in_dim3A = arith.constant 0 : i32
    %broadcast_in_dim3A_1 = vector.broadcast %broadcast_in_dim3A : i32 to vector<16xi32>
    %scan3A = arith.constant 0 : i32
    %scan3A_2 = arith.constant 0 : i32
    %scan3A_3 = arith.constant 13 : i32
    %scan3A_4 = arith.addi %scan3A_2, %scan3A_3 : i32
    %scan3A_5 = arith.constant 1 : i32
    %scan3A_6 = scf.for %scan3A_8 = %scan3A_2 to %scan3A_4 step %scan3A_5 iter_args(%scan3A_9 = %scan3A) -> (i32)  : i32 {
      %mul3A_10 = arith.constant 13 : i32
      %mul3A_11 = arith.muli %add3A, %mul3A_10 : i32
      %add3A_12 = arith.addi %mul3A_11, %scan3A_8 : i32
      "tpu.region"() ({
        %run_scoped3A = tpu.sem_alloc : memref<!tpu.dma_semaphore, #tpu.memory_space<semaphore_mem>>
        %dma_start3A = arith.constant 0 : i32
        %dma_start3A_123 = tpu.memref_slice %arg4[%add3A_12, %dma_start3A] : memref<416x128xi32, #tpu.memory_space<hbm>> -> memref<1x128xi32, #tpu.memory_space<hbm>>
        %dma_start3A_124 = arith.constant 0 : i32
        %dma_start3A_125 = tpu.memref_slice %arg4[%add3A_12, %dma_start3A_124] : memref<416x128xi32, #tpu.memory_space<hbm>> -> memref<1x128xi32, #tpu.memory_space<hbm>>
        tpu.enqueue_dma source(%dma_start3A_125 : memref<1x128xi32, #tpu.memory_space<hbm>>) target(%arg7 : memref<1x128xi32, #tpu.memory_space<vmem>>) target_semaphore(%run_scoped3A : memref<!tpu.dma_semaphore, #tpu.memory_space<semaphore_mem>>)
        %dma_wait3A = arith.constant 0 : i32
        %dma_wait3A_126 = tpu.memref_slice %arg4[%add3A_12, %dma_wait3A] : memref<416x128xi32, #tpu.memory_space<hbm>> -> memref<1x128xi32, #tpu.memory_space<hbm>>
        %dma_wait3A_127 = arith.constant 0 : i32
        %dma_wait3A_128 = tpu.memref_slice %arg4[%add3A_12, %dma_wait3A_127] : memref<416x128xi32, #tpu.memory_space<hbm>> -> memref<1x128xi32, #tpu.memory_space<hbm>>
        tpu.wait_dma2 semaphore(%run_scoped3A : memref<!tpu.dma_semaphore, #tpu.memory_space<semaphore_mem>>) src(%dma_wait3A_128 : memref<1x128xi32, #tpu.memory_space<hbm>>) dst(%arg7 : memref<1x128xi32, #tpu.memory_space<vmem>>)
        tpu.yield
      }) : () -> ()
      "tpu.region"() ({
        %run_scoped3A = tpu.sem_alloc : memref<!tpu.dma_semaphore, #tpu.memory_space<semaphore_mem>>
        %dma_start3A = arith.constant 0 : i32
        %dma_start3A_123 = tpu.memref_slice %arg3[%add3A_12, %dma_start3A] : memref<416x128xf32, #tpu.memory_space<hbm>> -> memref<1x128xf32, #tpu.memory_space<hbm>>
        %dma_start3A_124 = arith.constant 0 : i32
        %dma_start3A_125 = tpu.memref_slice %arg3[%add3A_12, %dma_start3A_124] : memref<416x128xf32, #tpu.memory_space<hbm>> -> memref<1x128xf32, #tpu.memory_space<hbm>>
        tpu.enqueue_dma source(%dma_start3A_125 : memref<1x128xf32, #tpu.memory_space<hbm>>) target(%arg8 : memref<1x128xf32, #tpu.memory_space<vmem>>) target_semaphore(%run_scoped3A : memref<!tpu.dma_semaphore, #tpu.memory_space<semaphore_mem>>)
        %dma_wait3A = arith.constant 0 : i32
        %dma_wait3A_126 = tpu.memref_slice %arg3[%add3A_12, %dma_wait3A] : memref<416x128xf32, #tpu.memory_space<hbm>> -> memref<1x128xf32, #tpu.memory_space<hbm>>
        %dma_wait3A_127 = arith.constant 0 : i32
        %dma_wait3A_128 = tpu.memref_slice %arg3[%add3A_12, %dma_wait3A_127] : memref<416x128xf32, #tpu.memory_space<hbm>> -> memref<1x128xf32, #tpu.memory_space<hbm>>
        tpu.wait_dma2 semaphore(%run_scoped3A : memref<!tpu.dma_semaphore, #tpu.memory_space<semaphore_mem>>) src(%dma_wait3A_128 : memref<1x128xf32, #tpu.memory_space<hbm>>) dst(%arg8 : memref<1x128xf32, #tpu.memory_space<vmem>>)
        tpu.yield
      }) : () -> ()
      %get3A = arith.constant 0 : i32
      %get3A_13 = arith.index_cast %get3A : i32 to index
      %get3A_14 = arith.constant 0 : index
      %get3A_15 = tpu.vector_load %arg7[%get3A_13, %get3A_14] {strides = array<i32>} : memref<1x128xi32, #tpu.memory_space<vmem>>, vector<16xi32>,
      %gather3A = tpu.vector_load_idx %arg6[%get3A_15, %broadcast_in_dim3A_1] : memref<5120x1xf32, #tpu.memory_space<vmem>>[vector<16xi32>, vector<16xi32>], vector<16xf32>,
      %get3A_16 = arith.constant 0 : i32
      %get3A_17 = arith.index_cast %get3A_16 : i32 to index
      %get3A_18 = arith.constant 0 : index
      %get3A_19 = tpu.vector_load %arg8[%get3A_17, %get3A_18] {strides = array<i32>} : memref<1x128xf32, #tpu.memory_space<vmem>>, vector<16xf32>,
      %add3A_20 = arith.addf %gather3A, %get3A_19 : vector<16xf32>
      %swap3A = arith.constant 0 : i32
      %swap3A_21 = arith.index_cast %swap3A : i32 to index
      %swap3A_22 = arith.constant 0 : index
      %swap3A_23 = tpu.vector_load %arg9[%swap3A_21, %swap3A_22] {strides = array<i32>} : memref<1x128xf32, #tpu.memory_space<vmem>>, vector<16xf32>,
      tpu.vector_store %arg9[%swap3A_21, %swap3A_22], %add3A_20 {strides = array<i32>} : memref<1x128xf32, #tpu.memory_space<vmem>>, vector<16xf32>,
      %get3A_24 = arith.constant 0 : i32
      %get3A_25 = arith.index_cast %get3A_24 : i32 to index
      %get3A_26 = arith.constant 16 : index
      %get3A_27 = tpu.vector_load %arg7[%get3A_25, %get3A_26] {strides = array<i32>} : memref<1x128xi32, #tpu.memory_space<vmem>>, vector<16xi32>,
      %gather3A_28 = tpu.vector_load_idx %arg6[%get3A_27, %broadcast_in_dim3A_1] : memref<5120x1xf32, #tpu.memory_space<vmem>>[vector<16xi32>, vector<16xi32>], vector<16xf32>,
      %get3A_29 = arith.constant 0 : i32
      %get3A_30 = arith.index_cast %get3A_29 : i32 to index
      %get3A_31 = arith.constant 16 : index
      %get3A_32 = tpu.vector_load %arg8[%get3A_30, %get3A_31] {strides = array<i32>} : memref<1x128xf32, #tpu.memory_space<vmem>>, vector<16xf32>,
      %add3A_33 = arith.addf %gather3A_28, %get3A_32 : vector<16xf32>
      %swap3A_34 = arith.constant 0 : i32
      %swap3A_35 = arith.index_cast %swap3A_34 : i32 to index
      %swap3A_36 = arith.constant 16 : index
      %swap3A_37 = tpu.vector_load %arg9[%swap3A_35, %swap3A_36] {strides = array<i32>} : memref<1x128xf32, #tpu.memory_space<vmem>>, vector<16xf32>,
      tpu.vector_store %arg9[%swap3A_35, %swap3A_36], %add3A_33 {strides = array<i32>} : memref<1x128xf32, #tpu.memory_space<vmem>>, vector<16xf32>,
      %get3A_38 = arith.constant 0 : i32
      %get3A_39 = arith.index_cast %get3A_38 : i32 to index
      %get3A_40 = arith.constant 32 : index
      %get3A_41 = tpu.vector_load %arg7[%get3A_39, %get3A_40] {strides = array<i32>} : memref<1x128xi32, #tpu.memory_space<vmem>>, vector<16xi32>,
      %gather3A_42 = tpu.vector_load_idx %arg6[%get3A_41, %broadcast_in_dim3A_1] : memref<5120x1xf32, #tpu.memory_space<vmem>>[vector<16xi32>, vector<16xi32>], vector<16xf32>,
      %get3A_43 = arith.constant 0 : i32
      %get3A_44 = arith.index_cast %get3A_43 : i32 to index
      %get3A_45 = arith.constant 32 : index
      %get3A_46 = tpu.vector_load %arg8[%get3A_44, %get3A_45] {strides = array<i32>} : memref<1x128xf32, #tpu.memory_space<vmem>>, vector<16xf32>,
      %add3A_47 = arith.addf %gather3A_42, %get3A_46 : vector<16xf32>
      %swap3A_48 = arith.constant 0 : i32
      %swap3A_49 = arith.index_cast %swap3A_48 : i32 to index
      %swap3A_50 = arith.constant 32 : index
      %swap3A_51 = tpu.vector_load %arg9[%swap3A_49, %swap3A_50] {strides = array<i32>} : memref<1x128xf32, #tpu.memory_space<vmem>>, vector<16xf32>,
      tpu.vector_store %arg9[%swap3A_49, %swap3A_50], %add3A_47 {strides = array<i32>} : memref<1x128xf32, #tpu.memory_space<vmem>>, vector<16xf32>,
      %get3A_52 = arith.constant 0 : i32
      %get3A_53 = arith.index_cast %get3A_52 : i32 to index
      %get3A_54 = arith.constant 48 : index
      %get3A_55 = tpu.vector_load %arg7[%get3A_53, %get3A_54] {strides = array<i32>} : memref<1x128xi32, #tpu.memory_space<vmem>>, vector<16xi32>,
      %gather3A_56 = tpu.vector_load_idx %arg6[%get3A_55, %broadcast_in_dim3A_1] : memref<5120x1xf32, #tpu.memory_space<vmem>>[vector<16xi32>, vector<16xi32>], vector<16xf32>,
      %get3A_57 = arith.constant 0 : i32
      %get3A_58 = arith.index_cast %get3A_57 : i32 to index
      %get3A_59 = arith.constant 48 : index
      %get3A_60 = tpu.vector_load %arg8[%get3A_58, %get3A_59] {strides = array<i32>} : memref<1x128xf32, #tpu.memory_space<vmem>>, vector<16xf32>,
      %add3A_61 = arith.addf %gather3A_56, %get3A_60 : vector<16xf32>
      %swap3A_62 = arith.constant 0 : i32
      %swap3A_63 = arith.index_cast %swap3A_62 : i32 to index
      %swap3A_64 = arith.constant 48 : index
      %swap3A_65 = tpu.vector_load %arg9[%swap3A_63, %swap3A_64] {strides = array<i32>} : memref<1x128xf32, #tpu.memory_space<vmem>>, vector<16xf32>,
      tpu.vector_store %arg9[%swap3A_63, %swap3A_64], %add3A_61 {strides = array<i32>} : memref<1x128xf32, #tpu.memory_space<vmem>>, vector<16xf32>,
      %get3A_66 = arith.constant 0 : i32
      %get3A_67 = arith.index_cast %get3A_66 : i32 to index
      %get3A_68 = arith.constant 64 : index
      %get3A_69 = tpu.vector_load %arg7[%get3A_67, %get3A_68] {strides = array<i32>} : memref<1x128xi32, #tpu.memory_space<vmem>>, vector<16xi32>,
      %gather3A_70 = tpu.vector_load_idx %arg6[%get3A_69, %broadcast_in_dim3A_1] : memref<5120x1xf32, #tpu.memory_space<vmem>>[vector<16xi32>, vector<16xi32>], vector<16xf32>,
      %get3A_71 = arith.constant 0 : i32
      %get3A_72 = arith.index_cast %get3A_71 : i32 to index
      %get3A_73 = arith.constant 64 : index
      %get3A_74 = tpu.vector_load %arg8[%get3A_72, %get3A_73] {strides = array<i32>} : memref<1x128xf32, #tpu.memory_space<vmem>>, vector<16xf32>,
      %add3A_75 = arith.addf %gather3A_70, %get3A_74 : vector<16xf32>
      %swap3A_76 = arith.constant 0 : i32
      %swap3A_77 = arith.index_cast %swap3A_76 : i32 to index
      %swap3A_78 = arith.constant 64 : index
      %swap3A_79 = tpu.vector_load %arg9[%swap3A_77, %swap3A_78] {strides = array<i32>} : memref<1x128xf32, #tpu.memory_space<vmem>>, vector<16xf32>,
      tpu.vector_store %arg9[%swap3A_77, %swap3A_78], %add3A_75 {strides = array<i32>} : memref<1x128xf32, #tpu.memory_space<vmem>>, vector<16xf32>,
      %get3A_80 = arith.constant 0 : i32
      %get3A_81 = arith.index_cast %get3A_80 : i32 to index
      %get3A_82 = arith.constant 80 : index
      %get3A_83 = tpu.vector_load %arg7[%get3A_81, %get3A_82] {strides = array<i32>} : memref<1x128xi32, #tpu.memory_space<vmem>>, vector<16xi32>,
      %gather3A_84 = tpu.vector_load_idx %arg6[%get3A_83, %broadcast_in_dim3A_1] : memref<5120x1xf32, #tpu.memory_space<vmem>>[vector<16xi32>, vector<16xi32>], vector<16xf32>,
      %get3A_85 = arith.constant 0 : i32
      %get3A_86 = arith.index_cast %get3A_85 : i32 to index
      %get3A_87 = arith.constant 80 : index
      %get3A_88 = tpu.vector_load %arg8[%get3A_86, %get3A_87] {strides = array<i32>} : memref<1x128xf32, #tpu.memory_space<vmem>>, vector<16xf32>,
      %add3A_89 = arith.addf %gather3A_84, %get3A_88 : vector<16xf32>
      %swap3A_90 = arith.constant 0 : i32
      %swap3A_91 = arith.index_cast %swap3A_90 : i32 to index
      %swap3A_92 = arith.constant 80 : index
      %swap3A_93 = tpu.vector_load %arg9[%swap3A_91, %swap3A_92] {strides = array<i32>} : memref<1x128xf32, #tpu.memory_space<vmem>>, vector<16xf32>,
      tpu.vector_store %arg9[%swap3A_91, %swap3A_92], %add3A_89 {strides = array<i32>} : memref<1x128xf32, #tpu.memory_space<vmem>>, vector<16xf32>,
      %get3A_94 = arith.constant 0 : i32
      %get3A_95 = arith.index_cast %get3A_94 : i32 to index
      %get3A_96 = arith.constant 96 : index
      %get3A_97 = tpu.vector_load %arg7[%get3A_95, %get3A_96] {strides = array<i32>} : memref<1x128xi32, #tpu.memory_space<vmem>>, vector<16xi32>,
      %gather3A_98 = tpu.vector_load_idx %arg6[%get3A_97, %broadcast_in_dim3A_1] : memref<5120x1xf32, #tpu.memory_space<vmem>>[vector<16xi32>, vector<16xi32>], vector<16xf32>,
      %get3A_99 = arith.constant 0 : i32
      %get3A_100 = arith.index_cast %get3A_99 : i32 to index
      %get3A_101 = arith.constant 96 : index
      %get3A_102 = tpu.vector_load %arg8[%get3A_100, %get3A_101] {strides = array<i32>} : memref<1x128xf32, #tpu.memory_space<vmem>>, vector<16xf32>,
      %add3A_103 = arith.addf %gather3A_98, %get3A_102 : vector<16xf32>
      %swap3A_104 = arith.constant 0 : i32
      %swap3A_105 = arith.index_cast %swap3A_104 : i32 to index
      %swap3A_106 = arith.constant 96 : index
      %swap3A_107 = tpu.vector_load %arg9[%swap3A_105, %swap3A_106] {strides = array<i32>} : memref<1x128xf32, #tpu.memory_space<vmem>>, vector<16xf32>,
      tpu.vector_store %arg9[%swap3A_105, %swap3A_106], %add3A_103 {strides = array<i32>} : memref<1x128xf32, #tpu.memory_space<vmem>>, vector<16xf32>,
      %get3A_108 = arith.constant 0 : i32
      %get3A_109 = arith.index_cast %get3A_108 : i32 to index
      %get3A_110 = arith.constant 112 : index
      %get3A_111 = tpu.vector_load %arg7[%get3A_109, %get3A_110] {strides = array<i32>} : memref<1x128xi32, #tpu.memory_space<vmem>>, vector<16xi32>,
      %gather3A_112 = tpu.vector_load_idx %arg6[%get3A_111, %broadcast_in_dim3A_1] : memref<5120x1xf32, #tpu.memory_space<vmem>>[vector<16xi32>, vector<16xi32>], vector<16xf32>,
      %get3A_113 = arith.constant 0 : i32
      %get3A_114 = arith.index_cast %get3A_113 : i32 to index
      %get3A_115 = arith.constant 112 : index
      %get3A_116 = tpu.vector_load %arg8[%get3A_114, %get3A_115] {strides = array<i32>} : memref<1x128xf32, #tpu.memory_space<vmem>>, vector<16xf32>,
      %add3A_117 = arith.addf %gather3A_112, %get3A_116 : vector<16xf32>
      %swap3A_118 = arith.constant 0 : i32
      %swap3A_119 = arith.index_cast %swap3A_118 : i32 to index
      %swap3A_120 = arith.constant 112 : index
      %swap3A_121 = tpu.vector_load %arg9[%swap3A_119, %swap3A_120] {strides = array<i32>} : memref<1x128xf32, #tpu.memory_space<vmem>>, vector<16xf32>,
      tpu.vector_store %arg9[%swap3A_119, %swap3A_120], %add3A_117 {strides = array<i32>} : memref<1x128xf32, #tpu.memory_space<vmem>>, vector<16xf32>,
      "tpu.region"() ({
        %run_scoped3A = tpu.sem_alloc : memref<!tpu.dma_semaphore, #tpu.memory_space<semaphore_mem>>
        %dma_start3A = arith.constant 0 : i32
        %dma_start3A_123 = tpu.memref_slice %arg5[%add3A_12, %dma_start3A] : memref<416x128xf32, #tpu.memory_space<hbm>> -> memref<1x128xf32, #tpu.memory_space<hbm>>
        %dma_start3A_124 = arith.constant 0 : i32
        %dma_start3A_125 = tpu.memref_slice %arg5[%add3A_12, %dma_start3A_124] : memref<416x128xf32, #tpu.memory_space<hbm>> -> memref<1x128xf32, #tpu.memory_space<hbm>>
        tpu.enqueue_dma source(%arg9 : memref<1x128xf32, #tpu.memory_space<vmem>>) target(%dma_start3A_125 : memref<1x128xf32, #tpu.memory_space<hbm>>) target_semaphore(%run_scoped3A : memref<!tpu.dma_semaphore, #tpu.memory_space<semaphore_mem>>)
        %dma_wait3A = arith.constant 0 : i32
        %dma_wait3A_126 = tpu.memref_slice %arg5[%add3A_12, %dma_wait3A] : memref<416x128xf32, #tpu.memory_space<hbm>> -> memref<1x128xf32, #tpu.memory_space<hbm>>
        %dma_wait3A_127 = arith.constant 0 : i32
        %dma_wait3A_128 = tpu.memref_slice %arg5[%add3A_12, %dma_wait3A_127] : memref<416x128xf32, #tpu.memory_space<hbm>> -> memref<1x128xf32, #tpu.memory_space<hbm>>
        tpu.wait_dma2 semaphore(%run_scoped3A : memref<!tpu.dma_semaphore, #tpu.memory_space<semaphore_mem>>) src(%arg9 : memref<1x128xf32, #tpu.memory_space<vmem>>) dst(%dma_wait3A_128 : memref<1x128xf32, #tpu.memory_space<hbm>>)
        tpu.yield
      }) : () -> ()
      %scan3A_122 = arith.constant 0 : i32
      scf.yield %scan3A_122 : i32
    }
    %scan3A_7 = arith.constant 13 : i32
    return
  }
}

module attributes {stable_mosaic.version = 14 : i64} {
  func.func @_b_body(%arg0: i32, %arg1: memref<1024x32xf32, #tpu.memory_space<vmem>>, %arg2: memref<1024x32xf32, #tpu.memory_space<vmem>>, %arg3: memref<1024x32xf32, #tpu.memory_space<vmem>>, %arg4: memref<1024x32xf32, #tpu.memory_space<vmem>>, %arg5: memref<1024x32xf32, #tpu.memory_space<vmem>>, %arg6: memref<1024x32xf32, #tpu.memory_space<vmem>>, %arg7: memref<1024x128xf32, #tpu.memory_space<vmem>>, %arg8: memref<128x128xf32, #tpu.memory_space<vmem>>, %arg9: memref<128x128xf32, #tpu.memory_space<vmem>>, %arg10: memref<128xf32, #tpu.memory_space<vmem>>, %arg11: memref<128x128xf32, #tpu.memory_space<vmem>>, %arg12: memref<128xf32, #tpu.memory_space<vmem>>, %arg13: memref<128x1xf32, #tpu.memory_space<vmem>>, %arg14: memref<1024x128xf32, #tpu.memory_space<vmem>>, %arg15: memref<1024x1xf32, #tpu.memory_space<vmem>>) attributes {dimension_semantics = [#tpu.dimension_semantics<arbitrary>], iteration_bounds = array<i64: 52>, scalar_prefetch = 0 : i64, scratch_operands = 0 : i64, tpu.core_type = #tpu.core_type<tc>, window_params = [{transform_indices = @transform_0, window_bounds = array<i64: 1024, 32>}, {transform_indices = @transform_1, window_bounds = array<i64: 1024, 32>}, {transform_indices = @transform_2, window_bounds = array<i64: 1024, 32>}, {transform_indices = @transform_3, window_bounds = array<i64: 1024, 32>}, {transform_indices = @transform_4, window_bounds = array<i64: 1024, 32>}, {transform_indices = @transform_5, window_bounds = array<i64: 1024, 32>}, {transform_indices = @transform_6, window_bounds = array<i64: 1024, 128>}, {pipeline_mode = #tpu.pipeline_mode<synchronous>, transform_indices = @transform_7, window_bounds = array<i64: 128, 128>}, {pipeline_mode = #tpu.pipeline_mode<synchronous>, transform_indices = @transform_8, window_bounds = array<i64: 128, 128>}, {pipeline_mode = #tpu.pipeline_mode<synchronous>, transform_indices = @transform_9, window_bounds = array<i64: 128>}, {pipeline_mode = #tpu.pipeline_mode<synchronous>, transform_indices = @transform_10, window_bounds = array<i64: 128, 128>}, {pipeline_mode = #tpu.pipeline_mode<synchronous>, transform_indices = @transform_11, window_bounds = array<i64: 128>}, {pipeline_mode = #tpu.pipeline_mode<synchronous>, transform_indices = @transform_12, window_bounds = array<i64: 128, 1>}, {transform_indices = @transform_13, window_bounds = array<i64: 1024, 128>}, {transform_indices = @transform_14, window_bounds = array<i64: 1024, 1>}]} {
    %get3A = arith.constant 0 : index
    %get3A_0 = arith.constant 0 : index
    %get3A_1 = vector.load %arg8[%get3A, %get3A_0] : memref<128x128xf32, #tpu.memory_space<vmem>>, vector<128x128xf32>
    %get3A_2 = arith.constant 0 : index
    %get3A_3 = arith.constant 0 : index
    %get3A_4 = vector.load %arg1[%get3A_2, %get3A_3] : memref<1024x32xf32, #tpu.memory_space<vmem>>, vector<1024x32xf32>
    %slice3A = vector.extract_strided_slice %get3A_1 {offsets = [0, 0], sizes = [32, 128], strides = [1, 1]} : vector<128x128xf32> to vector<32x128xf32>
    %dot_general3A = arith.constant dense<0.000000e+00> : vector<1024x128xf32>
    %dot_general3A_5 = tpu.matmul %get3A_4, %slice3A, %dot_general3A {dimension_numbers = #tpu.dot_dimension_numbers<[1], [0], [0], [1], [0, 0, 1, 1], [], []>, transpose_lhs_hint = false} : vector<1024x32xf32>, vector<32x128xf32>, vector<1024x128xf32> -> vector<1024x128xf32>
    %get3A_6 = arith.constant 0 : index
    %get3A_7 = arith.constant 0 : index
    %get3A_8 = vector.load %arg2[%get3A_6, %get3A_7] : memref<1024x32xf32, #tpu.memory_space<vmem>>, vector<1024x32xf32>
    %slice3A_9 = vector.extract_strided_slice %get3A_1 {offsets = [32, 0], sizes = [32, 128], strides = [1, 1]} : vector<128x128xf32> to vector<32x128xf32>
    %dot_general3A_10 = arith.constant dense<0.000000e+00> : vector<1024x128xf32>
    %dot_general3A_11 = tpu.matmul %get3A_8, %slice3A_9, %dot_general3A_10 {dimension_numbers = #tpu.dot_dimension_numbers<[1], [0], [0], [1], [0, 0, 1, 1], [], []>, transpose_lhs_hint = false} : vector<1024x32xf32>, vector<32x128xf32>, vector<1024x128xf32> -> vector<1024x128xf32>
    %add3A = arith.addf %dot_general3A_5, %dot_general3A_11 : vector<1024x128xf32>
    %get3A_12 = arith.constant 0 : index
    %get3A_13 = arith.constant 0 : index
    %get3A_14 = vector.load %arg3[%get3A_12, %get3A_13] : memref<1024x32xf32, #tpu.memory_space<vmem>>, vector<1024x32xf32>
    %slice3A_15 = vector.extract_strided_slice %get3A_1 {offsets = [64, 0], sizes = [32, 128], strides = [1, 1]} : vector<128x128xf32> to vector<32x128xf32>
    %dot_general3A_16 = arith.constant dense<0.000000e+00> : vector<1024x128xf32>
    %dot_general3A_17 = tpu.matmul %get3A_14, %slice3A_15, %dot_general3A_16 {dimension_numbers = #tpu.dot_dimension_numbers<[1], [0], [0], [1], [0, 0, 1, 1], [], []>, transpose_lhs_hint = false} : vector<1024x32xf32>, vector<32x128xf32>, vector<1024x128xf32> -> vector<1024x128xf32>
    %add3A_18 = arith.addf %add3A, %dot_general3A_17 : vector<1024x128xf32>
    %get3A_19 = arith.constant 0 : index
    %get3A_20 = arith.constant 0 : index
    %get3A_21 = vector.load %arg4[%get3A_19, %get3A_20] : memref<1024x32xf32, #tpu.memory_space<vmem>>, vector<1024x32xf32>
    %slice3A_22 = vector.extract_strided_slice %get3A_1 {offsets = [96, 0], sizes = [32, 128], strides = [1, 1]} : vector<128x128xf32> to vector<32x128xf32>
    %dot_general3A_23 = arith.constant dense<0.000000e+00> : vector<1024x128xf32>
    %dot_general3A_24 = tpu.matmul %get3A_21, %slice3A_22, %dot_general3A_23 {dimension_numbers = #tpu.dot_dimension_numbers<[1], [0], [0], [1], [0, 0, 1, 1], [], []>, transpose_lhs_hint = false} : vector<1024x32xf32>, vector<32x128xf32>, vector<1024x128xf32> -> vector<1024x128xf32>
    %add3A_25 = arith.addf %add3A_18, %dot_general3A_24 : vector<1024x128xf32>
    %get3A_26 = arith.constant 0 : index
    %get3A_27 = arith.constant 0 : index
    %get3A_28 = vector.load %arg5[%get3A_26, %get3A_27] : memref<1024x32xf32, #tpu.memory_space<vmem>>, vector<1024x32xf32>
    %slice3A_29 = vector.extract_strided_slice %get3A_28 {offsets = [0, 0], sizes = [1024, 1], strides = [1, 1]} : vector<1024x32xf32> to vector<1024x1xf32>
    %get3A_30 = arith.constant 0 : index
    %get3A_31 = arith.constant 0 : index
    %get3A_32 = vector.load %arg6[%get3A_30, %get3A_31] : memref<1024x32xf32, #tpu.memory_space<vmem>>, vector<1024x32xf32>
    %slice3A_33 = vector.extract_strided_slice %get3A_32 {offsets = [0, 0], sizes = [1024, 1], strides = [1, 1]} : vector<1024x32xf32> to vector<1024x1xf32>
    %add3A_34 = arith.addf %slice3A_29, %slice3A_33 : vector<1024x1xf32>
    %max3A = arith.constant 1.000000e+00 : f32
    %max3A_35 = vector.broadcast %max3A : f32 to vector<1024x1xf32>
    %max3A_36 = arith.maximumf %add3A_34, %max3A_35 : vector<1024x1xf32>
    %div3A = arith.constant 1.000000e+00 : f32
    %div3A_37 = vector.broadcast %div3A : f32 to vector<1024x1xf32>
    %div3A_38 = arith.divf %div3A_37, %max3A_36 : vector<1024x1xf32>
    %mul3A = vector.broadcast %div3A_38 : vector<1024x1xf32> to vector<1024x128xf32>
    %mul3A_39 = arith.mulf %add3A_25, %mul3A : vector<1024x128xf32>
    %get3A_40 = arith.constant 0 : index
    %get3A_41 = arith.constant 0 : index
    %get3A_42 = vector.load %arg7[%get3A_40, %get3A_41] : memref<1024x128xf32, #tpu.memory_space<vmem>>, vector<1024x128xf32>
    %get3A_43 = arith.constant 0 : index
    %get3A_44 = arith.constant 0 : index
    %get3A_45 = vector.load %arg9[%get3A_43, %get3A_44] : memref<128x128xf32, #tpu.memory_space<vmem>>, vector<128x128xf32>
    %dot_general3A_46 = arith.constant dense<0.000000e+00> : vector<1024x128xf32>
    %dot_general3A_47 = tpu.matmul %get3A_42, %get3A_45, %dot_general3A_46 {dimension_numbers = #tpu.dot_dimension_numbers<[1], [0], [0], [1], [0, 0, 1, 1], [], []>, transpose_lhs_hint = false} : vector<1024x128xf32>, vector<128x128xf32>, vector<1024x128xf32> -> vector<1024x128xf32>
    %add3A_48 = arith.addf %mul3A_39, %dot_general3A_47 : vector<1024x128xf32>
    %get3A_49 = arith.constant 0 : index
    %get3A_50 = vector.load %arg10[%get3A_49] : memref<128xf32, #tpu.memory_space<vmem>>, vector<128xf32>
    %broadcast_in_dim3A = vector.shape_cast %get3A_50 : vector<128xf32> to vector<1x128xf32>
    %add3A_51 = vector.broadcast %broadcast_in_dim3A : vector<1x128xf32> to vector<1024x128xf32>
    %add3A_52 = arith.addf %add3A_48, %add3A_51 : vector<1024x128xf32>
    %max3A_53 = arith.constant 0.000000e+00 : f32
    %max3A_54 = vector.broadcast %max3A_53 : f32 to vector<1024x128xf32>
    %max3A_55 = arith.maximumf %add3A_52, %max3A_54 : vector<1024x128xf32>
    %get3A_56 = arith.constant 0 : index
    %get3A_57 = arith.constant 0 : index
    %get3A_58 = vector.load %arg11[%get3A_56, %get3A_57] : memref<128x128xf32, #tpu.memory_space<vmem>>, vector<128x128xf32>
    %dot_general3A_59 = arith.constant dense<0.000000e+00> : vector<1024x128xf32>
    %dot_general3A_60 = tpu.matmul %max3A_55, %get3A_58, %dot_general3A_59 {dimension_numbers = #tpu.dot_dimension_numbers<[1], [0], [0], [1], [0, 0, 1, 1], [], []>, transpose_lhs_hint = false} : vector<1024x128xf32>, vector<128x128xf32>, vector<1024x128xf32> -> vector<1024x128xf32>
    %get3A_61 = arith.constant 0 : index
    %get3A_62 = vector.load %arg12[%get3A_61] : memref<128xf32, #tpu.memory_space<vmem>>, vector<128xf32>
    %broadcast_in_dim3A_63 = vector.shape_cast %get3A_62 : vector<128xf32> to vector<1x128xf32>
    %add3A_64 = vector.broadcast %broadcast_in_dim3A_63 : vector<1x128xf32> to vector<1024x128xf32>
    %add3A_65 = arith.addf %dot_general3A_60, %add3A_64 : vector<1024x128xf32>
    %swap3A = arith.constant 0 : index
    %swap3A_66 = arith.constant 0 : index
    %swap3A_67 = vector.load %arg14[%swap3A, %swap3A_66] : memref<1024x128xf32, #tpu.memory_space<vmem>>, vector<1024x128xf32>
    tpu.vector_store %arg14[%swap3A, %swap3A_66], %add3A_65 {strides = array<i32>} : memref<1024x128xf32, #tpu.memory_space<vmem>>, vector<1024x128xf32>,
    %get3A_68 = arith.constant 0 : index
    %get3A_69 = arith.constant 0 : index
    %get3A_70 = vector.load %arg13[%get3A_68, %get3A_69] : memref<128x1xf32, #tpu.memory_space<vmem>>, vector<128x1xf32>
    %dot_general3A_71 = arith.constant dense<0.000000e+00> : vector<1024x1xf32>
    %dot_general3A_72 = tpu.matmul %max3A_55, %get3A_70, %dot_general3A_71 {dimension_numbers = #tpu.dot_dimension_numbers<[1], [0], [0], [1], [0, 0, 1, 1], [], []>, transpose_lhs_hint = false} : vector<1024x128xf32>, vector<128x1xf32>, vector<1024x1xf32> -> vector<1024x1xf32>
    %swap3A_73 = arith.constant 0 : index
    %swap3A_74 = arith.constant 0 : index
    %swap3A_75 = vector.load %arg15[%swap3A_73, %swap3A_74] : memref<1024x1xf32, #tpu.memory_space<vmem>>, vector<1024x1xf32>
    tpu.vector_store %arg15[%swap3A_73, %swap3A_74], %dot_general3A_72 {strides = array<i32>} : memref<1024x1xf32, #tpu.memory_space<vmem>>, vector<1024x1xf32>,
    return
  }
  func.func @transform_0(%arg0: i32) -> (i32, i32) {
    %c0_i32 = arith.constant 0 : i32
    %c0_i32_0 = arith.constant 0 : i32
    return %arg0, %c0_i32 : i32, i32
  }
  func.func @transform_1(%arg0: i32) -> (i32, i32) {
    %c0_i32 = arith.constant 0 : i32
    %c0_i32_0 = arith.constant 0 : i32
    return %arg0, %c0_i32 : i32, i32
  }
  func.func @transform_2(%arg0: i32) -> (i32, i32) {
    %c0_i32 = arith.constant 0 : i32
    %c0_i32_0 = arith.constant 0 : i32
    return %arg0, %c0_i32 : i32, i32
  }
  func.func @transform_3(%arg0: i32) -> (i32, i32) {
    %c0_i32 = arith.constant 0 : i32
    %c0_i32_0 = arith.constant 0 : i32
    return %arg0, %c0_i32 : i32, i32
  }
  func.func @transform_4(%arg0: i32) -> (i32, i32) {
    %c0_i32 = arith.constant 0 : i32
    %c0_i32_0 = arith.constant 0 : i32
    return %arg0, %c0_i32 : i32, i32
  }
  func.func @transform_5(%arg0: i32) -> (i32, i32) {
    %c0_i32 = arith.constant 0 : i32
    %c0_i32_0 = arith.constant 0 : i32
    return %arg0, %c0_i32 : i32, i32
  }
  func.func @transform_6(%arg0: i32) -> (i32, i32) {
    %c0_i32 = arith.constant 0 : i32
    %c0_i32_0 = arith.constant 0 : i32
    return %arg0, %c0_i32 : i32, i32
  }
  func.func @transform_7(%arg0: i32) -> (i32, i32) {
    %c0_i32 = arith.constant 0 : i32
    %c0_i32_0 = arith.constant 0 : i32
    %c0_i32_1 = arith.constant 0 : i32
    return %c0_i32, %c0_i32_0 : i32, i32
  }
  func.func @transform_8(%arg0: i32) -> (i32, i32) {
    %c0_i32 = arith.constant 0 : i32
    %c0_i32_0 = arith.constant 0 : i32
    %c0_i32_1 = arith.constant 0 : i32
    return %c0_i32, %c0_i32_0 : i32, i32
  }
  func.func @transform_9(%arg0: i32) -> i32 {
    %c0_i32 = arith.constant 0 : i32
    %c0_i32_0 = arith.constant 0 : i32
    return %c0_i32 : i32
  }
  func.func @transform_10(%arg0: i32) -> (i32, i32) {
    %c0_i32 = arith.constant 0 : i32
    %c0_i32_0 = arith.constant 0 : i32
    %c0_i32_1 = arith.constant 0 : i32
    return %c0_i32, %c0_i32_0 : i32, i32
  }
  func.func @transform_11(%arg0: i32) -> i32 {
    %c0_i32 = arith.constant 0 : i32
    %c0_i32_0 = arith.constant 0 : i32
    return %c0_i32 : i32
  }
  func.func @transform_12(%arg0: i32) -> (i32, i32) {
    %c0_i32 = arith.constant 0 : i32
    %c0_i32_0 = arith.constant 0 : i32
    %c0_i32_1 = arith.constant 0 : i32
    return %c0_i32, %c0_i32_0 : i32, i32
  }
  func.func @transform_13(%arg0: i32) -> (i32, i32) {
    %c0_i32 = arith.constant 0 : i32
    %c0_i32_0 = arith.constant 0 : i32
    return %arg0, %c0_i32 : i32, i32
  }
  func.func @transform_14(%arg0: i32) -> (i32, i32) {
    %c0_i32 = arith.constant 0 : i32
    %c0_i32_0 = arith.constant 0 : i32
    return %arg0, %c0_i32 : i32, i32
  }
}

module attributes {stable_mosaic.version = 14 : i64} {
  func.func @_d_body(%arg0: memref<5120x128xf32, #tpu.memory_space<vmem>>, %arg1: memref<5120x128xf32, #tpu.memory_space<vmem>>, %arg2: memref<5120x32xf32, #tpu.memory_space<vmem>>, %arg3: memref<5120x32xf32, #tpu.memory_space<vmem>>, %arg4: memref<5120x128xf32, #tpu.memory_space<vmem>>, %arg5: memref<5120x128xf32, #tpu.memory_space<vmem>>, %arg6: memref<5120x128xf32, #tpu.memory_space<vmem>>, %arg7: memref<128x128xf32, #tpu.memory_space<vmem>>, %arg8: memref<128x128xf32, #tpu.memory_space<vmem>>, %arg9: memref<128xf32, #tpu.memory_space<vmem>>, %arg10: memref<128x128xf32, #tpu.memory_space<vmem>>, %arg11: memref<128xf32, #tpu.memory_space<vmem>>, %arg12: memref<128xf32, #tpu.memory_space<vmem>>, %arg13: memref<128x128xf32, #tpu.memory_space<vmem>>, %arg14: memref<128xf32, #tpu.memory_space<vmem>>, %arg15: memref<5120x128xf32, #tpu.memory_space<vmem>>, %arg16: memref<1x5120xf32, #tpu.memory_space<vmem>>, %arg17: memref<1x5120xf32, #tpu.memory_space<vmem>>, %arg18: memref<1x5120xf32, #tpu.memory_space<vmem>>, %arg19: memref<5120x128xf32, #tpu.memory_space<vmem>>, %arg20: memref<5120x128xf32, #tpu.memory_space<vmem>>) attributes {dimension_semantics = [], scalar_prefetch = 0 : i64, scratch_operands = 0 : i64, tpu.core_type = #tpu.core_type<tc>} {
    %get3A = arith.constant 0 : index
    %get3A_0 = arith.constant 0 : index
    %get3A_1 = vector.load %arg0[%get3A, %get3A_0] : memref<5120x128xf32, #tpu.memory_space<vmem>>, vector<5120x128xf32>
    %get3A_2 = arith.constant 0 : index
    %get3A_3 = arith.constant 0 : index
    %get3A_4 = vector.load %arg1[%get3A_2, %get3A_3] : memref<5120x128xf32, #tpu.memory_space<vmem>>, vector<5120x128xf32>
    %add3A = arith.addf %get3A_1, %get3A_4 : vector<5120x128xf32>
    %get3A_5 = arith.constant 0 : index
    %get3A_6 = arith.constant 0 : index
    %get3A_7 = vector.load %arg2[%get3A_5, %get3A_6] : memref<5120x32xf32, #tpu.memory_space<vmem>>, vector<5120x32xf32>
    %slice3A = vector.extract_strided_slice %get3A_7 {offsets = [0, 0], sizes = [5120, 1], strides = [1, 1]} : vector<5120x32xf32> to vector<5120x1xf32>
    %get3A_8 = arith.constant 0 : index
    %get3A_9 = arith.constant 0 : index
    %get3A_10 = vector.load %arg3[%get3A_8, %get3A_9] : memref<5120x32xf32, #tpu.memory_space<vmem>>, vector<5120x32xf32>
    %slice3A_11 = vector.extract_strided_slice %get3A_10 {offsets = [0, 0], sizes = [5120, 1], strides = [1, 1]} : vector<5120x32xf32> to vector<5120x1xf32>
    %add3A_12 = arith.addf %slice3A, %slice3A_11 : vector<5120x1xf32>
    %max3A = arith.constant 1.000000e+00 : f32
    %max3A_13 = vector.broadcast %max3A : f32 to vector<5120x1xf32>
    %max3A_14 = arith.maximumf %add3A_12, %max3A_13 : vector<5120x1xf32>
    %div3A = arith.constant 1.000000e+00 : f32
    %div3A_15 = vector.broadcast %div3A : f32 to vector<5120x1xf32>
    %div3A_16 = arith.divf %div3A_15, %max3A_14 : vector<5120x1xf32>
    %get3A_17 = arith.constant 0 : index
    %get3A_18 = arith.constant 0 : index
    %get3A_19 = vector.load %arg7[%get3A_17, %get3A_18] : memref<128x128xf32, #tpu.memory_space<vmem>>, vector<128x128xf32>
    %dot_general3A = arith.constant dense<0.000000e+00> : vector<5120x128xf32>
    %dot_general3A_20 = tpu.matmul %add3A, %get3A_19, %dot_general3A {dimension_numbers = #tpu.dot_dimension_numbers<[1], [0], [0], [1], [0, 0, 1, 1], [], []>, transpose_lhs_hint = false} : vector<5120x128xf32>, vector<128x128xf32>, vector<5120x128xf32> -> vector<5120x128xf32>
    %mul3A = vector.broadcast %div3A_16 : vector<5120x1xf32> to vector<5120x128xf32>
    %mul3A_21 = arith.mulf %dot_general3A_20, %mul3A : vector<5120x128xf32>
    %get3A_22 = arith.constant 0 : index
    %get3A_23 = arith.constant 0 : index
    %get3A_24 = vector.load %arg6[%get3A_22, %get3A_23] : memref<5120x128xf32, #tpu.memory_space<vmem>>, vector<5120x128xf32>
    %get3A_25 = arith.constant 0 : index
    %get3A_26 = arith.constant 0 : index
    %get3A_27 = vector.load %arg8[%get3A_25, %get3A_26] : memref<128x128xf32, #tpu.memory_space<vmem>>, vector<128x128xf32>
    %dot_general3A_28 = arith.constant dense<0.000000e+00> : vector<5120x128xf32>
    %dot_general3A_29 = tpu.matmul %get3A_24, %get3A_27, %dot_general3A_28 {dimension_numbers = #tpu.dot_dimension_numbers<[1], [0], [0], [1], [0, 0, 1, 1], [], []>, transpose_lhs_hint = false} : vector<5120x128xf32>, vector<128x128xf32>, vector<5120x128xf32> -> vector<5120x128xf32>
    %add3A_30 = arith.addf %mul3A_21, %dot_general3A_29 : vector<5120x128xf32>
    %get3A_31 = arith.constant 0 : index
    %get3A_32 = vector.load %arg9[%get3A_31] : memref<128xf32, #tpu.memory_space<vmem>>, vector<128xf32>
    %broadcast_in_dim3A = vector.shape_cast %get3A_32 : vector<128xf32> to vector<1x128xf32>
    %add3A_33 = vector.broadcast %broadcast_in_dim3A : vector<1x128xf32> to vector<5120x128xf32>
    %add3A_34 = arith.addf %add3A_30, %add3A_33 : vector<5120x128xf32>
    %max3A_35 = arith.constant 0.000000e+00 : f32
    %max3A_36 = vector.broadcast %max3A_35 : f32 to vector<5120x128xf32>
    %max3A_37 = arith.maximumf %add3A_34, %max3A_36 : vector<5120x128xf32>
    %get3A_38 = arith.constant 0 : index
    %get3A_39 = arith.constant 0 : index
    %get3A_40 = vector.load %arg10[%get3A_38, %get3A_39] : memref<128x128xf32, #tpu.memory_space<vmem>>, vector<128x128xf32>
    %dot_general3A_41 = arith.constant dense<0.000000e+00> : vector<5120x128xf32>
    %dot_general3A_42 = tpu.matmul %max3A_37, %get3A_40, %dot_general3A_41 {dimension_numbers = #tpu.dot_dimension_numbers<[1], [0], [0], [1], [0, 0, 1, 1], [], []>, transpose_lhs_hint = false} : vector<5120x128xf32>, vector<128x128xf32>, vector<5120x128xf32> -> vector<5120x128xf32>
    %get3A_43 = arith.constant 0 : index
    %get3A_44 = vector.load %arg11[%get3A_43] : memref<128xf32, #tpu.memory_space<vmem>>, vector<128xf32>
    %broadcast_in_dim3A_45 = vector.shape_cast %get3A_44 : vector<128xf32> to vector<128x1xf32>
    %dot_general3A_46 = arith.constant dense<0.000000e+00> : vector<5120x1xf32>
    %dot_general3A_47 = tpu.matmul %dot_general3A_42, %broadcast_in_dim3A_45, %dot_general3A_46 {dimension_numbers = #tpu.dot_dimension_numbers<[1], [0], [0], [1], [0, 0, 1, 1], [], []>, transpose_lhs_hint = false} : vector<5120x128xf32>, vector<128x1xf32>, vector<5120x1xf32> -> vector<5120x1xf32>
    %get3A_48 = arith.constant 0 : index
    %get3A_49 = vector.load %arg12[%get3A_48] : memref<128xf32, #tpu.memory_space<vmem>>, vector<128xf32>
    %broadcast_in_dim3A_50 = vector.shape_cast %get3A_49 : vector<128xf32> to vector<128x1xf32>
    %dot_general3A_51 = arith.constant dense<0.000000e+00> : vector<5120x1xf32>
    %dot_general3A_52 = tpu.matmul %dot_general3A_42, %broadcast_in_dim3A_50, %dot_general3A_51 {dimension_numbers = #tpu.dot_dimension_numbers<[1], [0], [0], [1], [0, 0, 1, 1], [], []>, transpose_lhs_hint = false} : vector<5120x128xf32>, vector<128x1xf32>, vector<5120x1xf32> -> vector<5120x1xf32>
    %iota3A = tpu.iota {dimensions = array<i32: 0>} : vector<5120x1xi32>
    %lt3A = arith.constant 5000 : i32
    %lt3A_53 = vector.broadcast %lt3A : i32 to vector<5120x1xi32>
    %lt3A_54 = arith.cmpi slt, %iota3A, %lt3A_53 : vector<5120x1xi32>
    %jit3A = arith.constant 0xFF800000 : f32
    %broadcast_in_dim3A_55 = vector.broadcast %jit3A : f32 to vector<5120x1xf32>
    %select_n3A = arith.select %lt3A_54, %dot_general3A_47, %broadcast_in_dim3A_55 : vector<5120x1xi1>, vector<5120x1xf32>
    %reduce_max3A = vector.shape_cast %select_n3A : vector<5120x1xf32> to vector<1x5120x1xf32>
    %reduce_max3A_56 = arith.constant dense<0xFF800000> : vector<1xf32>
    %reduce_max3A_57 = vector.multi_reduction <maximumf>, %reduce_max3A, %reduce_max3A_56 [1, 2] : vector<1x5120x1xf32> to vector<1xf32>
    %reduce_max3A_58 = vector.shape_cast %reduce_max3A_57 : vector<1xf32> to vector<1x1x1xf32>
    %reduce_max3A_59 = vector.extract %reduce_max3A_58[0, 0, 0] : f32 from vector<1x1x1xf32>
    %add3A_60 = vector.broadcast %reduce_max3A_59 : f32 to vector<5120x1xf32>
    %add3A_61 = arith.addf %dot_general3A_52, %add3A_60 : vector<5120x1xf32>
    %mul3A_62 = arith.constant 2.000000e-01 : f32
    %mul3A_63 = vector.broadcast %mul3A_62 : f32 to vector<5120x1xf32>
    %mul3A_64 = arith.mulf %mul3A_63, %add3A_61 : vector<5120x1xf32>
    %max3A_65 = arith.maximumf %add3A_61, %mul3A_64 : vector<5120x1xf32>
    %swap3A = arith.constant 0 : index
    %swap3A_66 = arith.constant 0 : index
    %swap3A_67 = vector.load %arg15[%swap3A, %swap3A_66] : memref<5120x128xf32, #tpu.memory_space<vmem>>, vector<5120x128xf32>
    tpu.vector_store %arg15[%swap3A, %swap3A_66], %dot_general3A_42 {strides = array<i32>} : memref<5120x128xf32, #tpu.memory_space<vmem>>, vector<5120x128xf32>,
    %reshape3A = vector.shape_cast %dot_general3A_47 : vector<5120x1xf32> to vector<1x5120xf32>
    %swap3A_68 = arith.constant 0 : index
    %swap3A_69 = arith.constant 0 : index
    %swap3A_70 = vector.load %arg16[%swap3A_68, %swap3A_69] : memref<1x5120xf32, #tpu.memory_space<vmem>>, vector<1x5120xf32>
    tpu.vector_store %arg16[%swap3A_68, %swap3A_69], %reshape3A {strides = array<i32>} : memref<1x5120xf32, #tpu.memory_space<vmem>>, vector<1x5120xf32>,
    %reshape3A_71 = vector.shape_cast %dot_general3A_52 : vector<5120x1xf32> to vector<1x5120xf32>
    %swap3A_72 = arith.constant 0 : index
    %swap3A_73 = arith.constant 0 : index
    %swap3A_74 = vector.load %arg17[%swap3A_72, %swap3A_73] : memref<1x5120xf32, #tpu.memory_space<vmem>>, vector<1x5120xf32>
    tpu.vector_store %arg17[%swap3A_72, %swap3A_73], %reshape3A_71 {strides = array<i32>} : memref<1x5120xf32, #tpu.memory_space<vmem>>, vector<1x5120xf32>,
    %reshape3A_75 = vector.shape_cast %max3A_65 : vector<5120x1xf32> to vector<1x5120xf32>
    %swap3A_76 = arith.constant 0 : index
    %swap3A_77 = arith.constant 0 : index
    %swap3A_78 = vector.load %arg18[%swap3A_76, %swap3A_77] : memref<1x5120xf32, #tpu.memory_space<vmem>>, vector<1x5120xf32>
    tpu.vector_store %arg18[%swap3A_76, %swap3A_77], %reshape3A_75 {strides = array<i32>} : memref<1x5120xf32, #tpu.memory_space<vmem>>, vector<1x5120xf32>,
    %get3A_79 = arith.constant 0 : index
    %get3A_80 = arith.constant 0 : index
    %get3A_81 = vector.load %arg13[%get3A_79, %get3A_80] : memref<128x128xf32, #tpu.memory_space<vmem>>, vector<128x128xf32>
    %dot_general3A_82 = arith.constant dense<0.000000e+00> : vector<5120x128xf32>
    %dot_general3A_83 = tpu.matmul %max3A_37, %get3A_81, %dot_general3A_82 {dimension_numbers = #tpu.dot_dimension_numbers<[1], [0], [0], [1], [0, 0, 1, 1], [], []>, transpose_lhs_hint = false} : vector<5120x128xf32>, vector<128x128xf32>, vector<5120x128xf32> -> vector<5120x128xf32>
    %get3A_84 = arith.constant 0 : index
    %get3A_85 = vector.load %arg14[%get3A_84] : memref<128xf32, #tpu.memory_space<vmem>>, vector<128xf32>
    %broadcast_in_dim3A_86 = vector.shape_cast %get3A_85 : vector<128xf32> to vector<1x128xf32>
    %add3A_87 = vector.broadcast %broadcast_in_dim3A_86 : vector<1x128xf32> to vector<5120x128xf32>
    %add3A_88 = arith.addf %dot_general3A_83, %add3A_87 : vector<5120x128xf32>
    %swap3A_89 = arith.constant 0 : index
    %swap3A_90 = arith.constant 0 : index
    %swap3A_91 = vector.load %arg19[%swap3A_89, %swap3A_90] : memref<5120x128xf32, #tpu.memory_space<vmem>>, vector<5120x128xf32>
    tpu.vector_store %arg19[%swap3A_89, %swap3A_90], %add3A_88 {strides = array<i32>} : memref<5120x128xf32, #tpu.memory_space<vmem>>, vector<5120x128xf32>,
    %get3A_92 = arith.constant 0 : index
    %get3A_93 = arith.constant 0 : index
    %get3A_94 = vector.load %arg4[%get3A_92, %get3A_93] : memref<5120x128xf32, #tpu.memory_space<vmem>>, vector<5120x128xf32>
    %get3A_95 = arith.constant 0 : index
    %get3A_96 = arith.constant 0 : index
    %get3A_97 = vector.load %arg5[%get3A_95, %get3A_96] : memref<5120x128xf32, #tpu.memory_space<vmem>>, vector<5120x128xf32>
    %add3A_98 = arith.addf %get3A_94, %get3A_97 : vector<5120x128xf32>
    %swap3A_99 = arith.constant 0 : index
    %swap3A_100 = arith.constant 0 : index
    %swap3A_101 = vector.load %arg20[%swap3A_99, %swap3A_100] : memref<5120x128xf32, #tpu.memory_space<vmem>>, vector<5120x128xf32>
    tpu.vector_store %arg20[%swap3A_99, %swap3A_100], %add3A_98 {strides = array<i32>} : memref<5120x128xf32, #tpu.memory_space<vmem>>, vector<5120x128xf32>,
    return
  }
}

module attributes {stable_mosaic.version = 14 : i64} {
  func.func @_f_body(%arg0: memref<5120x144xf32, #tpu.memory_space<vmem>>, %arg1: memref<5120x144xf32, #tpu.memory_space<vmem>>, %arg2: memref<5120x128xf32, #tpu.memory_space<vmem>>, %arg3: memref<5120x128xf32, #tpu.memory_space<vmem>>, %arg4: memref<128xf32, #tpu.memory_space<vmem>>, %arg5: memref<128x128xf32, #tpu.memory_space<vmem>>, %arg6: memref<128xf32, #tpu.memory_space<vmem>>, %arg7: memref<256x128xf32, #tpu.memory_space<vmem>>, %arg8: memref<128xf32, #tpu.memory_space<vmem>>, %arg9: memref<128x128xf32, #tpu.memory_space<vmem>>, %arg10: memref<128xf32, #tpu.memory_space<vmem>>, %arg11: memref<128x128xf32, #tpu.memory_space<vmem>>, %arg12: memref<128xf32, #tpu.memory_space<vmem>>, %arg13: memref<128x1xf32, #tpu.memory_space<vmem>>, %arg14: memref<1xf32, #tpu.memory_space<vmem>>, %arg15: memref<5120x1xf32, #tpu.memory_space<vmem>>) attributes {dimension_semantics = [], scalar_prefetch = 0 : i64, scratch_operands = 0 : i64, tpu.core_type = #tpu.core_type<tc>} {
    %get3A = arith.constant 0 : index
    %get3A_0 = arith.constant 0 : index
    %get3A_1 = vector.load %arg0[%get3A, %get3A_0] : memref<5120x144xf32, #tpu.memory_space<vmem>>, vector<5120x144xf32>
    %get3A_2 = arith.constant 0 : index
    %get3A_3 = arith.constant 0 : index
    %get3A_4 = vector.load %arg1[%get3A_2, %get3A_3] : memref<5120x144xf32, #tpu.memory_space<vmem>>, vector<5120x144xf32>
    %slice3A = vector.extract_strided_slice %get3A_1 {offsets = [0, 0], sizes = [5120, 128], strides = [1, 1]} : vector<5120x144xf32> to vector<5120x128xf32>
    %slice3A_5 = vector.extract_strided_slice %get3A_4 {offsets = [0, 0], sizes = [5120, 128], strides = [1, 1]} : vector<5120x144xf32> to vector<5120x128xf32>
    %add3A = arith.addf %slice3A, %slice3A_5 : vector<5120x128xf32>
    %slice3A_6 = vector.extract_strided_slice %get3A_1 {offsets = [0, 128], sizes = [5120, 1], strides = [1, 1]} : vector<5120x144xf32> to vector<5120x1xf32>
    %slice3A_7 = vector.extract_strided_slice %get3A_4 {offsets = [0, 128], sizes = [5120, 1], strides = [1, 1]} : vector<5120x144xf32> to vector<5120x1xf32>
    %add3A_8 = arith.addf %slice3A_6, %slice3A_7 : vector<5120x1xf32>
    %max3A = arith.constant 1.000000e-30 : f32
    %max3A_9 = vector.broadcast %max3A : f32 to vector<5120x1xf32>
    %max3A_10 = arith.maximumf %add3A_8, %max3A_9 : vector<5120x1xf32>
    %div3A = vector.broadcast %max3A_10 : vector<5120x1xf32> to vector<5120x128xf32>
    %div3A_11 = arith.divf %add3A, %div3A : vector<5120x128xf32>
    %get3A_12 = arith.constant 0 : index
    %get3A_13 = vector.load %arg4[%get3A_12] : memref<128xf32, #tpu.memory_space<vmem>>, vector<128xf32>
    %broadcast_in_dim3A = vector.shape_cast %get3A_13 : vector<128xf32> to vector<1x128xf32>
    %add3A_14 = vector.broadcast %broadcast_in_dim3A : vector<1x128xf32> to vector<5120x128xf32>
    %add3A_15 = arith.addf %div3A_11, %add3A_14 : vector<5120x128xf32>
    %get3A_16 = arith.constant 0 : index
    %get3A_17 = arith.constant 0 : index
    %get3A_18 = vector.load %arg2[%get3A_16, %get3A_17] : memref<5120x128xf32, #tpu.memory_space<vmem>>, vector<5120x128xf32>
    %get3A_19 = arith.constant 0 : index
    %get3A_20 = arith.constant 0 : index
    %get3A_21 = vector.load %arg3[%get3A_19, %get3A_20] : memref<5120x128xf32, #tpu.memory_space<vmem>>, vector<5120x128xf32>
    %add3A_22 = arith.addf %add3A_15, %get3A_21 : vector<5120x128xf32>
    %get3A_23 = arith.constant 0 : index
    %get3A_24 = arith.constant 0 : index
    %get3A_25 = vector.load %arg5[%get3A_23, %get3A_24] : memref<128x128xf32, #tpu.memory_space<vmem>>, vector<128x128xf32>
    %dot_general3A = arith.constant dense<0.000000e+00> : vector<5120x128xf32>
    %dot_general3A_26 = tpu.matmul %add3A_22, %get3A_25, %dot_general3A {dimension_numbers = #tpu.dot_dimension_numbers<[1], [0], [0], [1], [0, 0, 1, 1], [], []>, transpose_lhs_hint = false} : vector<5120x128xf32>, vector<128x128xf32>, vector<5120x128xf32> -> vector<5120x128xf32>
    %get3A_27 = arith.constant 0 : index
    %get3A_28 = vector.load %arg6[%get3A_27] : memref<128xf32, #tpu.memory_space<vmem>>, vector<128xf32>
    %broadcast_in_dim3A_29 = vector.shape_cast %get3A_28 : vector<128xf32> to vector<1x128xf32>
    %add3A_30 = vector.broadcast %broadcast_in_dim3A_29 : vector<1x128xf32> to vector<5120x128xf32>
    %add3A_31 = arith.addf %dot_general3A_26, %add3A_30 : vector<5120x128xf32>
    %get3A_32 = arith.constant 0 : index
    %get3A_33 = arith.constant 0 : index
    %get3A_34 = vector.load %arg7[%get3A_32, %get3A_33] : memref<256x128xf32, #tpu.memory_space<vmem>>, vector<256x128xf32>
    %slice3A_35 = vector.extract_strided_slice %get3A_34 {offsets = [0, 0], sizes = [128, 128], strides = [1, 1]} : vector<256x128xf32> to vector<128x128xf32>
    %dot_general3A_36 = arith.constant dense<0.000000e+00> : vector<5120x128xf32>
    %dot_general3A_37 = tpu.matmul %get3A_18, %slice3A_35, %dot_general3A_36 {dimension_numbers = #tpu.dot_dimension_numbers<[1], [0], [0], [1], [0, 0, 1, 1], [], []>, transpose_lhs_hint = false} : vector<5120x128xf32>, vector<128x128xf32>, vector<5120x128xf32> -> vector<5120x128xf32>
    %slice3A_38 = vector.extract_strided_slice %get3A_34 {offsets = [128, 0], sizes = [128, 128], strides = [1, 1]} : vector<256x128xf32> to vector<128x128xf32>
    %dot_general3A_39 = arith.constant dense<0.000000e+00> : vector<5120x128xf32>
    %dot_general3A_40 = tpu.matmul %add3A_31, %slice3A_38, %dot_general3A_39 {dimension_numbers = #tpu.dot_dimension_numbers<[1], [0], [0], [1], [0, 0, 1, 1], [], []>, transpose_lhs_hint = false} : vector<5120x128xf32>, vector<128x128xf32>, vector<5120x128xf32> -> vector<5120x128xf32>
    %add3A_41 = arith.addf %dot_general3A_37, %dot_general3A_40 : vector<5120x128xf32>
    %get3A_42 = arith.constant 0 : index
    %get3A_43 = vector.load %arg8[%get3A_42] : memref<128xf32, #tpu.memory_space<vmem>>, vector<128xf32>
    %broadcast_in_dim3A_44 = vector.shape_cast %get3A_43 : vector<128xf32> to vector<1x128xf32>
    %add3A_45 = vector.broadcast %broadcast_in_dim3A_44 : vector<1x128xf32> to vector<5120x128xf32>
    %add3A_46 = arith.addf %add3A_41, %add3A_45 : vector<5120x128xf32>
    %max3A_47 = arith.constant 0.000000e+00 : f32
    %max3A_48 = vector.broadcast %max3A_47 : f32 to vector<5120x128xf32>
    %max3A_49 = arith.maximumf %add3A_46, %max3A_48 : vector<5120x128xf32>
    %get3A_50 = arith.constant 0 : index
    %get3A_51 = arith.constant 0 : index
    %get3A_52 = vector.load %arg9[%get3A_50, %get3A_51] : memref<128x128xf32, #tpu.memory_space<vmem>>, vector<128x128xf32>
    %dot_general3A_53 = arith.constant dense<0.000000e+00> : vector<5120x128xf32>
    %dot_general3A_54 = tpu.matmul %max3A_49, %get3A_52, %dot_general3A_53 {dimension_numbers = #tpu.dot_dimension_numbers<[1], [0], [0], [1], [0, 0, 1, 1], [], []>, transpose_lhs_hint = false} : vector<5120x128xf32>, vector<128x128xf32>, vector<5120x128xf32> -> vector<5120x128xf32>
    %get3A_55 = arith.constant 0 : index
    %get3A_56 = vector.load %arg10[%get3A_55] : memref<128xf32, #tpu.memory_space<vmem>>, vector<128xf32>
    %broadcast_in_dim3A_57 = vector.shape_cast %get3A_56 : vector<128xf32> to vector<1x128xf32>
    %add3A_58 = vector.broadcast %broadcast_in_dim3A_57 : vector<1x128xf32> to vector<5120x128xf32>
    %add3A_59 = arith.addf %dot_general3A_54, %add3A_58 : vector<5120x128xf32>
    %logistic3A = arith.negf %add3A_59 : vector<5120x128xf32>
    %logistic3A_60 = math.exp %logistic3A : vector<5120x128xf32>
    %logistic3A_61 = arith.constant 1.000000e+00 : f32
    %logistic3A_62 = vector.broadcast %logistic3A_61 : f32 to vector<5120x128xf32>
    %logistic3A_63 = arith.addf %logistic3A_62, %logistic3A_60 : vector<5120x128xf32>
    %logistic3A_64 = arith.divf %logistic3A_62, %logistic3A_63 : vector<5120x128xf32>
    %mul3A = arith.mulf %logistic3A_64, %get3A_18 : vector<5120x128xf32>
    %sub3A = arith.constant 1.000000e+00 : f32
    %sub3A_65 = vector.broadcast %sub3A : f32 to vector<5120x128xf32>
    %sub3A_66 = arith.subf %sub3A_65, %logistic3A_64 : vector<5120x128xf32>
    %mul3A_67 = arith.mulf %sub3A_66, %add3A_31 : vector<5120x128xf32>
    %add3A_68 = arith.addf %mul3A, %mul3A_67 : vector<5120x128xf32>
    %max3A_69 = arith.constant 0.000000e+00 : f32
    %max3A_70 = vector.broadcast %max3A_69 : f32 to vector<5120x128xf32>
    %max3A_71 = arith.maximumf %add3A_68, %max3A_70 : vector<5120x128xf32>
    %get3A_72 = arith.constant 0 : index
    %get3A_73 = arith.constant 0 : index
    %get3A_74 = vector.load %arg11[%get3A_72, %get3A_73] : memref<128x128xf32, #tpu.memory_space<vmem>>, vector<128x128xf32>
    %dot_general3A_75 = arith.constant dense<0.000000e+00> : vector<5120x128xf32>
    %dot_general3A_76 = tpu.matmul %max3A_71, %get3A_74, %dot_general3A_75 {dimension_numbers = #tpu.dot_dimension_numbers<[1], [0], [0], [1], [0, 0, 1, 1], [], []>, transpose_lhs_hint = false} : vector<5120x128xf32>, vector<128x128xf32>, vector<5120x128xf32> -> vector<5120x128xf32>
    %get3A_77 = arith.constant 0 : index
    %get3A_78 = vector.load %arg12[%get3A_77] : memref<128xf32, #tpu.memory_space<vmem>>, vector<128xf32>
    %broadcast_in_dim3A_79 = vector.shape_cast %get3A_78 : vector<128xf32> to vector<1x128xf32>
    %add3A_80 = vector.broadcast %broadcast_in_dim3A_79 : vector<1x128xf32> to vector<5120x128xf32>
    %add3A_81 = arith.addf %dot_general3A_76, %add3A_80 : vector<5120x128xf32>
    %get3A_82 = arith.constant 0 : index
    %get3A_83 = arith.constant 0 : index
    %get3A_84 = vector.load %arg13[%get3A_82, %get3A_83] : memref<128x1xf32, #tpu.memory_space<vmem>>, vector<128x1xf32>
    %dot_general3A_85 = arith.constant dense<0.000000e+00> : vector<5120x1xf32>
    %dot_general3A_86 = tpu.matmul %add3A_81, %get3A_84, %dot_general3A_85 {dimension_numbers = #tpu.dot_dimension_numbers<[1], [0], [0], [1], [0, 0, 1, 1], [], []>, transpose_lhs_hint = false} : vector<5120x128xf32>, vector<128x1xf32>, vector<5120x1xf32> -> vector<5120x1xf32>
    %get3A_87 = arith.constant 0 : index
    %get3A_88 = vector.load %arg14[%get3A_87] : memref<1xf32, #tpu.memory_space<vmem>>, vector<1xf32>
    %get3A_89 = vector.extract %get3A_88[0] : f32 from vector<1xf32>
    %add3A_90 = vector.broadcast %get3A_89 : f32 to vector<5120x1xf32>
    %add3A_91 = arith.addf %dot_general3A_86, %add3A_90 : vector<5120x1xf32>
    %swap3A = arith.constant 0 : index
    %swap3A_92 = arith.constant 0 : index
    %swap3A_93 = vector.load %arg15[%swap3A, %swap3A_92] : memref<5120x1xf32, #tpu.memory_space<vmem>>, vector<5120x1xf32>
    tpu.vector_store %arg15[%swap3A, %swap3A_92], %add3A_91 {strides = array<i32>} : memref<5120x1xf32, #tpu.memory_space<vmem>>, vector<5120x1xf32>,
    return
  }
}

</mosaic_0001>

<sc_bundles>
// kernel: kernel.12.cloned.1.call-start
scs
__scs_entry_jumppad:
0x0: {  	(pc) =	sbr.rel $0x88, $3  }
0x1: {  	(tag) =	ssettag $0x0;
	lr =	simm.s32 $0x1  }
0x2: {  	[smem:$0x3F83] =	sst lr;
	_ =	strace $0xD0000000  }
0x3: {  	_ = 	snop  }
0x4: {  	_ = 	snop  }
0x5: {  	_ = 	snop  }
0x6: {  	_ = 	snop  }
0x7: {  	_ = 	snop  }
__scs_overlays_trampoline_lowered:
0x8: {  	[smem:$0x3F92] =	sst s0  }
0x9: {  	[smem:$0x3F93] =	sst s1  }
0xa: {  	[smem:$0x3F94] =	sst s2  }
0xb: {  	[smem:$0x3F95] =	sst s3  }
0xc: {  	[smem:$0x3F96] =	sst s4  }
0xd: {  	[smem:$0x3F97] =	sst s5  }
0xe: {  	[smem:$0x3F98] =	sst s6  }
0xf: {  	[smem:$0x3F99] =	sst s7  }
0x10: {  	[smem:$0x3F9A] =	sst s8  }
0x11: {  	[smem:$0x3F9B] =	sst s9;
	s0 =	simm.s32 @!p0 $0x0  }
0x12: {  	s1 =	sld [smem:$0x3F81];
	s0 =	simm.s32 @p0 $0x1  }
0x13: {  	[smem:$0x3F9C] =	sst s0;
	s0 =	simm.s32 @!p1 $0x0  }
0x14: {  	s2 =	sld [smem:$0x3F80];
	s0 =	simm.s32 @p1 $0x1  }
0x15: {  	[smem:$0x3F9D] =	sst s0;
	s0 =	simm.s32 @!p2 $0x0  }
0x16: {  	s3 =	sld [smem:$0x3FDB];
	s0 =	simm.s32 @p2 $0x1  }
0x17: {  	s4 =	simm.s32 $0x1BF5;
	[smem:$0x3F9F] =	sst s0  }
0x18: {  	s0 =	sld [smem:$0x3F82];
	_ =	swait.ge [sflag:s4], $0x0  }
0x19: {  	s7 =	sld [smem:$0x3F83]  }
0x1a: {  	s8 =	sadd.s32 $0xFFFFE003, lr  }
0x1b: {  	s9 =	sadd.s32 $0xFFFFFEF7, lr;
	s5 =	simm.s32 $0xFFFFFFFF;
	p2 =	slt.u32 s8, $0xFFFFF086  }
0x1c: {  	p1 =	slt.u32 s9, $0xF7A;
	s5 =	simm.s32 @!p2 $0x0  }
0x1d: {  	s5 =	simm.s32 @p1 $0x1;
	p0 =	seq.s32 s7, s2  }
0x1e: {  	s7 =	smul.u32 @!p0 $0xF7A, s2;
	p2 =	seq.s32 @!p0 s5, $0x0  }
0x1f: {  	s9 =	smul.u32 $0xF7A, s1;
	s8 =	simm.s32 @!p0 $0x1BF5;
	p2 =	por !p2, p0  }
0x20: {  	[sflag:s8] =	ssyncset.s32 @!p0 $0xFFFFF086;
	s6 =	sadd.s32 @!p0 s3, s7;
	s7 =	simm.s32 @!p0 $0x108  }
0x21: {  	s3 =	sadd.s32 s3, s9;
	s6 =	sadd.s32 @!p0 $0x88, s6;
	s7 =	simm.s32 @p2 $0x1082  }
0x22: {  	[simem:s7], [sflag:s8] =	dma.local @!p0 [hbm:s6], $0xF7A  }
0x23: {  	s9 =	sor.u32 $0xD0000000, s2;
	s6 =	simm.s32 $0x108;
	_ =	swait.ge @!p0 [sflag:s8], $0x0  }
0x24: {  	s3 =	sadd.s32 $0x88, s3;
	s6 =	simm.s32 @!p1 $0x1082;
	[sflag:s4] =	ssyncset.s32 $0xFFFFF086  }
0x25: {  	[simem:s6], [sflag:s4] =	dma.local [hbm:s3], $0xF7A  }
0x26: {  	[smem:$0x3F83] =	sst s1;
	(tag) =	ssettag s2;
	_ =	strace s9  }
0x27: {  	s1 =	sld [smem:$0x3F93]  }
0x28: {  	s2 =	sld [smem:$0x3F94]  }
0x29: {  	s4 =	sld [smem:$0x3F96]  }
0x2a: {  	p0 =	seq.s32 s5, $0x0;
	s5 =	sld [smem:$0x3F97]  }
0x2b: {  	s6 =	sld [smem:$0x3F98]  }
0x2c: {  	s7 =	sld [smem:$0x3F99]  }
0x2d: {  	s3 =	simm.s32 $0x108;
	s8 =	sld [smem:$0x3F9A]  }
0x2e: {  	s3 =	simm.s32 @!p0 $0x1082;
	s9 =	sld [smem:$0x3F9B]  }
0x2f: {  	lr =	sadd.s32 s0, s3;
	s0 =	sld [smem:$0x3F92]  }
0x30: {  	s3 =	sld [smem:$0x3F95]  }
0x31: {  	[smem:$0x3F9E] =	sst s10  }
0x32: {  	s10 =	sld [smem:$0x3F9C];
	_ =	sdelay $0x3  }
0x33: {  	p0 =	seq.s32 s10, $0x1;
	s10 =	sld [smem:$0x3F9E];
	_ =	sdelay $0x3  }
0x34: {  	[smem:$0x3F9E] =	sst s10  }
0x35: {  	s10 =	sld [smem:$0x3F9D];
	_ =	sdelay $0x3  }
0x36: {  	p1 =	seq.s32 s10, $0x1;
	s10 =	sld [smem:$0x3F9E];
	_ =	sdelay $0x3  }
0x37: {  	[smem:$0x3F9E] =	sst s10  }
0x38: {  	s10 =	sld [smem:$0x3F9F]  }
0x39: {  	_ = 	snop;
	(pc) =	sbr.ind lr, $3  }
0x3a: {  	_ = 	snop  }
0x3b: {  	_ = 	snop  }
0x3c: {  	p2 =	seq.s32 s10, $0x1;
	s10 =	sld [smem:$0x3F9E]  }
0x3d: {  	_ =	shalt  }
0x3e: {  	_ =	shalt  }
0x3f: {  	_ =	shalt  }
0x40: {  	_ =	shalt  }
0x41: {  	_ =	shalt  }
0x42: {  	_ =	shalt  }
0x43: {  	_ =	shalt  }
0x44: {  	_ =	shalt  }
0x45: {  	_ =	shalt  }
0x46: {  	_ =	shalt  }
0x47: {  	_ =	shalt  }
0x48: {  	_ =	shalt  }
0x49: {  	_ =	shalt  }
0x4a: {  	_ =	shalt  }
0x4b: {  	_ =	shalt  }
0x4c: {  	_ =	shalt  }
0x4d: {  	_ =	shalt  }
0x4e: {  	_ =	shalt  }
0x4f: {  	_ =	shalt  }
0x50: {  	_ =	shalt  }
0x51: {  	_ =	shalt  }
0x52: {  	_ =	shalt  }
0x53: {  	_ =	shalt  }
0x54: {  	_ =	shalt  }
0x55: {  	_ =	shalt  }
0x56: {  	_ =	shalt  }
0x57: {  	_ =	shalt  }
0x58: {  	_ =	shalt  }
0x59: {  	_ =	shalt  }
0x5a: {  	_ =	shalt  }
0x5b: {  	_ =	shalt  }
0x5c: {  	_ =	shalt  }
0x5d: {  	_ =	shalt  }
0x5e: {  	_ =	shalt  }
0x5f: {  	_ =	shalt  }
0x60: {  	_ =	shalt  }
0x61: {  	_ =	shalt  }
0x62: {  	_ =	shalt  }
0x63: {  	_ =	shalt  }
0x64: {  	_ =	shalt  }
0x65: {  	_ =	shalt  }
0x66: {  	_ =	shalt  }
0x67: {  	_ =	shalt  }
0x68: {  	_ =	shalt  }
0x69: {  	_ =	shalt  }
0x6a: {  	_ =	shalt  }
0x6b: {  	_ =	shalt  }
0x6c: {  	_ =	shalt  }
0x6d: {  	_ =	shalt  }
0x6e: {  	_ =	shalt  }
0x6f: {  	_ =	shalt  }
0x70: {  	_ =	shalt  }
0x71: {  	_ =	shalt  }
0x72: {  	_ =	shalt  }
0x73: {  	_ =	shalt  }
0x74: {  	_ =	shalt  }
0x75: {  	_ =	shalt  }
0x76: {  	_ =	shalt  }
0x77: {  	_ =	shalt  }
0x78: {  	_ =	shalt  }
0x79: {  	_ =	shalt  }
0x7a: {  	_ =	shalt  }
0x7b: {  	_ =	shalt  }
0x7c: {  	_ =	shalt  }
0x7d: {  	_ =	shalt  }
0x7e: {  	_ =	shalt  }
0x7f: {  	_ =	shalt  }
0x80: {  	_ =	shalt  }
0x81: {  	_ =	shalt  }
0x82: {  	_ =	shalt  }
0x83: {  	_ =	shalt  }
0x84: {  	_ =	shalt  }
0x85: {  	_ =	shalt  }
0x86: {  	_ =	shalt  }
0x87: {  	_ =	shalt  }
.Lfunc_end0:
.L_simem_size_0:
called_computation.1_lowered:
.L_overlay_start_0:
0x88: {  	s2 =	sld [smem:$0x3FD9]  }
0x89: {  	s3 =	sld [smem:$0x3FFE];
	_ =	sdelay $0x1  }
0x8a: {  	s1 =	srdreg.scid  }
0x8b: {  	s0 =	sand.u32 $0x1, s1  }
0x8c: {  	s17 =	sshll.u32 s0, $0xA;
	s2 =	sadd.s32 s3, s2  }
0x8d: {  	s2 =	sadd.s32 s2, s17  }
0x8e: {  	[smem:$0x3FAA] =	sst s2  }
0x8f: {  	_ = 	snop  }
0x90: {  	s2 =	sld [smem:$0x3FC8];
	(tm) =	ssettm $0x1  }
0x91: {  	s18 =	sld [smem:$0x3FFB];
	_ =	sdelay $0x3  }
0x92: {  	_ =	strace s18  }
0x93: {  	s3 =	sld [smem:$0x3FFC];
	_ =	sdelay $0x3  }
0x94: {  	_ =	strace s3  }
0x95: {  	s3 =	sld [smem:$0x3FFD];
	_ =	sdelay $0x3  }
0x96: {  	_ =	strace s3  }
0x97: {  	_ =	strace $0x8FFFFFFF  }
0x98: {  	s19 =	sld [smem:$0x3FDB];
	_ =	sdelay $0x1  }
0x99: {  	s4 =	simm.s32 $_scs_section_size  }
0x9a: {  	s5 =	simm.s32 $_size__tile_overlayer_lowered;
	s6 =	simm.s32 $_tile_overlayer_lowered  }
0x9b: {  	s22 =	simm.s32 $0x1BFF;
	s21 =	sshll.u32 s6, $0x1;
	s3 =	sadd.s32 s4, s19  }
0x9c: {  	s7 =	simm.s32 $0x0;
	s20 =	sshll.u32 s5, $0x1;
	s5 =	sadd.s32 s21, s3  }
0x9d: {  	[timem:s7], [sflag:s22] =	dma.local [hbm:s5], s20  }
0x9e: {  	_ =	swait.ge [sflag:s22], s20  }
0x9f: {  	s4 =	ssub.s32 $0x0, s20;
	[sflag:s22] =	ssyncset.done $0x0  }
0xa0: {  	[sflag:s22] =	ssyncadd.s32 s4;
	_ =	sdelay $0x1  }
0xa1: {  	s23 =	simm.s32 $0x1B8B  }
0xa2: {  	_ =	swait.ge [sflag:s23], $0x1  }
0xa3: {  	[sflag:s23] =	ssyncset.done $0x0  }
0xa4: {  	s25 =	simm.s32 $0x1B8E;
	s24 =	sld [smem:$0x3FFE];
	[sflag:s23] =	ssyncadd.s32 $0xFFFFFFFF  }
0xa5: {  	s26 =	simm.s32 $execute0_lowered;
	[smem:$0x3FD2] =	sst s25  }
0xa6: {  	s5 =	sshll.u32 s26, $0x1;
	_ =	strace $0x80000049;
	[dreg:$0x1] =	wrdreg $0xFFFFFFFF  }
0xa7: {  	s28 =	simm.s32 $_size_execute0_lowered;
	s3 =	sadd.s32 s3, s5;
	[dreg:$0x0] =	wrdreg $0x0  }
0xa8: {  	s5 =	sshll.u32 s28, $0x1;
	[dreg:$0x2] =	wrdreg s3  }
0xa9: {  	[dreg:$0x3] =	wrdreg s5  }
0xaa: {  	[dreg:$0x4] =	wrdreg $0xC0  }
0xab: {  	_ =	task [dreg:s7], $0x5FFFF  }
0xac: {  	[dreg:$0x1] =	wrdreg $0xFFFFFFFF  }
0xad: {  	[dreg:$0x0] =	wrdreg $0x60  }
0xae: {  	[dreg:$0x2] =	wrdreg s2  }
0xaf: {  	[dreg:$0x3] =	wrdreg s24  }
0xb0: {  	[dreg:$0x4] =	wrdreg $0x0  }
0xb1: {  	[dreg:$0x5] =	wrdreg $0xC8000  }
0xb2: {  	[dreg:$0x6] =	wrdreg $0xA0000  }
0xb3: {  	[dreg:$0x7] =	wrdreg $0x9  }
0xb4: {  	_ =	task.clear_ibuf [dreg:s7], $0x8FFFF;
	_ =	strace $0x90000049  }
0xb5: {  	s29 =	simm.s32 $0x9;
	_ =	strace $0x8000004B  }
0xb6: {  	_ =	swait.ge [sflag:s29], $0x1  }
0xb7: {  	[sflag:s29] =	ssyncadd.s32 $0xFFFFFFFF  }
0xb8: {  	_ =	strace $0x9000004B  }
0xb9: {  	_ =	sfence  }
0xba: {  	s30 =	sld [smem:$0x0];
	_ =	sdelay $0x2  }
0xbb: {  	s31 =	sshll.u32 s1, $0xD;
	s1 =	sshrl.u32 s1, $0x2  }
0xbc: {  	s3 =	sand.u32 $0x4000, s31;
	s1 =	sadd.s32 s1, s30  }
0xbd: {  	s0 =	sor.u32 s3, s0;
	s1 =	sshll.u32 s1, $0x11  }
0xbe: {  	s0 =	sor.u32 s1, s0  }
0xbf: {  	s0 =	sadd.s32 $0x8F2B, s0  }
0xc0: {  	[sflag:s0] =	ssyncadd.remote.s32 $0x1  }
0xc1: {  	_ =	sfence.sel $0xFFFF  }
0xc2: {  	[dreg:$0x0] =	wrdreg $0xFFFFFFFF;
	(pc) =	sbr.abs _section_cstart, $3  }
0xc3: {  	[dreg:$0x1] =	wrdreg $0xFFFFFFFF  }
0xc4: {  	_ =	task.clear_ibuf [dreg:s7], $0x2FFFF;
	_ =	strace $0x9FFFFFFF  }
0xc5: {  	(tm) =	ssettm $0x7FFFFFFF  }
tec
execute0_lowered:
.L_overlay_start_1:
0x0: {  	(tag) =	ssettag $0x1  }
0x1: {  	s0 =	rddreg [dreg:$0x0]  }
0x2: {  	s1 =	rddreg [dreg:$0x1]  }
0x3: {  	s2 =	rddreg [dreg:$0x2];
	s4 =	srdreg.scid  }
0x4: {  	s3 =	rddreg [dreg:$0x3];
	s20 =	stileid.u32  }
0x5: {  	s5 =	simm.s32 $0x0;
	s6 =	sand.u32 $0x1, s4;
	s16 =	smul.u32 $0xA000, s20  }
0x6: {  	s10 =	sadd.s32 $0x1AE800, s1;
	s11 =	sadd.s32 $0x1C2800, s1;
	s18 =	smul.u32 $0x2800, s20  }
0x7: {  	s4 =	rddreg [dreg:$0x4];
	s12 =	sadd.s32 $0x1A9800, s1;
	s7 =	smul.u32 $0x1400, s6  }
0x8: {  	[smem:$0x7FF] =	sst s5;
	s13 =	sadd.s32 $0x1A4800, s1;
	s8 =	smul.u32 $0x68000, s6  }
0x9: {  	s14 =	sadd.s32 $0x1D6800, s1;
	s9 =	smul.u32 $0xD00, s6;
	s15 =	ssub.s32 $0x2, s6  }
0xa: {  	_ =	strace $0x8000004A;
	p0 =	seq.s32 s6, $0x1;
	s17 =	sshrl.u32 s15, $0x1  }
0xb: {  	s6 =	sshrl.u32 s16, $0x3;
	s23 =	sshrl.u32 s18, $0x3;
	s18 =	sadd.s32 s18, s4  }
0xc: {  	s19 =	sshrl.u32 s16, $0x2;
	s25 =	sor.u32 $0x1400, s16;
	s31 =	sadd.s32 $0x2800, s16  }
0xd: {  	s10 =	smov.u32 @p0 s11;
	s12 =	smov.u32 @p0 s13;
	s28 =	sadd.s32 s16, s2  }
0xe: {  	s29 =	sadd.s32 s16, s3;
	s7 =	sadd.s32 s7, s1;
	s8 =	sadd.s32 s8, s1  }
0xf: {  	s9 =	sadd.s32 s9, s1;
	s1 =	sadd.s32 $0x1EA800, s1;
	s24 =	sadd.s32 s19, s4  }
0x10: {  	s15 =	ssub.s32 s15, s17;
	s26 =	sadd.s32 s25, s2;
	[dreg:$0x7] =	wrdreg s24  }
0x11: {  	s30 =	sadd.s32 s25, s3;
	s19 =	sadd.s32 s31, s2;
	[dreg:$0x8] =	wrdreg s26  }
0x12: {  	s21 =	sadd.s32 s31, s3;
	s22 =	sshrl.u32 s31, $0x2;
	[dreg:$0x9] =	wrdreg s30  }
0x13: {  	s12 =	sadd.s32 s12, s23;
	s23 =	smul.u32 $0x140, s20;
	[dreg:$0xb] =	wrdreg s19  }
0x14: {  	s10 =	sadd.s32 s10, s6;
	s15 =	smax.u32 s15, $0x1;
	[dreg:$0xc] =	wrdreg s21  }
0x15: {  	[dreg:$0xd] =	wrdreg s12;
	s11 =	sadd.s32 s22, s4;
	s14 =	smov.u32 @p0 s1  }
0x16: {  	s24 =	smul.u32 $0x6800, s20;
	[dreg:$0xf] =	wrdreg s10;
	s26 =	sadd.s32 $0x3C00, s16  }
0x17: {  	s22 =	sadd.s32 $0x7800, s16;
	[dreg:$0x6] =	wrdreg s15;
	s15 =	sshrl.u32 s25, $0x2  }
0x18: {  	[dreg:$0xe] =	wrdreg s11;
	s6 =	sadd.s32 s14, s6;
	s25 =	smul.u32 $0xD0, s20  }
0x19: {  	s10 =	sadd.s32 s23, s7;
	s30 =	sadd.s32 s26, s2;
	s31 =	sshrl.u32 s26, $0x2  }
0x1a: {  	s23 =	sadd.s32 $0x8C00, s16;
	s15 =	sadd.s32 s15, s4;
	[dreg:$0x10] =	wrdreg s6  }
0x1b: {  	s11 =	sadd.s32 s24, s8;
	[dreg:$0x11] =	wrdreg s30;
	s8 =	sadd.s32 s26, s3  }
0x1c: {  	s1 =	sadd.s32 s31, s4;
	s24 =	sadd.s32 s22, s2;
	[dreg:$0xa] =	wrdreg s15  }
0x1d: {  	s30 =	sshrl.u32 s23, $0x2;
	s31 =	sadd.s32 s23, s2;
	[dreg:$0x12] =	wrdreg s8  }
0x1e: {  	s7 =	sadd.s32 s23, s3;
	s23 =	simm.s32 $0x0;
	[dreg:$0x13] =	wrdreg s1  }
0x1f: {  	s12 =	sadd.s32 s25, s9;
	s9 =	sadd.s32 $0x5000, s16;
	[dreg:$0x1a] =	wrdreg s24  }
0x20: {  	s15 =	sadd.s32 $0x6400, s16;
	s25 =	sshrl.u32 s22, $0x2;
	[dreg:$0x1d] =	wrdreg s31  }
0x21: {  	s8 =	sadd.s32 s30, s4;
	s11 =	sadd.s32 $0x725200, s11;
	s16 =	simm.s32 $0x1CD00  }
0x22: {  	s13 =	sadd.s32 s9, s2;
	s14 =	sshrl.u32 s9, $0x2;
	s1 =	sadd.s32 s9, s3  }
0x23: {  	s19 =	sshrl.u32 s15, $0x2;
	s20 =	sadd.s32 s15, s2;
	[dreg:$0x14] =	wrdreg s13  }
0x24: {  	s21 =	sadd.s32 s15, s3;
	s26 =	sadd.s32 s25, s4;
	[dreg:$0x15] =	wrdreg s1  }
0x25: {  	s9 =	sadd.s32 $0x311000, s10;
	s10 =	sadd.s32 $0x1A2000, s10;
	[dreg:$0x17] =	wrdreg s20  }
0x26: {  	s12 =	sadd.s32 $0x313800, s12;
	s15 =	simm.s32 $0x2;
	[dreg:$0x18] =	wrdreg s21  }
0x27: {  	s17 =	sadd.s32 s14, s4;
	s1 =	sadd.s32 s19, s4;
	[dreg:$0x1c] =	wrdreg s26  }
0x28: {  	s13 =	sshrl.u32 s18, $0x3;
	s14 =	simm.s32 $0x1B900;
	s18 =	simm.s32 $0x16880  }
0x29: {  	s19 =	simm.s32 $0x80;
	s20 =	simm.s32 $0x16900;
	[dreg:$0x16] =	wrdreg s17  }
0x2a: {  	s21 =	simm.s32 $0x1;
	[dreg:$0x19] =	wrdreg s1;
	s1 =	sadd.s32 s22, s3  }
0x2b: {  	v0 =	vimm.f32 $0.0e+00;
	v1 =	vimm.f32 $1.000000000e+00;
	s17 =	simm.s32 $0x16800;
	s22 =	simm.s32 $0x1A900;
	[dreg:$0x1b] =	wrdreg s1  }
.LBB2_1:
0x2c: {  	s24 =	simm.s32 $0x0;
	s25 =	simm.s32 $0x200  }
.LBB2_2:
0x2d: {  	p0 =	sne.s32 s25, $0x4E00;
	[tilespmem:s24+$0x1B970] =	vst v0  }
0x2e: {  	[tilespmem:s24+$0x1B900] =	vst v0  }
0x2f: {  	[tilespmem:s24+$0x1B910] =	vst v0  }
.Ltmp0:
0x30: {  	[tilespmem:s24+$0x1B920] =	vst v0;
	(pc) =	sbr.rel @p0 .LBB2_2-.Ltmp0, $4  }
0x31: {  	[tilespmem:s24+$0x1B930] =	vst v0  }
0x32: {  	[tilespmem:s24+$0x1B940] =	vst v0  }
0x33: {  	[tilespmem:s24+$0x1B950] =	vst v0  }
0x34: {  	[tilespmem:s24+$0x1B960] =	vst v0;
	s24 =	sshra.s32 s25, $0x2;
	s25 =	sadd.s32 $0x200, s25  }
0x35: {  	[tilespmem:s24+$0x1B970] =	vst v0  }
0x36: {  	[tilespmem:s24+$0x1B900] =	vst v0  }
0x37: {  	[tilespmem:s24+$0x1B910] =	vst v0  }
0x38: {  	[tilespmem:s24+$0x1B920] =	vst v0  }
0x39: {  	[tilespmem:s24+$0x1B930] =	vst v0  }
0x3a: {  	[tilespmem:s24+$0x1B940] =	vst v0  }
0x3b: {  	[tilespmem:s24+$0x1B950] =	vst v0  }
0x3c: {  	[tilespmem:s24+$0x1B960] =	vst v0;
	s24 =	simm.s32 $0x80;
	s25 =	simm.s32 $0x0  }
.LBB2_4:
0x3d: {  	p0 =	sne.s32 s24, $0x1380;
	[tilespmem:s25+$0x1CD00] =	vst v0;
	s26 =	smov.u32 s24;
	s24 =	sadd.s32 $0x80, s24  }
.Ltmp1:
0x3e: {  	[tilespmem:s25+$0x1CD10] =	vst v0;
	(pc) =	sbr.rel @p0 .LBB2_4-.Ltmp1, $2  }
0x3f: {  	_ =	sdelay $0x2  }
0x40: {  	s25 =	sshra.s32 s26, $0x2  }
0x41: {  	[tilespmem:s25+$0x1CD00] =	vst v0  }
0x42: {  	[tilespmem:s25+$0x1CD10] =	vst v0;
	s24 =	simm.s32 $0x80;
	s25 =	simm.s32 $0x0  }
.LBB2_6:
0x43: {  	p0 =	sne.s32 s24, $0x3F80;
	[tilespmem:s25+$0x1A900] =	vst v1;
	s26 =	smov.u32 s24;
	s24 =	sadd.s32 $0x80, s24  }
.Ltmp2:
0x44: {  	[tilespmem:s25+$0x1A910] =	vst v1;
	(pc) =	sbr.rel @p0 .LBB2_6-.Ltmp2, $2  }
0x45: {  	_ =	sdelay $0x2  }
0x46: {  	s25 =	sshra.s32 s26, $0x2  }
0x47: {  	[tilespmem:s25+$0x1A900] =	vst v1  }
0x48: {  	[tilespmem:s25+$0x1A910] =	vst v1  }
0x49: {  	[spmem:s28] =	stream.linear.scatter [tilespmem:s14], [sflag:$0x2], $0x1400, $0x38;
	[tilespmem:$0x1D200] =	vst v63  }
0x4a: {  	_ =	swait.ge [sflag:s15], $0x1400  }
0x4b: {  	[sflag:s15] =	ssyncset.done $0x0  }
0x4c: {  	[sflag:s15] =	ssyncadd.s32 $0xFFFFEC00  }
0x4d: {  	[spmem:s29] =	stream.linear.scatter [tilespmem:s14], [sflag:$0x2], $0x1400, $0x38;
	[tilespmem:$0x1D200] =	vst v63  }
0x4e: {  	_ =	swait.ge [sflag:s15], $0x1400  }
0x4f: {  	[sflag:s15] =	ssyncset.done $0x0  }
0x50: {  	s1 =	rddreg [dreg:$0x7];
	[sflag:s15] =	ssyncadd.s32 $0xFFFFEC00  }
0x51: {  	[spmem:s1] =	stream.linear.scatter [tilespmem:s16], [sflag:$0x2], $0x500, $0x38;
	[tilespmem:$0x1D200] =	vst v63  }
0x52: {  	_ =	swait.ge [sflag:s15], $0x500  }
0x53: {  	[sflag:s15] =	ssyncset.done $0x0  }
0x54: {  	s6 =	rddreg [dreg:$0x8];
	[sflag:s15] =	ssyncadd.s32 $0xFFFFFB00  }
0x55: {  	[spmem:s6] =	stream.linear.scatter [tilespmem:s14], [sflag:$0x2], $0x1400, $0x38;
	[tilespmem:$0x1D200] =	vst v63  }
0x56: {  	_ =	swait.ge [sflag:s15], $0x1400  }
0x57: {  	[sflag:s15] =	ssyncset.done $0x0  }
0x58: {  	s24 =	rddreg [dreg:$0x9];
	[sflag:s15] =	ssyncadd.s32 $0xFFFFEC00  }
0x59: {  	[spmem:s24] =	stream.linear.scatter [tilespmem:s14], [sflag:$0x2], $0x1400, $0x38;
	[tilespmem:$0x1D200] =	vst v63  }
0x5a: {  	_ =	swait.ge [sflag:s15], $0x1400  }
0x5b: {  	[sflag:s15] =	ssyncset.done $0x0  }
0x5c: {  	s25 =	rddreg [dreg:$0xa];
	[sflag:s15] =	ssyncadd.s32 $0xFFFFEC00  }
0x5d: {  	[spmem:s25] =	stream.linear.scatter [tilespmem:s16], [sflag:$0x2], $0x500, $0x38;
	[tilespmem:$0x1D200] =	vst v63  }
0x5e: {  	_ =	swait.ge [sflag:s15], $0x500  }
0x5f: {  	[sflag:s15] =	ssyncset.done $0x0  }
0x60: {  	s26 =	rddreg [dreg:$0xb];
	[sflag:s15] =	ssyncadd.s32 $0xFFFFFB00  }
0x61: {  	[spmem:s26] =	stream.linear.scatter [tilespmem:s14], [sflag:$0x2], $0x1400, $0x38;
	[tilespmem:$0x1D200] =	vst v63  }
0x62: {  	_ =	swait.ge [sflag:s15], $0x1400  }
0x63: {  	[sflag:s15] =	ssyncset.done $0x0  }
0x64: {  	s31 =	rddreg [dreg:$0xc];
	[sflag:s15] =	ssyncadd.s32 $0xFFFFEC00  }
0x65: {  	[spmem:s31] =	stream.linear.scatter [tilespmem:s14], [sflag:$0x2], $0x1400, $0x38;
	[tilespmem:$0x1D200] =	vst v63  }
0x66: {  	_ =	swait.ge [sflag:s15], $0x1400  }
0x67: {  	[sflag:s15] =	ssyncset.done $0x0  }
0x68: {  	s6 =	rddreg [dreg:$0xe];
	[sflag:s15] =	ssyncadd.s32 $0xFFFFEC00  }
0x69: {  	[spmem:s6] =	stream.linear.scatter [tilespmem:s16], [sflag:$0x2], $0x500, $0x38;
	[tilespmem:$0x1D200] =	vst v63  }
0x6a: {  	_ =	swait.ge [sflag:s15], $0x500  }
0x6b: {  	[sflag:s15] =	ssyncset.done $0x0  }
0x6c: {  	s24 =	rddreg [dreg:$0x11];
	[sflag:s15] =	ssyncadd.s32 $0xFFFFFB00  }
0x6d: {  	[spmem:s24] =	stream.linear.scatter [tilespmem:s14], [sflag:$0x2], $0x1400, $0x38;
	[tilespmem:$0x1D200] =	vst v63  }
0x6e: {  	_ =	swait.ge [sflag:s15], $0x1400  }
0x6f: {  	[sflag:s15] =	ssyncset.done $0x0  }
0x70: {  	s25 =	rddreg [dreg:$0x12];
	[sflag:s15] =	ssyncadd.s32 $0xFFFFEC00  }
0x71: {  	[spmem:s25] =	stream.linear.scatter [tilespmem:s14], [sflag:$0x2], $0x1400, $0x38;
	[tilespmem:$0x1D200] =	vst v63  }
0x72: {  	_ =	swait.ge [sflag:s15], $0x1400  }
0x73: {  	[sflag:s15] =	ssyncset.done $0x0  }
0x74: {  	s26 =	rddreg [dreg:$0x13];
	[sflag:s15] =	ssyncadd.s32 $0xFFFFEC00  }
0x75: {  	[spmem:s26] =	stream.linear.scatter [tilespmem:s16], [sflag:$0x2], $0x500, $0x38;
	[tilespmem:$0x1D200] =	vst v63  }
0x76: {  	_ =	swait.ge [sflag:s15], $0x500  }
0x77: {  	[sflag:s15] =	ssyncset.done $0x0  }
0x78: {  	s31 =	rddreg [dreg:$0x14];
	[sflag:s15] =	ssyncadd.s32 $0xFFFFFB00  }
0x79: {  	[spmem:s31] =	stream.linear.scatter [tilespmem:s14], [sflag:$0x2], $0x1400, $0x38;
	[tilespmem:$0x1D200] =	vst v63  }
0x7a: {  	_ =	swait.ge [sflag:s15], $0x1400  }
0x7b: {  	[sflag:s15] =	ssyncset.done $0x0  }
0x7c: {  	s6 =	rddreg [dreg:$0x15];
	[sflag:s15] =	ssyncadd.s32 $0xFFFFEC00  }
0x7d: {  	[spmem:s6] =	stream.linear.scatter [tilespmem:s14], [sflag:$0x2], $0x1400, $0x38;
	[tilespmem:$0x1D200] =	vst v63  }
0x7e: {  	_ =	swait.ge [sflag:s15], $0x1400  }
0x7f: {  	[sflag:s15] =	ssyncset.done $0x0  }
0x80: {  	s24 =	rddreg [dreg:$0x16];
	[sflag:s15] =	ssyncadd.s32 $0xFFFFEC00  }
0x81: {  	[spmem:s24] =	stream.linear.scatter [tilespmem:s16], [sflag:$0x2], $0x500, $0x38;
	[tilespmem:$0x1D200] =	vst v63  }
0x82: {  	_ =	swait.ge [sflag:s15], $0x500  }
0x83: {  	[sflag:s15] =	ssyncset.done $0x0  }
0x84: {  	s25 =	rddreg [dreg:$0x17];
	[sflag:s15] =	ssyncadd.s32 $0xFFFFFB00  }
0x85: {  	[spmem:s25] =	stream.linear.scatter [tilespmem:s14], [sflag:$0x2], $0x1400, $0x38;
	[tilespmem:$0x1D200] =	vst v63  }
0x86: {  	_ =	swait.ge [sflag:s15], $0x1400  }
0x87: {  	[sflag:s15] =	ssyncset.done $0x0  }
0x88: {  	s26 =	rddreg [dreg:$0x18];
	[sflag:s15] =	ssyncadd.s32 $0xFFFFEC00  }
0x89: {  	[spmem:s26] =	stream.linear.scatter [tilespmem:s14], [sflag:$0x2], $0x1400, $0x38;
	[tilespmem:$0x1D200] =	vst v63  }
0x8a: {  	_ =	swait.ge [sflag:s15], $0x1400  }
0x8b: {  	[sflag:s15] =	ssyncset.done $0x0  }
0x8c: {  	s31 =	rddreg [dreg:$0x19];
	[sflag:s15] =	ssyncadd.s32 $0xFFFFEC00  }
0x8d: {  	[spmem:s31] =	stream.linear.scatter [tilespmem:s16], [sflag:$0x2], $0x500, $0x38;
	[tilespmem:$0x1D200] =	vst v63  }
0x8e: {  	_ =	swait.ge [sflag:s15], $0x500  }
0x8f: {  	[sflag:s15] =	ssyncset.done $0x0  }
0x90: {  	s6 =	rddreg [dreg:$0x1a];
	[sflag:s15] =	ssyncadd.s32 $0xFFFFFB00  }
0x91: {  	[spmem:s6] =	stream.linear.scatter [tilespmem:s14], [sflag:$0x2], $0x1400, $0x38;
	[tilespmem:$0x1D200] =	vst v63  }
0x92: {  	_ =	swait.ge [sflag:s15], $0x1400  }
0x93: {  	[sflag:s15] =	ssyncset.done $0x0  }
0x94: {  	s24 =	rddreg [dreg:$0x1b];
	[sflag:s15] =	ssyncadd.s32 $0xFFFFEC00  }
0x95: {  	[spmem:s24] =	stream.linear.scatter [tilespmem:s14], [sflag:$0x2], $0x1400, $0x38;
	[tilespmem:$0x1D200] =	vst v63  }
0x96: {  	_ =	swait.ge [sflag:s15], $0x1400  }
0x97: {  	[sflag:s15] =	ssyncset.done $0x0  }
0x98: {  	s25 =	rddreg [dreg:$0x1c];
	[sflag:s15] =	ssyncadd.s32 $0xFFFFEC00  }
0x99: {  	[spmem:s25] =	stream.linear.scatter [tilespmem:s16], [sflag:$0x2], $0x500, $0x38;
	[tilespmem:$0x1D200] =	vst v63  }
0x9a: {  	_ =	swait.ge [sflag:s15], $0x500  }
0x9b: {  	[sflag:s15] =	ssyncset.done $0x0  }
0x9c: {  	s26 =	rddreg [dreg:$0x1d];
	[sflag:s15] =	ssyncadd.s32 $0xFFFFFB00  }
0x9d: {  	[spmem:s26] =	stream.linear.scatter [tilespmem:s14], [sflag:$0x2], $0x1400, $0x38;
	[tilespmem:$0x1D200] =	vst v63  }
0x9e: {  	_ =	swait.ge [sflag:s15], $0x1400  }
0x9f: {  	[sflag:s15] =	ssyncset.done $0x0  }
0xa0: {  	[sflag:s15] =	ssyncadd.s32 $0xFFFFEC00  }
0xa1: {  	[spmem:s7] =	stream.linear.scatter [tilespmem:s14], [sflag:$0x2], $0x1400, $0x38;
	[tilespmem:$0x1D200] =	vst v63  }
0xa2: {  	_ =	swait.ge [sflag:s15], $0x1400  }
0xa3: {  	[sflag:s15] =	ssyncset.done $0x0  }
0xa4: {  	[sflag:s15] =	ssyncadd.s32 $0xFFFFEC00  }
0xa5: {  	[spmem:s8] =	stream.linear.scatter [tilespmem:s16], [sflag:$0x2], $0x500, $0x38;
	[tilespmem:$0x1D200] =	vst v63  }
0xa6: {  	_ =	swait.ge [sflag:s15], $0x500  }
0xa7: {  	[sflag:s15] =	ssyncset.done $0x0  }
0xa8: {  	[sflag:s15] =	ssyncadd.s32 $0xFFFFFB00  }
0xa9: {  	s24 =	sadd.s32 $0x0, s10;
	s25 =	simm.s32 $0x0;
	[bflag:$0x0] =	sbarrier.arrive $0xFFFF  }
0xaa: {  	[tilespmem:s17], [sflag:$0x2] =	stream.linear.gather [hbm4b:s24+s25], $0x80, $0x38;
	[tilespmem:$0x1D200] =	vst v63  }
0xab: {  	_ =	swait.ge [sflag:s15], $0x80  }
0xac: {  	[sflag:s15] =	ssyncset.done $0x0  }
0xad: {  	s31 =	sadd.s32 $0x0, s9;
	[sflag:s15] =	ssyncadd.s32 $0xFFFFFF80  }
0xae: {  	[tilespmem:s18], [sflag:$0x2] =	stream.linear.gather [hbm4b:s31+s25], $0x80, $0x38;
	[tilespmem:$0x1D200] =	vst v63  }
0xaf: {  	_ =	swait.ge [sflag:s15], $0x80  }
0xb0: {  	[sflag:s15] =	ssyncset.done $0x0  }
0xb1: {  	[sflag:s15] =	ssyncadd.s32 $0xFFFFFF80  }
0xb2: {  	[tilespmem:s20], [sflag:$0x1] =	stream.indirect.gather [hbm4b:s0+s19], $0x80, s17, s19, $0xb8;
	[tilespmem:$0x1D200] =	vst v63  }
0xb3: {  	_ =	swait.ge [sflag:s21], $0x4000  }
0xb4: {  	[sflag:s21] =	ssyncset.done $0x0  }
0xb5: {  	[sflag:s21] =	ssyncadd.s32 $0xFFFFC000  }
0xb6: {  	[spmem:s2] =	stream.indirect.scatter.add.f32 [tilespmem:s20], [sflag:$0x2], $0x80, s18, s19, $0xb8;
	[tilespmem:$0x1D200] =	vst v63  }
0xb7: {  	_ =	swait.ge [sflag:s15], $0x4000  }
0xb8: {  	[sflag:s15] =	ssyncset.done $0x0  }
0xb9: {  	[sflag:s15] =	ssyncadd.s32 $0xFFFFC000  }
0xba: {  	[spmem:s4] =	stream.indirect.scatter.add.f32 [tilespmem:s22], [sflag:$0x2], $0x20, s18, s19, $0xb8;
	[tilespmem:$0x1D200] =	vst v63  }
0xbb: {  	s30 =	simm.s32 $0x20;
	_ =	swait.ge [sflag:s15], $0x1000  }
0xbc: {  	s26 =	simm.s32 $0x10;
	s24 =	simm.s32 $0x10;
	[sflag:s15] =	ssyncset.done $0x0  }
.LBB2_8:
0xbd: {  	s31 =	sadd.s32 s26, s10  }
0xbe: {  	[sflag:s15] =	ssyncadd.s32 $0xFFFFF000;
	s1 =	smov.u32 s30;
	s6 =	sadd.s32 $0x10, s30  }
0xbf: {  	[tilespmem:s17], [sflag:$0x2] =	stream.linear.gather [hbm4b:s31+s25], $0x80, $0x38;
	[tilespmem:$0x1D200] =	vst v63  }
0xc0: {  	p0 =	sne.s32 s30, $0x130;
	_ =	swait.ge [sflag:s15], $0x80  }
0xc1: {  	[sflag:s15] =	ssyncset.done $0x0  }
0xc2: {  	s30 =	sadd.s32 s26, s9;
	s26 =	smov.u32 s1;
	[sflag:s15] =	ssyncadd.s32 $0xFFFFFF80  }
0xc3: {  	[tilespmem:s18], [sflag:$0x2] =	stream.linear.gather [hbm4b:s30+s25], $0x80, $0x38;
	[tilespmem:$0x1D200] =	vst v63  }
0xc4: {  	_ =	swait.ge [sflag:s15], $0x80  }
0xc5: {  	[sflag:s15] =	ssyncset.done $0x0  }
0xc6: {  	[sflag:s15] =	ssyncadd.s32 $0xFFFFFF80  }
0xc7: {  	[tilespmem:s20], [sflag:$0x1] =	stream.indirect.gather [hbm4b:s0+s19], $0x80, s17, s19, $0xb8;
	[tilespmem:$0x1D200] =	vst v63  }
0xc8: {  	_ =	swait.ge [sflag:s21], $0x4000  }
0xc9: {  	[sflag:s21] =	ssyncset.done $0x0  }
0xca: {  	[sflag:s21] =	ssyncadd.s32 $0xFFFFC000  }
0xcb: {  	[spmem:s2] =	stream.indirect.scatter.add.f32 [tilespmem:s20], [sflag:$0x2], $0x80, s18, s19, $0xb8;
	[tilespmem:$0x1D200] =	vst v63  }
0xcc: {  	_ =	swait.ge [sflag:s15], $0x4000  }
.Ltmp3:
0xcd: {  	[sflag:s15] =	ssyncset.done $0x0;
	(pc) =	sbr.rel @p0 .LBB2_8-.Ltmp3, $4  }
0xce: {  	[sflag:s15] =	ssyncadd.s32 $0xFFFFC000  }
0xcf: {  	[spmem:s4] =	stream.indirect.scatter.add.f32 [tilespmem:s22], [sflag:$0x2], $0x20, s18, s19, $0xb8;
	[tilespmem:$0x1D200] =	vst v63  }
0xd0: {  	_ =	swait.ge [sflag:s15], $0x1000  }
0xd1: {  	s30 =	smov.u32 s6;
	[sflag:s15] =	ssyncset.done $0x0  }
0xd2: {  	s1 =	sadd.s32 s26, s10;
	[sflag:s15] =	ssyncadd.s32 $0xFFFFF000  }
0xd3: {  	[tilespmem:s17], [sflag:$0x2] =	stream.linear.gather [hbm4b:s1+s25], $0x80, $0x38;
	[tilespmem:$0x1D200] =	vst v63  }
0xd4: {  	_ =	swait.ge [sflag:s15], $0x80  }
0xd5: {  	[sflag:s15] =	ssyncset.done $0x0  }
0xd6: {  	s30 =	sadd.s32 s26, s9;
	[sflag:s15] =	ssyncadd.s32 $0xFFFFFF80  }
0xd7: {  	[tilespmem:s18], [sflag:$0x2] =	stream.linear.gather [hbm4b:s30+s25], $0x80, $0x38;
	[tilespmem:$0x1D200] =	vst v63  }
0xd8: {  	_ =	swait.ge [sflag:s15], $0x80  }
0xd9: {  	[sflag:s15] =	ssyncset.done $0x0  }
0xda: {  	[sflag:s15] =	ssyncadd.s32 $0xFFFFFF80  }
0xdb: {  	[tilespmem:s20], [sflag:$0x1] =	stream.indirect.gather [hbm4b:s0+s19], $0x80, s17, s19, $0xb8;
	[tilespmem:$0x1D200] =	vst v63  }
0xdc: {  	_ =	swait.ge [sflag:s21], $0x4000  }
0xdd: {  	[sflag:s21] =	ssyncset.done $0x0  }
0xde: {  	[sflag:s21] =	ssyncadd.s32 $0xFFFFC000  }
0xdf: {  	[spmem:s2] =	stream.indirect.scatter.add.f32 [tilespmem:s20], [sflag:$0x2], $0x80, s18, s19, $0xb8;
	[tilespmem:$0x1D200] =	vst v63  }
0xe0: {  	_ =	swait.ge [sflag:s15], $0x4000  }
0xe1: {  	[sflag:s15] =	ssyncset.done $0x0  }
0xe2: {  	[sflag:s15] =	ssyncadd.s32 $0xFFFFC000  }
0xe3: {  	[spmem:s4] =	stream.indirect.scatter.add.f32 [tilespmem:s22], [sflag:$0x2], $0x20, s18, s19, $0xb8;
	[tilespmem:$0x1D200] =	vst v63  }
0xe4: {  	_ =	swait.ge [sflag:s15], $0x1000  }
0xe5: {  	[sflag:s15] =	ssyncset.done $0x0  }
0xe6: {  	s31 =	sadd.s32 $0x0, s12;
	[sflag:s15] =	ssyncadd.s32 $0xFFFFF000  }
0xe7: {  	[tilespmem:s18], [sflag:$0x2] =	stream.linear.gather [hbm4b:s31+s5], $0x80, $0x38;
	[tilespmem:$0x1D200] =	vst v63  }
0xe8: {  	_ =	swait.ge [sflag:s15], $0x80  }
0xe9: {  	[sflag:s15] =	ssyncset.done $0x0  }
0xea: {  	[sflag:s15] =	ssyncadd.s32 $0xFFFFFF80  }
0xeb: {  	[tilespmem:s20], [sflag:$0x2] =	stream.linear.gather [hbm4b:s11+s5], $0x4000, $0x38;
	[tilespmem:$0x1D200] =	vst v63  }
0xec: {  	_ =	swait.ge [sflag:s15], $0x4000  }
0xed: {  	[sflag:s15] =	ssyncset.done $0x0  }
0xee: {  	[sflag:s15] =	ssyncadd.s32 $0xFFFFC000  }
0xef: {  	[spmem:s3] =	stream.indirect.scatter.add.f32 [tilespmem:s20], [sflag:$0x2], $0x80, s18, s19, $0xb8;
	[tilespmem:$0x1D200] =	vst v63  }
0xf0: {  	_ =	swait.ge [sflag:s15], $0x4000  }
0xf1: {  	s26 =	simm.s32 $0x20;
	s25 =	sadd.s32 $0x800, s11;
	[sflag:s15] =	ssyncset.done $0x0  }
.LBB2_10:
0xf2: {  	s1 =	sadd.s32 s24, s12  }
0xf3: {  	[sflag:s15] =	ssyncadd.s32 $0xFFFFC000;
	s24 =	smov.u32 s26;
	s6 =	sadd.s32 $0x10, s26  }
0xf4: {  	[tilespmem:s18], [sflag:$0x2] =	stream.linear.gather [hbm4b:s1+s5], $0x80, $0x38;
	[tilespmem:$0x1D200] =	vst v63  }
0xf5: {  	p0 =	sne.s32 s26, $0xC0;
	_ =	swait.ge [sflag:s15], $0x80  }
0xf6: {  	[sflag:s15] =	ssyncset.done $0x0  }
0xf7: {  	[sflag:s15] =	ssyncadd.s32 $0xFFFFFF80  }
0xf8: {  	[tilespmem:s20], [sflag:$0x2] =	stream.linear.gather [hbm4b:s25+s5], $0x4000, $0x38;
	[tilespmem:$0x1D200] =	vst v63  }
0xf9: {  	_ =	swait.ge [sflag:s15], $0x4000  }
.Ltmp4:
0xfa: {  	[sflag:s15] =	ssyncset.done $0x0;
	(pc) =	sbr.rel @p0 .LBB2_10-.Ltmp4, $4  }
0xfb: {  	[sflag:s15] =	ssyncadd.s32 $0xFFFFC000  }
0xfc: {  	[spmem:s3] =	stream.indirect.scatter.add.f32 [tilespmem:s20], [sflag:$0x2], $0x80, s18, s19, $0xb8;
	[tilespmem:$0x1D200] =	vst v63  }
0xfd: {  	_ =	swait.ge [sflag:s15], $0x4000  }
0xfe: {  	s26 =	smov.u32 s6;
	s25 =	sadd.s32 $0x800, s25;
	[sflag:s15] =	ssyncset.done $0x0  }
0xff: {  	s1 =	sadd.s32 s24, s12;
	[sflag:s15] =	ssyncadd.s32 $0xFFFFC000  }
0x100: {  	[tilespmem:s18], [sflag:$0x2] =	stream.linear.gather [hbm4b:s1+s5], $0x80, $0x38;
	[tilespmem:$0x1D200] =	vst v63  }
0x101: {  	_ =	swait.ge [sflag:s15], $0x80  }
0x102: {  	[sflag:s15] =	ssyncset.done $0x0  }
0x103: {  	[sflag:s15] =	ssyncadd.s32 $0xFFFFFF80  }
0x104: {  	[tilespmem:s20], [sflag:$0x2] =	stream.linear.gather [hbm4b:s25+s5], $0x4000, $0x38;
	[tilespmem:$0x1D200] =	vst v63  }
0x105: {  	_ =	swait.ge [sflag:s15], $0x4000  }
0x106: {  	[sflag:s15] =	ssyncset.done $0x0  }
0x107: {  	[sflag:s15] =	ssyncadd.s32 $0xFFFFC000  }
0x108: {  	[spmem:s3] =	stream.indirect.scatter.add.f32 [tilespmem:s20], [sflag:$0x2], $0x80, s18, s19, $0xb8;
	[tilespmem:$0x1D200] =	vst v63  }
0x109: {  	_ =	swait.ge [sflag:s15], $0x4000  }
0x10a: {  	[sflag:s15] =	ssyncset.done $0x0  }
0x10b: {  	s30 =	stileid.u32;
	[sflag:s15] =	ssyncadd.s32 $0xFFFFC000  }
0x10c: {  	s1 =	sshll.u32 s30, $0x6;
	[bflag:$0x0] =	sbarrier.arrive $0xFFFF  }
0x10d: {  	s6 =	sshrl.u32 s28, $0x3;
	s1 =	sor.u32 $0x1C02, s1;
	s31 =	rddreg [dreg:$0xf]  }
0x10e: {  	[hbm:s31], [sflag:s1] =	dma.local [spmem:s6], $0x1400  }
0x10f: {  	_ =	swait.ge [sflag:s15], $0x1400  }
0x110: {  	[sflag:s15] =	ssyncset.done $0x0  }
0x111: {  	s25 =	rddreg [dreg:$0xd];
	[sflag:s15] =	ssyncadd.s32 $0xFFFFEC00  }
0x112: {  	[hbm:s25], [sflag:s1] =	dma.local [spmem:s13], $0x500  }
0x113: {  	_ =	swait.ge [sflag:s15], $0x500  }
0x114: {  	[sflag:s15] =	ssyncset.done $0x0  }
0x115: {  	s26 =	sshrl.u32 s29, $0x3;
	s30 =	rddreg [dreg:$0x10];
	[sflag:s15] =	ssyncadd.s32 $0xFFFFFB00  }
0x116: {  	[hbm:s30], [sflag:s1] =	dma.local [spmem:s26], $0x1400  }
0x117: {  	_ =	swait.ge [sflag:s15], $0x1400  }
0x118: {  	s23 =	sadd.s32 $0x1, s23;
	s31 =	rddreg [dreg:$0x6]  }
0x119: {  	p0 =	sne.s32 s23, s31  }
.Ltmp5:
0x11a: {  	_ = 	snop;
	(pc) =	sbr.rel @p0 .LBB2_1-.Ltmp5, $3  }
0x11b: {  	_ =	sdelay $0x1  }
0x11c: {  	[sflag:s15] =	ssyncset.done $0x0  }
0x11d: {  	[sflag:s15] =	ssyncadd.s32 $0xFFFFEC00  }
0x11e: {  	_ =	sfence.sel $0x180000  }
0x11f: {  	[bflag:$0x0] =	sbarrier.arrive $0xFFFF  }
0x120: {  	_ =	strace $0x9000004A  }
0x121: {  	s0 =	stileid.u32;
	[bflag:$0x2] =	sbarrier.arrive $0xFFFF  }
0x122: {  	p0 =	sne.s32 s0, $0x0;
	s0 =	rddreg [dreg:$0x5]  }
0x123: {  	s0 =	sadd.s32 @!p0 $0x100000, s0  }
0x124: {  	[sflag:s0] =	ssyncadd.tile.s32 @!p0 $0x1;
	_ =	shalt  }
.Lfunc_end2:
_tile_overlayer_lowered:
.L_overlay_start_2:
0x125: {  	(tag) =	ssettag $0x2  }
0x126: {  	s0 =	rddreg [dreg:$0x0];
	s2 =	stileid.u32  }
0x127: {  	s1 =	rddreg [dreg:$0x1];
	p0 =	sne.s32 s2, $0x0  }
0x128: {  	s3 =	rddreg [dreg:$0x2];
	[bflag:$0x3] =	sbarrier.arrive $0xFFFF;
	s2 =	simm.s32 @!p0 $0x1C02  }
0x129: {  	[timem:s3], [sflag:s2] =	dma.local @!p0 [hbm:s0], s1  }
0x12a: {  	s0 =	simm.s32 @!p0 $0x2  }
0x12b: {  	_ =	swait.ge @!p0 [sflag:s0], s1  }
0x12c: {  	s1 =	ssub.s32 @!p0 $0x0, s1;
	[sflag:s0] =	ssyncset.done @!p0 $0x0  }
0x12d: {  	[sflag:s0] =	ssyncadd.s32 @!p0 s1  }
0x12e: {  	[bflag:$0x3] =	sbarrier.arrive $0xFFFF  }
0x12f: {  	_ =	shalt  }

// kernel: kernel.15.cloned.1.call-start
scs
__scs_entry_jumppad:
0x0: {  	(pc) =	sbr.rel $0x88, $3  }
0x1: {  	(tag) =	ssettag $0x0;
	lr =	simm.s32 $0x1  }
0x2: {  	[smem:$0x3F83] =	sst lr;
	_ =	strace $0xD0000000  }
0x3: {  	_ = 	snop  }
0x4: {  	_ = 	snop  }
0x5: {  	_ = 	snop  }
0x6: {  	_ = 	snop  }
0x7: {  	_ = 	snop  }
__scs_overlays_trampoline_lowered:
0x8: {  	[smem:$0x3F92] =	sst s0  }
0x9: {  	[smem:$0x3F93] =	sst s1  }
0xa: {  	[smem:$0x3F94] =	sst s2  }
0xb: {  	[smem:$0x3F95] =	sst s3  }
0xc: {  	[smem:$0x3F96] =	sst s4  }
0xd: {  	[smem:$0x3F97] =	sst s5  }
0xe: {  	[smem:$0x3F98] =	sst s6  }
0xf: {  	[smem:$0x3F99] =	sst s7  }
0x10: {  	[smem:$0x3F9A] =	sst s8  }
0x11: {  	[smem:$0x3F9B] =	sst s9;
	s0 =	simm.s32 @!p0 $0x0  }
0x12: {  	s1 =	sld [smem:$0x3F81];
	s0 =	simm.s32 @p0 $0x1  }
0x13: {  	[smem:$0x3F9C] =	sst s0;
	s0 =	simm.s32 @!p1 $0x0  }
0x14: {  	s2 =	sld [smem:$0x3F80];
	s0 =	simm.s32 @p1 $0x1  }
0x15: {  	[smem:$0x3F9D] =	sst s0;
	s0 =	simm.s32 @!p2 $0x0  }
0x16: {  	s3 =	sld [smem:$0x3FDB];
	s0 =	simm.s32 @p2 $0x1  }
0x17: {  	s4 =	simm.s32 $0x1BF5;
	[smem:$0x3F9F] =	sst s0  }
0x18: {  	s0 =	sld [smem:$0x3F82];
	_ =	swait.ge [sflag:s4], $0x0  }
0x19: {  	s7 =	sld [smem:$0x3F83]  }
0x1a: {  	s8 =	sadd.s32 $0xFFFFE003, lr  }
0x1b: {  	s9 =	sadd.s32 $0xFFFFFEF7, lr;
	s5 =	simm.s32 $0xFFFFFFFF;
	p2 =	slt.u32 s8, $0xFFFFF086  }
0x1c: {  	p1 =	slt.u32 s9, $0xF7A;
	s5 =	simm.s32 @!p2 $0x0  }
0x1d: {  	s5 =	simm.s32 @p1 $0x1;
	p0 =	seq.s32 s7, s2  }
0x1e: {  	s7 =	smul.u32 @!p0 $0xF7A, s2;
	p2 =	seq.s32 @!p0 s5, $0x0  }
0x1f: {  	s9 =	smul.u32 $0xF7A, s1;
	s8 =	simm.s32 @!p0 $0x1BF5;
	p2 =	por !p2, p0  }
0x20: {  	[sflag:s8] =	ssyncset.s32 @!p0 $0xFFFFF086;
	s6 =	sadd.s32 @!p0 s3, s7;
	s7 =	simm.s32 @!p0 $0x108  }
0x21: {  	s3 =	sadd.s32 s3, s9;
	s6 =	sadd.s32 @!p0 $0x88, s6;
	s7 =	simm.s32 @p2 $0x1082  }
0x22: {  	[simem:s7], [sflag:s8] =	dma.local @!p0 [hbm:s6], $0xF7A  }
0x23: {  	s9 =	sor.u32 $0xD0000000, s2;
	s6 =	simm.s32 $0x108;
	_ =	swait.ge @!p0 [sflag:s8], $0x0  }
0x24: {  	s3 =	sadd.s32 $0x88, s3;
	s6 =	simm.s32 @!p1 $0x1082;
	[sflag:s4] =	ssyncset.s32 $0xFFFFF086  }
0x25: {  	[simem:s6], [sflag:s4] =	dma.local [hbm:s3], $0xF7A  }
0x26: {  	[smem:$0x3F83] =	sst s1;
	(tag) =	ssettag s2;
	_ =	strace s9  }
0x27: {  	s1 =	sld [smem:$0x3F93]  }
0x28: {  	s2 =	sld [smem:$0x3F94]  }
0x29: {  	s4 =	sld [smem:$0x3F96]  }
0x2a: {  	p0 =	seq.s32 s5, $0x0;
	s5 =	sld [smem:$0x3F97]  }
0x2b: {  	s6 =	sld [smem:$0x3F98]  }
0x2c: {  	s7 =	sld [smem:$0x3F99]  }
0x2d: {  	s3 =	simm.s32 $0x108;
	s8 =	sld [smem:$0x3F9A]  }
0x2e: {  	s3 =	simm.s32 @!p0 $0x1082;
	s9 =	sld [smem:$0x3F9B]  }
0x2f: {  	lr =	sadd.s32 s0, s3;
	s0 =	sld [smem:$0x3F92]  }
0x30: {  	s3 =	sld [smem:$0x3F95]  }
0x31: {  	[smem:$0x3F9E] =	sst s10  }
0x32: {  	s10 =	sld [smem:$0x3F9C];
	_ =	sdelay $0x3  }
0x33: {  	p0 =	seq.s32 s10, $0x1;
	s10 =	sld [smem:$0x3F9E];
	_ =	sdelay $0x3  }
0x34: {  	[smem:$0x3F9E] =	sst s10  }
0x35: {  	s10 =	sld [smem:$0x3F9D];
	_ =	sdelay $0x3  }
0x36: {  	p1 =	seq.s32 s10, $0x1;
	s10 =	sld [smem:$0x3F9E];
	_ =	sdelay $0x3  }
0x37: {  	[smem:$0x3F9E] =	sst s10  }
0x38: {  	s10 =	sld [smem:$0x3F9F]  }
0x39: {  	_ = 	snop;
	(pc) =	sbr.ind lr, $3  }
0x3a: {  	_ = 	snop  }
0x3b: {  	_ = 	snop  }
0x3c: {  	p2 =	seq.s32 s10, $0x1;
	s10 =	sld [smem:$0x3F9E]  }
0x3d: {  	_ =	shalt  }
0x3e: {  	_ =	shalt  }
0x3f: {  	_ =	shalt  }
0x40: {  	_ =	shalt  }
0x41: {  	_ =	shalt  }
0x42: {  	_ =	shalt  }
0x43: {  	_ =	shalt  }
0x44: {  	_ =	shalt  }
0x45: {  	_ =	shalt  }
0x46: {  	_ =	shalt  }
0x47: {  	_ =	shalt  }
0x48: {  	_ =	shalt  }
0x49: {  	_ =	shalt  }
0x4a: {  	_ =	shalt  }
0x4b: {  	_ =	shalt  }
0x4c: {  	_ =	shalt  }
0x4d: {  	_ =	shalt  }
0x4e: {  	_ =	shalt  }
0x4f: {  	_ =	shalt  }
0x50: {  	_ =	shalt  }
0x51: {  	_ =	shalt  }
0x52: {  	_ =	shalt  }
0x53: {  	_ =	shalt  }
0x54: {  	_ =	shalt  }
0x55: {  	_ =	shalt  }
0x56: {  	_ =	shalt  }
0x57: {  	_ =	shalt  }
0x58: {  	_ =	shalt  }
0x59: {  	_ =	shalt  }
0x5a: {  	_ =	shalt  }
0x5b: {  	_ =	shalt  }
0x5c: {  	_ =	shalt  }
0x5d: {  	_ =	shalt  }
0x5e: {  	_ =	shalt  }
0x5f: {  	_ =	shalt  }
0x60: {  	_ =	shalt  }
0x61: {  	_ =	shalt  }
0x62: {  	_ =	shalt  }
0x63: {  	_ =	shalt  }
0x64: {  	_ =	shalt  }
0x65: {  	_ =	shalt  }
0x66: {  	_ =	shalt  }
0x67: {  	_ =	shalt  }
0x68: {  	_ =	shalt  }
0x69: {  	_ =	shalt  }
0x6a: {  	_ =	shalt  }
0x6b: {  	_ =	shalt  }
0x6c: {  	_ =	shalt  }
0x6d: {  	_ =	shalt  }
0x6e: {  	_ =	shalt  }
0x6f: {  	_ =	shalt  }
0x70: {  	_ =	shalt  }
0x71: {  	_ =	shalt  }
0x72: {  	_ =	shalt  }
0x73: {  	_ =	shalt  }
0x74: {  	_ =	shalt  }
0x75: {  	_ =	shalt  }
0x76: {  	_ =	shalt  }
0x77: {  	_ =	shalt  }
0x78: {  	_ =	shalt  }
0x79: {  	_ =	shalt  }
0x7a: {  	_ =	shalt  }
0x7b: {  	_ =	shalt  }
0x7c: {  	_ =	shalt  }
0x7d: {  	_ =	shalt  }
0x7e: {  	_ =	shalt  }
0x7f: {  	_ =	shalt  }
0x80: {  	_ =	shalt  }
0x81: {  	_ =	shalt  }
0x82: {  	_ =	shalt  }
0x83: {  	_ =	shalt  }
0x84: {  	_ =	shalt  }
0x85: {  	_ =	shalt  }
0x86: {  	_ =	shalt  }
0x87: {  	_ =	shalt  }
.Lfunc_end0:
.L_simem_size_0:
called_computation.2_lowered:
.L_overlay_start_0:
0x88: {  	s2 =	sld [smem:$0x3FD9]  }
0x89: {  	s3 =	sld [smem:$0x3FFE];
	_ =	sdelay $0x1  }
0x8a: {  	s1 =	srdreg.scid  }
0x8b: {  	s0 =	sand.u32 $0x1, s1  }
0x8c: {  	s17 =	sshll.u32 s0, $0xA;
	s2 =	sadd.s32 s3, s2  }
0x8d: {  	s2 =	sadd.s32 s2, s17  }
0x8e: {  	[smem:$0x3FAA] =	sst s2  }
0x8f: {  	_ = 	snop  }
0x90: {  	s2 =	sld [smem:$0x3FD0];
	(tm) =	ssettm $0x1  }
0x91: {  	s18 =	sld [smem:$0x3FFB];
	_ =	sdelay $0x3  }
0x92: {  	_ =	strace s18  }
0x93: {  	s3 =	sld [smem:$0x3FFC];
	_ =	sdelay $0x3  }
0x94: {  	_ =	strace s3  }
0x95: {  	s3 =	sld [smem:$0x3FFD];
	_ =	sdelay $0x3  }
0x96: {  	_ =	strace s3  }
0x97: {  	_ =	strace $0x8FFFFFFF  }
0x98: {  	s19 =	sld [smem:$0x3FDB];
	_ =	sdelay $0x1  }
0x99: {  	s4 =	simm.s32 $_scs_section_size  }
0x9a: {  	s5 =	simm.s32 $_size__tile_overlayer_lowered;
	s6 =	simm.s32 $_tile_overlayer_lowered  }
0x9b: {  	s22 =	simm.s32 $0x1BFF;
	s21 =	sshll.u32 s6, $0x1;
	s3 =	sadd.s32 s4, s19  }
0x9c: {  	s7 =	simm.s32 $0x0;
	s20 =	sshll.u32 s5, $0x1;
	s5 =	sadd.s32 s21, s3  }
0x9d: {  	[timem:s7], [sflag:s22] =	dma.local [hbm:s5], s20  }
0x9e: {  	_ =	swait.ge [sflag:s22], s20  }
0x9f: {  	s4 =	ssub.s32 $0x0, s20;
	[sflag:s22] =	ssyncset.done $0x0  }
0xa0: {  	[sflag:s22] =	ssyncadd.s32 s4;
	_ =	sdelay $0x1  }
0xa1: {  	s23 =	simm.s32 $0x1B8B  }
0xa2: {  	_ =	swait.ge [sflag:s23], $0x1  }
0xa3: {  	[sflag:s23] =	ssyncset.done $0x0  }
0xa4: {  	s25 =	simm.s32 $0x1B8E;
	s24 =	sld [smem:$0x3FFE];
	[sflag:s23] =	ssyncadd.s32 $0xFFFFFFFF  }
0xa5: {  	s26 =	simm.s32 $execute0_lowered;
	[smem:$0x3FD2] =	sst s25  }
0xa6: {  	s5 =	sshll.u32 s26, $0x1;
	_ =	strace $0x8000004C;
	[dreg:$0x1] =	wrdreg $0xFFFFFFFF  }
0xa7: {  	s28 =	simm.s32 $_size_execute0_lowered;
	s3 =	sadd.s32 s3, s5;
	[dreg:$0x0] =	wrdreg $0x0  }
0xa8: {  	s5 =	sshll.u32 s28, $0x1;
	[dreg:$0x2] =	wrdreg s3  }
0xa9: {  	[dreg:$0x3] =	wrdreg s5  }
0xaa: {  	[dreg:$0x4] =	wrdreg $0xC0  }
0xab: {  	_ =	task [dreg:s7], $0x5FFFF  }
0xac: {  	[dreg:$0x1] =	wrdreg $0xFFFFFFFF  }
0xad: {  	[dreg:$0x0] =	wrdreg $0x60  }
0xae: {  	[dreg:$0x2] =	wrdreg s24  }
0xaf: {  	[dreg:$0x3] =	wrdreg s2  }
0xb0: {  	[dreg:$0x4] =	wrdreg $0x0  }
0xb1: {  	[dreg:$0x5] =	wrdreg $0x9  }
0xb2: {  	_ =	task.clear_ibuf [dreg:s7], $0x6FFFF;
	_ =	strace $0x9000004C  }
0xb3: {  	s29 =	simm.s32 $0x9;
	_ =	strace $0x8000004E  }
0xb4: {  	_ =	swait.ge [sflag:s29], $0x1  }
0xb5: {  	[sflag:s29] =	ssyncadd.s32 $0xFFFFFFFF  }
0xb6: {  	_ =	strace $0x9000004E  }
0xb7: {  	_ =	sfence  }
0xb8: {  	s30 =	sld [smem:$0x0];
	_ =	sdelay $0x2  }
0xb9: {  	s31 =	sshll.u32 s1, $0xD;
	s1 =	sshrl.u32 s1, $0x2  }
0xba: {  	s3 =	sand.u32 $0x4000, s31;
	s1 =	sadd.s32 s1, s30  }
0xbb: {  	s0 =	sor.u32 s3, s0;
	s1 =	sshll.u32 s1, $0x11  }
0xbc: {  	s0 =	sor.u32 s1, s0  }
0xbd: {  	s0 =	sadd.s32 $0x8F2B, s0  }
0xbe: {  	[sflag:s0] =	ssyncadd.remote.s32 $0x1  }
0xbf: {  	_ =	sfence.sel $0xFFFF  }
0xc0: {  	[dreg:$0x0] =	wrdreg $0xFFFFFFFF;
	(pc) =	sbr.abs _section_cstart, $3  }
0xc1: {  	[dreg:$0x1] =	wrdreg $0xFFFFFFFF  }
0xc2: {  	_ =	task.clear_ibuf [dreg:s7], $0x2FFFF;
	_ =	strace $0x9FFFFFFF  }
0xc3: {  	(tm) =	ssettm $0x7FFFFFFF  }
tec
execute0_lowered:
.L_overlay_start_1:
0x0: {  	(tag) =	ssettag $0x1  }
0x1: {  	s0 =	rddreg [dreg:$0x0]  }
0x2: {  	s2 =	rddreg [dreg:$0x2];
	s3 =	simm.s32 $0x0  }
0x3: {  	s22 =	srdreg.scid;
	s9 =	stileid.u32;
	s28 =	simm.s32 $0xF000  }
0x4: {  	s29 =	simm.s32 $0xF080;
	s30 =	simm.s32 $0x80;
	s31 =	simm.s32 $0xF100  }
0x5: {  	[smem:$0x7FF] =	sst s3;
	s4 =	sadd.s32 $0x5000, s0;
	s1 =	sadd.s32 $0x19000, s0  }
0x6: {  	s21 =	sadd.s32 $0x19400, s0;
	s8 =	sadd.s32 $0x215200, s0;
	s7 =	smul.u32 $0xB400, s9  }
0x7: {  	s11 =	smul.u32 $0x2D000, s9;
	_ =	strace $0x8000004D;
	[dreg:$0x4] =	wrdreg s1  }
0x8: {  	[dreg:$0x5] =	wrdreg s21;
	s1 =	sand.u32 $0x1, s22;
	s21 =	simm.s32 $0xB400  }
0x9: {  	s22 =	simm.s32 $0x2;
	s5 =	ssub.s32 $0x2, s1;
	s6 =	sshll.u32 s1, $0x4  }
0xa: {  	p0 =	seq.s32 s1, $0x1;
	s23 =	sshrl.u32 s7, $0x3;
	s24 =	sshrl.u32 s11, $0x2  }
0xb: {  	s7 =	sadd.s32 s7, s2;
	s1 =	simm.s32 $0x13100;
	s10 =	sshrl.u32 s5, $0x1  }
0xc: {  	s6 =	sor.u32 s9, s6;
	s9 =	sadd.s32 $0x212800, s0;
	s12 =	sadd.s32 s24, s2  }
0xd: {  	s24 =	simm.s32 $0xDC00;
	s5 =	ssub.s32 s5, s10;
	s10 =	smul.u32 $0x15, s6  }
0xe: {  	s25 =	sadd.s32 $0x1680, s12;
	s26 =	sadd.s32 $0x2D00, s12;
	s6 =	sadd.s32 $0x4380, s12  }
0xf: {  	s16 =	sadd.s32 $0x5A00, s12;
	s17 =	sadd.s32 $0x7080, s12;
	[dreg:$0x7] =	wrdreg s25  }
0x10: {  	s18 =	sadd.s32 $0x8700, s12;
	s5 =	smax.u32 s5, $0x1;
	[dreg:$0x8] =	wrdreg s26  }
0x11: {  	s19 =	sadd.s32 $0x9D80, s12;
	[dreg:$0x6] =	wrdreg s5;
	s5 =	simm.s32 $0x19800  }
0x12: {  	[dreg:$0x9] =	wrdreg s6;
	s25 =	sshrl.u32 s7, $0x3;
	s5 =	simm.s32 @!p0 $0x30000  }
0x13: {  	s26 =	simm.s32 $0x17990;
	s0 =	sadd.s32 s5, s0;
	s5 =	simm.s32 $0x0  }
0x14: {  	v0 =	vimm.f32 $0.0e+00;
	vm0 =	vmmov $0x1;
	s20 =	sadd.s32 s0, s23;
	s23 =	simm.s32 $0xC800;
	s0 =	simm.s32 $0x1  }
.LBB2_1:
0x15: {  	s6 =	rddreg [dreg:$0x1]  }
0x16: {  	[tilespmem:s21], [sflag:$0x2] =	stream.linear.gather [hbm4b:s6+s3], $0x1400, $0x38;
	[tilespmem:$0x19010] =	vst v63  }
0x17: {  	_ =	swait.ge [sflag:s22], $0x1400  }
0x18: {  	[sflag:s22] =	ssyncset.done $0x0  }
0x19: {  	s14 =	rddreg [dreg:$0x4];
	[sflag:s22] =	ssyncadd.s32 $0xFFFFEC00  }
0x1a: {  	[tilespmem:s23], [sflag:$0x2] =	stream.linear.gather [hbm4b:s14+s3], $0x1400, $0x38;
	[tilespmem:$0x19010] =	vst v63  }
0x1b: {  	_ =	swait.ge [sflag:s22], $0x1400  }
0x1c: {  	[sflag:s22] =	ssyncset.done $0x0  }
0x1d: {  	s15 =	rddreg [dreg:$0x5];
	[sflag:s22] =	ssyncadd.s32 $0xFFFFEC00  }
0x1e: {  	[tilespmem:s24], [sflag:$0x2] =	stream.linear.gather [hbm4b:s15+s3], $0x1400, $0x38;
	[tilespmem:$0x19010] =	vst v63  }
0x1f: {  	_ =	swait.ge [sflag:s22], $0x1400  }
0x20: {  	[sflag:s22] =	ssyncset.done $0x0  }
0x21: {  	s7 =	simm.s32 $0x240;
	s6 =	simm.s32 $0x0;
	[sflag:s22] =	ssyncadd.s32 $0xFFFFEC00  }
.LBB2_2:
0x22: {  	p0 =	sne.s32 s7, $0x57C0;
	[tilespmem:s6+$0x17A10] =	vst v0  }
0x23: {  	[tilespmem:s6+$0x17990] =	vst v0  }
0x24: {  	[tilespmem:s6+$0x179A0] =	vst v0  }
0x25: {  	[tilespmem:s6+$0x179B0] =	vst v0  }
.Ltmp0:
0x26: {  	[tilespmem:s6+$0x179C0] =	vst v0;
	(pc) =	sbr.rel @p0 .LBB2_2-.Ltmp0, $4  }
0x27: {  	[tilespmem:s6+$0x179D0] =	vst v0  }
0x28: {  	[tilespmem:s6+$0x179E0] =	vst v0  }
0x29: {  	[tilespmem:s6+$0x179F0] =	vst v0  }
0x2a: {  	[tilespmem:s6+$0x17A00] =	vst v0;
	s6 =	sshra.s32 s7, $0x2;
	s7 =	sadd.s32 $0x240, s7  }
0x2b: {  	[tilespmem:s6+$0x17A10] =	vst v0  }
0x2c: {  	[tilespmem:s6+$0x17990] =	vst v0  }
0x2d: {  	[tilespmem:s6+$0x179A0] =	vst v0  }
0x2e: {  	[tilespmem:s6+$0x179B0] =	vst v0  }
0x2f: {  	[tilespmem:s6+$0x179C0] =	vst v0  }
0x30: {  	[tilespmem:s6+$0x179D0] =	vst v0  }
0x31: {  	[tilespmem:s6+$0x179E0] =	vst v0  }
0x32: {  	[tilespmem:s6+$0x179F0] =	vst v0  }
0x33: {  	[tilespmem:s6+$0x17A00] =	vst v0  }
0x34: {  	[spmem:s12] =	stream.linear.scatter [tilespmem:s26], [sflag:$0x2], $0x1680, $0x38;
	[tilespmem:$0x19010] =	vst v63  }
0x35: {  	_ =	swait.ge [sflag:s22], $0x1680  }
0x36: {  	[sflag:s22] =	ssyncset.done $0x0  }
0x37: {  	s13 =	rddreg [dreg:$0x7];
	[sflag:s22] =	ssyncadd.s32 $0xFFFFE980  }
0x38: {  	[spmem:s13] =	stream.linear.scatter [tilespmem:s26], [sflag:$0x2], $0x1680, $0x38;
	[tilespmem:$0x19010] =	vst v63  }
0x39: {  	_ =	swait.ge [sflag:s22], $0x1680  }
0x3a: {  	[sflag:s22] =	ssyncset.done $0x0  }
0x3b: {  	s14 =	rddreg [dreg:$0x8];
	[sflag:s22] =	ssyncadd.s32 $0xFFFFE980  }
0x3c: {  	[spmem:s14] =	stream.linear.scatter [tilespmem:s26], [sflag:$0x2], $0x1680, $0x38;
	[tilespmem:$0x19010] =	vst v63  }
0x3d: {  	_ =	swait.ge [sflag:s22], $0x1680  }
0x3e: {  	[sflag:s22] =	ssyncset.done $0x0  }
0x3f: {  	s15 =	rddreg [dreg:$0x9];
	[sflag:s22] =	ssyncadd.s32 $0xFFFFE980  }
0x40: {  	[spmem:s15] =	stream.linear.scatter [tilespmem:s26], [sflag:$0x2], $0x1680, $0x38;
	[tilespmem:$0x19010] =	vst v63  }
0x41: {  	_ =	swait.ge [sflag:s22], $0x1680  }
0x42: {  	[sflag:s22] =	ssyncset.done $0x0  }
0x43: {  	[sflag:s22] =	ssyncadd.s32 $0xFFFFE980  }
0x44: {  	[spmem:s16] =	stream.linear.scatter [tilespmem:s26], [sflag:$0x2], $0x1680, $0x38;
	[tilespmem:$0x19010] =	vst v63  }
0x45: {  	_ =	swait.ge [sflag:s22], $0x1680  }
0x46: {  	[sflag:s22] =	ssyncset.done $0x0  }
0x47: {  	[sflag:s22] =	ssyncadd.s32 $0xFFFFE980  }
0x48: {  	[spmem:s17] =	stream.linear.scatter [tilespmem:s26], [sflag:$0x2], $0x1680, $0x38;
	[tilespmem:$0x19010] =	vst v63  }
0x49: {  	_ =	swait.ge [sflag:s22], $0x1680  }
0x4a: {  	[sflag:s22] =	ssyncset.done $0x0  }
0x4b: {  	[sflag:s22] =	ssyncadd.s32 $0xFFFFE980  }
0x4c: {  	[spmem:s18] =	stream.linear.scatter [tilespmem:s26], [sflag:$0x2], $0x1680, $0x38;
	[tilespmem:$0x19010] =	vst v63  }
0x4d: {  	_ =	swait.ge [sflag:s22], $0x1680  }
0x4e: {  	[sflag:s22] =	ssyncset.done $0x0  }
0x4f: {  	[sflag:s22] =	ssyncadd.s32 $0xFFFFE980  }
0x50: {  	[spmem:s19] =	stream.linear.scatter [tilespmem:s26], [sflag:$0x2], $0x1680, $0x38;
	[tilespmem:$0x19010] =	vst v63  }
0x51: {  	_ =	swait.ge [sflag:s22], $0x1680  }
0x52: {  	[sflag:s22] =	ssyncset.done $0x0  }
0x53: {  	[sflag:s22] =	ssyncadd.s32 $0xFFFFE980  }
0x54: {  	s6 =	simm.s32 $0x0;
	s7 =	simm.s32 $0x0;
	[bflag:$0x0] =	sbarrier.arrive $0xFFFF  }
.LBB2_4:
0x55: {  	s11 =	sadd.s32 s10, s7  }
0x56: {  	s11 =	sshll.u32 s11, $0x4  }
0x57: {  	s13 =	sadd.s32 s8, s11  }
0x58: {  	[tilespmem:s28], [sflag:$0x2] =	stream.linear.gather [hbm4b:s13+s6], $0x80, $0x38;
	[tilespmem:$0x19010] =	vst v63  }
0x59: {  	_ =	swait.ge [sflag:s22], $0x80  }
0x5a: {  	[sflag:s22] =	ssyncset.done $0x0  }
0x5b: {  	s11 =	sadd.s32 s9, s11;
	[sflag:s22] =	ssyncadd.s32 $0xFFFFFF80  }
0x5c: {  	[tilespmem:s29], [sflag:$0x2] =	stream.linear.gather [hbm4b:s11+s6], $0x80, $0x38;
	[tilespmem:$0x19010] =	vst v63  }
0x5d: {  	_ =	swait.ge [sflag:s22], $0x80  }
0x5e: {  	[sflag:s22] =	ssyncset.done $0x0  }
0x5f: {  	[sflag:s22] =	ssyncadd.s32 $0xFFFFFF80  }
0x60: {  	[tilespmem:s31], [sflag:$0x1] =	stream.indirect.gather [hbm4b:s4+s30], $0x80, s28, s30, $0xb8;
	[tilespmem:$0x19010] =	vst v63  }
0x61: {  	_ =	swait.ge [sflag:s0], $0x4000  }
0x62: {  	[sflag:s0] =	ssyncset.done $0x0  }
0x63: {  	[sflag:s0] =	ssyncadd.s32 $0xFFFFC000  }
0x64: {  	v1 =	vld [tilespmem:$0xF000]  }
0x65: {  	v2 =	vld [tilespmem:$0xF080];
	_ =	sdelay $0x6  }
0x66: {  	v1 =	vld.idx.msk [tilespmem:v1+s21+$0x0], $0xffff  }
0x67: {  	v3 =	vld.idx.msk [tilespmem:v2+s23+$0x0], $0xffff;
	_ =	sdelay $0x4  }
0x68: {  	v2 =	vld.idx.msk [tilespmem:v2+s24+$0x0], $0xffff;
	v1 =	vadd.f32 v3, v1;
	_ =	sdelay $0x1  }
0x69: {  	v3 =	vmul.f32 $2.000000030e-01, v1;
	_ =	sdelay $0x1  }
0x6a: {  	v1 =	vmax.f32 v1, v3  }
0x6b: {  	v1 =	vsub.f32 v1, v2;
	_ =	sdelay $0x1  }
0x6c: {  	v1 =	vmul.f32 $1.442695020e+00, v1;
	_ =	sdelay $0x1  }
0x6d: {  	(erf) = vpow2.f32 v1;
	_ =	sdelay $0x2  }
0x6e: {  	v1 =	vld [tilespmem:$0xF010]  }
0x6f: {  	v2 =	vld [tilespmem:$0xF090];
	_ =	sdelay $0x4  }
0x70: {  	v3 =	vpop (erf)  }
0x71: {  	[tilespmem:$0x17900] =	vst v3  }
0x72: {  	v1 =	vld.idx.msk [tilespmem:v1+s21+$0x0], $0xffff  }
0x73: {  	v3 =	vld.idx.msk [tilespmem:v2+s23+$0x0], $0xffff;
	_ =	sdelay $0x4  }
0x74: {  	v2 =	vld.idx.msk [tilespmem:v2+s24+$0x0], $0xffff;
	v1 =	vadd.f32 v3, v1;
	_ =	sdelay $0x1  }
0x75: {  	v3 =	vmul.f32 $2.000000030e-01, v1;
	_ =	sdelay $0x1  }
0x76: {  	v1 =	vmax.f32 v1, v3  }
0x77: {  	v1 =	vsub.f32 v1, v2;
	_ =	sdelay $0x1  }
0x78: {  	v1 =	vmul.f32 $1.442695020e+00, v1;
	_ =	sdelay $0x1  }
0x79: {  	(erf) = vpow2.f32 v1;
	_ =	sdelay $0x2  }
0x7a: {  	v1 =	vld [tilespmem:$0xF020]  }
0x7b: {  	v2 =	vld [tilespmem:$0xF0A0];
	_ =	sdelay $0x4  }
0x7c: {  	v3 =	vpop (erf)  }
0x7d: {  	[tilespmem:$0x17910] =	vst v3  }
0x7e: {  	v1 =	vld.idx.msk [tilespmem:v1+s21+$0x0], $0xffff  }
0x7f: {  	v3 =	vld.idx.msk [tilespmem:v2+s23+$0x0], $0xffff;
	_ =	sdelay $0x4  }
0x80: {  	v2 =	vld.idx.msk [tilespmem:v2+s24+$0x0], $0xffff;
	v1 =	vadd.f32 v3, v1;
	_ =	sdelay $0x1  }
0x81: {  	v3 =	vmul.f32 $2.000000030e-01, v1;
	_ =	sdelay $0x1  }
0x82: {  	v1 =	vmax.f32 v1, v3  }
0x83: {  	v1 =	vsub.f32 v1, v2;
	_ =	sdelay $0x1  }
0x84: {  	v1 =	vmul.f32 $1.442695020e+00, v1;
	_ =	sdelay $0x1  }
0x85: {  	(erf) = vpow2.f32 v1;
	_ =	sdelay $0x2  }
0x86: {  	v1 =	vld [tilespmem:$0xF030]  }
0x87: {  	v2 =	vld [tilespmem:$0xF0B0];
	_ =	sdelay $0x4  }
0x88: {  	v3 =	vpop (erf)  }
0x89: {  	[tilespmem:$0x17920] =	vst v3  }
0x8a: {  	v1 =	vld.idx.msk [tilespmem:v1+s21+$0x0], $0xffff  }
0x8b: {  	v3 =	vld.idx.msk [tilespmem:v2+s23+$0x0], $0xffff;
	_ =	sdelay $0x4  }
0x8c: {  	v2 =	vld.idx.msk [tilespmem:v2+s24+$0x0], $0xffff;
	v1 =	vadd.f32 v3, v1;
	_ =	sdelay $0x1  }
0x8d: {  	v3 =	vmul.f32 $2.000000030e-01, v1;
	_ =	sdelay $0x1  }
0x8e: {  	v1 =	vmax.f32 v1, v3  }
0x8f: {  	v1 =	vsub.f32 v1, v2;
	_ =	sdelay $0x1  }
0x90: {  	v1 =	vmul.f32 $1.442695020e+00, v1;
	_ =	sdelay $0x1  }
0x91: {  	(erf) = vpow2.f32 v1;
	_ =	sdelay $0x2  }
0x92: {  	v1 =	vld [tilespmem:$0xF040]  }
0x93: {  	v2 =	vld [tilespmem:$0xF0C0];
	_ =	sdelay $0x4  }
0x94: {  	v3 =	vpop (erf)  }
0x95: {  	[tilespmem:$0x17930] =	vst v3  }
0x96: {  	v1 =	vld.idx.msk [tilespmem:v1+s21+$0x0], $0xffff  }
0x97: {  	v3 =	vld.idx.msk [tilespmem:v2+s23+$0x0], $0xffff;
	_ =	sdelay $0x4  }
0x98: {  	v2 =	vld.idx.msk [tilespmem:v2+s24+$0x0], $0xffff;
	v1 =	vadd.f32 v3, v1;
	_ =	sdelay $0x1  }
0x99: {  	v3 =	vmul.f32 $2.000000030e-01, v1;
	_ =	sdelay $0x1  }
0x9a: {  	v1 =	vmax.f32 v1, v3  }
0x9b: {  	v1 =	vsub.f32 v1, v2;
	_ =	sdelay $0x1  }
0x9c: {  	v1 =	vmul.f32 $1.442695020e+00, v1;
	_ =	sdelay $0x1  }
0x9d: {  	(erf) = vpow2.f32 v1;
	_ =	sdelay $0x2  }
0x9e: {  	v1 =	vld [tilespmem:$0xF050]  }
0x9f: {  	v2 =	vld [tilespmem:$0xF0D0];
	_ =	sdelay $0x4  }
0xa0: {  	v3 =	vpop (erf)  }
0xa1: {  	[tilespmem:$0x17940] =	vst v3  }
0xa2: {  	v1 =	vld.idx.msk [tilespmem:v1+s21+$0x0], $0xffff  }
0xa3: {  	v3 =	vld.idx.msk [tilespmem:v2+s23+$0x0], $0xffff;
	_ =	sdelay $0x4  }
0xa4: {  	v2 =	vld.idx.msk [tilespmem:v2+s24+$0x0], $0xffff;
	v1 =	vadd.f32 v3, v1;
	_ =	sdelay $0x1  }
0xa5: {  	v3 =	vmul.f32 $2.000000030e-01, v1;
	_ =	sdelay $0x1  }
0xa6: {  	v1 =	vmax.f32 v1, v3  }
0xa7: {  	v1 =	vsub.f32 v1, v2;
	_ =	sdelay $0x1  }
0xa8: {  	v1 =	vmul.f32 $1.442695020e+00, v1;
	_ =	sdelay $0x1  }
0xa9: {  	(erf) = vpow2.f32 v1;
	_ =	sdelay $0x2  }
0xaa: {  	v1 =	vld [tilespmem:$0xF060]  }
0xab: {  	v2 =	vld [tilespmem:$0xF0E0];
	_ =	sdelay $0x4  }
0xac: {  	v3 =	vpop (erf)  }
0xad: {  	[tilespmem:$0x17950] =	vst v3  }
0xae: {  	v1 =	vld.idx.msk [tilespmem:v1+s21+$0x0], $0xffff  }
0xaf: {  	v3 =	vld.idx.msk [tilespmem:v2+s23+$0x0], $0xffff;
	_ =	sdelay $0x4  }
0xb0: {  	v2 =	vld.idx.msk [tilespmem:v2+s24+$0x0], $0xffff;
	v1 =	vadd.f32 v3, v1;
	_ =	sdelay $0x1  }
0xb1: {  	v3 =	vmul.f32 $2.000000030e-01, v1;
	_ =	sdelay $0x1  }
0xb2: {  	v1 =	vmax.f32 v1, v3  }
0xb3: {  	v1 =	vsub.f32 v1, v2;
	_ =	sdelay $0x1  }
0xb4: {  	v1 =	vmul.f32 $1.442695020e+00, v1;
	_ =	sdelay $0x1  }
0xb5: {  	(erf) = vpow2.f32 v1;
	_ =	sdelay $0x2  }
0xb6: {  	v1 =	vld [tilespmem:$0xF070]  }
0xb7: {  	v2 =	vld [tilespmem:$0xF0F0];
	_ =	sdelay $0x4  }
0xb8: {  	v3 =	vpop (erf)  }
0xb9: {  	[tilespmem:$0x17960] =	vst v3  }
0xba: {  	v1 =	vld.idx.msk [tilespmem:v1+s21+$0x0], $0xffff  }
0xbb: {  	v3 =	vld.idx.msk [tilespmem:v2+s23+$0x0], $0xffff;
	_ =	sdelay $0x4  }
0xbc: {  	v2 =	vld.idx.msk [tilespmem:v2+s24+$0x0], $0xffff;
	v1 =	vadd.f32 v3, v1;
	_ =	sdelay $0x1  }
0xbd: {  	v3 =	vmul.f32 $2.000000030e-01, v1;
	_ =	sdelay $0x1  }
0xbe: {  	v1 =	vmax.f32 v1, v3  }
0xbf: {  	v1 =	vsub.f32 v1, v2;
	_ =	sdelay $0x1  }
0xc0: {  	v1 =	vmul.f32 $1.442695020e+00, v1;
	_ =	sdelay $0x1  }
0xc1: {  	(erf) = vpow2.f32 v1;
	_ =	sdelay $0x8  }
0xc2: {  	v1 =	vpop (erf)  }
0xc3: {  	s15 =	simm.s32 $0x0;
	[tilespmem:$0x17970] =	vst v1  }
0xc4: {  	v1 =	vld [tilespmem:s15+$0x17900]  }
0xc5: {  	s11 =	simm.s32 $0xF140  }
0xc6: {  	v2 =	vld [tilespmem:s11+$0xFFFFFFC0];
	_ =	sdelay $0x2  }
0xc7: {  	v3 =	vbroadcast v1, $0x0;
	_ =	sdelay $0x1  }
0xc8: {  	v2 =	vmul.f32 v3, v2  }
0xc9: {  	s13 =	simm.s32 $0x13140  }
0xca: {  	[tilespmem:s13+$0xFFFFFFC0] =	vst v2  }
0xcb: {  	v2 =	vld [tilespmem:s11+$0xFFFFFFD0];
	_ =	sdelay $0x4  }
0xcc: {  	v2 =	vmul.f32 v2, v3;
	_ =	sdelay $0x1  }
0xcd: {  	[tilespmem:s13+$0xFFFFFFD0] =	vst v2  }
0xce: {  	v2 =	vld [tilespmem:s11+$0xFFFFFFE0];
	_ =	sdelay $0x4  }
0xcf: {  	v2 =	vmul.f32 v2, v3;
	_ =	sdelay $0x1  }
0xd0: {  	[tilespmem:s13+$0xFFFFFFE0] =	vst v2  }
0xd1: {  	v2 =	vld [tilespmem:s11+$0xFFFFFFF0];
	_ =	sdelay $0x4  }
0xd2: {  	v2 =	vmul.f32 v2, v3;
	_ =	sdelay $0x1  }
0xd3: {  	[tilespmem:s13+$0xFFFFFFF0] =	vst v2  }
0xd4: {  	v2 =	vld [tilespmem:s11+$0x0];
	_ =	sdelay $0x4  }
0xd5: {  	v2 =	vmul.f32 v2, v3;
	_ =	sdelay $0x1  }
0xd6: {  	[tilespmem:s13+$0x0] =	vst v2  }
0xd7: {  	v2 =	vld [tilespmem:s11+$0x10];
	_ =	sdelay $0x4  }
0xd8: {  	v2 =	vmul.f32 v2, v3;
	_ =	sdelay $0x1  }
0xd9: {  	[tilespmem:s13+$0x10] =	vst v2  }
0xda: {  	v2 =	vld [tilespmem:s11+$0x20];
	_ =	sdelay $0x4  }
0xdb: {  	v2 =	vmul.f32 v2, v3;
	_ =	sdelay $0x1  }
0xdc: {  	[tilespmem:s13+$0x20] =	vst v2  }
0xdd: {  	v2 =	vld [tilespmem:s11+$0x30];
	_ =	sdelay $0x4  }
0xde: {  	v1 =	vnsel vm0, $0x0, v1;
	v2 =	vmul.f32 v2, v3  }
0xdf: {  	[tilespmem:s13+$0x40] =	vst v1  }
0xe0: {  	s14 =	simm.s32 $0x8;
	s15 =	simm.s32 $0x1;
	[tilespmem:s13+$0x30] =	vst v2  }
.LBB2_5:
0xe1: {  	p0 =	sne.s32 s14, $0x1FC;
	v1 =	vld [tilespmem:s15+$0x17900]  }
0xe2: {  	s11 =	sadd.s32 $0x80, s11  }
0xe3: {  	v2 =	vld [tilespmem:s11+$0xFFFFFFC0];
	_ =	sdelay $0x2  }
0xe4: {  	v3 =	vbroadcast v1, $0x0;
	v1 =	vnsel vm0, $0x0, v1;
	_ =	sdelay $0x1  }
0xe5: {  	v2 =	vmul.f32 v3, v2  }
0xe6: {  	s13 =	sadd.s32 $0x90, s13  }
0xe7: {  	[tilespmem:s13+$0xFFFFFFC0] =	vst v2  }
0xe8: {  	v2 =	vld [tilespmem:s11+$0xFFFFFFD0];
	_ =	sdelay $0x4  }
0xe9: {  	v2 =	vmul.f32 v2, v3;
	_ =	sdelay $0x1  }
0xea: {  	[tilespmem:s13+$0xFFFFFFD0] =	vst v2  }
0xeb: {  	v2 =	vld [tilespmem:s11+$0xFFFFFFE0];
	_ =	sdelay $0x4  }
0xec: {  	v2 =	vmul.f32 v2, v3;
	_ =	sdelay $0x1  }
0xed: {  	[tilespmem:s13+$0xFFFFFFE0] =	vst v2  }
0xee: {  	v2 =	vld [tilespmem:s11+$0xFFFFFFF0];
	_ =	sdelay $0x4  }
0xef: {  	v2 =	vmul.f32 v2, v3;
	_ =	sdelay $0x1  }
0xf0: {  	[tilespmem:s13+$0xFFFFFFF0] =	vst v2  }
0xf1: {  	v2 =	vld [tilespmem:s11+$0x0];
	_ =	sdelay $0x4  }
0xf2: {  	v2 =	vmul.f32 v2, v3;
	_ =	sdelay $0x1  }
0xf3: {  	[tilespmem:s13+$0x0] =	vst v2  }
0xf4: {  	v2 =	vld [tilespmem:s11+$0x10];
	_ =	sdelay $0x4  }
0xf5: {  	v2 =	vmul.f32 v2, v3;
	_ =	sdelay $0x1  }
0xf6: {  	[tilespmem:s13+$0x10] =	vst v2  }
0xf7: {  	v2 =	vld [tilespmem:s11+$0x20];
	_ =	sdelay $0x4  }
0xf8: {  	v2 =	vmul.f32 v2, v3;
	_ =	sdelay $0x1  }
0xf9: {  	[tilespmem:s13+$0x20] =	vst v2  }
0xfa: {  	v2 =	vld [tilespmem:s11+$0x30];
	[tilespmem:s13+$0x40] =	vst v1;
	_ =	sdelay $0x2  }
.Ltmp1:
0xfb: {  	(pc) =	sbr.rel @p0 .LBB2_5-.Ltmp1, $3  }
0xfc: {  	_ = 	snop  }
0xfd: {  	v1 =	vmul.f32 v2, v3;
	_ =	sdelay $0x1  }
0xfe: {  	s15 =	sshra.s32 s14, $0x2;
	s14 =	sadd.s32 $0x4, s14;
	[tilespmem:s13+$0x30] =	vst v1  }
0xff: {  	v1 =	vld [tilespmem:s15+$0x17900]  }
0x100: {  	s11 =	sadd.s32 $0x80, s11  }
0x101: {  	v2 =	vld [tilespmem:s11+$0xFFFFFFC0];
	_ =	sdelay $0x2  }
0x102: {  	v3 =	vbroadcast v1, $0x0;
	_ =	sdelay $0x1  }
0x103: {  	v2 =	vmul.f32 v3, v2  }
0x104: {  	s13 =	sadd.s32 $0x90, s13  }
0x105: {  	[tilespmem:s13+$0xFFFFFFC0] =	vst v2  }
0x106: {  	v2 =	vld [tilespmem:s11+$0xFFFFFFD0];
	_ =	sdelay $0x4  }
0x107: {  	v2 =	vmul.f32 v2, v3;
	_ =	sdelay $0x1  }
0x108: {  	[tilespmem:s13+$0xFFFFFFD0] =	vst v2  }
0x109: {  	v2 =	vld [tilespmem:s11+$0xFFFFFFE0];
	_ =	sdelay $0x4  }
0x10a: {  	v2 =	vmul.f32 v2, v3;
	_ =	sdelay $0x1  }
0x10b: {  	[tilespmem:s13+$0xFFFFFFE0] =	vst v2  }
0x10c: {  	v2 =	vld [tilespmem:s11+$0xFFFFFFF0];
	_ =	sdelay $0x4  }
0x10d: {  	v2 =	vmul.f32 v2, v3;
	_ =	sdelay $0x1  }
0x10e: {  	[tilespmem:s13+$0xFFFFFFF0] =	vst v2  }
0x10f: {  	v2 =	vld [tilespmem:s11+$0x0];
	_ =	sdelay $0x4  }
0x110: {  	v2 =	vmul.f32 v2, v3;
	_ =	sdelay $0x1  }
0x111: {  	[tilespmem:s13+$0x0] =	vst v2  }
0x112: {  	v2 =	vld [tilespmem:s11+$0x10];
	_ =	sdelay $0x4  }
0x113: {  	v2 =	vmul.f32 v2, v3;
	_ =	sdelay $0x1  }
0x114: {  	[tilespmem:s13+$0x10] =	vst v2  }
0x115: {  	v2 =	vld [tilespmem:s11+$0x20];
	_ =	sdelay $0x4  }
0x116: {  	v2 =	vmul.f32 v2, v3;
	_ =	sdelay $0x1  }
0x117: {  	[tilespmem:s13+$0x20] =	vst v2  }
0x118: {  	v2 =	vld [tilespmem:s11+$0x30];
	_ =	sdelay $0x4  }
0x119: {  	s7 =	sadd.s32 $0x1, s7;
	v1 =	vnsel vm0, $0x0, v1;
	v2 =	vmul.f32 v2, v3  }
0x11a: {  	p0 =	sne.s32 s7, $0x15;
	[tilespmem:s13+$0x40] =	vst v1  }
.Ltmp2:
0x11b: {  	[tilespmem:s13+$0x30] =	vst v2;
	(pc) =	sbr.rel @p0 .LBB2_4-.Ltmp2, $4  }
0x11c: {  	[spmem:s2] =	stream.indirect.scatter.add.f32 [tilespmem:s1], [sflag:$0x2], $0x90, s29, s30, $0xb8;
	[tilespmem:$0x19010] =	vst v63  }
0x11d: {  	_ =	swait.ge [sflag:s22], $0x4800  }
0x11e: {  	[sflag:s22] =	ssyncset.done $0x0  }
0x11f: {  	[sflag:s22] =	ssyncadd.s32 $0xFFFFB800  }
0x120: {  	s6 =	stileid.u32  }
0x121: {  	s6 =	sshll.u32 s6, $0x6  }
0x122: {  	[bflag:$0x0] =	sbarrier.arrive $0xFFFF;
	s6 =	sor.u32 $0x1C02, s6  }
0x123: {  	[hbm:s20], [sflag:s6] =	dma.local [spmem:s25], $0x1680  }
0x124: {  	_ =	swait.ge [sflag:s22], $0x1680  }
0x125: {  	s5 =	sadd.s32 $0x1, s5;
	s15 =	rddreg [dreg:$0x6]  }
0x126: {  	p0 =	sne.s32 s5, s15  }
.Ltmp3:
0x127: {  	_ = 	snop;
	(pc) =	sbr.rel @p0 .LBB2_1-.Ltmp3, $3  }
0x128: {  	_ =	sdelay $0x1  }
0x129: {  	[sflag:s22] =	ssyncset.done $0x0  }
0x12a: {  	[sflag:s22] =	ssyncadd.s32 $0xFFFFE980  }
0x12b: {  	_ =	sfence.sel $0x180000  }
0x12c: {  	[bflag:$0x0] =	sbarrier.arrive $0xFFFF  }
0x12d: {  	_ =	strace $0x9000004D  }
0x12e: {  	s0 =	stileid.u32;
	[bflag:$0x2] =	sbarrier.arrive $0xFFFF  }
0x12f: {  	p0 =	sne.s32 s0, $0x0;
	s0 =	rddreg [dreg:$0x3]  }
0x130: {  	s0 =	sadd.s32 @!p0 $0x100000, s0  }
0x131: {  	[sflag:s0] =	ssyncadd.tile.s32 @!p0 $0x1;
	_ =	shalt  }
.Lfunc_end2:
_tile_overlayer_lowered:
.L_overlay_start_2:
0x132: {  	(tag) =	ssettag $0x2  }
0x133: {  	s0 =	rddreg [dreg:$0x0];
	s2 =	stileid.u32  }
0x134: {  	s1 =	rddreg [dreg:$0x1];
	p0 =	sne.s32 s2, $0x0  }
0x135: {  	s3 =	rddreg [dreg:$0x2];
	[bflag:$0x3] =	sbarrier.arrive $0xFFFF;
	s2 =	simm.s32 @!p0 $0x1C02  }
0x136: {  	[timem:s3], [sflag:s2] =	dma.local @!p0 [hbm:s0], s1  }
0x137: {  	s0 =	simm.s32 @!p0 $0x2  }
0x138: {  	_ =	swait.ge @!p0 [sflag:s0], s1  }
0x139: {  	s1 =	ssub.s32 @!p0 $0x0, s1;
	[sflag:s0] =	ssyncset.done @!p0 $0x0  }
0x13a: {  	[sflag:s0] =	ssyncadd.s32 @!p0 s1  }
0x13b: {  	[bflag:$0x3] =	sbarrier.arrive $0xFFFF  }
0x13c: {  	_ =	shalt  }

// kernel: kernel.18.cloned.1.call-start
scs
__scs_entry_jumppad:
0x0: {  	(pc) =	sbr.rel $0x88, $3  }
0x1: {  	(tag) =	ssettag $0x0;
	lr =	simm.s32 $0x1  }
0x2: {  	[smem:$0x3F83] =	sst lr;
	_ =	strace $0xD0000000  }
0x3: {  	_ = 	snop  }
0x4: {  	_ = 	snop  }
0x5: {  	_ = 	snop  }
0x6: {  	_ = 	snop  }
0x7: {  	_ = 	snop  }
__scs_overlays_trampoline_lowered:
0x8: {  	[smem:$0x3F92] =	sst s0  }
0x9: {  	[smem:$0x3F93] =	sst s1  }
0xa: {  	[smem:$0x3F94] =	sst s2  }
0xb: {  	[smem:$0x3F95] =	sst s3  }
0xc: {  	[smem:$0x3F96] =	sst s4  }
0xd: {  	[smem:$0x3F97] =	sst s5  }
0xe: {  	[smem:$0x3F98] =	sst s6  }
0xf: {  	[smem:$0x3F99] =	sst s7  }
0x10: {  	[smem:$0x3F9A] =	sst s8  }
0x11: {  	[smem:$0x3F9B] =	sst s9;
	s0 =	simm.s32 @!p0 $0x0  }
0x12: {  	s1 =	sld [smem:$0x3F81];
	s0 =	simm.s32 @p0 $0x1  }
0x13: {  	[smem:$0x3F9C] =	sst s0;
	s0 =	simm.s32 @!p1 $0x0  }
0x14: {  	s2 =	sld [smem:$0x3F80];
	s0 =	simm.s32 @p1 $0x1  }
0x15: {  	[smem:$0x3F9D] =	sst s0;
	s0 =	simm.s32 @!p2 $0x0  }
0x16: {  	s3 =	sld [smem:$0x3FDB];
	s0 =	simm.s32 @p2 $0x1  }
0x17: {  	s4 =	simm.s32 $0x1BF5;
	[smem:$0x3F9F] =	sst s0  }
0x18: {  	s0 =	sld [smem:$0x3F82];
	_ =	swait.ge [sflag:s4], $0x0  }
0x19: {  	s7 =	sld [smem:$0x3F83]  }
0x1a: {  	s8 =	sadd.s32 $0xFFFFE003, lr  }
0x1b: {  	s9 =	sadd.s32 $0xFFFFFEF7, lr;
	s5 =	simm.s32 $0xFFFFFFFF;
	p2 =	slt.u32 s8, $0xFFFFF086  }
0x1c: {  	p1 =	slt.u32 s9, $0xF7A;
	s5 =	simm.s32 @!p2 $0x0  }
0x1d: {  	s5 =	simm.s32 @p1 $0x1;
	p0 =	seq.s32 s7, s2  }
0x1e: {  	s7 =	smul.u32 @!p0 $0xF7A, s2;
	p2 =	seq.s32 @!p0 s5, $0x0  }
0x1f: {  	s9 =	smul.u32 $0xF7A, s1;
	s8 =	simm.s32 @!p0 $0x1BF5;
	p2 =	por !p2, p0  }
0x20: {  	[sflag:s8] =	ssyncset.s32 @!p0 $0xFFFFF086;
	s6 =	sadd.s32 @!p0 s3, s7;
	s7 =	simm.s32 @!p0 $0x108  }
0x21: {  	s3 =	sadd.s32 s3, s9;
	s6 =	sadd.s32 @!p0 $0x88, s6;
	s7 =	simm.s32 @p2 $0x1082  }
0x22: {  	[simem:s7], [sflag:s8] =	dma.local @!p0 [hbm:s6], $0xF7A  }
0x23: {  	s9 =	sor.u32 $0xD0000000, s2;
	s6 =	simm.s32 $0x108;
	_ =	swait.ge @!p0 [sflag:s8], $0x0  }
0x24: {  	s3 =	sadd.s32 $0x88, s3;
	s6 =	simm.s32 @!p1 $0x1082;
	[sflag:s4] =	ssyncset.s32 $0xFFFFF086  }
0x25: {  	[simem:s6], [sflag:s4] =	dma.local [hbm:s3], $0xF7A  }
0x26: {  	[smem:$0x3F83] =	sst s1;
	(tag) =	ssettag s2;
	_ =	strace s9  }
0x27: {  	s1 =	sld [smem:$0x3F93]  }
0x28: {  	s2 =	sld [smem:$0x3F94]  }
0x29: {  	s4 =	sld [smem:$0x3F96]  }
0x2a: {  	p0 =	seq.s32 s5, $0x0;
	s5 =	sld [smem:$0x3F97]  }
0x2b: {  	s6 =	sld [smem:$0x3F98]  }
0x2c: {  	s7 =	sld [smem:$0x3F99]  }
0x2d: {  	s3 =	simm.s32 $0x108;
	s8 =	sld [smem:$0x3F9A]  }
0x2e: {  	s3 =	simm.s32 @!p0 $0x1082;
	s9 =	sld [smem:$0x3F9B]  }
0x2f: {  	lr =	sadd.s32 s0, s3;
	s0 =	sld [smem:$0x3F92]  }
0x30: {  	s3 =	sld [smem:$0x3F95]  }
0x31: {  	[smem:$0x3F9E] =	sst s10  }
0x32: {  	s10 =	sld [smem:$0x3F9C];
	_ =	sdelay $0x3  }
0x33: {  	p0 =	seq.s32 s10, $0x1;
	s10 =	sld [smem:$0x3F9E];
	_ =	sdelay $0x3  }
0x34: {  	[smem:$0x3F9E] =	sst s10  }
0x35: {  	s10 =	sld [smem:$0x3F9D];
	_ =	sdelay $0x3  }
0x36: {  	p1 =	seq.s32 s10, $0x1;
	s10 =	sld [smem:$0x3F9E];
	_ =	sdelay $0x3  }
0x37: {  	[smem:$0x3F9E] =	sst s10  }
0x38: {  	s10 =	sld [smem:$0x3F9F]  }
0x39: {  	_ = 	snop;
	(pc) =	sbr.ind lr, $3  }
0x3a: {  	_ = 	snop  }
0x3b: {  	_ = 	snop  }
0x3c: {  	p2 =	seq.s32 s10, $0x1;
	s10 =	sld [smem:$0x3F9E]  }
0x3d: {  	_ =	shalt  }
0x3e: {  	_ =	shalt  }
0x3f: {  	_ =	shalt  }
0x40: {  	_ =	shalt  }
0x41: {  	_ =	shalt  }
0x42: {  	_ =	shalt  }
0x43: {  	_ =	shalt  }
0x44: {  	_ =	shalt  }
0x45: {  	_ =	shalt  }
0x46: {  	_ =	shalt  }
0x47: {  	_ =	shalt  }
0x48: {  	_ =	shalt  }
0x49: {  	_ =	shalt  }
0x4a: {  	_ =	shalt  }
0x4b: {  	_ =	shalt  }
0x4c: {  	_ =	shalt  }
0x4d: {  	_ =	shalt  }
0x4e: {  	_ =	shalt  }
0x4f: {  	_ =	shalt  }
0x50: {  	_ =	shalt  }
0x51: {  	_ =	shalt  }
0x52: {  	_ =	shalt  }
0x53: {  	_ =	shalt  }
0x54: {  	_ =	shalt  }
0x55: {  	_ =	shalt  }
0x56: {  	_ =	shalt  }
0x57: {  	_ =	shalt  }
0x58: {  	_ =	shalt  }
0x59: {  	_ =	shalt  }
0x5a: {  	_ =	shalt  }
0x5b: {  	_ =	shalt  }
0x5c: {  	_ =	shalt  }
0x5d: {  	_ =	shalt  }
0x5e: {  	_ =	shalt  }
0x5f: {  	_ =	shalt  }
0x60: {  	_ =	shalt  }
0x61: {  	_ =	shalt  }
0x62: {  	_ =	shalt  }
0x63: {  	_ =	shalt  }
0x64: {  	_ =	shalt  }
0x65: {  	_ =	shalt  }
0x66: {  	_ =	shalt  }
0x67: {  	_ =	shalt  }
0x68: {  	_ =	shalt  }
0x69: {  	_ =	shalt  }
0x6a: {  	_ =	shalt  }
0x6b: {  	_ =	shalt  }
0x6c: {  	_ =	shalt  }
0x6d: {  	_ =	shalt  }
0x6e: {  	_ =	shalt  }
0x6f: {  	_ =	shalt  }
0x70: {  	_ =	shalt  }
0x71: {  	_ =	shalt  }
0x72: {  	_ =	shalt  }
0x73: {  	_ =	shalt  }
0x74: {  	_ =	shalt  }
0x75: {  	_ =	shalt  }
0x76: {  	_ =	shalt  }
0x77: {  	_ =	shalt  }
0x78: {  	_ =	shalt  }
0x79: {  	_ =	shalt  }
0x7a: {  	_ =	shalt  }
0x7b: {  	_ =	shalt  }
0x7c: {  	_ =	shalt  }
0x7d: {  	_ =	shalt  }
0x7e: {  	_ =	shalt  }
0x7f: {  	_ =	shalt  }
0x80: {  	_ =	shalt  }
0x81: {  	_ =	shalt  }
0x82: {  	_ =	shalt  }
0x83: {  	_ =	shalt  }
0x84: {  	_ =	shalt  }
0x85: {  	_ =	shalt  }
0x86: {  	_ =	shalt  }
0x87: {  	_ =	shalt  }
.Lfunc_end0:
.L_simem_size_0:
called_computation.3_lowered:
.L_overlay_start_0:
0x88: {  	s2 =	sld [smem:$0x3FD9]  }
0x89: {  	s3 =	sld [smem:$0x3FFE];
	_ =	sdelay $0x1  }
0x8a: {  	s1 =	srdreg.scid  }
0x8b: {  	s0 =	sand.u32 $0x1, s1  }
0x8c: {  	s17 =	sshll.u32 s0, $0xA;
	s2 =	sadd.s32 s3, s2  }
0x8d: {  	s2 =	sadd.s32 s2, s17  }
0x8e: {  	[smem:$0x3FAA] =	sst s2  }
0x8f: {  	_ = 	snop  }
0x90: {  	s2 =	sld [smem:$0x3FD0];
	(tm) =	ssettm $0x1  }
0x91: {  	s18 =	sld [smem:$0x3FFB];
	_ =	sdelay $0x3  }
0x92: {  	_ =	strace s18  }
0x93: {  	s3 =	sld [smem:$0x3FFC];
	_ =	sdelay $0x3  }
0x94: {  	_ =	strace s3  }
0x95: {  	s3 =	sld [smem:$0x3FFD];
	_ =	sdelay $0x3  }
0x96: {  	_ =	strace s3  }
0x97: {  	_ =	strace $0x8FFFFFFF  }
0x98: {  	s19 =	sld [smem:$0x3FDB];
	_ =	sdelay $0x1  }
0x99: {  	s4 =	simm.s32 $_scs_section_size  }
0x9a: {  	s5 =	simm.s32 $_size__tile_overlayer_lowered;
	s6 =	simm.s32 $_tile_overlayer_lowered  }
0x9b: {  	s22 =	simm.s32 $0x1BFF;
	s21 =	sshll.u32 s6, $0x1;
	s3 =	sadd.s32 s4, s19  }
0x9c: {  	s7 =	simm.s32 $0x0;
	s20 =	sshll.u32 s5, $0x1;
	s5 =	sadd.s32 s21, s3  }
0x9d: {  	[timem:s7], [sflag:s22] =	dma.local [hbm:s5], s20  }
0x9e: {  	_ =	swait.ge [sflag:s22], s20  }
0x9f: {  	s4 =	ssub.s32 $0x0, s20;
	[sflag:s22] =	ssyncset.done $0x0  }
0xa0: {  	[sflag:s22] =	ssyncadd.s32 s4;
	_ =	sdelay $0x1  }
0xa1: {  	s23 =	simm.s32 $0x1B8B  }
0xa2: {  	_ =	swait.ge [sflag:s23], $0x1  }
0xa3: {  	[sflag:s23] =	ssyncset.done $0x0  }
0xa4: {  	s25 =	simm.s32 $0x1B8E;
	s24 =	sld [smem:$0x3FFE];
	[sflag:s23] =	ssyncadd.s32 $0xFFFFFFFF  }
0xa5: {  	s26 =	simm.s32 $execute0_lowered;
	[smem:$0x3FD2] =	sst s25  }
0xa6: {  	s5 =	sshll.u32 s26, $0x1;
	_ =	strace $0x8000004F;
	[dreg:$0x1] =	wrdreg $0xFFFFFFFF  }
0xa7: {  	s28 =	simm.s32 $_size_execute0_lowered;
	s3 =	sadd.s32 s3, s5;
	[dreg:$0x0] =	wrdreg $0x0  }
0xa8: {  	s5 =	sshll.u32 s28, $0x1;
	[dreg:$0x2] =	wrdreg s3  }
0xa9: {  	[dreg:$0x3] =	wrdreg s5  }
0xaa: {  	[dreg:$0x4] =	wrdreg $0xC0  }
0xab: {  	_ =	task [dreg:s7], $0x5FFFF  }
0xac: {  	[dreg:$0x1] =	wrdreg $0xFFFFFFFF  }
0xad: {  	[dreg:$0x0] =	wrdreg $0x60  }
0xae: {  	[dreg:$0x2] =	wrdreg s2  }
0xaf: {  	[dreg:$0x3] =	wrdreg s24  }
0xb0: {  	[dreg:$0x4] =	wrdreg $0x9  }
0xb1: {  	_ =	task.clear_ibuf [dreg:s7], $0x5FFFF;
	_ =	strace $0x9000004F  }
0xb2: {  	s29 =	simm.s32 $0x9;
	_ =	strace $0x80000051  }
0xb3: {  	_ =	swait.ge [sflag:s29], $0x1  }
0xb4: {  	[sflag:s29] =	ssyncadd.s32 $0xFFFFFFFF  }
0xb5: {  	_ =	strace $0x90000051  }
0xb6: {  	_ =	sfence  }
0xb7: {  	s30 =	sld [smem:$0x0];
	_ =	sdelay $0x2  }
0xb8: {  	s31 =	sshll.u32 s1, $0xD;
	s1 =	sshrl.u32 s1, $0x2  }
0xb9: {  	s3 =	sand.u32 $0x4000, s31;
	s1 =	sadd.s32 s1, s30  }
0xba: {  	s0 =	sor.u32 s3, s0;
	s1 =	sshll.u32 s1, $0x11  }
0xbb: {  	s0 =	sor.u32 s1, s0  }
0xbc: {  	s0 =	sadd.s32 $0x8F2B, s0  }
0xbd: {  	[sflag:s0] =	ssyncadd.remote.s32 $0x1  }
0xbe: {  	_ =	sfence.sel $0xFFFF  }
0xbf: {  	[dreg:$0x0] =	wrdreg $0xFFFFFFFF;
	(pc) =	sbr.abs _section_cstart, $3  }
0xc0: {  	[dreg:$0x1] =	wrdreg $0xFFFFFFFF  }
0xc1: {  	_ =	task.clear_ibuf [dreg:s7], $0x2FFFF;
	_ =	strace $0x9FFFFFFF  }
0xc2: {  	(tm) =	ssettm $0x7FFFFFFF  }
0xc3: {  	_ =	shalt  }
tec
execute0_lowered:
.L_overlay_start_1:
0x0: {  	(tag) =	ssettag $0x1  }
0x1: {  	s1 =	rddreg [dreg:$0x0]  }
0x2: {  	s4 =	rddreg [dreg:$0x1]  }
0x3: {  	s2 =	srdreg.scid;
	s0 =	rddreg [dreg:$0x2]  }
0x4: {  	s3 =	simm.s32 $0x0;
	s8 =	simm.s32 $0x1;
	s9 =	simm.s32 $0xA000  }
0x5: {  	s10 =	simm.s32 $0xA080;
	s11 =	simm.s32 $0xA100;
	s5 =	sand.u32 $0x1, s2  }
0x6: {  	s2 =	stileid.u32;
	s6 =	smul.u32 $0xD00, s5;
	s5 =	ssub.s32 $0x2, s5  }
0x7: {  	s12 =	simm.s32 $0x0;
	s7 =	smul.u32 $0xD0, s2;
	s31 =	sshrl.u32 s5, $0x1  }
0x8: {  	[smem:$0x7FF] =	sst s3;
	s4 =	sadd.s32 s6, s4;
	s5 =	ssub.s32 s5, s31  }
0x9: {  	_ =	strace $0x80000050;
	s7 =	sadd.s32 s7, s4;
	s4 =	smax.u32 s5, $0x1  }
0xa: {  	s5 =	sadd.s32 $0x5000, s7;
	s6 =	sadd.s32 $0x48200, s7;
	s7 =	sadd.s32 $0x46800, s7  }
.LBB2_1:
0xb: {  	[tilespmem:s3], [sflag:$0x1] =	stream.linear.gather [hbm4b:s1+s3], $0xA000, $0x38;
	[tilespmem:$0xA180] =	vst v63  }
0xc: {  	_ =	swait.ge [sflag:s8], $0xA000  }
0xd: {  	[sflag:s8] =	ssyncset.done $0x0  }
0xe: {  	s13 =	sadd.s32 $0x0, s7;
	[sflag:s8] =	ssyncadd.s32 $0xFFFF6000  }
0xf: {  	[tilespmem:s9], [sflag:$0x1] =	stream.linear.gather [hbm4b:s13+s3], $0x80, $0x38;
	[tilespmem:$0xA180] =	vst v63  }
0x10: {  	_ =	swait.ge [sflag:s8], $0x80  }
0x11: {  	[sflag:s8] =	ssyncset.done $0x0  }
0x12: {  	s30 =	sadd.s32 $0x0, s6;
	[sflag:s8] =	ssyncadd.s32 $0xFFFFFF80  }
0x13: {  	[tilespmem:s10], [sflag:$0x1] =	stream.linear.gather [hbm4b:s30+s3], $0x80, $0x38;
	[tilespmem:$0xA180] =	vst v63  }
0x14: {  	_ =	swait.ge [sflag:s8], $0x80  }
0x15: {  	[sflag:s8] =	ssyncset.done $0x0  }
0x16: {  	[sflag:s8] =	ssyncadd.s32 $0xFFFFFF80  }
0x17: {  	v0 =	vld [tilespmem:$0xA000];
	_ =	sdelay $0x4  }
0x18: {  	v0 =	vshll.u32 v0, $0x3;
	_ =	sdelay $0x2  }
0x19: {  	v1 =	vld [tilespmem:$0xA010]  }
0x1a: {  	v2 =	vld [tilespmem:$0xA080]  }
0x1b: {  	v0 =	vld.idx.msk [tilespmem:v0+s3+$0x0], $0xffff;
	_ =	sdelay $0x2  }
0x1c: {  	v1 =	vshll.u32 v1, $0x3;
	_ =	sdelay $0x1  }
0x1d: {  	v0 =	vadd.f32 v2, v0  }
0x1e: {  	v51 =	vld [tilespmem:$0xA020]  }
0x1f: {  	v52 =	vld [tilespmem:$0xA090];
	[tilespmem:$0xA100] =	vst v0  }
0x20: {  	v0 =	vld.idx.msk [tilespmem:v1+s3+$0x0], $0xffff;
	_ =	sdelay $0x2  }
0x21: {  	v2 =	vshll.u32 v51, $0x3;
	_ =	sdelay $0x1  }
0x22: {  	v0 =	vadd.f32 v52, v0  }
0x23: {  	v53 =	vld [tilespmem:$0xA030]  }
0x24: {  	v54 =	vld [tilespmem:$0xA0A0];
	[tilespmem:$0xA110] =	vst v0  }
0x25: {  	v0 =	vld.idx.msk [tilespmem:v2+s3+$0x0], $0xffff;
	_ =	sdelay $0x2  }
0x26: {  	v1 =	vshll.u32 v53, $0x3;
	_ =	sdelay $0x1  }
0x27: {  	v0 =	vadd.f32 v54, v0  }
0x28: {  	v55 =	vld [tilespmem:$0xA040]  }
0x29: {  	v56 =	vld [tilespmem:$0xA0B0];
	[tilespmem:$0xA120] =	vst v0  }
0x2a: {  	v0 =	vld.idx.msk [tilespmem:v1+s3+$0x0], $0xffff;
	_ =	sdelay $0x2  }
0x2b: {  	v2 =	vshll.u32 v55, $0x3;
	_ =	sdelay $0x1  }
0x2c: {  	v0 =	vadd.f32 v56, v0  }
0x2d: {  	v57 =	vld [tilespmem:$0xA050]  }
0x2e: {  	v58 =	vld [tilespmem:$0xA0C0];
	[tilespmem:$0xA130] =	vst v0  }
0x2f: {  	v0 =	vld.idx.msk [tilespmem:v2+s3+$0x0], $0xffff;
	_ =	sdelay $0x2  }
0x30: {  	v1 =	vshll.u32 v57, $0x3;
	_ =	sdelay $0x1  }
0x31: {  	v0 =	vadd.f32 v58, v0  }
0x32: {  	v59 =	vld [tilespmem:$0xA060]  }
0x33: {  	v60 =	vld [tilespmem:$0xA0D0];
	[tilespmem:$0xA140] =	vst v0  }
0x34: {  	v0 =	vld.idx.msk [tilespmem:v1+s3+$0x0], $0xffff;
	_ =	sdelay $0x2  }
0x35: {  	v2 =	vshll.u32 v59, $0x3;
	_ =	sdelay $0x1  }
0x36: {  	v0 =	vadd.f32 v60, v0  }
0x37: {  	v61 =	vld [tilespmem:$0xA070]  }
0x38: {  	v62 =	vld [tilespmem:$0xA0E0];
	[tilespmem:$0xA150] =	vst v0  }
0x39: {  	v0 =	vld.idx.msk [tilespmem:v2+s3+$0x0], $0xffff;
	_ =	sdelay $0x2  }
0x3a: {  	v1 =	vshll.u32 v61, $0x3;
	_ =	sdelay $0x1  }
0x3b: {  	v0 =	vadd.f32 v62, v0;
	_ =	sdelay $0x1  }
0x3c: {  	v63 =	vld [tilespmem:$0xA0F0];
	[tilespmem:$0xA160] =	vst v0  }
0x3d: {  	v0 =	vld.idx.msk [tilespmem:v1+s3+$0x0], $0xffff;
	_ =	sdelay $0x4  }
0x3e: {  	v0 =	vadd.f32 v63, v0;
	_ =	sdelay $0x1  }
0x3f: {  	s31 =	sadd.s32 $0x0, s5;
	[tilespmem:$0xA170] =	vst v0  }
0x40: {  	[hbm4b:s31+s3] =	stream.linear.scatter [tilespmem:s11], [sflag:$0x1], $0x80, $0x38;
	[tilespmem:$0xA180] =	vst v63  }
0x41: {  	_ =	swait.ge [sflag:s8], $0x80  }
0x42: {  	s16 =	simm.s32 $0x20;
	s13 =	simm.s32 $0x10;
	[sflag:s8] =	ssyncset.done $0x0  }
.LBB2_2:
0x43: {  	s17 =	sadd.s32 s13, s7  }
0x44: {  	[sflag:s8] =	ssyncadd.s32 $0xFFFFFF80;
	s15 =	smov.u32 s16;
	s14 =	sadd.s32 $0x10, s16  }
0x45: {  	[tilespmem:s9], [sflag:$0x1] =	stream.linear.gather [hbm4b:s17+s3], $0x80, $0x38;
	[tilespmem:$0xA180] =	vst v63  }
0x46: {  	p0 =	sne.s32 s16, $0xC0;
	_ =	swait.ge [sflag:s8], $0x80  }
0x47: {  	[sflag:s8] =	ssyncset.done $0x0  }
0x48: {  	s16 =	sadd.s32 s13, s6;
	[sflag:s8] =	ssyncadd.s32 $0xFFFFFF80  }
0x49: {  	[tilespmem:s10], [sflag:$0x1] =	stream.linear.gather [hbm4b:s16+s3], $0x80, $0x38;
	[tilespmem:$0xA180] =	vst v63  }
0x4a: {  	_ =	swait.ge [sflag:s8], $0x80  }
0x4b: {  	[sflag:s8] =	ssyncset.done $0x0  }
0x4c: {  	[sflag:s8] =	ssyncadd.s32 $0xFFFFFF80  }
0x4d: {  	v0 =	vld [tilespmem:$0xA000]  }
0x4e: {  	v1 =	vld [tilespmem:$0xA010]  }
0x4f: {  	v2 =	vld [tilespmem:$0xA020]  }
0x50: {  	v3 =	vld [tilespmem:$0xA030]  }
0x51: {  	v4 =	vld [tilespmem:$0xA040]  }
0x52: {  	v0 =	vshll.u32 v0, $0x3;
	v5 =	vld [tilespmem:$0xA050]  }
0x53: {  	v6 =	vld [tilespmem:$0xA060]  }
0x54: {  	v7 =	vld [tilespmem:$0xA070];
	_ =	sdelay $0x2  }
0x55: {  	v0 =	vld.idx.msk [tilespmem:v0+s3+$0x0], $0xffff  }
0x56: {  	v8 =	vld [tilespmem:$0xA080];
	_ =	sdelay $0x2  }
0x57: {  	v1 =	vshll.u32 v1, $0x3;
	_ =	sdelay $0x1  }
0x58: {  	v0 =	vadd.f32 v8, v0;
	_ =	sdelay $0x1  }
0x59: {  	[tilespmem:$0xA100] =	vst v0  }
0x5a: {  	v0 =	vld.idx.msk [tilespmem:v1+s3+$0x0], $0xffff  }
0x5b: {  	v1 =	vld [tilespmem:$0xA090];
	_ =	sdelay $0x2  }
0x5c: {  	v2 =	vshll.u32 v2, $0x3;
	_ =	sdelay $0x1  }
0x5d: {  	v0 =	vadd.f32 v1, v0;
	_ =	sdelay $0x1  }
0x5e: {  	[tilespmem:$0xA110] =	vst v0  }
0x5f: {  	v0 =	vld.idx.msk [tilespmem:v2+s3+$0x0], $0xffff  }
0x60: {  	v1 =	vld [tilespmem:$0xA0A0];
	_ =	sdelay $0x2  }
0x61: {  	v2 =	vshll.u32 v3, $0x3;
	_ =	sdelay $0x1  }
0x62: {  	v0 =	vadd.f32 v1, v0;
	_ =	sdelay $0x1  }
0x63: {  	[tilespmem:$0xA120] =	vst v0  }
0x64: {  	v0 =	vld.idx.msk [tilespmem:v2+s3+$0x0], $0xffff  }
0x65: {  	v1 =	vld [tilespmem:$0xA0B0];
	_ =	sdelay $0x2  }
0x66: {  	v2 =	vshll.u32 v4, $0x3;
	_ =	sdelay $0x1  }
0x67: {  	v0 =	vadd.f32 v1, v0;
	_ =	sdelay $0x1  }
0x68: {  	[tilespmem:$0xA130] =	vst v0  }
0x69: {  	v0 =	vld.idx.msk [tilespmem:v2+s3+$0x0], $0xffff  }
0x6a: {  	v1 =	vld [tilespmem:$0xA0C0];
	_ =	sdelay $0x2  }
0x6b: {  	v2 =	vshll.u32 v5, $0x3;
	_ =	sdelay $0x1  }
0x6c: {  	v0 =	vadd.f32 v1, v0;
	_ =	sdelay $0x1  }
0x6d: {  	[tilespmem:$0xA140] =	vst v0  }
0x6e: {  	v0 =	vld.idx.msk [tilespmem:v2+s3+$0x0], $0xffff  }
0x6f: {  	v1 =	vld [tilespmem:$0xA0D0];
	_ =	sdelay $0x2  }
0x70: {  	v2 =	vshll.u32 v6, $0x3;
	_ =	sdelay $0x1  }
0x71: {  	v0 =	vadd.f32 v1, v0;
	_ =	sdelay $0x1  }
0x72: {  	[tilespmem:$0xA150] =	vst v0  }
0x73: {  	v0 =	vld.idx.msk [tilespmem:v2+s3+$0x0], $0xffff  }
0x74: {  	v1 =	vld [tilespmem:$0xA0E0];
	_ =	sdelay $0x2  }
0x75: {  	v2 =	vshll.u32 v7, $0x3;
	_ =	sdelay $0x1  }
0x76: {  	v0 =	vadd.f32 v1, v0;
	_ =	sdelay $0x1  }
0x77: {  	[tilespmem:$0xA160] =	vst v0  }
0x78: {  	v0 =	vld.idx.msk [tilespmem:v2+s3+$0x0], $0xffff  }
0x79: {  	v1 =	vld [tilespmem:$0xA0F0];
	_ =	sdelay $0x4  }
0x7a: {  	v0 =	vadd.f32 v1, v0  }
.Ltmp0:
0x7b: {  	(pc) =	sbr.rel @p0 .LBB2_2-.Ltmp0, $4  }
0x7c: {  	s16 =	sadd.s32 s13, s5;
	s13 =	smov.u32 s15;
	[tilespmem:$0xA170] =	vst v0  }
0x7d: {  	[hbm4b:s16+s3] =	stream.linear.scatter [tilespmem:s11], [sflag:$0x1], $0x80, $0x38;
	[tilespmem:$0xA180] =	vst v63  }
0x7e: {  	_ =	swait.ge [sflag:s8], $0x80  }
0x7f: {  	s16 =	smov.u32 s14;
	[sflag:s8] =	ssyncset.done $0x0  }
0x80: {  	s14 =	sadd.s32 s13, s7;
	[sflag:s8] =	ssyncadd.s32 $0xFFFFFF80  }
0x81: {  	[tilespmem:s9], [sflag:$0x1] =	stream.linear.gather [hbm4b:s14+s3], $0x80, $0x38;
	[tilespmem:$0xA180] =	vst v63  }
0x82: {  	_ =	swait.ge [sflag:s8], $0x80  }
0x83: {  	[sflag:s8] =	ssyncset.done $0x0  }
0x84: {  	s30 =	sadd.s32 s13, s6;
	[sflag:s8] =	ssyncadd.s32 $0xFFFFFF80  }
0x85: {  	[tilespmem:s10], [sflag:$0x1] =	stream.linear.gather [hbm4b:s30+s3], $0x80, $0x38;
	[tilespmem:$0xA180] =	vst v63  }
0x86: {  	_ =	swait.ge [sflag:s8], $0x80  }
0x87: {  	[sflag:s8] =	ssyncset.done $0x0  }
0x88: {  	[sflag:s8] =	ssyncadd.s32 $0xFFFFFF80  }
0x89: {  	v0 =	vld [tilespmem:$0xA000];
	_ =	sdelay $0x4  }
0x8a: {  	v0 =	vshll.u32 v0, $0x3;
	_ =	sdelay $0x2  }
0x8b: {  	v1 =	vld [tilespmem:$0xA010]  }
0x8c: {  	v2 =	vld [tilespmem:$0xA080]  }
0x8d: {  	v0 =	vld.idx.msk [tilespmem:v0+s3+$0x0], $0xffff;
	_ =	sdelay $0x2  }
0x8e: {  	v1 =	vshll.u32 v1, $0x3;
	_ =	sdelay $0x1  }
0x8f: {  	v0 =	vadd.f32 v2, v0  }
0x90: {  	v51 =	vld [tilespmem:$0xA020]  }
0x91: {  	v52 =	vld [tilespmem:$0xA090];
	[tilespmem:$0xA100] =	vst v0  }
0x92: {  	v0 =	vld.idx.msk [tilespmem:v1+s3+$0x0], $0xffff;
	_ =	sdelay $0x2  }
0x93: {  	v2 =	vshll.u32 v51, $0x3;
	_ =	sdelay $0x1  }
0x94: {  	v0 =	vadd.f32 v52, v0  }
0x95: {  	v53 =	vld [tilespmem:$0xA030]  }
0x96: {  	v54 =	vld [tilespmem:$0xA0A0];
	[tilespmem:$0xA110] =	vst v0  }
0x97: {  	v0 =	vld.idx.msk [tilespmem:v2+s3+$0x0], $0xffff;
	_ =	sdelay $0x2  }
0x98: {  	v1 =	vshll.u32 v53, $0x3;
	_ =	sdelay $0x1  }
0x99: {  	v0 =	vadd.f32 v54, v0  }
0x9a: {  	v55 =	vld [tilespmem:$0xA040]  }
0x9b: {  	v56 =	vld [tilespmem:$0xA0B0];
	[tilespmem:$0xA120] =	vst v0  }
0x9c: {  	v0 =	vld.idx.msk [tilespmem:v1+s3+$0x0], $0xffff;
	_ =	sdelay $0x2  }
0x9d: {  	v2 =	vshll.u32 v55, $0x3;
	_ =	sdelay $0x1  }
0x9e: {  	v0 =	vadd.f32 v56, v0  }
0x9f: {  	v57 =	vld [tilespmem:$0xA050]  }
0xa0: {  	v58 =	vld [tilespmem:$0xA0C0];
	[tilespmem:$0xA130] =	vst v0  }
0xa1: {  	v0 =	vld.idx.msk [tilespmem:v2+s3+$0x0], $0xffff;
	_ =	sdelay $0x2  }
0xa2: {  	v1 =	vshll.u32 v57, $0x3;
	_ =	sdelay $0x1  }
0xa3: {  	v0 =	vadd.f32 v58, v0  }
0xa4: {  	v59 =	vld [tilespmem:$0xA060]  }
0xa5: {  	v60 =	vld [tilespmem:$0xA0D0];
	[tilespmem:$0xA140] =	vst v0  }
0xa6: {  	v0 =	vld.idx.msk [tilespmem:v1+s3+$0x0], $0xffff;
	_ =	sdelay $0x2  }
0xa7: {  	v2 =	vshll.u32 v59, $0x3;
	_ =	sdelay $0x1  }
0xa8: {  	v0 =	vadd.f32 v60, v0  }
0xa9: {  	v61 =	vld [tilespmem:$0xA070]  }
0xaa: {  	v62 =	vld [tilespmem:$0xA0E0];
	[tilespmem:$0xA150] =	vst v0  }
0xab: {  	v0 =	vld.idx.msk [tilespmem:v2+s3+$0x0], $0xffff;
	_ =	sdelay $0x2  }
0xac: {  	v1 =	vshll.u32 v61, $0x3;
	_ =	sdelay $0x1  }
0xad: {  	v0 =	vadd.f32 v62, v0;
	_ =	sdelay $0x1  }
0xae: {  	v63 =	vld [tilespmem:$0xA0F0];
	[tilespmem:$0xA160] =	vst v0  }
0xaf: {  	v0 =	vld.idx.msk [tilespmem:v1+s3+$0x0], $0xffff;
	_ =	sdelay $0x4  }
0xb0: {  	s12 =	sadd.s32 $0x1, s12;
	v0 =	vadd.f32 v63, v0  }
0xb1: {  	p0 =	sne.s32 s12, s4  }
.Ltmp1:
0xb2: {  	s31 =	sadd.s32 s13, s5;
	[tilespmem:$0xA170] =	vst v0;
	(pc) =	sbr.rel @p0 .LBB2_1-.Ltmp1, $4  }
0xb3: {  	[hbm4b:s31+s3] =	stream.linear.scatter [tilespmem:s11], [sflag:$0x1], $0x80, $0x38;
	[tilespmem:$0xA180] =	vst v63  }
0xb4: {  	_ =	swait.ge [sflag:s8], $0x80  }
0xb5: {  	[sflag:s8] =	ssyncset.done $0x0  }
0xb6: {  	[sflag:s8] =	ssyncadd.s32 $0xFFFFFF80  }
0xb7: {  	_ =	sfence.sel $0x180000  }
0xb8: {  	[bflag:$0x0] =	sbarrier.arrive $0xFFFF  }
0xb9: {  	p0 =	sne.s32 s2, $0x0;
	_ =	strace $0x90000050  }
0xba: {  	s0 =	sadd.s32 @!p0 $0x100000, s0;
	[bflag:$0x2] =	sbarrier.arrive $0xFFFF  }
0xbb: {  	[sflag:s0] =	ssyncadd.tile.s32 @!p0 $0x1;
	_ =	shalt  }
.Lfunc_end2:
_tile_overlayer_lowered:
.L_overlay_start_2:
0xbc: {  	(tag) =	ssettag $0x2  }
0xbd: {  	s0 =	rddreg [dreg:$0x0];
	s2 =	stileid.u32  }
0xbe: {  	s1 =	rddreg [dreg:$0x1];
	p0 =	sne.s32 s2, $0x0  }
0xbf: {  	s3 =	rddreg [dreg:$0x2];
	[bflag:$0x3] =	sbarrier.arrive $0xFFFF;
	s2 =	simm.s32 @!p0 $0x1C01  }
0xc0: {  	[timem:s3], [sflag:s2] =	dma.local @!p0 [hbm:s0], s1  }
0xc1: {  	s0 =	simm.s32 @!p0 $0x1  }
0xc2: {  	_ =	swait.ge @!p0 [sflag:s0], s1  }
0xc3: {  	s1 =	ssub.s32 @!p0 $0x0, s1;
	[sflag:s0] =	ssyncset.done @!p0 $0x0  }
0xc4: {  	[sflag:s0] =	ssyncadd.s32 @!p0 s1  }
0xc5: {  	[bflag:$0x3] =	sbarrier.arrive $0xFFFF  }
0xc6: {  	_ =	shalt  }

// kernel: kernel.9.cloned.1.call-start
scs
__scs_entry_jumppad:
0x0: {  	(pc) =	sbr.rel $0x88, $3  }
0x1: {  	(tag) =	ssettag $0x0;
	lr =	simm.s32 $0x1  }
0x2: {  	[smem:$0x3F83] =	sst lr;
	_ =	strace $0xD0000000  }
0x3: {  	_ = 	snop  }
0x4: {  	_ = 	snop  }
0x5: {  	_ = 	snop  }
0x6: {  	_ = 	snop  }
0x7: {  	_ = 	snop  }
__scs_overlays_trampoline_lowered:
0x8: {  	[smem:$0x3F92] =	sst s0  }
0x9: {  	[smem:$0x3F93] =	sst s1  }
0xa: {  	[smem:$0x3F94] =	sst s2  }
0xb: {  	[smem:$0x3F95] =	sst s3  }
0xc: {  	[smem:$0x3F96] =	sst s4  }
0xd: {  	[smem:$0x3F97] =	sst s5  }
0xe: {  	[smem:$0x3F98] =	sst s6  }
0xf: {  	[smem:$0x3F99] =	sst s7  }
0x10: {  	[smem:$0x3F9A] =	sst s8  }
0x11: {  	[smem:$0x3F9B] =	sst s9;
	s0 =	simm.s32 @!p0 $0x0  }
0x12: {  	s1 =	sld [smem:$0x3F81];
	s0 =	simm.s32 @p0 $0x1  }
0x13: {  	[smem:$0x3F9C] =	sst s0;
	s0 =	simm.s32 @!p1 $0x0  }
0x14: {  	s2 =	sld [smem:$0x3F80];
	s0 =	simm.s32 @p1 $0x1  }
0x15: {  	[smem:$0x3F9D] =	sst s0;
	s0 =	simm.s32 @!p2 $0x0  }
0x16: {  	s3 =	sld [smem:$0x3FDB];
	s0 =	simm.s32 @p2 $0x1  }
0x17: {  	s4 =	simm.s32 $0x1BF5;
	[smem:$0x3F9F] =	sst s0  }
0x18: {  	s0 =	sld [smem:$0x3F82];
	_ =	swait.ge [sflag:s4], $0x0  }
0x19: {  	s7 =	sld [smem:$0x3F83]  }
0x1a: {  	s8 =	sadd.s32 $0xFFFFE003, lr  }
0x1b: {  	s9 =	sadd.s32 $0xFFFFFEF7, lr;
	s5 =	simm.s32 $0xFFFFFFFF;
	p2 =	slt.u32 s8, $0xFFFFF086  }
0x1c: {  	p1 =	slt.u32 s9, $0xF7A;
	s5 =	simm.s32 @!p2 $0x0  }
0x1d: {  	s5 =	simm.s32 @p1 $0x1;
	p0 =	seq.s32 s7, s2  }
0x1e: {  	s7 =	smul.u32 @!p0 $0xF7A, s2;
	p2 =	seq.s32 @!p0 s5, $0x0  }
0x1f: {  	s9 =	smul.u32 $0xF7A, s1;
	s8 =	simm.s32 @!p0 $0x1BF5;
	p2 =	por !p2, p0  }
0x20: {  	[sflag:s8] =	ssyncset.s32 @!p0 $0xFFFFF086;
	s6 =	sadd.s32 @!p0 s3, s7;
	s7 =	simm.s32 @!p0 $0x108  }
0x21: {  	s3 =	sadd.s32 s3, s9;
	s6 =	sadd.s32 @!p0 $0x88, s6;
	s7 =	simm.s32 @p2 $0x1082  }
0x22: {  	[simem:s7], [sflag:s8] =	dma.local @!p0 [hbm:s6], $0xF7A  }
0x23: {  	s9 =	sor.u32 $0xD0000000, s2;
	s6 =	simm.s32 $0x108;
	_ =	swait.ge @!p0 [sflag:s8], $0x0  }
0x24: {  	s3 =	sadd.s32 $0x88, s3;
	s6 =	simm.s32 @!p1 $0x1082;
	[sflag:s4] =	ssyncset.s32 $0xFFFFF086  }
0x25: {  	[simem:s6], [sflag:s4] =	dma.local [hbm:s3], $0xF7A  }
0x26: {  	[smem:$0x3F83] =	sst s1;
	(tag) =	ssettag s2;
	_ =	strace s9  }
0x27: {  	s1 =	sld [smem:$0x3F93]  }
0x28: {  	s2 =	sld [smem:$0x3F94]  }
0x29: {  	s4 =	sld [smem:$0x3F96]  }
0x2a: {  	p0 =	seq.s32 s5, $0x0;
	s5 =	sld [smem:$0x3F97]  }
0x2b: {  	s6 =	sld [smem:$0x3F98]  }
0x2c: {  	s7 =	sld [smem:$0x3F99]  }
0x2d: {  	s3 =	simm.s32 $0x108;
	s8 =	sld [smem:$0x3F9A]  }
0x2e: {  	s3 =	simm.s32 @!p0 $0x1082;
	s9 =	sld [smem:$0x3F9B]  }
0x2f: {  	lr =	sadd.s32 s0, s3;
	s0 =	sld [smem:$0x3F92]  }
0x30: {  	s3 =	sld [smem:$0x3F95]  }
0x31: {  	[smem:$0x3F9E] =	sst s10  }
0x32: {  	s10 =	sld [smem:$0x3F9C];
	_ =	sdelay $0x3  }
0x33: {  	p0 =	seq.s32 s10, $0x1;
	s10 =	sld [smem:$0x3F9E];
	_ =	sdelay $0x3  }
0x34: {  	[smem:$0x3F9E] =	sst s10  }
0x35: {  	s10 =	sld [smem:$0x3F9D];
	_ =	sdelay $0x3  }
0x36: {  	p1 =	seq.s32 s10, $0x1;
	s10 =	sld [smem:$0x3F9E];
	_ =	sdelay $0x3  }
0x37: {  	[smem:$0x3F9E] =	sst s10  }
0x38: {  	s10 =	sld [smem:$0x3F9F]  }
0x39: {  	_ = 	snop;
	(pc) =	sbr.ind lr, $3  }
0x3a: {  	_ = 	snop  }
0x3b: {  	_ = 	snop  }
0x3c: {  	p2 =	seq.s32 s10, $0x1;
	s10 =	sld [smem:$0x3F9E]  }
0x3d: {  	_ =	shalt  }
0x3e: {  	_ =	shalt  }
0x3f: {  	_ =	shalt  }
0x40: {  	_ =	shalt  }
0x41: {  	_ =	shalt  }
0x42: {  	_ =	shalt  }
0x43: {  	_ =	shalt  }
0x44: {  	_ =	shalt  }
0x45: {  	_ =	shalt  }
0x46: {  	_ =	shalt  }
0x47: {  	_ =	shalt  }
0x48: {  	_ =	shalt  }
0x49: {  	_ =	shalt  }
0x4a: {  	_ =	shalt  }
0x4b: {  	_ =	shalt  }
0x4c: {  	_ =	shalt  }
0x4d: {  	_ =	shalt  }
0x4e: {  	_ =	shalt  }
0x4f: {  	_ =	shalt  }
0x50: {  	_ =	shalt  }
0x51: {  	_ =	shalt  }
0x52: {  	_ =	shalt  }
0x53: {  	_ =	shalt  }
0x54: {  	_ =	shalt  }
0x55: {  	_ =	shalt  }
0x56: {  	_ =	shalt  }
0x57: {  	_ =	shalt  }
0x58: {  	_ =	shalt  }
0x59: {  	_ =	shalt  }
0x5a: {  	_ =	shalt  }
0x5b: {  	_ =	shalt  }
0x5c: {  	_ =	shalt  }
0x5d: {  	_ =	shalt  }
0x5e: {  	_ =	shalt  }
0x5f: {  	_ =	shalt  }
0x60: {  	_ =	shalt  }
0x61: {  	_ =	shalt  }
0x62: {  	_ =	shalt  }
0x63: {  	_ =	shalt  }
0x64: {  	_ =	shalt  }
0x65: {  	_ =	shalt  }
0x66: {  	_ =	shalt  }
0x67: {  	_ =	shalt  }
0x68: {  	_ =	shalt  }
0x69: {  	_ =	shalt  }
0x6a: {  	_ =	shalt  }
0x6b: {  	_ =	shalt  }
0x6c: {  	_ =	shalt  }
0x6d: {  	_ =	shalt  }
0x6e: {  	_ =	shalt  }
0x6f: {  	_ =	shalt  }
0x70: {  	_ =	shalt  }
0x71: {  	_ =	shalt  }
0x72: {  	_ =	shalt  }
0x73: {  	_ =	shalt  }
0x74: {  	_ =	shalt  }
0x75: {  	_ =	shalt  }
0x76: {  	_ =	shalt  }
0x77: {  	_ =	shalt  }
0x78: {  	_ =	shalt  }
0x79: {  	_ =	shalt  }
0x7a: {  	_ =	shalt  }
0x7b: {  	_ =	shalt  }
0x7c: {  	_ =	shalt  }
0x7d: {  	_ =	shalt  }
0x7e: {  	_ =	shalt  }
0x7f: {  	_ =	shalt  }
0x80: {  	_ =	shalt  }
0x81: {  	_ =	shalt  }
0x82: {  	_ =	shalt  }
0x83: {  	_ =	shalt  }
0x84: {  	_ =	shalt  }
0x85: {  	_ =	shalt  }
0x86: {  	_ =	shalt  }
0x87: {  	_ =	shalt  }
.Lfunc_end0:
.L_simem_size_0:
called_computation_lowered:
.L_overlay_start_0:
0x88: {  	s2 =	sld [smem:$0x3FD9]  }
0x89: {  	s3 =	sld [smem:$0x3FFE];
	_ =	sdelay $0x1  }
0x8a: {  	s1 =	srdreg.scid  }
0x8b: {  	s0 =	sand.u32 $0x1, s1  }
0x8c: {  	s16 =	sshll.u32 s0, $0xA;
	s2 =	sadd.s32 s3, s2  }
0x8d: {  	s2 =	sadd.s32 s2, s16  }
0x8e: {  	[smem:$0x3FAA] =	sst s2  }
0x8f: {  	_ = 	snop  }
0x90: {  	(tm) =	ssettm $0x1  }
0x91: {  	s17 =	sld [smem:$0x3FFB];
	_ =	sdelay $0x3  }
0x92: {  	_ =	strace s17  }
0x93: {  	s2 =	sld [smem:$0x3FFC];
	_ =	sdelay $0x3  }
0x94: {  	_ =	strace s2  }
0x95: {  	s2 =	sld [smem:$0x3FFD];
	_ =	sdelay $0x3  }
0x96: {  	_ =	strace s2  }
0x97: {  	_ =	strace $0x8FFFFFFF  }
0x98: {  	s18 =	sld [smem:$0x3FDB];
	_ =	sdelay $0x1  }
0x99: {  	s19 =	simm.s32 $_scs_section_size  }
0x9a: {  	s4 =	simm.s32 $_size__tile_overlayer_lowered;
	s5 =	simm.s32 $_tile_overlayer_lowered  }
0x9b: {  	s22 =	simm.s32 $0x1BFF;
	s21 =	sshll.u32 s5, $0x1;
	s2 =	sadd.s32 s19, s18  }
0x9c: {  	s6 =	simm.s32 $0x0;
	s20 =	sshll.u32 s4, $0x1;
	s4 =	sadd.s32 s21, s2  }
0x9d: {  	[timem:s6], [sflag:s22] =	dma.local [hbm:s4], s20  }
0x9e: {  	_ =	swait.ge [sflag:s22], s20  }
0x9f: {  	s3 =	ssub.s32 $0x0, s20;
	[sflag:s22] =	ssyncset.done $0x0  }
0xa0: {  	[sflag:s22] =	ssyncadd.s32 s3;
	_ =	sdelay $0x1  }
0xa1: {  	s23 =	simm.s32 $0x1B8B  }
0xa2: {  	_ =	swait.ge [sflag:s23], $0x1  }
0xa3: {  	[sflag:s23] =	ssyncset.done $0x0  }
0xa4: {  	s25 =	simm.s32 $0x1B8E;
	s24 =	sld [smem:$0x3FFE];
	[sflag:s23] =	ssyncadd.s32 $0xFFFFFFFF  }
0xa5: {  	s26 =	simm.s32 $execute0_lowered;
	[smem:$0x3FD2] =	sst s25  }
0xa6: {  	s4 =	sshll.u32 s26, $0x1;
	_ =	strace $0x80000046;
	[dreg:$0x1] =	wrdreg $0xFFFFFFFF  }
0xa7: {  	s28 =	simm.s32 $_size_execute0_lowered;
	s2 =	sadd.s32 s2, s4;
	[dreg:$0x0] =	wrdreg $0x0  }
0xa8: {  	s4 =	sshll.u32 s28, $0x1;
	[dreg:$0x2] =	wrdreg s2  }
0xa9: {  	[dreg:$0x3] =	wrdreg s4  }
0xaa: {  	[dreg:$0x4] =	wrdreg $0xC0  }
0xab: {  	_ =	task [dreg:s6], $0x5FFFF  }
0xac: {  	[dreg:$0x1] =	wrdreg $0xFFFFFFFF  }
0xad: {  	[dreg:$0x0] =	wrdreg $0x60  }
0xae: {  	[dreg:$0x2] =	wrdreg s24  }
0xaf: {  	[dreg:$0x3] =	wrdreg $0x0  }
0xb0: {  	[dreg:$0x4] =	wrdreg $0x9  }
0xb1: {  	_ =	task.clear_ibuf [dreg:s6], $0x5FFFF;
	_ =	strace $0x90000046  }
0xb2: {  	s29 =	simm.s32 $0x9;
	_ =	strace $0x80000048  }
0xb3: {  	_ =	swait.ge [sflag:s29], $0x1  }
0xb4: {  	[sflag:s29] =	ssyncadd.s32 $0xFFFFFFFF  }
0xb5: {  	_ =	strace $0x90000048  }
0xb6: {  	_ =	sfence  }
0xb7: {  	s30 =	sld [smem:$0x0];
	_ =	sdelay $0x2  }
0xb8: {  	s31 =	sshll.u32 s1, $0xD;
	s1 =	sshrl.u32 s1, $0x2  }
0xb9: {  	s3 =	sand.u32 $0x4000, s31;
	s1 =	sadd.s32 s1, s30  }
0xba: {  	s0 =	sor.u32 s3, s0;
	s1 =	sshll.u32 s1, $0x11  }
0xbb: {  	s0 =	sor.u32 s1, s0  }
0xbc: {  	s0 =	sadd.s32 $0x8F2B, s0  }
0xbd: {  	[sflag:s0] =	ssyncadd.remote.s32 $0x1  }
0xbe: {  	_ =	sfence.sel $0xFFFF  }
0xbf: {  	[dreg:$0x0] =	wrdreg $0xFFFFFFFF;
	(pc) =	sbr.abs _section_cstart, $3  }
0xc0: {  	[dreg:$0x1] =	wrdreg $0xFFFFFFFF  }
0xc1: {  	_ =	task.clear_ibuf [dreg:s6], $0x2FFFF;
	_ =	strace $0x9FFFFFFF  }
0xc2: {  	(tm) =	ssettm $0x7FFFFFFF  }
0xc3: {  	_ =	shalt  }
tec
execute0_lowered:
.L_overlay_start_1:
0x0: {  	(tag) =	ssettag $0x1  }
0x1: {  	s0 =	rddreg [dreg:$0x0]  }
0x2: {  	s2 =	rddreg [dreg:$0x1];
	s3 =	simm.s32 $0x0  }
0x3: {  	s1 =	stileid.u32;
	s8 =	srdreg.scid;
	s28 =	simm.s32 $0x1A100  }
0x4: {  	s29 =	simm.s32 $0x1;
	s30 =	simm.s32 $0x1B100;
	s31 =	simm.s32 $0x0  }
0x5: {  	[smem:$0x7FF] =	sst s3;
	s4 =	sadd.s32 $0x13D000, s0;
	s9 =	smul.u32 $0x1880, s1  }
0x6: {  	s5 =	sadd.s32 $0x109000, s0;
	s11 =	smul.u32 $0x1A000, s1;
	s6 =	sadd.s32 $0xD5000, s0  }
0x7: {  	s7 =	sadd.s32 $0x1A5000, s0;
	s12 =	sand.u32 $0x1, s8;
	s22 =	smul.u32 $0x68000, s1  }
0x8: {  	s19 =	sadd.s32 $0x171000, s0;
	s10 =	sadd.s32 $0x20D000, s0;
	s24 =	smul.u32 $0xC40, s1  }
0x9: {  	_ =	strace $0x80000047;
	s14 =	ssub.s32 $0x2, s12;
	[dreg:$0x3] =	wrdreg s10  }
0xa: {  	p0 =	seq.s32 s12, $0x1;
	s13 =	sadd.s32 s9, s0;
	s8 =	sshrl.u32 s11, $0x3  }
0xb: {  	s16 =	sshrl.u32 s14, $0x1;
	s12 =	sadd.s32 s11, s2;
	s17 =	sshrl.u32 s22, $0x2  }
0xc: {  	s18 =	sadd.s32 s24, s19;
	s19 =	sadd.s32 s9, s19;
	s22 =	simm.s32 $0x1C100  }
0xd: {  	s24 =	simm.s32 $0x1A000;
	s15 =	sadd.s32 s8, s0;
	s0 =	sadd.s32 $0x1D9000, s0  }
0xe: {  	s20 =	ssub.s32 s14, s16;
	[dreg:$0x4] =	wrdreg s0;
	s21 =	sadd.s32 $0x2DD000, s15  }
.Ltmp0:
0xf: {  	s23 =	sadd.s32 $0x2A9000, s15;
	[dreg:$0x5] =	wrdreg s21;
	(pc) =	sbr.rel .LBB2_1-.Ltmp0, $4  }
0x10: {  	s17 =	sadd.s32 s17, s2;
	s25 =	sadd.s32 $0x275000, s15;
	[dreg:$0x6] =	wrdreg s23  }
0x11: {  	s26 =	sadd.s32 $0x241000, s15;
	s16 =	smax.u32 s20, $0x1;
	[dreg:$0x7] =	wrdreg s25  }
0x12: {  	s20 =	sadd.s32 $0x189800, s13;
	[dreg:$0x8] =	wrdreg s26;
	s21 =	sadd.s32 $0xC400, s18  }
0x13: {  	v0 =	vimm.f32 $0.0e+00;
	v1 =	vimm.f32 $1.000000000e+00;
	s23 =	simm.s32 $0x2;
	s25 =	simm.s32 $0x1A080;
	s26 =	simm.s32 $0x80  }
.LBB2_18:
0x14: {  	s9 =	sadd.s32 s9, s18;
	[sflag:s23] =	ssyncadd.s32 $0xFFFFF000  }
0x15: {  	[tilespmem:s25], [sflag:$0x2] =	stream.linear.gather [hbm4b:s9+s3], $0x80, $0x38;
	[tilespmem:$0x1CE00] =	vst v63  }
0x16: {  	_ =	swait.ge [sflag:s23], $0x80  }
0x17: {  	[sflag:s23] =	ssyncset.done $0x0  }
0x18: {  	[sflag:s23] =	ssyncadd.s32 $0xFFFFFF80  }
0x19: {  	[spmem:s2] =	stream.indirect.scatter.add.f32 [tilespmem:s30], [sflag:$0x2], $0x20, s25, s26, $0xb8;
	[tilespmem:$0x1CE00] =	vst v63  }
0x1a: {  	_ =	swait.ge [sflag:s23], $0x1000  }
0x1b: {  	[sflag:s23] =	ssyncset.done $0x0  }
0x1c: {  	s9 =	rddreg [dreg:$0x3];
	[sflag:s23] =	ssyncadd.s32 $0xFFFFF000  }
.LBB2_32:
0x1d: {  	s9 =	sadd.s32 s9, s8  }
0x1e: {  	[bflag:$0x0] =	sbarrier.arrive $0xFFFF;
	s10 =	sshrl.u32 s12, $0x3;
	s31 =	sadd.s32 $0x1, s31  }
0x1f: {  	[hbm:s9], [sflag:s0] =	dma.local [spmem:s10], $0x3400  }
0x20: {  	p1 =	sne.s32 s31, s16  }
.Ltmp1:
0x21: {  	_ =	swait.ge [sflag:s23], $0x3400;
	(pc) =	sbr.rel @!p1 .LBB2_33-.Ltmp1, $3  }
0x22: {  	[sflag:s23] =	ssyncset.done $0x0  }
0x23: {  	[sflag:s23] =	ssyncadd.s32 $0xFFFFCC00  }
0x24: {  	[bflag:$0x0] =	sbarrier.arrive $0xFFFF;
	_ =	sdelay $0x1  }
.LBB2_1:
0x25: {  	s0 =	simm.s32 $0x0  }
.LBB2_2:
0x26: {  	p1 =	sne.s32 s0, $0x3380  }
.Ltmp2:
0x27: {  	_ = 	snop;
	(pc) =	sbr.rel @p1 .LBB2_2-.Ltmp2, $4  }
0x28: {  	_ = 	snop  }
0x29: {  	s9 =	sshra.s32 s0, $0x2  }
0x2a: {  	[tilespmem:s9+$0x1C100] =	vst v0  }
0x2b: {  	s0 =	sadd.s32 $0x80, s0;
	[tilespmem:s9+$0x1C110] =	vst v0  }
0x2c: {  	s0 =	simm.s32 $0x80;
	s9 =	simm.s32 $0x0  }
.LBB2_4:
0x2d: {  	p1 =	sne.s32 s0, $0x3F80;
	[tilespmem:s9+$0x1B100] =	vst v1;
	s11 =	smov.u32 s0;
	s0 =	sadd.s32 $0x80, s0  }
.Ltmp3:
0x2e: {  	[tilespmem:s9+$0x1B110] =	vst v1;
	(pc) =	sbr.rel @p1 .LBB2_4-.Ltmp3, $2  }
0x2f: {  	_ =	sdelay $0x2  }
0x30: {  	s9 =	sshra.s32 s11, $0x2  }
.Ltmp4:
0x31: {  	(pc) =	sbr.rel @!p0 .LBB2_6-.Ltmp4, $4  }
0x32: {  	_ = 	snop  }
0x33: {  	s0 =	simm.s32 $0x0  }
0x34: {  	[tilespmem:s9+$0x1B100] =	vst v1;
	s15 =	sshra.s32 s0, $0x2  }
0x35: {  	[tilespmem:s9+$0x1B110] =	vst v1;
	s9 =	sadd.s32 s15, s17  }
0x36: {  	[spmem:s9] =	stream.linear.scatter [tilespmem:s22], [sflag:$0x2], $0xD00, $0x38;
	[tilespmem:$0x1CE00] =	vst v63  }
0x37: {  	s0 =	sadd.s32 $0x3400, s0;
	_ =	swait.ge [sflag:s23], $0xD00  }
.LBB2_20:
0x38: {  	s9 =	sshra.s32 s0, $0x2;
	[sflag:s23] =	ssyncset.done $0x0;
	p1 =	sne.s32 s0, $0x64C00  }
.Ltmp5:
0x39: {  	s9 =	sadd.s32 s9, s17;
	[sflag:s23] =	ssyncadd.s32 $0xFFFFF300;
	(pc) =	sbr.rel @p1 .LBB2_20-.Ltmp5, $3  }
0x3a: {  	[spmem:s9] =	stream.linear.scatter [tilespmem:s22], [sflag:$0x2], $0xD00, $0x38;
	[tilespmem:$0x1CE00] =	vst v63  }
0x3b: {  	s0 =	sadd.s32 $0x3400, s0;
	_ =	sdelay $0x1  }
0x3c: {  	_ =	swait.ge [sflag:s23], $0xD00  }
0x3d: {  	[sflag:s23] =	ssyncset.done $0x0  }
0x3e: {  	[sflag:s23] =	ssyncadd.s32 $0xFFFFF300  }
0x3f: {  	s0 =	sadd.s32 $0x0, s20;
	[bflag:$0x0] =	sbarrier.arrive $0xFFFF  }
0x40: {  	[tilespmem:s24], [sflag:$0x2] =	stream.linear.gather [hbm4b:s0+s3], $0x80, $0x38;
	[tilespmem:$0x1CE00] =	vst v63  }
0x41: {  	_ =	swait.ge [sflag:s23], $0x80  }
0x42: {  	[sflag:s23] =	ssyncset.done $0x0  }
0x43: {  	s15 =	sadd.s32 $0x0, s19;
	[sflag:s23] =	ssyncadd.s32 $0xFFFFFF80  }
0x44: {  	[tilespmem:s25], [sflag:$0x2] =	stream.linear.gather [hbm4b:s15+s3], $0x80, $0x38;
	[tilespmem:$0x1CE00] =	vst v63  }
0x45: {  	_ =	swait.ge [sflag:s23], $0x80  }
0x46: {  	[sflag:s23] =	ssyncset.done $0x0  }
0x47: {  	[sflag:s23] =	ssyncadd.s32 $0xFFFFFF80  }
0x48: {  	[tilespmem:s28], [sflag:$0x1] =	stream.indirect.gather [hbm4b:s6+s26], $0x20, s24, s26, $0xb8;
	[tilespmem:$0x1CE00] =	vst v63  }
0x49: {  	_ =	swait.ge [sflag:s29], $0x1000  }
0x4a: {  	[sflag:s29] =	ssyncset.done $0x0  }
0x4b: {  	[sflag:s29] =	ssyncadd.s32 $0xFFFFF000  }
0x4c: {  	[spmem:s2] =	stream.indirect.scatter.add.f32 [tilespmem:s28], [sflag:$0x2], $0x20, s25, s26, $0xb8;
	[tilespmem:$0x1CE00] =	vst v63  }
0x4d: {  	_ =	swait.ge [sflag:s23], $0x1000  }
0x4e: {  	s9 =	simm.s32 $0x20;
	s0 =	simm.s32 $0x10;
	[sflag:s23] =	ssyncset.done $0x0  }
.LBB2_22:
0x4f: {  	s10 =	sadd.s32 s0, s20  }
0x50: {  	[sflag:s23] =	ssyncadd.s32 $0xFFFFF000;
	s11 =	smov.u32 s9;
	s13 =	sadd.s32 $0x10, s9  }
0x51: {  	[tilespmem:s24], [sflag:$0x2] =	stream.linear.gather [hbm4b:s10+s3], $0x80, $0x38;
	[tilespmem:$0x1CE00] =	vst v63  }
0x52: {  	p1 =	sne.s32 s9, $0x1870;
	_ =	swait.ge [sflag:s23], $0x80  }
0x53: {  	[sflag:s23] =	ssyncset.done $0x0  }
0x54: {  	s9 =	sadd.s32 s0, s19;
	s0 =	smov.u32 s11;
	[sflag:s23] =	ssyncadd.s32 $0xFFFFFF80  }
0x55: {  	[tilespmem:s25], [sflag:$0x2] =	stream.linear.gather [hbm4b:s9+s3], $0x80, $0x38;
	[tilespmem:$0x1CE00] =	vst v63  }
0x56: {  	_ =	swait.ge [sflag:s23], $0x80  }
0x57: {  	[sflag:s23] =	ssyncset.done $0x0  }
0x58: {  	[sflag:s23] =	ssyncadd.s32 $0xFFFFFF80  }
0x59: {  	[tilespmem:s28], [sflag:$0x1] =	stream.indirect.gather [hbm4b:s6+s26], $0x20, s24, s26, $0xb8;
	[tilespmem:$0x1CE00] =	vst v63  }
0x5a: {  	_ =	swait.ge [sflag:s29], $0x1000  }
.Ltmp6:
0x5b: {  	[sflag:s29] =	ssyncset.done $0x0;
	(pc) =	sbr.rel @p1 .LBB2_22-.Ltmp6, $4  }
0x5c: {  	[sflag:s29] =	ssyncadd.s32 $0xFFFFF000  }
0x5d: {  	[spmem:s2] =	stream.indirect.scatter.add.f32 [tilespmem:s28], [sflag:$0x2], $0x20, s25, s26, $0xb8;
	[tilespmem:$0x1CE00] =	vst v63  }
0x5e: {  	_ =	swait.ge [sflag:s23], $0x1000  }
0x5f: {  	s9 =	smov.u32 s13;
	[sflag:s23] =	ssyncset.done $0x0  }
0x60: {  	s9 =	sadd.s32 s0, s20;
	[sflag:s23] =	ssyncadd.s32 $0xFFFFF000  }
0x61: {  	[tilespmem:s24], [sflag:$0x2] =	stream.linear.gather [hbm4b:s9+s3], $0x80, $0x38;
	[tilespmem:$0x1CE00] =	vst v63  }
0x62: {  	_ =	swait.ge [sflag:s23], $0x80  }
0x63: {  	[sflag:s23] =	ssyncset.done $0x0  }
0x64: {  	s11 =	sadd.s32 s0, s19;
	[sflag:s23] =	ssyncadd.s32 $0xFFFFFF80  }
0x65: {  	[tilespmem:s25], [sflag:$0x2] =	stream.linear.gather [hbm4b:s11+s3], $0x80, $0x38;
	[tilespmem:$0x1CE00] =	vst v63  }
0x66: {  	_ =	swait.ge [sflag:s23], $0x80  }
0x67: {  	[sflag:s23] =	ssyncset.done $0x0  }
0x68: {  	[sflag:s23] =	ssyncadd.s32 $0xFFFFFF80  }
0x69: {  	[tilespmem:s28], [sflag:$0x1] =	stream.indirect.gather [hbm4b:s6+s26], $0x20, s24, s26, $0xb8;
	[tilespmem:$0x1CE00] =	vst v63  }
0x6a: {  	_ =	swait.ge [sflag:s29], $0x1000  }
0x6b: {  	[sflag:s29] =	ssyncset.done $0x0  }
0x6c: {  	[sflag:s29] =	ssyncadd.s32 $0xFFFFF000  }
0x6d: {  	[spmem:s2] =	stream.indirect.scatter.add.f32 [tilespmem:s28], [sflag:$0x2], $0x20, s25, s26, $0xb8;
	[tilespmem:$0x1CE00] =	vst v63  }
0x6e: {  	_ =	swait.ge [sflag:s23], $0x1000  }
0x6f: {  	[sflag:s23] =	ssyncset.done $0x0  }
0x70: {  	[sflag:s23] =	ssyncadd.s32 $0xFFFFF000  }
0x71: {  	s13 =	sshll.u32 s1, $0x6;
	[bflag:$0x0] =	sbarrier.arrive $0xFFFF  }
0x72: {  	s0 =	sor.u32 $0x1C02, s13;
	s11 =	sshrl.u32 s12, $0x3;
	s14 =	rddreg [dreg:$0x7]  }
0x73: {  	[hbm:s14], [sflag:s0] =	dma.local [spmem:s11], $0x3400  }
0x74: {  	_ =	swait.ge [sflag:s23], $0x3400  }
0x75: {  	[sflag:s23] =	ssyncset.done $0x0  }
0x76: {  	[sflag:s23] =	ssyncadd.s32 $0xFFFFCC00  }
0x77: {  	s15 =	sadd.s32 $0x0, s17;
	[bflag:$0x0] =	sbarrier.arrive $0xFFFF  }
0x78: {  	[spmem:s15] =	stream.linear.scatter [tilespmem:s22], [sflag:$0x2], $0xD00, $0x38;
	[tilespmem:$0x1CE00] =	vst v63  }
0x79: {  	s9 =	simm.s32 $0x3400;
	_ =	swait.ge [sflag:s23], $0xD00  }
.LBB2_24:
0x7a: {  	s10 =	sshra.s32 s9, $0x2;
	[sflag:s23] =	ssyncset.done $0x0;
	p1 =	sne.s32 s9, $0x64C00  }
.Ltmp7:
0x7b: {  	s10 =	sadd.s32 s10, s17;
	[sflag:s23] =	ssyncadd.s32 $0xFFFFF300;
	(pc) =	sbr.rel @p1 .LBB2_24-.Ltmp7, $3  }
0x7c: {  	[spmem:s10] =	stream.linear.scatter [tilespmem:s22], [sflag:$0x2], $0xD00, $0x38;
	[tilespmem:$0x1CE00] =	vst v63  }
0x7d: {  	s9 =	sadd.s32 $0x3400, s9;
	_ =	sdelay $0x1  }
0x7e: {  	_ =	swait.ge [sflag:s23], $0xD00  }
0x7f: {  	[sflag:s23] =	ssyncset.done $0x0  }
0x80: {  	[sflag:s23] =	ssyncadd.s32 $0xFFFFF300  }
0x81: {  	s9 =	sadd.s32 $0x0, s20;
	[bflag:$0x0] =	sbarrier.arrive $0xFFFF  }
0x82: {  	[tilespmem:s24], [sflag:$0x2] =	stream.linear.gather [hbm4b:s9+s3], $0x80, $0x38;
	[tilespmem:$0x1CE00] =	vst v63  }
0x83: {  	_ =	swait.ge [sflag:s23], $0x80  }
0x84: {  	[sflag:s23] =	ssyncset.done $0x0  }
0x85: {  	s15 =	sadd.s32 $0x0, s19;
	[sflag:s23] =	ssyncadd.s32 $0xFFFFFF80  }
0x86: {  	[tilespmem:s25], [sflag:$0x2] =	stream.linear.gather [hbm4b:s15+s3], $0x80, $0x38;
	[tilespmem:$0x1CE00] =	vst v63  }
0x87: {  	_ =	swait.ge [sflag:s23], $0x80  }
0x88: {  	[sflag:s23] =	ssyncset.done $0x0  }
0x89: {  	[sflag:s23] =	ssyncadd.s32 $0xFFFFFF80  }
0x8a: {  	[tilespmem:s28], [sflag:$0x1] =	stream.indirect.gather [hbm4b:s7+s26], $0x20, s24, s26, $0xb8;
	[tilespmem:$0x1CE00] =	vst v63  }
0x8b: {  	_ =	swait.ge [sflag:s29], $0x1000  }
0x8c: {  	[sflag:s29] =	ssyncset.done $0x0  }
0x8d: {  	[sflag:s29] =	ssyncadd.s32 $0xFFFFF000  }
0x8e: {  	[spmem:s2] =	stream.indirect.scatter.add.f32 [tilespmem:s28], [sflag:$0x2], $0x20, s25, s26, $0xb8;
	[tilespmem:$0x1CE00] =	vst v63  }
0x8f: {  	_ =	swait.ge [sflag:s23], $0x1000  }
0x90: {  	s13 =	simm.s32 $0x20;
	s9 =	simm.s32 $0x10;
	[sflag:s23] =	ssyncset.done $0x0  }
.LBB2_26:
0x91: {  	s10 =	sadd.s32 s9, s20  }
0x92: {  	[sflag:s23] =	ssyncadd.s32 $0xFFFFF000;
	s14 =	smov.u32 s13;
	s15 =	sadd.s32 $0x10, s13  }
0x93: {  	[tilespmem:s24], [sflag:$0x2] =	stream.linear.gather [hbm4b:s10+s3], $0x80, $0x38;
	[tilespmem:$0x1CE00] =	vst v63  }
0x94: {  	p1 =	sne.s32 s13, $0x1870;
	_ =	swait.ge [sflag:s23], $0x80  }
0x95: {  	[sflag:s23] =	ssyncset.done $0x0  }
0x96: {  	s10 =	sadd.s32 s9, s19;
	s9 =	smov.u32 s14;
	[sflag:s23] =	ssyncadd.s32 $0xFFFFFF80  }
0x97: {  	[tilespmem:s25], [sflag:$0x2] =	stream.linear.gather [hbm4b:s10+s3], $0x80, $0x38;
	[tilespmem:$0x1CE00] =	vst v63  }
0x98: {  	_ =	swait.ge [sflag:s23], $0x80  }
0x99: {  	[sflag:s23] =	ssyncset.done $0x0  }
0x9a: {  	[sflag:s23] =	ssyncadd.s32 $0xFFFFFF80  }
0x9b: {  	[tilespmem:s28], [sflag:$0x1] =	stream.indirect.gather [hbm4b:s7+s26], $0x20, s24, s26, $0xb8;
	[tilespmem:$0x1CE00] =	vst v63  }
0x9c: {  	_ =	swait.ge [sflag:s29], $0x1000  }
.Ltmp8:
0x9d: {  	[sflag:s29] =	ssyncset.done $0x0;
	(pc) =	sbr.rel @p1 .LBB2_26-.Ltmp8, $4  }
0x9e: {  	[sflag:s29] =	ssyncadd.s32 $0xFFFFF000  }
0x9f: {  	[spmem:s2] =	stream.indirect.scatter.add.f32 [tilespmem:s28], [sflag:$0x2], $0x20, s25, s26, $0xb8;
	[tilespmem:$0x1CE00] =	vst v63  }
0xa0: {  	_ =	swait.ge [sflag:s23], $0x1000  }
0xa1: {  	s13 =	smov.u32 s15;
	[sflag:s23] =	ssyncset.done $0x0  }
0xa2: {  	s10 =	sadd.s32 s9, s20;
	[sflag:s23] =	ssyncadd.s32 $0xFFFFF000  }
0xa3: {  	[tilespmem:s24], [sflag:$0x2] =	stream.linear.gather [hbm4b:s10+s3], $0x80, $0x38;
	[tilespmem:$0x1CE00] =	vst v63  }
0xa4: {  	_ =	swait.ge [sflag:s23], $0x80  }
0xa5: {  	[sflag:s23] =	ssyncset.done $0x0  }
0xa6: {  	s13 =	sadd.s32 s9, s19;
	[sflag:s23] =	ssyncadd.s32 $0xFFFFFF80  }
0xa7: {  	[tilespmem:s25], [sflag:$0x2] =	stream.linear.gather [hbm4b:s13+s3], $0x80, $0x38;
	[tilespmem:$0x1CE00] =	vst v63  }
0xa8: {  	_ =	swait.ge [sflag:s23], $0x80  }
0xa9: {  	[sflag:s23] =	ssyncset.done $0x0  }
0xaa: {  	[sflag:s23] =	ssyncadd.s32 $0xFFFFFF80  }
0xab: {  	[tilespmem:s28], [sflag:$0x1] =	stream.indirect.gather [hbm4b:s7+s26], $0x20, s24, s26, $0xb8;
	[tilespmem:$0x1CE00] =	vst v63  }
0xac: {  	_ =	swait.ge [sflag:s29], $0x1000  }
0xad: {  	[sflag:s29] =	ssyncset.done $0x0  }
0xae: {  	[sflag:s29] =	ssyncadd.s32 $0xFFFFF000  }
0xaf: {  	[spmem:s2] =	stream.indirect.scatter.add.f32 [tilespmem:s28], [sflag:$0x2], $0x20, s25, s26, $0xb8;
	[tilespmem:$0x1CE00] =	vst v63  }
0xb0: {  	_ =	swait.ge [sflag:s23], $0x1000  }
0xb1: {  	[sflag:s23] =	ssyncset.done $0x0  }
0xb2: {  	[sflag:s23] =	ssyncadd.s32 $0xFFFFF000  }
0xb3: {  	[bflag:$0x0] =	sbarrier.arrive $0xFFFF  }
0xb4: {  	s14 =	rddreg [dreg:$0x8]  }
0xb5: {  	[hbm:s14], [sflag:s0] =	dma.local [spmem:s11], $0x3400  }
0xb6: {  	_ =	swait.ge [sflag:s23], $0x3400  }
0xb7: {  	[sflag:s23] =	ssyncset.done $0x0  }
0xb8: {  	[sflag:s23] =	ssyncadd.s32 $0xFFFFCC00  }
0xb9: {  	s15 =	sadd.s32 $0x0, s17;
	[bflag:$0x0] =	sbarrier.arrive $0xFFFF  }
0xba: {  	[spmem:s15] =	stream.linear.scatter [tilespmem:s22], [sflag:$0x2], $0xD00, $0x38;
	[tilespmem:$0x1CE00] =	vst v63  }
0xbb: {  	s9 =	simm.s32 $0x3400;
	_ =	swait.ge [sflag:s23], $0xD00  }
.LBB2_28:
0xbc: {  	s10 =	sshra.s32 s9, $0x2;
	[sflag:s23] =	ssyncset.done $0x0;
	p1 =	sne.s32 s9, $0x64C00  }
.Ltmp9:
0xbd: {  	s10 =	sadd.s32 s10, s17;
	[sflag:s23] =	ssyncadd.s32 $0xFFFFF300;
	(pc) =	sbr.rel @p1 .LBB2_28-.Ltmp9, $3  }
0xbe: {  	[spmem:s10] =	stream.linear.scatter [tilespmem:s22], [sflag:$0x2], $0xD00, $0x38;
	[tilespmem:$0x1CE00] =	vst v63  }
0xbf: {  	s9 =	sadd.s32 $0x3400, s9;
	_ =	sdelay $0x1  }
0xc0: {  	_ =	swait.ge [sflag:s23], $0xD00  }
0xc1: {  	[sflag:s23] =	ssyncset.done $0x0  }
0xc2: {  	[sflag:s23] =	ssyncadd.s32 $0xFFFFF300  }
0xc3: {  	s9 =	sadd.s32 $0x0, s21;
	[bflag:$0x0] =	sbarrier.arrive $0xFFFF  }
0xc4: {  	[tilespmem:s25], [sflag:$0x2] =	stream.linear.gather [hbm4b:s9+s3], $0x80, $0x38;
	[tilespmem:$0x1CE00] =	vst v63  }
0xc5: {  	_ =	swait.ge [sflag:s23], $0x80  }
0xc6: {  	[sflag:s23] =	ssyncset.done $0x0  }
0xc7: {  	[sflag:s23] =	ssyncadd.s32 $0xFFFFFF80  }
0xc8: {  	[spmem:s2] =	stream.indirect.scatter.add.f32 [tilespmem:s30], [sflag:$0x2], $0x20, s25, s26, $0xb8;
	[tilespmem:$0x1CE00] =	vst v63  }
0xc9: {  	_ =	swait.ge [sflag:s23], $0x1000  }
0xca: {  	s11 =	simm.s32 $0x20;
	s9 =	simm.s32 $0x10;
	[sflag:s23] =	ssyncset.done $0x0  }
.LBB2_30:
0xcb: {  	s10 =	sadd.s32 s9, s21  }
0xcc: {  	[sflag:s23] =	ssyncadd.s32 $0xFFFFF000;
	s9 =	smov.u32 s11;
	s13 =	sadd.s32 $0x10, s11  }
0xcd: {  	[tilespmem:s25], [sflag:$0x2] =	stream.linear.gather [hbm4b:s10+s3], $0x80, $0x38;
	[tilespmem:$0x1CE00] =	vst v63  }
0xce: {  	p1 =	sne.s32 s11, $0xC30;
	_ =	swait.ge [sflag:s23], $0x80  }
.Ltmp10:
0xcf: {  	[sflag:s23] =	ssyncset.done $0x0;
	(pc) =	sbr.rel @p1 .LBB2_30-.Ltmp10, $4  }
0xd0: {  	[sflag:s23] =	ssyncadd.s32 $0xFFFFFF80  }
0xd1: {  	[spmem:s2] =	stream.indirect.scatter.add.f32 [tilespmem:s30], [sflag:$0x2], $0x20, s25, s26, $0xb8;
	[tilespmem:$0x1CE00] =	vst v63  }
0xd2: {  	_ =	swait.ge [sflag:s23], $0x1000  }
0xd3: {  	s11 =	smov.u32 s13;
	[sflag:s23] =	ssyncset.done $0x0  }
0xd4: {  	s9 =	sadd.s32 s9, s21;
	[sflag:s23] =	ssyncadd.s32 $0xFFFFF000  }
0xd5: {  	[tilespmem:s25], [sflag:$0x2] =	stream.linear.gather [hbm4b:s9+s3], $0x80, $0x38;
	[tilespmem:$0x1CE00] =	vst v63  }
0xd6: {  	_ =	swait.ge [sflag:s23], $0x80  }
0xd7: {  	[sflag:s23] =	ssyncset.done $0x0  }
.Ltmp11:
0xd8: {  	[sflag:s23] =	ssyncadd.s32 $0xFFFFFF80;
	(pc) =	sbr.rel .LBB2_32-.Ltmp11, $4  }
0xd9: {  	[spmem:s2] =	stream.indirect.scatter.add.f32 [tilespmem:s30], [sflag:$0x2], $0x20, s25, s26, $0xb8;
	[tilespmem:$0x1CE00] =	vst v63  }
0xda: {  	_ =	swait.ge [sflag:s23], $0x1000  }
0xdb: {  	[sflag:s23] =	ssyncset.done $0x0  }
0xdc: {  	s9 =	rddreg [dreg:$0x4];
	[sflag:s23] =	ssyncadd.s32 $0xFFFFF000  }
.LBB2_6:
0xdd: {  	[spmem:s9] =	stream.linear.scatter [tilespmem:s22], [sflag:$0x2], $0xD00, $0x38;
	[tilespmem:$0x1CE00] =	vst v63  }
0xde: {  	s0 =	sadd.s32 $0x3400, s0;
	_ =	swait.ge [sflag:s23], $0xD00  }
.LBB2_7:
0xdf: {  	s9 =	sshra.s32 s0, $0x2;
	[sflag:s23] =	ssyncset.done $0x0;
	p1 =	sne.s32 s0, $0x64C00  }
.Ltmp12:
0xe0: {  	s9 =	sadd.s32 s9, s17;
	[sflag:s23] =	ssyncadd.s32 $0xFFFFF300;
	(pc) =	sbr.rel @p1 .LBB2_7-.Ltmp12, $3  }
0xe1: {  	[spmem:s9] =	stream.linear.scatter [tilespmem:s22], [sflag:$0x2], $0xD00, $0x38;
	[tilespmem:$0x1CE00] =	vst v63  }
0xe2: {  	s0 =	sadd.s32 $0x3400, s0;
	_ =	sdelay $0x1  }
0xe3: {  	_ =	swait.ge [sflag:s23], $0xD00  }
0xe4: {  	[sflag:s23] =	ssyncset.done $0x0  }
0xe5: {  	[sflag:s23] =	ssyncadd.s32 $0xFFFFF300  }
0xe6: {  	s0 =	sadd.s32 $0x0, s20;
	[bflag:$0x0] =	sbarrier.arrive $0xFFFF  }
0xe7: {  	[tilespmem:s24], [sflag:$0x2] =	stream.linear.gather [hbm4b:s0+s3], $0x80, $0x38;
	[tilespmem:$0x1CE00] =	vst v63  }
0xe8: {  	_ =	swait.ge [sflag:s23], $0x80  }
0xe9: {  	[sflag:s23] =	ssyncset.done $0x0  }
0xea: {  	s15 =	sadd.s32 $0x0, s19;
	[sflag:s23] =	ssyncadd.s32 $0xFFFFFF80  }
0xeb: {  	[tilespmem:s25], [sflag:$0x2] =	stream.linear.gather [hbm4b:s15+s3], $0x80, $0x38;
	[tilespmem:$0x1CE00] =	vst v63  }
0xec: {  	_ =	swait.ge [sflag:s23], $0x80  }
0xed: {  	[sflag:s23] =	ssyncset.done $0x0  }
0xee: {  	[sflag:s23] =	ssyncadd.s32 $0xFFFFFF80  }
0xef: {  	[tilespmem:s28], [sflag:$0x1] =	stream.indirect.gather [hbm4b:s4+s26], $0x20, s24, s26, $0xb8;
	[tilespmem:$0x1CE00] =	vst v63  }
0xf0: {  	_ =	swait.ge [sflag:s29], $0x1000  }
0xf1: {  	[sflag:s29] =	ssyncset.done $0x0  }
0xf2: {  	[sflag:s29] =	ssyncadd.s32 $0xFFFFF000  }
0xf3: {  	[spmem:s2] =	stream.indirect.scatter.add.f32 [tilespmem:s28], [sflag:$0x2], $0x20, s25, s26, $0xb8;
	[tilespmem:$0x1CE00] =	vst v63  }
0xf4: {  	_ =	swait.ge [sflag:s23], $0x1000  }
0xf5: {  	s9 =	simm.s32 $0x20;
	s0 =	simm.s32 $0x10;
	[sflag:s23] =	ssyncset.done $0x0  }
.LBB2_9:
0xf6: {  	s11 =	sadd.s32 s0, s20  }
0xf7: {  	[sflag:s23] =	ssyncadd.s32 $0xFFFFF000;
	s13 =	smov.u32 s9;
	s10 =	sadd.s32 $0x10, s9  }
0xf8: {  	[tilespmem:s24], [sflag:$0x2] =	stream.linear.gather [hbm4b:s11+s3], $0x80, $0x38;
	[tilespmem:$0x1CE00] =	vst v63  }
0xf9: {  	p1 =	sne.s32 s9, $0x1870;
	_ =	swait.ge [sflag:s23], $0x80  }
0xfa: {  	[sflag:s23] =	ssyncset.done $0x0  }
0xfb: {  	s9 =	sadd.s32 s0, s19;
	s0 =	smov.u32 s13;
	[sflag:s23] =	ssyncadd.s32 $0xFFFFFF80  }
0xfc: {  	[tilespmem:s25], [sflag:$0x2] =	stream.linear.gather [hbm4b:s9+s3], $0x80, $0x38;
	[tilespmem:$0x1CE00] =	vst v63  }
0xfd: {  	_ =	swait.ge [sflag:s23], $0x80  }
0xfe: {  	[sflag:s23] =	ssyncset.done $0x0  }
0xff: {  	[sflag:s23] =	ssyncadd.s32 $0xFFFFFF80  }
0x100: {  	[tilespmem:s28], [sflag:$0x1] =	stream.indirect.gather [hbm4b:s4+s26], $0x20, s24, s26, $0xb8;
	[tilespmem:$0x1CE00] =	vst v63  }
0x101: {  	_ =	swait.ge [sflag:s29], $0x1000  }
.Ltmp13:
0x102: {  	[sflag:s29] =	ssyncset.done $0x0;
	(pc) =	sbr.rel @p1 .LBB2_9-.Ltmp13, $4  }
0x103: {  	[sflag:s29] =	ssyncadd.s32 $0xFFFFF000  }
0x104: {  	[spmem:s2] =	stream.indirect.scatter.add.f32 [tilespmem:s28], [sflag:$0x2], $0x20, s25, s26, $0xb8;
	[tilespmem:$0x1CE00] =	vst v63  }
0x105: {  	_ =	swait.ge [sflag:s23], $0x1000  }
0x106: {  	s9 =	smov.u32 s10;
	[sflag:s23] =	ssyncset.done $0x0  }
0x107: {  	s9 =	sadd.s32 s0, s20;
	[sflag:s23] =	ssyncadd.s32 $0xFFFFF000  }
0x108: {  	[tilespmem:s24], [sflag:$0x2] =	stream.linear.gather [hbm4b:s9+s3], $0x80, $0x38;
	[tilespmem:$0x1CE00] =	vst v63  }
0x109: {  	_ =	swait.ge [sflag:s23], $0x80  }
0x10a: {  	[sflag:s23] =	ssyncset.done $0x0  }
0x10b: {  	s11 =	sadd.s32 s0, s19;
	[sflag:s23] =	ssyncadd.s32 $0xFFFFFF80  }
0x10c: {  	[tilespmem:s25], [sflag:$0x2] =	stream.linear.gather [hbm4b:s11+s3], $0x80, $0x38;
	[tilespmem:$0x1CE00] =	vst v63  }
0x10d: {  	_ =	swait.ge [sflag:s23], $0x80  }
0x10e: {  	[sflag:s23] =	ssyncset.done $0x0  }
0x10f: {  	[sflag:s23] =	ssyncadd.s32 $0xFFFFFF80  }
0x110: {  	[tilespmem:s28], [sflag:$0x1] =	stream.indirect.gather [hbm4b:s4+s26], $0x20, s24, s26, $0xb8;
	[tilespmem:$0x1CE00] =	vst v63  }
0x111: {  	_ =	swait.ge [sflag:s29], $0x1000  }
0x112: {  	[sflag:s29] =	ssyncset.done $0x0  }
0x113: {  	[sflag:s29] =	ssyncadd.s32 $0xFFFFF000  }
0x114: {  	[spmem:s2] =	stream.indirect.scatter.add.f32 [tilespmem:s28], [sflag:$0x2], $0x20, s25, s26, $0xb8;
	[tilespmem:$0x1CE00] =	vst v63  }
0x115: {  	_ =	swait.ge [sflag:s23], $0x1000  }
0x116: {  	[sflag:s23] =	ssyncset.done $0x0  }
0x117: {  	[sflag:s23] =	ssyncadd.s32 $0xFFFFF000  }
0x118: {  	s13 =	sshll.u32 s1, $0x6;
	[bflag:$0x0] =	sbarrier.arrive $0xFFFF  }
0x119: {  	s0 =	sor.u32 $0x1C02, s13;
	s11 =	sshrl.u32 s12, $0x3;
	s14 =	rddreg [dreg:$0x5]  }
0x11a: {  	[hbm:s14], [sflag:s0] =	dma.local [spmem:s11], $0x3400  }
0x11b: {  	_ =	swait.ge [sflag:s23], $0x3400  }
0x11c: {  	[sflag:s23] =	ssyncset.done $0x0  }
0x11d: {  	[sflag:s23] =	ssyncadd.s32 $0xFFFFCC00  }
0x11e: {  	s15 =	sadd.s32 $0x0, s17;
	[bflag:$0x0] =	sbarrier.arrive $0xFFFF  }
0x11f: {  	[spmem:s15] =	stream.linear.scatter [tilespmem:s22], [sflag:$0x2], $0xD00, $0x38;
	[tilespmem:$0x1CE00] =	vst v63  }
0x120: {  	s9 =	simm.s32 $0x3400;
	_ =	swait.ge [sflag:s23], $0xD00  }
.LBB2_11:
0x121: {  	s10 =	sshra.s32 s9, $0x2;
	[sflag:s23] =	ssyncset.done $0x0;
	p1 =	sne.s32 s9, $0x64C00  }
.Ltmp14:
0x122: {  	s10 =	sadd.s32 s10, s17;
	[sflag:s23] =	ssyncadd.s32 $0xFFFFF300;
	(pc) =	sbr.rel @p1 .LBB2_11-.Ltmp14, $3  }
0x123: {  	[spmem:s10] =	stream.linear.scatter [tilespmem:s22], [sflag:$0x2], $0xD00, $0x38;
	[tilespmem:$0x1CE00] =	vst v63  }
0x124: {  	s9 =	sadd.s32 $0x3400, s9;
	_ =	sdelay $0x1  }
0x125: {  	_ =	swait.ge [sflag:s23], $0xD00  }
0x126: {  	[sflag:s23] =	ssyncset.done $0x0  }
0x127: {  	[sflag:s23] =	ssyncadd.s32 $0xFFFFF300  }
0x128: {  	s9 =	sadd.s32 $0x0, s20;
	[bflag:$0x0] =	sbarrier.arrive $0xFFFF  }
0x129: {  	[tilespmem:s24], [sflag:$0x2] =	stream.linear.gather [hbm4b:s9+s3], $0x80, $0x38;
	[tilespmem:$0x1CE00] =	vst v63  }
0x12a: {  	_ =	swait.ge [sflag:s23], $0x80  }
0x12b: {  	[sflag:s23] =	ssyncset.done $0x0  }
0x12c: {  	s15 =	sadd.s32 $0x0, s19;
	[sflag:s23] =	ssyncadd.s32 $0xFFFFFF80  }
0x12d: {  	[tilespmem:s25], [sflag:$0x2] =	stream.linear.gather [hbm4b:s15+s3], $0x80, $0x38;
	[tilespmem:$0x1CE00] =	vst v63  }
0x12e: {  	_ =	swait.ge [sflag:s23], $0x80  }
0x12f: {  	[sflag:s23] =	ssyncset.done $0x0  }
0x130: {  	[sflag:s23] =	ssyncadd.s32 $0xFFFFFF80  }
0x131: {  	[tilespmem:s28], [sflag:$0x1] =	stream.indirect.gather [hbm4b:s5+s26], $0x20, s24, s26, $0xb8;
	[tilespmem:$0x1CE00] =	vst v63  }
0x132: {  	_ =	swait.ge [sflag:s29], $0x1000  }
0x133: {  	[sflag:s29] =	ssyncset.done $0x0  }
0x134: {  	[sflag:s29] =	ssyncadd.s32 $0xFFFFF000  }
0x135: {  	[spmem:s2] =	stream.indirect.scatter.add.f32 [tilespmem:s28], [sflag:$0x2], $0x20, s25, s26, $0xb8;
	[tilespmem:$0x1CE00] =	vst v63  }
0x136: {  	_ =	swait.ge [sflag:s23], $0x1000  }
0x137: {  	s13 =	simm.s32 $0x20;
	s9 =	simm.s32 $0x10;
	[sflag:s23] =	ssyncset.done $0x0  }
.LBB2_13:
0x138: {  	s10 =	sadd.s32 s9, s20  }
0x139: {  	[sflag:s23] =	ssyncadd.s32 $0xFFFFF000;
	s14 =	smov.u32 s13;
	s15 =	sadd.s32 $0x10, s13  }
0x13a: {  	[tilespmem:s24], [sflag:$0x2] =	stream.linear.gather [hbm4b:s10+s3], $0x80, $0x38;
	[tilespmem:$0x1CE00] =	vst v63  }
0x13b: {  	p1 =	sne.s32 s13, $0x1870;
	_ =	swait.ge [sflag:s23], $0x80  }
0x13c: {  	[sflag:s23] =	ssyncset.done $0x0  }
0x13d: {  	s10 =	sadd.s32 s9, s19;
	s9 =	smov.u32 s14;
	[sflag:s23] =	ssyncadd.s32 $0xFFFFFF80  }
0x13e: {  	[tilespmem:s25], [sflag:$0x2] =	stream.linear.gather [hbm4b:s10+s3], $0x80, $0x38;
	[tilespmem:$0x1CE00] =	vst v63  }
0x13f: {  	_ =	swait.ge [sflag:s23], $0x80  }
0x140: {  	[sflag:s23] =	ssyncset.done $0x0  }
0x141: {  	[sflag:s23] =	ssyncadd.s32 $0xFFFFFF80  }
0x142: {  	[tilespmem:s28], [sflag:$0x1] =	stream.indirect.gather [hbm4b:s5+s26], $0x20, s24, s26, $0xb8;
	[tilespmem:$0x1CE00] =	vst v63  }
0x143: {  	_ =	swait.ge [sflag:s29], $0x1000  }
.Ltmp15:
0x144: {  	[sflag:s29] =	ssyncset.done $0x0;
	(pc) =	sbr.rel @p1 .LBB2_13-.Ltmp15, $4  }
0x145: {  	[sflag:s29] =	ssyncadd.s32 $0xFFFFF000  }
0x146: {  	[spmem:s2] =	stream.indirect.scatter.add.f32 [tilespmem:s28], [sflag:$0x2], $0x20, s25, s26, $0xb8;
	[tilespmem:$0x1CE00] =	vst v63  }
0x147: {  	_ =	swait.ge [sflag:s23], $0x1000  }
0x148: {  	s13 =	smov.u32 s15;
	[sflag:s23] =	ssyncset.done $0x0  }
0x149: {  	s10 =	sadd.s32 s9, s20;
	[sflag:s23] =	ssyncadd.s32 $0xFFFFF000  }
0x14a: {  	[tilespmem:s24], [sflag:$0x2] =	stream.linear.gather [hbm4b:s10+s3], $0x80, $0x38;
	[tilespmem:$0x1CE00] =	vst v63  }
0x14b: {  	_ =	swait.ge [sflag:s23], $0x80  }
0x14c: {  	[sflag:s23] =	ssyncset.done $0x0  }
0x14d: {  	s13 =	sadd.s32 s9, s19;
	[sflag:s23] =	ssyncadd.s32 $0xFFFFFF80  }
0x14e: {  	[tilespmem:s25], [sflag:$0x2] =	stream.linear.gather [hbm4b:s13+s3], $0x80, $0x38;
	[tilespmem:$0x1CE00] =	vst v63  }
0x14f: {  	_ =	swait.ge [sflag:s23], $0x80  }
0x150: {  	[sflag:s23] =	ssyncset.done $0x0  }
0x151: {  	[sflag:s23] =	ssyncadd.s32 $0xFFFFFF80  }
0x152: {  	[tilespmem:s28], [sflag:$0x1] =	stream.indirect.gather [hbm4b:s5+s26], $0x20, s24, s26, $0xb8;
	[tilespmem:$0x1CE00] =	vst v63  }
0x153: {  	_ =	swait.ge [sflag:s29], $0x1000  }
0x154: {  	[sflag:s29] =	ssyncset.done $0x0  }
0x155: {  	[sflag:s29] =	ssyncadd.s32 $0xFFFFF000  }
0x156: {  	[spmem:s2] =	stream.indirect.scatter.add.f32 [tilespmem:s28], [sflag:$0x2], $0x20, s25, s26, $0xb8;
	[tilespmem:$0x1CE00] =	vst v63  }
0x157: {  	_ =	swait.ge [sflag:s23], $0x1000  }
0x158: {  	[sflag:s23] =	ssyncset.done $0x0  }
0x159: {  	[sflag:s23] =	ssyncadd.s32 $0xFFFFF000  }
0x15a: {  	[bflag:$0x0] =	sbarrier.arrive $0xFFFF  }
0x15b: {  	s14 =	rddreg [dreg:$0x6]  }
0x15c: {  	[hbm:s14], [sflag:s0] =	dma.local [spmem:s11], $0x3400  }
0x15d: {  	_ =	swait.ge [sflag:s23], $0x3400  }
0x15e: {  	[sflag:s23] =	ssyncset.done $0x0  }
0x15f: {  	[sflag:s23] =	ssyncadd.s32 $0xFFFFCC00  }
0x160: {  	s15 =	sadd.s32 $0x0, s17;
	[bflag:$0x0] =	sbarrier.arrive $0xFFFF  }
0x161: {  	[spmem:s15] =	stream.linear.scatter [tilespmem:s22], [sflag:$0x2], $0xD00, $0x38;
	[tilespmem:$0x1CE00] =	vst v63  }
0x162: {  	s9 =	simm.s32 $0x3400;
	_ =	swait.ge [sflag:s23], $0xD00  }
.LBB2_15:
0x163: {  	s10 =	sshra.s32 s9, $0x2;
	[sflag:s23] =	ssyncset.done $0x0;
	p1 =	sne.s32 s9, $0x64C00  }
.Ltmp16:
0x164: {  	s10 =	sadd.s32 s10, s17;
	[sflag:s23] =	ssyncadd.s32 $0xFFFFF300;
	(pc) =	sbr.rel @p1 .LBB2_15-.Ltmp16, $3  }
0x165: {  	[spmem:s10] =	stream.linear.scatter [tilespmem:s22], [sflag:$0x2], $0xD00, $0x38;
	[tilespmem:$0x1CE00] =	vst v63  }
0x166: {  	s9 =	sadd.s32 $0x3400, s9;
	_ =	sdelay $0x1  }
0x167: {  	_ =	swait.ge [sflag:s23], $0xD00  }
0x168: {  	[sflag:s23] =	ssyncset.done $0x0  }
0x169: {  	[sflag:s23] =	ssyncadd.s32 $0xFFFFF300  }
0x16a: {  	s9 =	sadd.s32 $0x0, s18;
	[bflag:$0x0] =	sbarrier.arrive $0xFFFF  }
0x16b: {  	[tilespmem:s25], [sflag:$0x2] =	stream.linear.gather [hbm4b:s9+s3], $0x80, $0x38;
	[tilespmem:$0x1CE00] =	vst v63  }
0x16c: {  	_ =	swait.ge [sflag:s23], $0x80  }
0x16d: {  	[sflag:s23] =	ssyncset.done $0x0  }
0x16e: {  	[sflag:s23] =	ssyncadd.s32 $0xFFFFFF80  }
0x16f: {  	[spmem:s2] =	stream.indirect.scatter.add.f32 [tilespmem:s30], [sflag:$0x2], $0x20, s25, s26, $0xb8;
	[tilespmem:$0x1CE00] =	vst v63  }
0x170: {  	_ =	swait.ge [sflag:s23], $0x1000  }
0x171: {  	s11 =	simm.s32 $0x20;
	s9 =	simm.s32 $0x10;
	[sflag:s23] =	ssyncset.done $0x0  }
.LBB2_17:
0x172: {  	s10 =	sadd.s32 s9, s18  }
0x173: {  	[sflag:s23] =	ssyncadd.s32 $0xFFFFF000;
	s9 =	smov.u32 s11;
	s13 =	sadd.s32 $0x10, s11  }
0x174: {  	[tilespmem:s25], [sflag:$0x2] =	stream.linear.gather [hbm4b:s10+s3], $0x80, $0x38;
	[tilespmem:$0x1CE00] =	vst v63  }
0x175: {  	p1 =	seq.s32 s11, $0xC30;
	_ =	swait.ge [sflag:s23], $0x80  }
.Ltmp17:
0x176: {  	[sflag:s23] =	ssyncset.done $0x0;
	(pc) =	sbr.rel @!p1 .LBB2_17-.Ltmp17, $4  }
0x177: {  	[sflag:s23] =	ssyncadd.s32 $0xFFFFFF80  }
0x178: {  	[spmem:s2] =	stream.indirect.scatter.add.f32 [tilespmem:s30], [sflag:$0x2], $0x20, s25, s26, $0xb8;
	[tilespmem:$0x1CE00] =	vst v63  }
0x179: {  	_ =	swait.ge [sflag:s23], $0x1000  }
0x17a: {  	s11 =	smov.u32 s13;
	[sflag:s23] =	ssyncset.done $0x0  }
.Ltmp18:
0x17b: {  	_ = 	snop;
	(pc) =	sbr.rel .LBB2_18-.Ltmp18, $1  }
0x17c: {  	_ =	sdelay $0x3  }
.LBB2_33:
0x17d: {  	_ =	sfence.sel $0x180000  }
0x17e: {  	[bflag:$0x0] =	sbarrier.arrive $0xFFFF  }
0x17f: {  	_ =	strace $0x90000047  }
0x180: {  	[bflag:$0x2] =	sbarrier.arrive $0xFFFF  }
0x181: {  	p0 =	sne.s32 s1, $0x0;
	s0 =	rddreg [dreg:$0x2]  }
0x182: {  	s0 =	sadd.s32 @!p0 $0x100000, s0  }
0x183: {  	[sflag:s0] =	ssyncadd.tile.s32 @!p0 $0x1;
	_ =	shalt  }
.Lfunc_end2:
_tile_overlayer_lowered:
.L_overlay_start_2:
0x184: {  	(tag) =	ssettag $0x2  }
0x185: {  	s0 =	rddreg [dreg:$0x0];
	s2 =	stileid.u32  }
0x186: {  	s1 =	rddreg [dreg:$0x1];
	p0 =	sne.s32 s2, $0x0  }
0x187: {  	s3 =	rddreg [dreg:$0x2];
	[bflag:$0x3] =	sbarrier.arrive $0xFFFF;
	s2 =	simm.s32 @!p0 $0x1C02  }
0x188: {  	[timem:s3], [sflag:s2] =	dma.local @!p0 [hbm:s0], s1  }
0x189: {  	s0 =	simm.s32 @!p0 $0x2  }
0x18a: {  	_ =	swait.ge @!p0 [sflag:s0], s1  }
0x18b: {  	s1 =	ssub.s32 @!p0 $0x0, s1;
	[sflag:s0] =	ssyncset.done @!p0 $0x0  }
0x18c: {  	[sflag:s0] =	ssyncadd.s32 @!p0 s1  }
0x18d: {  	[bflag:$0x3] =	sbarrier.arrive $0xFFFF  }
0x18e: {  	_ =	shalt  }

</sc_bundles>
